<compile_context>
chip_gen: v7x
topology: tpu7x:2x2x1
jax: 0.10.2.dev20260603
libtpu: 0.0.44.dev20260713+nightly
codegen_flags: <defaults>
</compile_context>

<pallas_src>
import functools

import jax
import jax.numpy as jnp
from jax import lax
from jax.experimental import pallas as pl
from jax.experimental.pallas import tpu as pltpu
from jax.experimental.pallas import tpu_sc as plsc

N = 10000
NP = 10240
GENE = 192
NW = 32
CH = 128
NCHUNK = 40
EPT = CH * NCHUNK
E_PAD = NW * EPT
EXW = 8
OUTC = 66
WIDE = 96
STRIPE = NP // 16
LANES = 16


def _sc_feat_body(xg_hbm, src_hbm, dst_hbm, w_hbm, zw_hbm, out_s,
                  acc, src_v, dst_v, w_v, rows0, rows1, rows2, rows3,
                  gsem0, gsem1, gsem2, gsem3, ssem0, ssem1, ssem2, ssem3):
    c = lax.axis_index("c")
    s = lax.axis_index("s")
    wid = s * 2 + c
    base = s * STRIPE

    pltpu.sync_copy(src_hbm.at[wid], src_v)
    pltpu.sync_copy(dst_hbm.at[wid], dst_v)
    pltpu.sync_copy(w_hbm.at[wid], w_v)

    def scale(rows, j):
        def row_group(g, _):
            wv = w_v[j, pl.ds(g * LANES, LANES)]
            for l in range(LANES):
                ws16 = jnp.full((LANES,), wv[l], dtype=jnp.float32)
                wsb = plsc.pack(ws16, ws16, format=plsc.PackFormat.INTERLEAVED)
                i = g * LANES + l
                for k in range(WIDE // (2 * LANES)):
                    sl = pl.ds(k * 2 * LANES, 2 * LANES)
                    rows[i, sl] = rows[i, sl] * wsb
            return 0
        lax.fori_loop(0, CH // LANES, row_group, 0)

    pltpu.sync_copy(zw_hbm, acc.at[pl.ds(base, STRIPE)])
    plsc.subcore_barrier()

    rows = (rows0, rows1, rows2, rows3)
    gsem = (gsem0, gsem1, gsem2, gsem3)
    ssem = (ssem0, ssem1, ssem2, ssem3)
    pltpu.async_copy(xg_hbm.at[src_v.at[0]], rows0, gsem0)

    def quad(p, _):
        for b in range(4):
            j = 4 * p + b
            bn = (b + 1) % 4
            pltpu.make_async_copy(xg_hbm.at[src_v.at[j]], rows[b], gsem[b]).wait()

            @pl.when(j >= 3)
            def _():
                pltpu.make_async_copy(rows[bn], acc.at[dst_v.at[j - 3]], ssem[bn]).wait()

            @pl.when(j + 1 < NCHUNK)
            def _():
                pltpu.async_copy(xg_hbm.at[src_v.at[j + 1]], rows[bn], gsem[bn])
            scale(rows[b], j)
            pltpu.async_copy(rows[b], acc.at[dst_v.at[j]], ssem[b], add=True)
        return 0
    lax.fori_loop(0, NCHUNK // 4, quad, 0)

    for j in (NCHUNK - 3, NCHUNK - 2, NCHUNK - 1):
        b = j % 4
        pltpu.make_async_copy(rows[b], acc.at[dst_v.at[j]], ssem[b]).wait()

    plsc.subcore_barrier()
    pltpu.sync_copy(acc.at[pl.ds(base, STRIPE)], out_s.at[c, pl.ds(base, STRIPE)])


def _sc_hist_body(ex_hbm, dst_hbm, z8_hbm, out_e, acc2, dst_v, ex_v):
    c = lax.axis_index("c")
    s = lax.axis_index("s")
    wid = s * 2 + c

    base = s * STRIPE
    pltpu.sync_copy(z8_hbm, acc2.at[pl.ds(base, STRIPE)])
    plsc.subcore_barrier()

    pltpu.sync_copy(dst_hbm.at[wid], dst_v)

    def chunk(j, _):
        pltpu.sync_copy(ex_hbm.at[wid, j], ex_v)
        pltpu.sync_copy(ex_v, acc2.at[dst_v.at[j]], add=True)
        return 0
    lax.fori_loop(0, NCHUNK, chunk, 0)

    plsc.subcore_barrier()
    pltpu.sync_copy(acc2.at[pl.ds(base, STRIPE)], out_e.at[c, pl.ds(base, STRIPE)])


def _sc_aggregate(xg, src_r, dst_r, w_r, ex_r, zw, z8):
    mesh = plsc.VectorSubcoreMesh(core_axis_name="c", subcore_axis_name="s")
    feat = pl.kernel(
        _sc_feat_body,
        out_type=jax.ShapeDtypeStruct((2, NP, WIDE), jnp.bfloat16),
        mesh=mesh,
        scratch_types=[
            pltpu.VMEM_SHARED((NP, WIDE), jnp.bfloat16),
            pltpu.VMEM((NCHUNK, CH), jnp.int32),
            pltpu.VMEM((NCHUNK, CH), jnp.int32),
            pltpu.VMEM((NCHUNK, CH), jnp.float32),
            pltpu.VMEM((CH, WIDE), jnp.bfloat16),
            pltpu.VMEM((CH, WIDE), jnp.bfloat16),
            pltpu.VMEM((CH, WIDE), jnp.bfloat16),
            pltpu.VMEM((CH, WIDE), jnp.bfloat16),
            pltpu.SemaphoreType.DMA,
            pltpu.SemaphoreType.DMA,
            pltpu.SemaphoreType.DMA,
            pltpu.SemaphoreType.DMA,
            pltpu.SemaphoreType.DMA,
            pltpu.SemaphoreType.DMA,
            pltpu.SemaphoreType.DMA,
            pltpu.SemaphoreType.DMA,
        ],
        compiler_params=pltpu.CompilerParams(
            use_tc_tiling_on_sc=False, needs_layout_passes=False),
        name="gnn_edge_feat_sc",
    )
    hist = pl.kernel(
        _sc_hist_body,
        out_type=jax.ShapeDtypeStruct((2, NP, EXW), jnp.float32),
        mesh=mesh,
        scratch_types=[
            pltpu.VMEM_SHARED((NP, EXW), jnp.float32),
            pltpu.VMEM((NCHUNK, CH), jnp.int32),
            pltpu.VMEM((CH, EXW), jnp.float32),
        ],
        compiler_params=pltpu.CompilerParams(use_tc_tiling_on_sc=False),
        name="gnn_edge_hist_sc",
    )
    return feat(xg, src_r, dst_r, w_r, zw), hist(ex_r, dst_r, z8)


BN = 1000
GRID = N // BN


def _proj_body(x_ref, G_ref, xg_ref, xgb_ref):
    y = jnp.dot(x_ref[...], G_ref[...], preferred_element_type=jnp.float32)
    xg_ref[...] = y
    xgb_ref[...] = y.astype(jnp.bfloat16)


def _dense_body(xg_ref, s_ref, a_ref, g_ref, e_ref, bng_ref, bnb_ref, W2_ref, b2_ref,
                hx_ref, dom_ref, hx_s, d1_s, sums_s):
    ph = pl.program_id(0)
    i = pl.program_id(1)

    @pl.when(ph == 0)
    def _():
        stot = s_ref[0].astype(jnp.float32) + s_ref[1].astype(jnp.float32)
        a = a_ref[0] + a_ref[1]
        deg = a[:, 0:1]
        wsum = a[:, 1:2]
        inv = 1.0 / (deg + 1.0)
        cvec = (1.0 + wsum) * inv
        y = (xg_ref[...] + stot) * inv + cvec * g_ref[...] + e_ref[...]
        hx = y[:, :16]
        hx_ref[...] = hx
        hx_s[pl.ds(i * BN, BN), :] = hx
        d1 = y[:, 16:66]
        d1_s[pl.ds(i * BN, BN), :] = d1
        sums_s[i, 0, :] = jnp.sum(d1, axis=0)
        sums_s[i, 1, :] = jnp.sum(d1 * d1, axis=0)
        dom_ref[...] = jnp.zeros_like(dom_ref)

    @pl.when(ph == 1)
    def _():
        hx_ref[...] = hx_s[pl.ds(i * BN, BN), :]
        mu = jnp.sum(sums_s[:, 0, :], axis=0, keepdims=True) / N
        ms = jnp.sum(sums_s[:, 1, :], axis=0, keepdims=True) / N
        var = ms - mu * mu
        scale = bng_ref[...] * lax.rsqrt(var + 1e-5)
        d1n = (d1_s[pl.ds(i * BN, BN), :] - mu) * scale + bnb_ref[...]
        r = jnp.maximum(d1n, 0.0)
        dom_ref[...] = jnp.dot(r, W2_ref[...], preferred_element_type=jnp.float32) + b2_ref[...]


def kernel(x, weight, shared_mat, human_mat, mouse_mat, W_sh, b_sh, W_hu, b_hu,
           W_mo, b_mo, W_fc, b_fc, W_lin, b_lin, W_d1, b_d1, bn_g, bn_b,
           W_d2, b_d2, edge_index):
    f32 = jnp.float32
    src = edge_index[0]
    dst = edge_index[1]
    w = weight[:, 0]
    E = src.shape[0]
    pad = E_PAD - E

    src_r = jnp.concatenate([src, jnp.zeros((pad,), jnp.int32)]).reshape(NW, NCHUNK, CH)
    dst_r = jnp.concatenate([dst, jnp.zeros((pad,), jnp.int32)]).reshape(NW, NCHUNK, CH)
    w_p = jnp.concatenate([w, jnp.zeros((pad,), f32)])
    valid = jnp.concatenate([jnp.ones((E,), f32), jnp.zeros((pad,), f32)])
    ex = jnp.stack([valid, w_p], axis=1)
    ex_r = jnp.pad(ex, ((0, 0), (0, EXW - 2))).reshape(NW, NCHUNK, CH, EXW)
    w_r = w_p.reshape(NW, NCHUNK, CH)
    zw = jnp.zeros((STRIPE, WIDE), jnp.bfloat16)
    z8 = jnp.zeros((STRIPE, EXW), f32)

    P = shared_mat @ W_sh.T + human_mat @ W_hu.T + mouse_mat @ W_mo.T
    b_all = b_sh + b_hu + b_mo
    Q = P @ W_fc.T
    v = W_fc @ b_all
    G1 = Q @ W_lin.T
    g1 = W_lin @ v
    e1 = W_lin @ b_fc + b_lin
    G2 = Q @ W_d1.T
    g2 = W_d1 @ v
    e2 = W_d1 @ b_fc + b_d1
    G = jnp.concatenate([G1, G2], axis=1)
    Gp = jnp.pad(G, ((0, 0), (0, WIDE - OUTC)))
    gv = jnp.pad(jnp.concatenate([g1, g2]), (0, WIDE - OUTC))[None, :]
    ev = jnp.pad(jnp.concatenate([e1, e2]), (0, WIDE - OUTC))[None, :]

    xg, xgb = pl.pallas_call(
        _proj_body,
        grid=(GRID,),
        in_specs=[
            pl.BlockSpec((BN, GENE), lambda i: (i, 0)),
            pl.BlockSpec((GENE, WIDE), lambda i: (0, 0)),
        ],
        out_specs=[
            pl.BlockSpec((BN, WIDE), lambda i: (i, 0)),
            pl.BlockSpec((BN, WIDE), lambda i: (i, 0)),
        ],
        out_shape=[
            jax.ShapeDtypeStruct((N, WIDE), f32),
            jax.ShapeDtypeStruct((N, WIDE), jnp.bfloat16),
        ],
    )(x, Gp)

    s_parts, e_parts = _sc_aggregate(xgb, src_r, dst_r, w_r, ex_r, zw, z8)

    hx, domain_x = pl.pallas_call(
        _dense_body,
        grid=(2, GRID),
        in_specs=[
            pl.BlockSpec((BN, WIDE), lambda p, i: (i, 0)),
            pl.BlockSpec((2, BN, WIDE), lambda p, i: (0, i, 0)),
            pl.BlockSpec((2, BN, EXW), lambda p, i: (0, i, 0)),
            pl.BlockSpec((1, WIDE), lambda p, i: (0, 0)),
            pl.BlockSpec((1, WIDE), lambda p, i: (0, 0)),
            pl.BlockSpec((1, 50), lambda p, i: (0, 0)),
            pl.BlockSpec((1, 50), lambda p, i: (0, 0)),
            pl.BlockSpec((50, 2), lambda p, i: (0, 0)),
            pl.BlockSpec((1, 2), lambda p, i: (0, 0)),
        ],
        out_specs=[
            pl.BlockSpec((BN, 16), lambda p, i: (i, 0)),
            pl.BlockSpec((BN, 2), lambda p, i: (i, 0)),
        ],
        out_shape=[
            jax.ShapeDtypeStruct((N, 16), f32),
            jax.ShapeDtypeStruct((N, 2), f32),
        ],
        scratch_shapes=[
            pltpu.VMEM((N, 16), f32),
            pltpu.VMEM((N, 50), f32),
            pltpu.VMEM((GRID, 2, 50), f32),
        ],
    )(xg, s_parts, e_parts, gv, ev, bn_g[None, :], bn_b[None, :], W_d2.T, b_d2[None, :])

    return (hx, domain_x)

# --- scband reference (transcript-rebuilt; emitter-appended) ---
"""Pipeline reference for scband-gnn-85581518340340 (READ-ONLY COPY).

The authoritative reference and input builder live on the scoring server;
editing this copy changes nothing except your own understanding.
"""

import jax, jax.numpy as jnp
import numpy as np

N = 10000
E = 160000
GENE = 192
EMB = 400
NCLS = 16

@jax.custom_vjp
def grad_reverse(x):
    return x

def _gr_fwd(x):
    return x, None

def _gr_bwd(res, g):
    return (-g,)

grad_reverse.defvjp(_gr_fwd, _gr_bwd)

def _one_hot_mat(idx, gene_num):
    m = np.zeros((gene_num, len(idx)), dtype=np.float32)
    m[np.asarray(idx), np.arange(len(idx))] = 1.0
    return jnp.asarray(m)

def setup_inputs(seed: int = 0):
    key = jax.random.key(seed)
    ks = jax.random.split(key, 12)
    x = jax.random.normal(ks[0], (N, GENE), dtype=jnp.float32)
    edge_index = jax.random.randint(ks[1], (2, E), 0, N, dtype=jnp.int32)
    weight = jax.random.uniform(ks[2], (E, 1), dtype=jnp.float32)
    shared_mat = _one_hot_mat(np.arange(0, 64), GENE)
    human_mat = _one_hot_mat(np.arange(64, 128), GENE)
    mouse_mat = _one_hot_mat(np.arange(128, 192), GENE)
    W_sh = jax.random.normal(ks[3], (EMB, 64), dtype=jnp.float32) * 0.05
    b_sh = jnp.zeros((EMB,), dtype=jnp.float32)
    W_hu = jax.random.normal(ks[4], (EMB, 64), dtype=jnp.float32) * 0.05
    b_hu = jnp.zeros((EMB,), dtype=jnp.float32)
    W_mo = jax.random.normal(ks[5], (EMB, 64), dtype=jnp.float32) * 0.05
    b_mo = jnp.zeros((EMB,), dtype=jnp.float32)
    W_fc = jax.random.normal(ks[6], (EMB, EMB), dtype=jnp.float32) * 0.05
    b_fc = jnp.zeros((EMB,), dtype=jnp.float32)
    W_lin = jax.random.normal(ks[7], (NCLS, EMB), dtype=jnp.float32) * 0.05
    b_lin = jnp.zeros((NCLS,), dtype=jnp.float32)
    W_d1 = jax.random.normal(ks[8], (50, EMB), dtype=jnp.float32) * 0.05
    b_d1 = jnp.zeros((50,), dtype=jnp.float32)
    bn_g = jnp.ones((50,), dtype=jnp.float32)
    bn_b = jnp.zeros((50,), dtype=jnp.float32)
    W_d2 = jax.random.normal(ks[9], (2, 50), dtype=jnp.float32) * 0.05
    b_d2 = jnp.zeros((2,), dtype=jnp.float32)
    return {"x": x, "weight": weight, "shared_mat": shared_mat, "human_mat": human_mat, "mouse_mat": mouse_mat, "W_sh": W_sh, "b_sh": b_sh, "W_hu": W_hu, "b_hu": b_hu, "W_mo": W_mo, "b_mo": b_mo, "W_fc": W_fc, "b_fc": b_fc, "W_lin": W_lin, "b_lin": b_lin, "W_d1": W_d1, "b_d1": b_d1, "bn_g": bn_g, "bn_b": bn_b, "W_d2": W_d2, "b_d2": b_d2, "edge_index": edge_index}

def reference(x, weight, shared_mat, human_mat, mouse_mat, W_sh, b_sh, W_hu, b_hu, W_mo, b_mo, W_fc, b_fc, W_lin, b_lin, W_d1, b_d1, bn_g, bn_b, W_d2, b_d2, edge_index):
    # gene-group projections via one-hot matmuls (faithful to torch.matmul buffers)
    p_sh = (x @ shared_mat) @ W_sh.T + b_sh
    p_hu = (x @ human_mat) @ W_hu.T + b_hu
    p_mo = (x @ mouse_mat) @ W_mo.T + b_mo
    # FineGrainedLayerF forward: elementwise sum
    h = p_sh + p_hu + p_mo
    src = edge_index[0]
    dst = edge_index[1]
    # GNNConv: weighted message, sum aggregation, degree-normalized self+neigh
    m = h[src] * weight
    neigh = jax.ops.segment_sum(m, dst, num_segments=N)
    degs = jax.ops.segment_sum(jnp.ones((E,), dtype=jnp.float32), dst, num_segments=N)
    h_neigh = (neigh + h) / (degs[:, None] + 1.0)
    rst = h_neigh @ W_fc.T + b_fc
    # gradient-reversal branch -> domain classifier (Linear-BN-ReLU-Linear)
    rev = grad_reverse(rst)
    d1 = rev @ W_d1.T + b_d1
    mu = jnp.mean(d1, axis=0)
    var = jnp.var(d1, axis=0)
    d1n = (d1 - mu) / jnp.sqrt(var + 1e-5) * bn_g + bn_b
    domain_x = jnp.maximum(d1n, 0.0) @ W_d2.T + b_d2
    h_x = rst @ W_lin.T + b_lin
    return (h_x, domain_x)

if __name__ == "__main__":
    import jax
    _d = setup_inputs()
    print(jax.jit(kernel)(*tuple(_d.values())))

</pallas_src>

<mosaic_0001>
#map = affine_map<(d0, d1) -> (0, 0)>
#map1 = affine_map<(d0, d1) -> (0, 0, 0)>
module attributes {stable_mosaic.version = 14 : i64} {
  func.func @gnn_edge_feat_sc(%arg0: i32, %arg1: i32, %arg2: memref<10000x96xbf16, #tpu.memory_space<hbm>>, %arg3: memref<32x40x128xi32, #tpu.memory_space<hbm>>, %arg4: memref<32x40x128xi32, #tpu.memory_space<hbm>>, %arg5: memref<32x40x128xf32, #tpu.memory_space<hbm>>, %arg6: memref<640x96xbf16, #tpu.memory_space<hbm>>, %arg7: memref<2x10240x96xbf16, #tpu.memory_space<hbm>>, %arg8: memref<10240x96xbf16, #tpu.memory_space<vmem_shared>>, %arg9: memref<40x128xi32, #tpu.memory_space<vmem>>, %arg10: memref<40x128xi32, #tpu.memory_space<vmem>>, %arg11: memref<40x128xf32, #tpu.memory_space<vmem>>, %arg12: memref<128x96xbf16, #tpu.memory_space<vmem>>, %arg13: memref<128x96xbf16, #tpu.memory_space<vmem>>, %arg14: memref<128x96xbf16, #tpu.memory_space<vmem>>, %arg15: memref<128x96xbf16, #tpu.memory_space<vmem>>, %arg16: memref<!tpu.dma_semaphore, #tpu.memory_space<semaphore_mem>>, %arg17: memref<!tpu.dma_semaphore, #tpu.memory_space<semaphore_mem>>, %arg18: memref<!tpu.dma_semaphore, #tpu.memory_space<semaphore_mem>>, %arg19: memref<!tpu.dma_semaphore, #tpu.memory_space<semaphore_mem>>, %arg20: memref<!tpu.dma_semaphore, #tpu.memory_space<semaphore_mem>>, %arg21: memref<!tpu.dma_semaphore, #tpu.memory_space<semaphore_mem>>, %arg22: memref<!tpu.dma_semaphore, #tpu.memory_space<semaphore_mem>>, %arg23: memref<!tpu.dma_semaphore, #tpu.memory_space<semaphore_mem>>) attributes {dimension_semantics = [#tpu.dimension_semantics<core_parallel>, #tpu.dimension_semantics<subcore_parallel>], iteration_bounds = array<i64: 2, 16>, scalar_prefetch = 0 : i64, scratch_operands = 16 : i64, tpu.core_type = #tpu.core_type<sc_vector_subcore>, window_params = [{transform_indices = #map}, {transform_indices = #map1}, {transform_indices = #map1}, {transform_indices = #map1}, {transform_indices = #map}, {transform_indices = #map1}]} {
    %mul3A = arith.constant 2 : i32
    %mul3A_0 = arith.muli %arg1, %mul3A : i32
    %add3A = arith.addi %mul3A_0, %arg0 : i32
    %mul3A_1 = arith.constant 640 : i32
    %mul3A_2 = arith.muli %arg1, %mul3A_1 : i32
    "tpu.region"() ({
      %run_scoped3A = tpu.sem_alloc : memref<!tpu.dma_semaphore, #tpu.memory_space<semaphore_mem>>
      %dma_start3A_36 = arith.constant 0 : i32
      %dma_start3A_37 = arith.constant 0 : i32
      %dma_start3A_38 = tpu.memref_slice %arg3[%add3A, %dma_start3A_36, %dma_start3A_37] : memref<32x40x128xi32, #tpu.memory_space<hbm>> -> memref<1x40x128xi32, #tpu.memory_space<hbm>>
      %dma_start3A_39 = tpu.memref_squeeze %dma_start3A_38 : memref<1x40x128xi32, #tpu.memory_space<hbm>> -> memref<40x128xi32, #tpu.memory_space<hbm>>
      %dma_start3A_40 = arith.constant 0 : i32
      %dma_start3A_41 = arith.constant 0 : i32
      %dma_start3A_42 = tpu.memref_slice %arg3[%add3A, %dma_start3A_40, %dma_start3A_41] : memref<32x40x128xi32, #tpu.memory_space<hbm>> -> memref<1x40x128xi32, #tpu.memory_space<hbm>>
      %dma_start3A_43 = tpu.memref_squeeze %dma_start3A_42 : memref<1x40x128xi32, #tpu.memory_space<hbm>> -> memref<40x128xi32, #tpu.memory_space<hbm>>
      tpu.enqueue_dma source(%dma_start3A_43 : memref<40x128xi32, #tpu.memory_space<hbm>>) target(%arg9 : memref<40x128xi32, #tpu.memory_space<vmem>>) target_semaphore(%run_scoped3A : memref<!tpu.dma_semaphore, #tpu.memory_space<semaphore_mem>>)
      %dma_wait3A_44 = arith.constant 0 : i32
      %dma_wait3A_45 = arith.constant 0 : i32
      %dma_wait3A_46 = tpu.memref_slice %arg3[%add3A, %dma_wait3A_44, %dma_wait3A_45] : memref<32x40x128xi32, #tpu.memory_space<hbm>> -> memref<1x40x128xi32, #tpu.memory_space<hbm>>
      %dma_wait3A_47 = tpu.memref_squeeze %dma_wait3A_46 : memref<1x40x128xi32, #tpu.memory_space<hbm>> -> memref<40x128xi32, #tpu.memory_space<hbm>>
      %dma_wait3A_48 = arith.constant 0 : i32
      %dma_wait3A_49 = arith.constant 0 : i32
      %dma_wait3A_50 = tpu.memref_slice %arg3[%add3A, %dma_wait3A_48, %dma_wait3A_49] : memref<32x40x128xi32, #tpu.memory_space<hbm>> -> memref<1x40x128xi32, #tpu.memory_space<hbm>>
      %dma_wait3A_51 = tpu.memref_squeeze %dma_wait3A_50 : memref<1x40x128xi32, #tpu.memory_space<hbm>> -> memref<40x128xi32, #tpu.memory_space<hbm>>
      tpu.wait_dma2 semaphore(%run_scoped3A : memref<!tpu.dma_semaphore, #tpu.memory_space<semaphore_mem>>) src(%dma_wait3A_51 : memref<40x128xi32, #tpu.memory_space<hbm>>) dst(%arg9 : memref<40x128xi32, #tpu.memory_space<vmem>>)
      tpu.yield
    }) : () -> ()
    "tpu.region"() ({
      %run_scoped3A = tpu.sem_alloc : memref<!tpu.dma_semaphore, #tpu.memory_space<semaphore_mem>>
      %dma_start3A_36 = arith.constant 0 : i32
      %dma_start3A_37 = arith.constant 0 : i32
      %dma_start3A_38 = tpu.memref_slice %arg4[%add3A, %dma_start3A_36, %dma_start3A_37] : memref<32x40x128xi32, #tpu.memory_space<hbm>> -> memref<1x40x128xi32, #tpu.memory_space<hbm>>
      %dma_start3A_39 = tpu.memref_squeeze %dma_start3A_38 : memref<1x40x128xi32, #tpu.memory_space<hbm>> -> memref<40x128xi32, #tpu.memory_space<hbm>>
      %dma_start3A_40 = arith.constant 0 : i32
      %dma_start3A_41 = arith.constant 0 : i32
      %dma_start3A_42 = tpu.memref_slice %arg4[%add3A, %dma_start3A_40, %dma_start3A_41] : memref<32x40x128xi32, #tpu.memory_space<hbm>> -> memref<1x40x128xi32, #tpu.memory_space<hbm>>
      %dma_start3A_43 = tpu.memref_squeeze %dma_start3A_42 : memref<1x40x128xi32, #tpu.memory_space<hbm>> -> memref<40x128xi32, #tpu.memory_space<hbm>>
      tpu.enqueue_dma source(%dma_start3A_43 : memref<40x128xi32, #tpu.memory_space<hbm>>) target(%arg10 : memref<40x128xi32, #tpu.memory_space<vmem>>) target_semaphore(%run_scoped3A : memref<!tpu.dma_semaphore, #tpu.memory_space<semaphore_mem>>)
      %dma_wait3A_44 = arith.constant 0 : i32
      %dma_wait3A_45 = arith.constant 0 : i32
      %dma_wait3A_46 = tpu.memref_slice %arg4[%add3A, %dma_wait3A_44, %dma_wait3A_45] : memref<32x40x128xi32, #tpu.memory_space<hbm>> -> memref<1x40x128xi32, #tpu.memory_space<hbm>>
      %dma_wait3A_47 = tpu.memref_squeeze %dma_wait3A_46 : memref<1x40x128xi32, #tpu.memory_space<hbm>> -> memref<40x128xi32, #tpu.memory_space<hbm>>
      %dma_wait3A_48 = arith.constant 0 : i32
      %dma_wait3A_49 = arith.constant 0 : i32
      %dma_wait3A_50 = tpu.memref_slice %arg4[%add3A, %dma_wait3A_48, %dma_wait3A_49] : memref<32x40x128xi32, #tpu.memory_space<hbm>> -> memref<1x40x128xi32, #tpu.memory_space<hbm>>
      %dma_wait3A_51 = tpu.memref_squeeze %dma_wait3A_50 : memref<1x40x128xi32, #tpu.memory_space<hbm>> -> memref<40x128xi32, #tpu.memory_space<hbm>>
      tpu.wait_dma2 semaphore(%run_scoped3A : memref<!tpu.dma_semaphore, #tpu.memory_space<semaphore_mem>>) src(%dma_wait3A_51 : memref<40x128xi32, #tpu.memory_space<hbm>>) dst(%arg10 : memref<40x128xi32, #tpu.memory_space<vmem>>)
      tpu.yield
    }) : () -> ()
    "tpu.region"() ({
      %run_scoped3A = tpu.sem_alloc : memref<!tpu.dma_semaphore, #tpu.memory_space<semaphore_mem>>
      %dma_start3A_36 = arith.constant 0 : i32
      %dma_start3A_37 = arith.constant 0 : i32
      %dma_start3A_38 = tpu.memref_slice %arg5[%add3A, %dma_start3A_36, %dma_start3A_37] : memref<32x40x128xf32, #tpu.memory_space<hbm>> -> memref<1x40x128xf32, #tpu.memory_space<hbm>>
      %dma_start3A_39 = tpu.memref_squeeze %dma_start3A_38 : memref<1x40x128xf32, #tpu.memory_space<hbm>> -> memref<40x128xf32, #tpu.memory_space<hbm>>
      %dma_start3A_40 = arith.constant 0 : i32
      %dma_start3A_41 = arith.constant 0 : i32
      %dma_start3A_42 = tpu.memref_slice %arg5[%add3A, %dma_start3A_40, %dma_start3A_41] : memref<32x40x128xf32, #tpu.memory_space<hbm>> -> memref<1x40x128xf32, #tpu.memory_space<hbm>>
      %dma_start3A_43 = tpu.memref_squeeze %dma_start3A_42 : memref<1x40x128xf32, #tpu.memory_space<hbm>> -> memref<40x128xf32, #tpu.memory_space<hbm>>
      tpu.enqueue_dma source(%dma_start3A_43 : memref<40x128xf32, #tpu.memory_space<hbm>>) target(%arg11 : memref<40x128xf32, #tpu.memory_space<vmem>>) target_semaphore(%run_scoped3A : memref<!tpu.dma_semaphore, #tpu.memory_space<semaphore_mem>>)
      %dma_wait3A_44 = arith.constant 0 : i32
      %dma_wait3A_45 = arith.constant 0 : i32
      %dma_wait3A_46 = tpu.memref_slice %arg5[%add3A, %dma_wait3A_44, %dma_wait3A_45] : memref<32x40x128xf32, #tpu.memory_space<hbm>> -> memref<1x40x128xf32, #tpu.memory_space<hbm>>
      %dma_wait3A_47 = tpu.memref_squeeze %dma_wait3A_46 : memref<1x40x128xf32, #tpu.memory_space<hbm>> -> memref<40x128xf32, #tpu.memory_space<hbm>>
      %dma_wait3A_48 = arith.constant 0 : i32
      %dma_wait3A_49 = arith.constant 0 : i32
      %dma_wait3A_50 = tpu.memref_slice %arg5[%add3A, %dma_wait3A_48, %dma_wait3A_49] : memref<32x40x128xf32, #tpu.memory_space<hbm>> -> memref<1x40x128xf32, #tpu.memory_space<hbm>>
      %dma_wait3A_51 = tpu.memref_squeeze %dma_wait3A_50 : memref<1x40x128xf32, #tpu.memory_space<hbm>> -> memref<40x128xf32, #tpu.memory_space<hbm>>
      tpu.wait_dma2 semaphore(%run_scoped3A : memref<!tpu.dma_semaphore, #tpu.memory_space<semaphore_mem>>) src(%dma_wait3A_51 : memref<40x128xf32, #tpu.memory_space<hbm>>) dst(%arg11 : memref<40x128xf32, #tpu.memory_space<vmem>>)
      tpu.yield
    }) : () -> ()
    "tpu.region"() ({
      %run_scoped3A = tpu.sem_alloc : memref<!tpu.dma_semaphore, #tpu.memory_space<semaphore_mem>>
      %dma_start3A_36 = arith.constant 0 : i32
      %dma_start3A_37 = tpu.memref_slice %arg8[%mul3A_2, %dma_start3A_36] : memref<10240x96xbf16, #tpu.memory_space<vmem_shared>> -> memref<640x96xbf16, #tpu.memory_space<vmem_shared>>
      tpu.enqueue_dma source(%arg6 : memref<640x96xbf16, #tpu.memory_space<hbm>>) target(%dma_start3A_37 : memref<640x96xbf16, #tpu.memory_space<vmem_shared>>) target_semaphore(%run_scoped3A : memref<!tpu.dma_semaphore, #tpu.memory_space<semaphore_mem>>)
      %dma_wait3A_38 = arith.constant 0 : i32
      %dma_wait3A_39 = tpu.memref_slice %arg8[%mul3A_2, %dma_wait3A_38] : memref<10240x96xbf16, #tpu.memory_space<vmem_shared>> -> memref<640x96xbf16, #tpu.memory_space<vmem_shared>>
      tpu.wait_dma2 semaphore(%run_scoped3A : memref<!tpu.dma_semaphore, #tpu.memory_space<semaphore_mem>>) src(%arg6 : memref<640x96xbf16, #tpu.memory_space<hbm>>) dst(%dma_wait3A_39 : memref<640x96xbf16, #tpu.memory_space<vmem_shared>>)
      tpu.yield
    }) : () -> ()
    %barrier3A = arith.constant 0 : index
    tpu.barrier barrier_id(%barrier3A)
    %dma_start3A = arith.constant 0 : i32
    %dma_start3A_3 = arith.constant 0 : i32
    %dma_start3A_4 = tpu.memref_slice %arg9[%dma_start3A, %dma_start3A_3] : memref<40x128xi32, #tpu.memory_space<vmem>> -> memref<1x128xi32, #tpu.memory_space<vmem>>
    %dma_start3A_5 = tpu.memref_squeeze %dma_start3A_4 : memref<1x128xi32, #tpu.memory_space<vmem>> -> memref<128xi32, #tpu.memory_space<vmem>>
    %dma_start3A_6 = arith.constant 0 : i32
    %dma_start3A_7 = arith.constant 0 : i32
    %dma_start3A_8 = tpu.memref_slice %arg2[%dma_start3A_6, %dma_start3A_7] : memref<10000x96xbf16, #tpu.memory_space<hbm>> -> memref<10000x96xbf16, #tpu.memory_space<hbm>>
    tpu.enqueue_indirect_dma source(%dma_start3A_8 : memref<10000x96xbf16, #tpu.memory_space<hbm>>) target(%arg12 : memref<128x96xbf16, #tpu.memory_space<vmem>>) offsets(%dma_start3A_5 : memref<128xi32, #tpu.memory_space<vmem>>) semaphore(%arg16 : memref<!tpu.dma_semaphore, #tpu.memory_space<semaphore_mem>>)
    %scan3A = arith.constant 0 : i32
    %scan3A_9 = arith.constant 0 : i32
    %scan3A_10 = arith.constant 10 : i32
    %scan3A_11 = arith.addi %scan3A_9, %scan3A_10 : i32
    %scan3A_12 = arith.constant 1 : i32
    %scan3A_13 = scf.for %scan3A_36 = %scan3A_9 to %scan3A_11 step %scan3A_12 iter_args(%scan3A_37 = %scan3A) -> (i32)  : i32 {
      %mul3A_38 = arith.constant 4 : i32
      %mul3A_39 = arith.muli %mul3A_38, %scan3A_36 : i32
      %add3A_40 = arith.constant 0 : i32
      %add3A_41 = arith.addi %mul3A_39, %add3A_40 : i32
      %dma_wait3A_42 = arith.constant 0 : i32
      %dma_wait3A_43 = tpu.memref_slice %arg9[%add3A_41, %dma_wait3A_42] : memref<40x128xi32, #tpu.memory_space<vmem>> -> memref<1x128xi32, #tpu.memory_space<vmem>>
      %dma_wait3A_44 = tpu.memref_squeeze %dma_wait3A_43 : memref<1x128xi32, #tpu.memory_space<vmem>> -> memref<128xi32, #tpu.memory_space<vmem>>
      %dma_wait3A_45 = arith.constant 0 : i32
      %dma_wait3A_46 = arith.constant 0 : i32
      %dma_wait3A_47 = tpu.memref_slice %arg2[%dma_wait3A_45, %dma_wait3A_46] : memref<10000x96xbf16, #tpu.memory_space<hbm>> -> memref<10000x96xbf16, #tpu.memory_space<hbm>>
      tpu.wait_indirect_dma semaphore(%arg16 : memref<!tpu.dma_semaphore, #tpu.memory_space<semaphore_mem>>) src(%dma_wait3A_47 : memref<10000x96xbf16, #tpu.memory_space<hbm>>) dst(%arg12 : memref<128x96xbf16, #tpu.memory_space<vmem>>)
      %ge3A = arith.constant 3 : i32
      %ge3A_48 = arith.cmpi sge, %add3A_41, %ge3A : i32
      %convert_element_type3A = arith.extui %ge3A_48 : i1 to i32
      %cond3A = arith.constant 0 : i32
      %cond3A_49 = arith.cmpi ne, %convert_element_type3A, %cond3A : i32
      scf.if %cond3A_49 {
        %sub3A = arith.constant 3 : i32
        %sub3A_175 = arith.subi %add3A_41, %sub3A : i32
        %dma_wait3A_176 = arith.constant 0 : i32
        %dma_wait3A_177 = tpu.memref_slice %arg10[%sub3A_175, %dma_wait3A_176] : memref<40x128xi32, #tpu.memory_space<vmem>> -> memref<1x128xi32, #tpu.memory_space<vmem>>
        %dma_wait3A_178 = tpu.memref_squeeze %dma_wait3A_177 : memref<1x128xi32, #tpu.memory_space<vmem>> -> memref<128xi32, #tpu.memory_space<vmem>>
        %dma_wait3A_179 = arith.constant 0 : i32
        %dma_wait3A_180 = arith.constant 0 : i32
        %dma_wait3A_181 = tpu.memref_slice %arg8[%dma_wait3A_179, %dma_wait3A_180] : memref<10240x96xbf16, #tpu.memory_space<vmem_shared>> -> memref<10240x96xbf16, #tpu.memory_space<vmem_shared>>
        tpu.wait_indirect_dma semaphore(%arg21 : memref<!tpu.dma_semaphore, #tpu.memory_space<semaphore_mem>>) src(%arg13 : memref<128x96xbf16, #tpu.memory_space<vmem>>) dst(%dma_wait3A_181 : memref<10240x96xbf16, #tpu.memory_space<vmem_shared>>)
      } else {
      }
      %add3A_50 = arith.constant 1 : i32
      %add3A_51 = arith.addi %add3A_41, %add3A_50 : i32
      %lt3A = arith.constant 40 : i32
      %lt3A_52 = arith.cmpi slt, %add3A_51, %lt3A : i32
      %convert_element_type3A_53 = arith.extui %lt3A_52 : i1 to i32
      %cond3A_54 = arith.constant 0 : i32
      %cond3A_55 = arith.cmpi ne, %convert_element_type3A_53, %cond3A_54 : i32
      scf.if %cond3A_55 {
        %add3A_175 = arith.constant 1 : i32
        %add3A_176 = arith.addi %add3A_41, %add3A_175 : i32
        %dma_start3A_177 = arith.constant 0 : i32
        %dma_start3A_178 = tpu.memref_slice %arg9[%add3A_176, %dma_start3A_177] : memref<40x128xi32, #tpu.memory_space<vmem>> -> memref<1x128xi32, #tpu.memory_space<vmem>>
        %dma_start3A_179 = tpu.memref_squeeze %dma_start3A_178 : memref<1x128xi32, #tpu.memory_space<vmem>> -> memref<128xi32, #tpu.memory_space<vmem>>
        %dma_start3A_180 = arith.constant 0 : i32
        %dma_start3A_181 = arith.constant 0 : i32
        %dma_start3A_182 = tpu.memref_slice %arg2[%dma_start3A_180, %dma_start3A_181] : memref<10000x96xbf16, #tpu.memory_space<hbm>> -> memref<10000x96xbf16, #tpu.memory_space<hbm>>
        tpu.enqueue_indirect_dma source(%dma_start3A_182 : memref<10000x96xbf16, #tpu.memory_space<hbm>>) target(%arg13 : memref<128x96xbf16, #tpu.memory_space<vmem>>) offsets(%dma_start3A_179 : memref<128xi32, #tpu.memory_space<vmem>>) semaphore(%arg17 : memref<!tpu.dma_semaphore, #tpu.memory_space<semaphore_mem>>)
      } else {
      }
      %scan3A_56 = arith.constant 0 : i32
      %scan3A_57 = arith.constant 0 : i32
      %scan3A_58 = arith.constant 8 : i32
      %scan3A_59 = arith.addi %scan3A_57, %scan3A_58 : i32
      %scan3A_60 = arith.constant 1 : i32
      %scan3A_61 = scf.for %scan3A_175 = %scan3A_57 to %scan3A_59 step %scan3A_60 iter_args(%scan3A_176 = %scan3A_56) -> (i32)  : i32 {
        %mul3A_177 = arith.constant 16 : i32
        %mul3A_178 = arith.muli %scan3A_175, %mul3A_177 : i32
        %get3A = arith.index_cast %add3A_41 : i32 to index
        %get3A_179 = arith.index_cast %mul3A_178 : i32 to index
        %get3A_180 = tpu.vector_load %arg11[%get3A, %get3A_179] {strides = array<i32>} : memref<40x128xf32, #tpu.memory_space<vmem>>, vector<16xf32>,
        %slice3A = vector.extract_strided_slice %get3A_180 {offsets = [0], sizes = [1], strides = [1]} : vector<16xf32> to vector<1xf32>
        %squeeze3A = vector.extract %slice3A[0] : f32 from vector<1xf32>
        %broadcast_in_dim3A = vector.broadcast %squeeze3A : f32 to vector<16xf32>
        %pack3A = tpu.pack_subelements %broadcast_in_dim3A, %broadcast_in_dim3A {pack_format = #tpu.pack_format<interleaved>, positions = array<i32: 0, 1>} : vector<16xf32>, vector<16xf32> -> vector<32xbf16>
        %mul3A_181 = arith.constant 16 : i32
        %mul3A_182 = arith.muli %scan3A_175, %mul3A_181 : i32
        %add3A_183 = arith.constant 0 : i32
        %add3A_184 = arith.addi %mul3A_182, %add3A_183 : i32
        %get3A_185 = arith.index_cast %add3A_184 : i32 to index
        %get3A_186 = arith.constant 0 : index
        %get3A_187 = tpu.vector_load %arg12[%get3A_185, %get3A_186] {strides = array<i32>} : memref<128x96xbf16, #tpu.memory_space<vmem>>, vector<32xbf16>,
        %mul3A_188 = arith.mulf %get3A_187, %pack3A : vector<32xbf16>
        %swap3A = arith.index_cast %add3A_184 : i32 to index
        %swap3A_189 = arith.constant 0 : index
        %swap3A_190 = tpu.vector_load %arg12[%swap3A, %swap3A_189] {strides = array<i32>} : memref<128x96xbf16, #tpu.memory_space<vmem>>, vector<32xbf16>,
        tpu.vector_store %arg12[%swap3A, %swap3A_189], %mul3A_188 {strides = array<i32>} : memref<128x96xbf16, #tpu.memory_space<vmem>>, vector<32xbf16>,
        %get3A_191 = arith.index_cast %add3A_184 : i32 to index
        %get3A_192 = arith.constant 32 : index
        %get3A_193 = tpu.vector_load %arg12[%get3A_191, %get3A_192] {strides = array<i32>} : memref<128x96xbf16, #tpu.memory_space<vmem>>, vector<32xbf16>,
        %mul3A_194 = arith.mulf %get3A_193, %pack3A : vector<32xbf16>
        %swap3A_195 = arith.index_cast %add3A_184 : i32 to index
        %swap3A_196 = arith.constant 32 : index
        %swap3A_197 = tpu.vector_load %arg12[%swap3A_195, %swap3A_196] {strides = array<i32>} : memref<128x96xbf16, #tpu.memory_space<vmem>>, vector<32xbf16>,
        tpu.vector_store %arg12[%swap3A_195, %swap3A_196], %mul3A_194 {strides = array<i32>} : memref<128x96xbf16, #tpu.memory_space<vmem>>, vector<32xbf16>,
        %get3A_198 = arith.index_cast %add3A_184 : i32 to index
        %get3A_199 = arith.constant 64 : index
        %get3A_200 = tpu.vector_load %arg12[%get3A_198, %get3A_199] {strides = array<i32>} : memref<128x96xbf16, #tpu.memory_space<vmem>>, vector<32xbf16>,
        %mul3A_201 = arith.mulf %get3A_200, %pack3A : vector<32xbf16>
        %swap3A_202 = arith.index_cast %add3A_184 : i32 to index
        %swap3A_203 = arith.constant 64 : index
        %swap3A_204 = tpu.vector_load %arg12[%swap3A_202, %swap3A_203] {strides = array<i32>} : memref<128x96xbf16, #tpu.memory_space<vmem>>, vector<32xbf16>,
        tpu.vector_store %arg12[%swap3A_202, %swap3A_203], %mul3A_201 {strides = array<i32>} : memref<128x96xbf16, #tpu.memory_space<vmem>>, vector<32xbf16>,
        %slice3A_205 = vector.extract_strided_slice %get3A_180 {offsets = [1], sizes = [1], strides = [1]} : vector<16xf32> to vector<1xf32>
        %squeeze3A_206 = vector.extract %slice3A_205[0] : f32 from vector<1xf32>
        %broadcast_in_dim3A_207 = vector.broadcast %squeeze3A_206 : f32 to vector<16xf32>
        %pack3A_208 = tpu.pack_subelements %broadcast_in_dim3A_207, %broadcast_in_dim3A_207 {pack_format = #tpu.pack_format<interleaved>, positions = array<i32: 0, 1>} : vector<16xf32>, vector<16xf32> -> vector<32xbf16>
        %mul3A_209 = arith.constant 16 : i32
        %mul3A_210 = arith.muli %scan3A_175, %mul3A_209 : i32
        %add3A_211 = arith.constant 1 : i32
        %add3A_212 = arith.addi %mul3A_210, %add3A_211 : i32
        %get3A_213 = arith.index_cast %add3A_212 : i32 to index
        %get3A_214 = arith.constant 0 : index
        %get3A_215 = tpu.vector_load %arg12[%get3A_213, %get3A_214] {strides = array<i32>} : memref<128x96xbf16, #tpu.memory_space<vmem>>, vector<32xbf16>,
        %mul3A_216 = arith.mulf %get3A_215, %pack3A_208 : vector<32xbf16>
        %swap3A_217 = arith.index_cast %add3A_212 : i32 to index
        %swap3A_218 = arith.constant 0 : index
        %swap3A_219 = tpu.vector_load %arg12[%swap3A_217, %swap3A_218] {strides = array<i32>} : memref<128x96xbf16, #tpu.memory_space<vmem>>, vector<32xbf16>,
        tpu.vector_store %arg12[%swap3A_217, %swap3A_218], %mul3A_216 {strides = array<i32>} : memref<128x96xbf16, #tpu.memory_space<vmem>>, vector<32xbf16>,
        %get3A_220 = arith.index_cast %add3A_212 : i32 to index
        %get3A_221 = arith.constant 32 : index
        %get3A_222 = tpu.vector_load %arg12[%get3A_220, %get3A_221] {strides = array<i32>} : memref<128x96xbf16, #tpu.memory_space<vmem>>, vector<32xbf16>,
        %mul3A_223 = arith.mulf %get3A_222, %pack3A_208 : vector<32xbf16>
        %swap3A_224 = arith.index_cast %add3A_212 : i32 to index
        %swap3A_225 = arith.constant 32 : index
        %swap3A_226 = tpu.vector_load %arg12[%swap3A_224, %swap3A_225] {strides = array<i32>} : memref<128x96xbf16, #tpu.memory_space<vmem>>, vector<32xbf16>,
        tpu.vector_store %arg12[%swap3A_224, %swap3A_225], %mul3A_223 {strides = array<i32>} : memref<128x96xbf16, #tpu.memory_space<vmem>>, vector<32xbf16>,
        %get3A_227 = arith.index_cast %add3A_212 : i32 to index
        %get3A_228 = arith.constant 64 : index
        %get3A_229 = tpu.vector_load %arg12[%get3A_227, %get3A_228] {strides = array<i32>} : memref<128x96xbf16, #tpu.memory_space<vmem>>, vector<32xbf16>,
        %mul3A_230 = arith.mulf %get3A_229, %pack3A_208 : vector<32xbf16>
        %swap3A_231 = arith.index_cast %add3A_212 : i32 to index
        %swap3A_232 = arith.constant 64 : index
        %swap3A_233 = tpu.vector_load %arg12[%swap3A_231, %swap3A_232] {strides = array<i32>} : memref<128x96xbf16, #tpu.memory_space<vmem>>, vector<32xbf16>,
        tpu.vector_store %arg12[%swap3A_231, %swap3A_232], %mul3A_230 {strides = array<i32>} : memref<128x96xbf16, #tpu.memory_space<vmem>>, vector<32xbf16>,
        %slice3A_234 = vector.extract_strided_slice %get3A_180 {offsets = [2], sizes = [1], strides = [1]} : vector<16xf32> to vector<1xf32>
        %squeeze3A_235 = vector.extract %slice3A_234[0] : f32 from vector<1xf32>
        %broadcast_in_dim3A_236 = vector.broadcast %squeeze3A_235 : f32 to vector<16xf32>
        %pack3A_237 = tpu.pack_subelements %broadcast_in_dim3A_236, %broadcast_in_dim3A_236 {pack_format = #tpu.pack_format<interleaved>, positions = array<i32: 0, 1>} : vector<16xf32>, vector<16xf32> -> vector<32xbf16>
        %mul3A_238 = arith.constant 16 : i32
        %mul3A_239 = arith.muli %scan3A_175, %mul3A_238 : i32
        %add3A_240 = arith.constant 2 : i32
        %add3A_241 = arith.addi %mul3A_239, %add3A_240 : i32
        %get3A_242 = arith.index_cast %add3A_241 : i32 to index
        %get3A_243 = arith.constant 0 : index
        %get3A_244 = tpu.vector_load %arg12[%get3A_242, %get3A_243] {strides = array<i32>} : memref<128x96xbf16, #tpu.memory_space<vmem>>, vector<32xbf16>,
        %mul3A_245 = arith.mulf %get3A_244, %pack3A_237 : vector<32xbf16>
        %swap3A_246 = arith.index_cast %add3A_241 : i32 to index
        %swap3A_247 = arith.constant 0 : index
        %swap3A_248 = tpu.vector_load %arg12[%swap3A_246, %swap3A_247] {strides = array<i32>} : memref<128x96xbf16, #tpu.memory_space<vmem>>, vector<32xbf16>,
        tpu.vector_store %arg12[%swap3A_246, %swap3A_247], %mul3A_245 {strides = array<i32>} : memref<128x96xbf16, #tpu.memory_space<vmem>>, vector<32xbf16>,
        %get3A_249 = arith.index_cast %add3A_241 : i32 to index
        %get3A_250 = arith.constant 32 : index
        %get3A_251 = tpu.vector_load %arg12[%get3A_249, %get3A_250] {strides = array<i32>} : memref<128x96xbf16, #tpu.memory_space<vmem>>, vector<32xbf16>,
        %mul3A_252 = arith.mulf %get3A_251, %pack3A_237 : vector<32xbf16>
        %swap3A_253 = arith.index_cast %add3A_241 : i32 to index
        %swap3A_254 = arith.constant 32 : index
        %swap3A_255 = tpu.vector_load %arg12[%swap3A_253, %swap3A_254] {strides = array<i32>} : memref<128x96xbf16, #tpu.memory_space<vmem>>, vector<32xbf16>,
        tpu.vector_store %arg12[%swap3A_253, %swap3A_254], %mul3A_252 {strides = array<i32>} : memref<128x96xbf16, #tpu.memory_space<vmem>>, vector<32xbf16>,
        %get3A_256 = arith.index_cast %add3A_241 : i32 to index
        %get3A_257 = arith.constant 64 : index
        %get3A_258 = tpu.vector_load %arg12[%get3A_256, %get3A_257] {strides = array<i32>} : memref<128x96xbf16, #tpu.memory_space<vmem>>, vector<32xbf16>,
        %mul3A_259 = arith.mulf %get3A_258, %pack3A_237 : vector<32xbf16>
        %swap3A_260 = arith.index_cast %add3A_241 : i32 to index
        %swap3A_261 = arith.constant 64 : index
        %swap3A_262 = tpu.vector_load %arg12[%swap3A_260, %swap3A_261] {strides = array<i32>} : memref<128x96xbf16, #tpu.memory_space<vmem>>, vector<32xbf16>,
        tpu.vector_store %arg12[%swap3A_260, %swap3A_261], %mul3A_259 {strides = array<i32>} : memref<128x96xbf16, #tpu.memory_space<vmem>>, vector<32xbf16>,
        %slice3A_263 = vector.extract_strided_slice %get3A_180 {offsets = [3], sizes = [1], strides = [1]} : vector<16xf32> to vector<1xf32>
        %squeeze3A_264 = vector.extract %slice3A_263[0] : f32 from vector<1xf32>
        %broadcast_in_dim3A_265 = vector.broadcast %squeeze3A_264 : f32 to vector<16xf32>
        %pack3A_266 = tpu.pack_subelements %broadcast_in_dim3A_265, %broadcast_in_dim3A_265 {pack_format = #tpu.pack_format<interleaved>, positions = array<i32: 0, 1>} : vector<16xf32>, vector<16xf32> -> vector<32xbf16>
        %mul3A_267 = arith.constant 16 : i32
        %mul3A_268 = arith.muli %scan3A_175, %mul3A_267 : i32
        %add3A_269 = arith.constant 3 : i32
        %add3A_270 = arith.addi %mul3A_268, %add3A_269 : i32
        %get3A_271 = arith.index_cast %add3A_270 : i32 to index
        %get3A_272 = arith.constant 0 : index
        %get3A_273 = tpu.vector_load %arg12[%get3A_271, %get3A_272] {strides = array<i32>} : memref<128x96xbf16, #tpu.memory_space<vmem>>, vector<32xbf16>,
        %mul3A_274 = arith.mulf %get3A_273, %pack3A_266 : vector<32xbf16>
        %swap3A_275 = arith.index_cast %add3A_270 : i32 to index
        %swap3A_276 = arith.constant 0 : index
        %swap3A_277 = tpu.vector_load %arg12[%swap3A_275, %swap3A_276] {strides = array<i32>} : memref<128x96xbf16, #tpu.memory_space<vmem>>, vector<32xbf16>,
        tpu.vector_store %arg12[%swap3A_275, %swap3A_276], %mul3A_274 {strides = array<i32>} : memref<128x96xbf16, #tpu.memory_space<vmem>>, vector<32xbf16>,
        %get3A_278 = arith.index_cast %add3A_270 : i32 to index
        %get3A_279 = arith.constant 32 : index
        %get3A_280 = tpu.vector_load %arg12[%get3A_278, %get3A_279] {strides = array<i32>} : memref<128x96xbf16, #tpu.memory_space<vmem>>, vector<32xbf16>,
        %mul3A_281 = arith.mulf %get3A_280, %pack3A_266 : vector<32xbf16>
        %swap3A_282 = arith.index_cast %add3A_270 : i32 to index
        %swap3A_283 = arith.constant 32 : index
        %swap3A_284 = tpu.vector_load %arg12[%swap3A_282, %swap3A_283] {strides = array<i32>} : memref<128x96xbf16, #tpu.memory_space<vmem>>, vector<32xbf16>,
        tpu.vector_store %arg12[%swap3A_282, %swap3A_283], %mul3A_281 {strides = array<i32>} : memref<128x96xbf16, #tpu.memory_space<vmem>>, vector<32xbf16>,
        %get3A_285 = arith.index_cast %add3A_270 : i32 to index
        %get3A_286 = arith.constant 64 : index
        %get3A_287 = tpu.vector_load %arg12[%get3A_285, %get3A_286] {strides = array<i32>} : memref<128x96xbf16, #tpu.memory_space<vmem>>, vector<32xbf16>,
        %mul3A_288 = arith.mulf %get3A_287, %pack3A_266 : vector<32xbf16>
        %swap3A_289 = arith.index_cast %add3A_270 : i32 to index
        %swap3A_290 = arith.constant 64 : index
        %swap3A_291 = tpu.vector_load %arg12[%swap3A_289, %swap3A_290] {strides = array<i32>} : memref<128x96xbf16, #tpu.memory_space<vmem>>, vector<32xbf16>,
        tpu.vector_store %arg12[%swap3A_289, %swap3A_290], %mul3A_288 {strides = array<i32>} : memref<128x96xbf16, #tpu.memory_space<vmem>>, vector<32xbf16>,
        %slice3A_292 = vector.extract_strided_slice %get3A_180 {offsets = [4], sizes = [1], strides = [1]} : vector<16xf32> to vector<1xf32>
        %squeeze3A_293 = vector.extract %slice3A_292[0] : f32 from vector<1xf32>
        %broadcast_in_dim3A_294 = vector.broadcast %squeeze3A_293 : f32 to vector<16xf32>
        %pack3A_295 = tpu.pack_subelements %broadcast_in_dim3A_294, %broadcast_in_dim3A_294 {pack_format = #tpu.pack_format<interleaved>, positions = array<i32: 0, 1>} : vector<16xf32>, vector<16xf32> -> vector<32xbf16>
        %mul3A_296 = arith.constant 16 : i32
        %mul3A_297 = arith.muli %scan3A_175, %mul3A_296 : i32
        %add3A_298 = arith.constant 4 : i32
        %add3A_299 = arith.addi %mul3A_297, %add3A_298 : i32
        %get3A_300 = arith.index_cast %add3A_299 : i32 to index
        %get3A_301 = arith.constant 0 : index
        %get3A_302 = tpu.vector_load %arg12[%get3A_300, %get3A_301] {strides = array<i32>} : memref<128x96xbf16, #tpu.memory_space<vmem>>, vector<32xbf16>,
        %mul3A_303 = arith.mulf %get3A_302, %pack3A_295 : vector<32xbf16>
        %swap3A_304 = arith.index_cast %add3A_299 : i32 to index
        %swap3A_305 = arith.constant 0 : index
        %swap3A_306 = tpu.vector_load %arg12[%swap3A_304, %swap3A_305] {strides = array<i32>} : memref<128x96xbf16, #tpu.memory_space<vmem>>, vector<32xbf16>,
        tpu.vector_store %arg12[%swap3A_304, %swap3A_305], %mul3A_303 {strides = array<i32>} : memref<128x96xbf16, #tpu.memory_space<vmem>>, vector<32xbf16>,
        %get3A_307 = arith.index_cast %add3A_299 : i32 to index
        %get3A_308 = arith.constant 32 : index
        %get3A_309 = tpu.vector_load %arg12[%get3A_307, %get3A_308] {strides = array<i32>} : memref<128x96xbf16, #tpu.memory_space<vmem>>, vector<32xbf16>,
        %mul3A_310 = arith.mulf %get3A_309, %pack3A_295 : vector<32xbf16>
        %swap3A_311 = arith.index_cast %add3A_299 : i32 to index
        %swap3A_312 = arith.constant 32 : index
        %swap3A_313 = tpu.vector_load %arg12[%swap3A_311, %swap3A_312] {strides = array<i32>} : memref<128x96xbf16, #tpu.memory_space<vmem>>, vector<32xbf16>,
        tpu.vector_store %arg12[%swap3A_311, %swap3A_312], %mul3A_310 {strides = array<i32>} : memref<128x96xbf16, #tpu.memory_space<vmem>>, vector<32xbf16>,
        %get3A_314 = arith.index_cast %add3A_299 : i32 to index
        %get3A_315 = arith.constant 64 : index
        %get3A_316 = tpu.vector_load %arg12[%get3A_314, %get3A_315] {strides = array<i32>} : memref<128x96xbf16, #tpu.memory_space<vmem>>, vector<32xbf16>,
        %mul3A_317 = arith.mulf %get3A_316, %pack3A_295 : vector<32xbf16>
        %swap3A_318 = arith.index_cast %add3A_299 : i32 to index
        %swap3A_319 = arith.constant 64 : index
        %swap3A_320 = tpu.vector_load %arg12[%swap3A_318, %swap3A_319] {strides = array<i32>} : memref<128x96xbf16, #tpu.memory_space<vmem>>, vector<32xbf16>,
        tpu.vector_store %arg12[%swap3A_318, %swap3A_319], %mul3A_317 {strides = array<i32>} : memref<128x96xbf16, #tpu.memory_space<vmem>>, vector<32xbf16>,
        %slice3A_321 = vector.extract_strided_slice %get3A_180 {offsets = [5], sizes = [1], strides = [1]} : vector<16xf32> to vector<1xf32>
        %squeeze3A_322 = vector.extract %slice3A_321[0] : f32 from vector<1xf32>
        %broadcast_in_dim3A_323 = vector.broadcast %squeeze3A_322 : f32 to vector<16xf32>
        %pack3A_324 = tpu.pack_subelements %broadcast_in_dim3A_323, %broadcast_in_dim3A_323 {pack_format = #tpu.pack_format<interleaved>, positions = array<i32: 0, 1>} : vector<16xf32>, vector<16xf32> -> vector<32xbf16>
        %mul3A_325 = arith.constant 16 : i32
        %mul3A_326 = arith.muli %scan3A_175, %mul3A_325 : i32
        %add3A_327 = arith.constant 5 : i32
        %add3A_328 = arith.addi %mul3A_326, %add3A_327 : i32
        %get3A_329 = arith.index_cast %add3A_328 : i32 to index
        %get3A_330 = arith.constant 0 : index
        %get3A_331 = tpu.vector_load %arg12[%get3A_329, %get3A_330] {strides = array<i32>} : memref<128x96xbf16, #tpu.memory_space<vmem>>, vector<32xbf16>,
        %mul3A_332 = arith.mulf %get3A_331, %pack3A_324 : vector<32xbf16>
        %swap3A_333 = arith.index_cast %add3A_328 : i32 to index
        %swap3A_334 = arith.constant 0 : index
        %swap3A_335 = tpu.vector_load %arg12[%swap3A_333, %swap3A_334] {strides = array<i32>} : memref<128x96xbf16, #tpu.memory_space<vmem>>, vector<32xbf16>,
        tpu.vector_store %arg12[%swap3A_333, %swap3A_334], %mul3A_332 {strides = array<i32>} : memref<128x96xbf16, #tpu.memory_space<vmem>>, vector<32xbf16>,
        %get3A_336 = arith.index_cast %add3A_328 : i32 to index
        %get3A_337 = arith.constant 32 : index
        %get3A_338 = tpu.vector_load %arg12[%get3A_336, %get3A_337] {strides = array<i32>} : memref<128x96xbf16, #tpu.memory_space<vmem>>, vector<32xbf16>,
        %mul3A_339 = arith.mulf %get3A_338, %pack3A_324 : vector<32xbf16>
        %swap3A_340 = arith.index_cast %add3A_328 : i32 to index
        %swap3A_341 = arith.constant 32 : index
        %swap3A_342 = tpu.vector_load %arg12[%swap3A_340, %swap3A_341] {strides = array<i32>} : memref<128x96xbf16, #tpu.memory_space<vmem>>, vector<32xbf16>,
        tpu.vector_store %arg12[%swap3A_340, %swap3A_341], %mul3A_339 {strides = array<i32>} : memref<128x96xbf16, #tpu.memory_space<vmem>>, vector<32xbf16>,
        %get3A_343 = arith.index_cast %add3A_328 : i32 to index
        %get3A_344 = arith.constant 64 : index
        %get3A_345 = tpu.vector_load %arg12[%get3A_343, %get3A_344] {strides = array<i32>} : memref<128x96xbf16, #tpu.memory_space<vmem>>, vector<32xbf16>,
        %mul3A_346 = arith.mulf %get3A_345, %pack3A_324 : vector<32xbf16>
        %swap3A_347 = arith.index_cast %add3A_328 : i32 to index
        %swap3A_348 = arith.constant 64 : index
        %swap3A_349 = tpu.vector_load %arg12[%swap3A_347, %swap3A_348] {strides = array<i32>} : memref<128x96xbf16, #tpu.memory_space<vmem>>, vector<32xbf16>,
        tpu.vector_store %arg12[%swap3A_347, %swap3A_348], %mul3A_346 {strides = array<i32>} : memref<128x96xbf16, #tpu.memory_space<vmem>>, vector<32xbf16>,
        %slice3A_350 = vector.extract_strided_slice %get3A_180 {offsets = [6], sizes = [1], strides = [1]} : vector<16xf32> to vector<1xf32>
        %squeeze3A_351 = vector.extract %slice3A_350[0] : f32 from vector<1xf32>
        %broadcast_in_dim3A_352 = vector.broadcast %squeeze3A_351 : f32 to vector<16xf32>
        %pack3A_353 = tpu.pack_subelements %broadcast_in_dim3A_352, %broadcast_in_dim3A_352 {pack_format = #tpu.pack_format<interleaved>, positions = array<i32: 0, 1>} : vector<16xf32>, vector<16xf32> -> vector<32xbf16>
        %mul3A_354 = arith.constant 16 : i32
        %mul3A_355 = arith.muli %scan3A_175, %mul3A_354 : i32
        %add3A_356 = arith.constant 6 : i32
        %add3A_357 = arith.addi %mul3A_355, %add3A_356 : i32
        %get3A_358 = arith.index_cast %add3A_357 : i32 to index
        %get3A_359 = arith.constant 0 : index
        %get3A_360 = tpu.vector_load %arg12[%get3A_358, %get3A_359] {strides = array<i32>} : memref<128x96xbf16, #tpu.memory_space<vmem>>, vector<32xbf16>,
        %mul3A_361 = arith.mulf %get3A_360, %pack3A_353 : vector<32xbf16>
        %swap3A_362 = arith.index_cast %add3A_357 : i32 to index
        %swap3A_363 = arith.constant 0 : index
        %swap3A_364 = tpu.vector_load %arg12[%swap3A_362, %swap3A_363] {strides = array<i32>} : memref<128x96xbf16, #tpu.memory_space<vmem>>, vector<32xbf16>,
        tpu.vector_store %arg12[%swap3A_362, %swap3A_363], %mul3A_361 {strides = array<i32>} : memref<128x96xbf16, #tpu.memory_space<vmem>>, vector<32xbf16>,
        %get3A_365 = arith.index_cast %add3A_357 : i32 to index
        %get3A_366 = arith.constant 32 : index
        %get3A_367 = tpu.vector_load %arg12[%get3A_365, %get3A_366] {strides = array<i32>} : memref<128x96xbf16, #tpu.memory_space<vmem>>, vector<32xbf16>,
        %mul3A_368 = arith.mulf %get3A_367, %pack3A_353 : vector<32xbf16>
        %swap3A_369 = arith.index_cast %add3A_357 : i32 to index
        %swap3A_370 = arith.constant 32 : index
        %swap3A_371 = tpu.vector_load %arg12[%swap3A_369, %swap3A_370] {strides = array<i32>} : memref<128x96xbf16, #tpu.memory_space<vmem>>, vector<32xbf16>,
        tpu.vector_store %arg12[%swap3A_369, %swap3A_370], %mul3A_368 {strides = array<i32>} : memref<128x96xbf16, #tpu.memory_space<vmem>>, vector<32xbf16>,
        %get3A_372 = arith.index_cast %add3A_357 : i32 to index
        %get3A_373 = arith.constant 64 : index
        %get3A_374 = tpu.vector_load %arg12[%get3A_372, %get3A_373] {strides = array<i32>} : memref<128x96xbf16, #tpu.memory_space<vmem>>, vector<32xbf16>,
        %mul3A_375 = arith.mulf %get3A_374, %pack3A_353 : vector<32xbf16>
        %swap3A_376 = arith.index_cast %add3A_357 : i32 to index
        %swap3A_377 = arith.constant 64 : index
        %swap3A_378 = tpu.vector_load %arg12[%swap3A_376, %swap3A_377] {strides = array<i32>} : memref<128x96xbf16, #tpu.memory_space<vmem>>, vector<32xbf16>,
        tpu.vector_store %arg12[%swap3A_376, %swap3A_377], %mul3A_375 {strides = array<i32>} : memref<128x96xbf16, #tpu.memory_space<vmem>>, vector<32xbf16>,
        %slice3A_379 = vector.extract_strided_slice %get3A_180 {offsets = [7], sizes = [1], strides = [1]} : vector<16xf32> to vector<1xf32>
        %squeeze3A_380 = vector.extract %slice3A_379[0] : f32 from vector<1xf32>
        %broadcast_in_dim3A_381 = vector.broadcast %squeeze3A_380 : f32 to vector<16xf32>
        %pack3A_382 = tpu.pack_subelements %broadcast_in_dim3A_381, %broadcast_in_dim3A_381 {pack_format = #tpu.pack_format<interleaved>, positions = array<i32: 0, 1>} : vector<16xf32>, vector<16xf32> -> vector<32xbf16>
        %mul3A_383 = arith.constant 16 : i32
        %mul3A_384 = arith.muli %scan3A_175, %mul3A_383 : i32
        %add3A_385 = arith.constant 7 : i32
        %add3A_386 = arith.addi %mul3A_384, %add3A_385 : i32
        %get3A_387 = arith.index_cast %add3A_386 : i32 to index
        %get3A_388 = arith.constant 0 : index
        %get3A_389 = tpu.vector_load %arg12[%get3A_387, %get3A_388] {strides = array<i32>} : memref<128x96xbf16, #tpu.memory_space<vmem>>, vector<32xbf16>,
        %mul3A_390 = arith.mulf %get3A_389, %pack3A_382 : vector<32xbf16>
        %swap3A_391 = arith.index_cast %add3A_386 : i32 to index
        %swap3A_392 = arith.constant 0 : index
        %swap3A_393 = tpu.vector_load %arg12[%swap3A_391, %swap3A_392] {strides = array<i32>} : memref<128x96xbf16, #tpu.memory_space<vmem>>, vector<32xbf16>,
        tpu.vector_store %arg12[%swap3A_391, %swap3A_392], %mul3A_390 {strides = array<i32>} : memref<128x96xbf16, #tpu.memory_space<vmem>>, vector<32xbf16>,
        %get3A_394 = arith.index_cast %add3A_386 : i32 to index
        %get3A_395 = arith.constant 32 : index
        %get3A_396 = tpu.vector_load %arg12[%get3A_394, %get3A_395] {strides = array<i32>} : memref<128x96xbf16, #tpu.memory_space<vmem>>, vector<32xbf16>,
        %mul3A_397 = arith.mulf %get3A_396, %pack3A_382 : vector<32xbf16>
        %swap3A_398 = arith.index_cast %add3A_386 : i32 to index
        %swap3A_399 = arith.constant 32 : index
        %swap3A_400 = tpu.vector_load %arg12[%swap3A_398, %swap3A_399] {strides = array<i32>} : memref<128x96xbf16, #tpu.memory_space<vmem>>, vector<32xbf16>,
        tpu.vector_store %arg12[%swap3A_398, %swap3A_399], %mul3A_397 {strides = array<i32>} : memref<128x96xbf16, #tpu.memory_space<vmem>>, vector<32xbf16>,
        %get3A_401 = arith.index_cast %add3A_386 : i32 to index
        %get3A_402 = arith.constant 64 : index
        %get3A_403 = tpu.vector_load %arg12[%get3A_401, %get3A_402] {strides = array<i32>} : memref<128x96xbf16, #tpu.memory_space<vmem>>, vector<32xbf16>,
        %mul3A_404 = arith.mulf %get3A_403, %pack3A_382 : vector<32xbf16>
        %swap3A_405 = arith.index_cast %add3A_386 : i32 to index
        %swap3A_406 = arith.constant 64 : index
        %swap3A_407 = tpu.vector_load %arg12[%swap3A_405, %swap3A_406] {strides = array<i32>} : memref<128x96xbf16, #tpu.memory_space<vmem>>, vector<32xbf16>,
        tpu.vector_store %arg12[%swap3A_405, %swap3A_406], %mul3A_404 {strides = array<i32>} : memref<128x96xbf16, #tpu.memory_space<vmem>>, vector<32xbf16>,
        %slice3A_408 = vector.extract_strided_slice %get3A_180 {offsets = [8], sizes = [1], strides = [1]} : vector<16xf32> to vector<1xf32>
        %squeeze3A_409 = vector.extract %slice3A_408[0] : f32 from vector<1xf32>
        %broadcast_in_dim3A_410 = vector.broadcast %squeeze3A_409 : f32 to vector<16xf32>
        %pack3A_411 = tpu.pack_subelements %broadcast_in_dim3A_410, %broadcast_in_dim3A_410 {pack_format = #tpu.pack_format<interleaved>, positions = array<i32: 0, 1>} : vector<16xf32>, vector<16xf32> -> vector<32xbf16>
        %mul3A_412 = arith.constant 16 : i32
        %mul3A_413 = arith.muli %scan3A_175, %mul3A_412 : i32
        %add3A_414 = arith.constant 8 : i32
        %add3A_415 = arith.addi %mul3A_413, %add3A_414 : i32
        %get3A_416 = arith.index_cast %add3A_415 : i32 to index
        %get3A_417 = arith.constant 0 : index
        %get3A_418 = tpu.vector_load %arg12[%get3A_416, %get3A_417] {strides = array<i32>} : memref<128x96xbf16, #tpu.memory_space<vmem>>, vector<32xbf16>,
        %mul3A_419 = arith.mulf %get3A_418, %pack3A_411 : vector<32xbf16>
        %swap3A_420 = arith.index_cast %add3A_415 : i32 to index
        %swap3A_421 = arith.constant 0 : index
        %swap3A_422 = tpu.vector_load %arg12[%swap3A_420, %swap3A_421] {strides = array<i32>} : memref<128x96xbf16, #tpu.memory_space<vmem>>, vector<32xbf16>,
        tpu.vector_store %arg12[%swap3A_420, %swap3A_421], %mul3A_419 {strides = array<i32>} : memref<128x96xbf16, #tpu.memory_space<vmem>>, vector<32xbf16>,
        %get3A_423 = arith.index_cast %add3A_415 : i32 to index
        %get3A_424 = arith.constant 32 : index
        %get3A_425 = tpu.vector_load %arg12[%get3A_423, %get3A_424] {strides = array<i32>} : memref<128x96xbf16, #tpu.memory_space<vmem>>, vector<32xbf16>,
        %mul3A_426 = arith.mulf %get3A_425, %pack3A_411 : vector<32xbf16>
        %swap3A_427 = arith.index_cast %add3A_415 : i32 to index
        %swap3A_428 = arith.constant 32 : index
        %swap3A_429 = tpu.vector_load %arg12[%swap3A_427, %swap3A_428] {strides = array<i32>} : memref<128x96xbf16, #tpu.memory_space<vmem>>, vector<32xbf16>,
        tpu.vector_store %arg12[%swap3A_427, %swap3A_428], %mul3A_426 {strides = array<i32>} : memref<128x96xbf16, #tpu.memory_space<vmem>>, vector<32xbf16>,
        %get3A_430 = arith.index_cast %add3A_415 : i32 to index
        %get3A_431 = arith.constant 64 : index
        %get3A_432 = tpu.vector_load %arg12[%get3A_430, %get3A_431] {strides = array<i32>} : memref<128x96xbf16, #tpu.memory_space<vmem>>, vector<32xbf16>,
        %mul3A_433 = arith.mulf %get3A_432, %pack3A_411 : vector<32xbf16>
        %swap3A_434 = arith.index_cast %add3A_415 : i32 to index
        %swap3A_435 = arith.constant 64 : index
        %swap3A_436 = tpu.vector_load %arg12[%swap3A_434, %swap3A_435] {strides = array<i32>} : memref<128x96xbf16, #tpu.memory_space<vmem>>, vector<32xbf16>,
        tpu.vector_store %arg12[%swap3A_434, %swap3A_435], %mul3A_433 {strides = array<i32>} : memref<128x96xbf16, #tpu.memory_space<vmem>>, vector<32xbf16>,
        %slice3A_437 = vector.extract_strided_slice %get3A_180 {offsets = [9], sizes = [1], strides = [1]} : vector<16xf32> to vector<1xf32>
        %squeeze3A_438 = vector.extract %slice3A_437[0] : f32 from vector<1xf32>
        %broadcast_in_dim3A_439 = vector.broadcast %squeeze3A_438 : f32 to vector<16xf32>
        %pack3A_440 = tpu.pack_subelements %broadcast_in_dim3A_439, %broadcast_in_dim3A_439 {pack_format = #tpu.pack_format<interleaved>, positions = array<i32: 0, 1>} : vector<16xf32>, vector<16xf32> -> vector<32xbf16>
        %mul3A_441 = arith.constant 16 : i32
        %mul3A_442 = arith.muli %scan3A_175, %mul3A_441 : i32
        %add3A_443 = arith.constant 9 : i32
        %add3A_444 = arith.addi %mul3A_442, %add3A_443 : i32
        %get3A_445 = arith.index_cast %add3A_444 : i32 to index
        %get3A_446 = arith.constant 0 : index
        %get3A_447 = tpu.vector_load %arg12[%get3A_445, %get3A_446] {strides = array<i32>} : memref<128x96xbf16, #tpu.memory_space<vmem>>, vector<32xbf16>,
        %mul3A_448 = arith.mulf %get3A_447, %pack3A_440 : vector<32xbf16>
        %swap3A_449 = arith.index_cast %add3A_444 : i32 to index
        %swap3A_450 = arith.constant 0 : index
        %swap3A_451 = tpu.vector_load %arg12[%swap3A_449, %swap3A_450] {strides = array<i32>} : memref<128x96xbf16, #tpu.memory_space<vmem>>, vector<32xbf16>,
        tpu.vector_store %arg12[%swap3A_449, %swap3A_450], %mul3A_448 {strides = array<i32>} : memref<128x96xbf16, #tpu.memory_space<vmem>>, vector<32xbf16>,
        %get3A_452 = arith.index_cast %add3A_444 : i32 to index
        %get3A_453 = arith.constant 32 : index
        %get3A_454 = tpu.vector_load %arg12[%get3A_452, %get3A_453] {strides = array<i32>} : memref<128x96xbf16, #tpu.memory_space<vmem>>, vector<32xbf16>,
        %mul3A_455 = arith.mulf %get3A_454, %pack3A_440 : vector<32xbf16>
        %swap3A_456 = arith.index_cast %add3A_444 : i32 to index
        %swap3A_457 = arith.constant 32 : index
        %swap3A_458 = tpu.vector_load %arg12[%swap3A_456, %swap3A_457] {strides = array<i32>} : memref<128x96xbf16, #tpu.memory_space<vmem>>, vector<32xbf16>,
        tpu.vector_store %arg12[%swap3A_456, %swap3A_457], %mul3A_455 {strides = array<i32>} : memref<128x96xbf16, #tpu.memory_space<vmem>>, vector<32xbf16>,
        %get3A_459 = arith.index_cast %add3A_444 : i32 to index
        %get3A_460 = arith.constant 64 : index
        %get3A_461 = tpu.vector_load %arg12[%get3A_459, %get3A_460] {strides = array<i32>} : memref<128x96xbf16, #tpu.memory_space<vmem>>, vector<32xbf16>,
        %mul3A_462 = arith.mulf %get3A_461, %pack3A_440 : vector<32xbf16>
        %swap3A_463 = arith.index_cast %add3A_444 : i32 to index
        %swap3A_464 = arith.constant 64 : index
        %swap3A_465 = tpu.vector_load %arg12[%swap3A_463, %swap3A_464] {strides = array<i32>} : memref<128x96xbf16, #tpu.memory_space<vmem>>, vector<32xbf16>,
        tpu.vector_store %arg12[%swap3A_463, %swap3A_464], %mul3A_462 {strides = array<i32>} : memref<128x96xbf16, #tpu.memory_space<vmem>>, vector<32xbf16>,
        %slice3A_466 = vector.extract_strided_slice %get3A_180 {offsets = [10], sizes = [1], strides = [1]} : vector<16xf32> to vector<1xf32>
        %squeeze3A_467 = vector.extract %slice3A_466[0] : f32 from vector<1xf32>
        %broadcast_in_dim3A_468 = vector.broadcast %squeeze3A_467 : f32 to vector<16xf32>
        %pack3A_469 = tpu.pack_subelements %broadcast_in_dim3A_468, %broadcast_in_dim3A_468 {pack_format = #tpu.pack_format<interleaved>, positions = array<i32: 0, 1>} : vector<16xf32>, vector<16xf32> -> vector<32xbf16>
        %mul3A_470 = arith.constant 16 : i32
        %mul3A_471 = arith.muli %scan3A_175, %mul3A_470 : i32
        %add3A_472 = arith.constant 10 : i32
        %add3A_473 = arith.addi %mul3A_471, %add3A_472 : i32
        %get3A_474 = arith.index_cast %add3A_473 : i32 to index
        %get3A_475 = arith.constant 0 : index
        %get3A_476 = tpu.vector_load %arg12[%get3A_474, %get3A_475] {strides = array<i32>} : memref<128x96xbf16, #tpu.memory_space<vmem>>, vector<32xbf16>,
        %mul3A_477 = arith.mulf %get3A_476, %pack3A_469 : vector<32xbf16>
        %swap3A_478 = arith.index_cast %add3A_473 : i32 to index
        %swap3A_479 = arith.constant 0 : index
        %swap3A_480 = tpu.vector_load %arg12[%swap3A_478, %swap3A_479] {strides = array<i32>} : memref<128x96xbf16, #tpu.memory_space<vmem>>, vector<32xbf16>,
        tpu.vector_store %arg12[%swap3A_478, %swap3A_479], %mul3A_477 {strides = array<i32>} : memref<128x96xbf16, #tpu.memory_space<vmem>>, vector<32xbf16>,
        %get3A_481 = arith.index_cast %add3A_473 : i32 to index
        %get3A_482 = arith.constant 32 : index
        %get3A_483 = tpu.vector_load %arg12[%get3A_481, %get3A_482] {strides = array<i32>} : memref<128x96xbf16, #tpu.memory_space<vmem>>, vector<32xbf16>,
        %mul3A_484 = arith.mulf %get3A_483, %pack3A_469 : vector<32xbf16>
        %swap3A_485 = arith.index_cast %add3A_473 : i32 to index
        %swap3A_486 = arith.constant 32 : index
        %swap3A_487 = tpu.vector_load %arg12[%swap3A_485, %swap3A_486] {strides = array<i32>} : memref<128x96xbf16, #tpu.memory_space<vmem>>, vector<32xbf16>,
        tpu.vector_store %arg12[%swap3A_485, %swap3A_486], %mul3A_484 {strides = array<i32>} : memref<128x96xbf16, #tpu.memory_space<vmem>>, vector<32xbf16>,
        %get3A_488 = arith.index_cast %add3A_473 : i32 to index
        %get3A_489 = arith.constant 64 : index
        %get3A_490 = tpu.vector_load %arg12[%get3A_488, %get3A_489] {strides = array<i32>} : memref<128x96xbf16, #tpu.memory_space<vmem>>, vector<32xbf16>,
        %mul3A_491 = arith.mulf %get3A_490, %pack3A_469 : vector<32xbf16>
        %swap3A_492 = arith.index_cast %add3A_473 : i32 to index
        %swap3A_493 = arith.constant 64 : index
        %swap3A_494 = tpu.vector_load %arg12[%swap3A_492, %swap3A_493] {strides = array<i32>} : memref<128x96xbf16, #tpu.memory_space<vmem>>, vector<32xbf16>,
        tpu.vector_store %arg12[%swap3A_492, %swap3A_493], %mul3A_491 {strides = array<i32>} : memref<128x96xbf16, #tpu.memory_space<vmem>>, vector<32xbf16>,
        %slice3A_495 = vector.extract_strided_slice %get3A_180 {offsets = [11], sizes = [1], strides = [1]} : vector<16xf32> to vector<1xf32>
        %squeeze3A_496 = vector.extract %slice3A_495[0] : f32 from vector<1xf32>
        %broadcast_in_dim3A_497 = vector.broadcast %squeeze3A_496 : f32 to vector<16xf32>
        %pack3A_498 = tpu.pack_subelements %broadcast_in_dim3A_497, %broadcast_in_dim3A_497 {pack_format = #tpu.pack_format<interleaved>, positions = array<i32: 0, 1>} : vector<16xf32>, vector<16xf32> -> vector<32xbf16>
        %mul3A_499 = arith.constant 16 : i32
        %mul3A_500 = arith.muli %scan3A_175, %mul3A_499 : i32
        %add3A_501 = arith.constant 11 : i32
        %add3A_502 = arith.addi %mul3A_500, %add3A_501 : i32
        %get3A_503 = arith.index_cast %add3A_502 : i32 to index
        %get3A_504 = arith.constant 0 : index
        %get3A_505 = tpu.vector_load %arg12[%get3A_503, %get3A_504] {strides = array<i32>} : memref<128x96xbf16, #tpu.memory_space<vmem>>, vector<32xbf16>,
        %mul3A_506 = arith.mulf %get3A_505, %pack3A_498 : vector<32xbf16>
        %swap3A_507 = arith.index_cast %add3A_502 : i32 to index
        %swap3A_508 = arith.constant 0 : index
        %swap3A_509 = tpu.vector_load %arg12[%swap3A_507, %swap3A_508] {strides = array<i32>} : memref<128x96xbf16, #tpu.memory_space<vmem>>, vector<32xbf16>,
        tpu.vector_store %arg12[%swap3A_507, %swap3A_508], %mul3A_506 {strides = array<i32>} : memref<128x96xbf16, #tpu.memory_space<vmem>>, vector<32xbf16>,
        %get3A_510 = arith.index_cast %add3A_502 : i32 to index
        %get3A_511 = arith.constant 32 : index
        %get3A_512 = tpu.vector_load %arg12[%get3A_510, %get3A_511] {strides = array<i32>} : memref<128x96xbf16, #tpu.memory_space<vmem>>, vector<32xbf16>,
        %mul3A_513 = arith.mulf %get3A_512, %pack3A_498 : vector<32xbf16>
        %swap3A_514 = arith.index_cast %add3A_502 : i32 to index
        %swap3A_515 = arith.constant 32 : index
        %swap3A_516 = tpu.vector_load %arg12[%swap3A_514, %swap3A_515] {strides = array<i32>} : memref<128x96xbf16, #tpu.memory_space<vmem>>, vector<32xbf16>,
        tpu.vector_store %arg12[%swap3A_514, %swap3A_515], %mul3A_513 {strides = array<i32>} : memref<128x96xbf16, #tpu.memory_space<vmem>>, vector<32xbf16>,
        %get3A_517 = arith.index_cast %add3A_502 : i32 to index
        %get3A_518 = arith.constant 64 : index
        %get3A_519 = tpu.vector_load %arg12[%get3A_517, %get3A_518] {strides = array<i32>} : memref<128x96xbf16, #tpu.memory_space<vmem>>, vector<32xbf16>,
        %mul3A_520 = arith.mulf %get3A_519, %pack3A_498 : vector<32xbf16>
        %swap3A_521 = arith.index_cast %add3A_502 : i32 to index
        %swap3A_522 = arith.constant 64 : index
        %swap3A_523 = tpu.vector_load %arg12[%swap3A_521, %swap3A_522] {strides = array<i32>} : memref<128x96xbf16, #tpu.memory_space<vmem>>, vector<32xbf16>,
        tpu.vector_store %arg12[%swap3A_521, %swap3A_522], %mul3A_520 {strides = array<i32>} : memref<128x96xbf16, #tpu.memory_space<vmem>>, vector<32xbf16>,
        %slice3A_524 = vector.extract_strided_slice %get3A_180 {offsets = [12], sizes = [1], strides = [1]} : vector<16xf32> to vector<1xf32>
        %squeeze3A_525 = vector.extract %slice3A_524[0] : f32 from vector<1xf32>
        %broadcast_in_dim3A_526 = vector.broadcast %squeeze3A_525 : f32 to vector<16xf32>
        %pack3A_527 = tpu.pack_subelements %broadcast_in_dim3A_526, %broadcast_in_dim3A_526 {pack_format = #tpu.pack_format<interleaved>, positions = array<i32: 0, 1>} : vector<16xf32>, vector<16xf32> -> vector<32xbf16>
        %mul3A_528 = arith.constant 16 : i32
        %mul3A_529 = arith.muli %scan3A_175, %mul3A_528 : i32
        %add3A_530 = arith.constant 12 : i32
        %add3A_531 = arith.addi %mul3A_529, %add3A_530 : i32
        %get3A_532 = arith.index_cast %add3A_531 : i32 to index
        %get3A_533 = arith.constant 0 : index
        %get3A_534 = tpu.vector_load %arg12[%get3A_532, %get3A_533] {strides = array<i32>} : memref<128x96xbf16, #tpu.memory_space<vmem>>, vector<32xbf16>,
        %mul3A_535 = arith.mulf %get3A_534, %pack3A_527 : vector<32xbf16>
        %swap3A_536 = arith.index_cast %add3A_531 : i32 to index
        %swap3A_537 = arith.constant 0 : index
        %swap3A_538 = tpu.vector_load %arg12[%swap3A_536, %swap3A_537] {strides = array<i32>} : memref<128x96xbf16, #tpu.memory_space<vmem>>, vector<32xbf16>,
        tpu.vector_store %arg12[%swap3A_536, %swap3A_537], %mul3A_535 {strides = array<i32>} : memref<128x96xbf16, #tpu.memory_space<vmem>>, vector<32xbf16>,
        %get3A_539 = arith.index_cast %add3A_531 : i32 to index
        %get3A_540 = arith.constant 32 : index
        %get3A_541 = tpu.vector_load %arg12[%get3A_539, %get3A_540] {strides = array<i32>} : memref<128x96xbf16, #tpu.memory_space<vmem>>, vector<32xbf16>,
        %mul3A_542 = arith.mulf %get3A_541, %pack3A_527 : vector<32xbf16>
        %swap3A_543 = arith.index_cast %add3A_531 : i32 to index
        %swap3A_544 = arith.constant 32 : index
        %swap3A_545 = tpu.vector_load %arg12[%swap3A_543, %swap3A_544] {strides = array<i32>} : memref<128x96xbf16, #tpu.memory_space<vmem>>, vector<32xbf16>,
        tpu.vector_store %arg12[%swap3A_543, %swap3A_544], %mul3A_542 {strides = array<i32>} : memref<128x96xbf16, #tpu.memory_space<vmem>>, vector<32xbf16>,
        %get3A_546 = arith.index_cast %add3A_531 : i32 to index
        %get3A_547 = arith.constant 64 : index
        %get3A_548 = tpu.vector_load %arg12[%get3A_546, %get3A_547] {strides = array<i32>} : memref<128x96xbf16, #tpu.memory_space<vmem>>, vector<32xbf16>,
        %mul3A_549 = arith.mulf %get3A_548, %pack3A_527 : vector<32xbf16>
        %swap3A_550 = arith.index_cast %add3A_531 : i32 to index
        %swap3A_551 = arith.constant 64 : index
        %swap3A_552 = tpu.vector_load %arg12[%swap3A_550, %swap3A_551] {strides = array<i32>} : memref<128x96xbf16, #tpu.memory_space<vmem>>, vector<32xbf16>,
        tpu.vector_store %arg12[%swap3A_550, %swap3A_551], %mul3A_549 {strides = array<i32>} : memref<128x96xbf16, #tpu.memory_space<vmem>>, vector<32xbf16>,
        %slice3A_553 = vector.extract_strided_slice %get3A_180 {offsets = [13], sizes = [1], strides = [1]} : vector<16xf32> to vector<1xf32>
        %squeeze3A_554 = vector.extract %slice3A_553[0] : f32 from vector<1xf32>
        %broadcast_in_dim3A_555 = vector.broadcast %squeeze3A_554 : f32 to vector<16xf32>
        %pack3A_556 = tpu.pack_subelements %broadcast_in_dim3A_555, %broadcast_in_dim3A_555 {pack_format = #tpu.pack_format<interleaved>, positions = array<i32: 0, 1>} : vector<16xf32>, vector<16xf32> -> vector<32xbf16>
        %mul3A_557 = arith.constant 16 : i32
        %mul3A_558 = arith.muli %scan3A_175, %mul3A_557 : i32
        %add3A_559 = arith.constant 13 : i32
        %add3A_560 = arith.addi %mul3A_558, %add3A_559 : i32
        %get3A_561 = arith.index_cast %add3A_560 : i32 to index
        %get3A_562 = arith.constant 0 : index
        %get3A_563 = tpu.vector_load %arg12[%get3A_561, %get3A_562] {strides = array<i32>} : memref<128x96xbf16, #tpu.memory_space<vmem>>, vector<32xbf16>,
        %mul3A_564 = arith.mulf %get3A_563, %pack3A_556 : vector<32xbf16>
        %swap3A_565 = arith.index_cast %add3A_560 : i32 to index
        %swap3A_566 = arith.constant 0 : index
        %swap3A_567 = tpu.vector_load %arg12[%swap3A_565, %swap3A_566] {strides = array<i32>} : memref<128x96xbf16, #tpu.memory_space<vmem>>, vector<32xbf16>,
        tpu.vector_store %arg12[%swap3A_565, %swap3A_566], %mul3A_564 {strides = array<i32>} : memref<128x96xbf16, #tpu.memory_space<vmem>>, vector<32xbf16>,
        %get3A_568 = arith.index_cast %add3A_560 : i32 to index
        %get3A_569 = arith.constant 32 : index
        %get3A_570 = tpu.vector_load %arg12[%get3A_568, %get3A_569] {strides = array<i32>} : memref<128x96xbf16, #tpu.memory_space<vmem>>, vector<32xbf16>,
        %mul3A_571 = arith.mulf %get3A_570, %pack3A_556 : vector<32xbf16>
        %swap3A_572 = arith.index_cast %add3A_560 : i32 to index
        %swap3A_573 = arith.constant 32 : index
        %swap3A_574 = tpu.vector_load %arg12[%swap3A_572, %swap3A_573] {strides = array<i32>} : memref<128x96xbf16, #tpu.memory_space<vmem>>, vector<32xbf16>,
        tpu.vector_store %arg12[%swap3A_572, %swap3A_573], %mul3A_571 {strides = array<i32>} : memref<128x96xbf16, #tpu.memory_space<vmem>>, vector<32xbf16>,
        %get3A_575 = arith.index_cast %add3A_560 : i32 to index
        %get3A_576 = arith.constant 64 : index
        %get3A_577 = tpu.vector_load %arg12[%get3A_575, %get3A_576] {strides = array<i32>} : memref<128x96xbf16, #tpu.memory_space<vmem>>, vector<32xbf16>,
        %mul3A_578 = arith.mulf %get3A_577, %pack3A_556 : vector<32xbf16>
        %swap3A_579 = arith.index_cast %add3A_560 : i32 to index
        %swap3A_580 = arith.constant 64 : index
        %swap3A_581 = tpu.vector_load %arg12[%swap3A_579, %swap3A_580] {strides = array<i32>} : memref<128x96xbf16, #tpu.memory_space<vmem>>, vector<32xbf16>,
        tpu.vector_store %arg12[%swap3A_579, %swap3A_580], %mul3A_578 {strides = array<i32>} : memref<128x96xbf16, #tpu.memory_space<vmem>>, vector<32xbf16>,
        %slice3A_582 = vector.extract_strided_slice %get3A_180 {offsets = [14], sizes = [1], strides = [1]} : vector<16xf32> to vector<1xf32>
        %squeeze3A_583 = vector.extract %slice3A_582[0] : f32 from vector<1xf32>
        %broadcast_in_dim3A_584 = vector.broadcast %squeeze3A_583 : f32 to vector<16xf32>
        %pack3A_585 = tpu.pack_subelements %broadcast_in_dim3A_584, %broadcast_in_dim3A_584 {pack_format = #tpu.pack_format<interleaved>, positions = array<i32: 0, 1>} : vector<16xf32>, vector<16xf32> -> vector<32xbf16>
        %mul3A_586 = arith.constant 16 : i32
        %mul3A_587 = arith.muli %scan3A_175, %mul3A_586 : i32
        %add3A_588 = arith.constant 14 : i32
        %add3A_589 = arith.addi %mul3A_587, %add3A_588 : i32
        %get3A_590 = arith.index_cast %add3A_589 : i32 to index
        %get3A_591 = arith.constant 0 : index
        %get3A_592 = tpu.vector_load %arg12[%get3A_590, %get3A_591] {strides = array<i32>} : memref<128x96xbf16, #tpu.memory_space<vmem>>, vector<32xbf16>,
        %mul3A_593 = arith.mulf %get3A_592, %pack3A_585 : vector<32xbf16>
        %swap3A_594 = arith.index_cast %add3A_589 : i32 to index
        %swap3A_595 = arith.constant 0 : index
        %swap3A_596 = tpu.vector_load %arg12[%swap3A_594, %swap3A_595] {strides = array<i32>} : memref<128x96xbf16, #tpu.memory_space<vmem>>, vector<32xbf16>,
        tpu.vector_store %arg12[%swap3A_594, %swap3A_595], %mul3A_593 {strides = array<i32>} : memref<128x96xbf16, #tpu.memory_space<vmem>>, vector<32xbf16>,
        %get3A_597 = arith.index_cast %add3A_589 : i32 to index
        %get3A_598 = arith.constant 32 : index
        %get3A_599 = tpu.vector_load %arg12[%get3A_597, %get3A_598] {strides = array<i32>} : memref<128x96xbf16, #tpu.memory_space<vmem>>, vector<32xbf16>,
        %mul3A_600 = arith.mulf %get3A_599, %pack3A_585 : vector<32xbf16>
        %swap3A_601 = arith.index_cast %add3A_589 : i32 to index
        %swap3A_602 = arith.constant 32 : index
        %swap3A_603 = tpu.vector_load %arg12[%swap3A_601, %swap3A_602] {strides = array<i32>} : memref<128x96xbf16, #tpu.memory_space<vmem>>, vector<32xbf16>,
        tpu.vector_store %arg12[%swap3A_601, %swap3A_602], %mul3A_600 {strides = array<i32>} : memref<128x96xbf16, #tpu.memory_space<vmem>>, vector<32xbf16>,
        %get3A_604 = arith.index_cast %add3A_589 : i32 to index
        %get3A_605 = arith.constant 64 : index
        %get3A_606 = tpu.vector_load %arg12[%get3A_604, %get3A_605] {strides = array<i32>} : memref<128x96xbf16, #tpu.memory_space<vmem>>, vector<32xbf16>,
        %mul3A_607 = arith.mulf %get3A_606, %pack3A_585 : vector<32xbf16>
        %swap3A_608 = arith.index_cast %add3A_589 : i32 to index
        %swap3A_609 = arith.constant 64 : index
        %swap3A_610 = tpu.vector_load %arg12[%swap3A_608, %swap3A_609] {strides = array<i32>} : memref<128x96xbf16, #tpu.memory_space<vmem>>, vector<32xbf16>,
        tpu.vector_store %arg12[%swap3A_608, %swap3A_609], %mul3A_607 {strides = array<i32>} : memref<128x96xbf16, #tpu.memory_space<vmem>>, vector<32xbf16>,
        %slice3A_611 = vector.extract_strided_slice %get3A_180 {offsets = [15], sizes = [1], strides = [1]} : vector<16xf32> to vector<1xf32>
        %squeeze3A_612 = vector.extract %slice3A_611[0] : f32 from vector<1xf32>
        %broadcast_in_dim3A_613 = vector.broadcast %squeeze3A_612 : f32 to vector<16xf32>
        %pack3A_614 = tpu.pack_subelements %broadcast_in_dim3A_613, %broadcast_in_dim3A_613 {pack_format = #tpu.pack_format<interleaved>, positions = array<i32: 0, 1>} : vector<16xf32>, vector<16xf32> -> vector<32xbf16>
        %mul3A_615 = arith.constant 16 : i32
        %mul3A_616 = arith.muli %scan3A_175, %mul3A_615 : i32
        %add3A_617 = arith.constant 15 : i32
        %add3A_618 = arith.addi %mul3A_616, %add3A_617 : i32
        %get3A_619 = arith.index_cast %add3A_618 : i32 to index
        %get3A_620 = arith.constant 0 : index
        %get3A_621 = tpu.vector_load %arg12[%get3A_619, %get3A_620] {strides = array<i32>} : memref<128x96xbf16, #tpu.memory_space<vmem>>, vector<32xbf16>,
        %mul3A_622 = arith.mulf %get3A_621, %pack3A_614 : vector<32xbf16>
        %swap3A_623 = arith.index_cast %add3A_618 : i32 to index
        %swap3A_624 = arith.constant 0 : index
        %swap3A_625 = tpu.vector_load %arg12[%swap3A_623, %swap3A_624] {strides = array<i32>} : memref<128x96xbf16, #tpu.memory_space<vmem>>, vector<32xbf16>,
        tpu.vector_store %arg12[%swap3A_623, %swap3A_624], %mul3A_622 {strides = array<i32>} : memref<128x96xbf16, #tpu.memory_space<vmem>>, vector<32xbf16>,
        %get3A_626 = arith.index_cast %add3A_618 : i32 to index
        %get3A_627 = arith.constant 32 : index
        %get3A_628 = tpu.vector_load %arg12[%get3A_626, %get3A_627] {strides = array<i32>} : memref<128x96xbf16, #tpu.memory_space<vmem>>, vector<32xbf16>,
        %mul3A_629 = arith.mulf %get3A_628, %pack3A_614 : vector<32xbf16>
        %swap3A_630 = arith.index_cast %add3A_618 : i32 to index
        %swap3A_631 = arith.constant 32 : index
        %swap3A_632 = tpu.vector_load %arg12[%swap3A_630, %swap3A_631] {strides = array<i32>} : memref<128x96xbf16, #tpu.memory_space<vmem>>, vector<32xbf16>,
        tpu.vector_store %arg12[%swap3A_630, %swap3A_631], %mul3A_629 {strides = array<i32>} : memref<128x96xbf16, #tpu.memory_space<vmem>>, vector<32xbf16>,
        %get3A_633 = arith.index_cast %add3A_618 : i32 to index
        %get3A_634 = arith.constant 64 : index
        %get3A_635 = tpu.vector_load %arg12[%get3A_633, %get3A_634] {strides = array<i32>} : memref<128x96xbf16, #tpu.memory_space<vmem>>, vector<32xbf16>,
        %mul3A_636 = arith.mulf %get3A_635, %pack3A_614 : vector<32xbf16>
        %swap3A_637 = arith.index_cast %add3A_618 : i32 to index
        %swap3A_638 = arith.constant 64 : index
        %swap3A_639 = tpu.vector_load %arg12[%swap3A_637, %swap3A_638] {strides = array<i32>} : memref<128x96xbf16, #tpu.memory_space<vmem>>, vector<32xbf16>,
        tpu.vector_store %arg12[%swap3A_637, %swap3A_638], %mul3A_636 {strides = array<i32>} : memref<128x96xbf16, #tpu.memory_space<vmem>>, vector<32xbf16>,
        %scan3A_640 = arith.constant 0 : i32
        scf.yield %scan3A_640 : i32
      }
      %scan3A_62 = arith.constant 8 : i32
      %dma_start3A_63 = arith.constant 0 : i32
      %dma_start3A_64 = tpu.memref_slice %arg10[%add3A_41, %dma_start3A_63] : memref<40x128xi32, #tpu.memory_space<vmem>> -> memref<1x128xi32, #tpu.memory_space<vmem>>
      %dma_start3A_65 = tpu.memref_squeeze %dma_start3A_64 : memref<1x128xi32, #tpu.memory_space<vmem>> -> memref<128xi32, #tpu.memory_space<vmem>>
      %dma_start3A_66 = arith.constant 0 : i32
      %dma_start3A_67 = arith.constant 0 : i32
      %dma_start3A_68 = tpu.memref_slice %arg8[%dma_start3A_66, %dma_start3A_67] : memref<10240x96xbf16, #tpu.memory_space<vmem_shared>> -> memref<10240x96xbf16, #tpu.memory_space<vmem_shared>>
      tpu.enqueue_indirect_dma source(%arg12 : memref<128x96xbf16, #tpu.memory_space<vmem>>) target(%dma_start3A_68 : memref<10240x96xbf16, #tpu.memory_space<vmem_shared>>) offsets(%dma_start3A_65 : memref<128xi32, #tpu.memory_space<vmem>>) semaphore(%arg20 : memref<!tpu.dma_semaphore, #tpu.memory_space<semaphore_mem>>) {add = true}
      %mul3A_69 = arith.constant 4 : i32
      %mul3A_70 = arith.muli %mul3A_69, %scan3A_36 : i32
      %add3A_71 = arith.constant 1 : i32
      %add3A_72 = arith.addi %mul3A_70, %add3A_71 : i32
      %dma_wait3A_73 = arith.constant 0 : i32
      %dma_wait3A_74 = tpu.memref_slice %arg9[%add3A_72, %dma_wait3A_73] : memref<40x128xi32, #tpu.memory_space<vmem>> -> memref<1x128xi32, #tpu.memory_space<vmem>>
      %dma_wait3A_75 = tpu.memref_squeeze %dma_wait3A_74 : memref<1x128xi32, #tpu.memory_space<vmem>> -> memref<128xi32, #tpu.memory_space<vmem>>
      %dma_wait3A_76 = arith.constant 0 : i32
      %dma_wait3A_77 = arith.constant 0 : i32
      %dma_wait3A_78 = tpu.memref_slice %arg2[%dma_wait3A_76, %dma_wait3A_77] : memref<10000x96xbf16, #tpu.memory_space<hbm>> -> memref<10000x96xbf16, #tpu.memory_space<hbm>>
      tpu.wait_indirect_dma semaphore(%arg17 : memref<!tpu.dma_semaphore, #tpu.memory_space<semaphore_mem>>) src(%dma_wait3A_78 : memref<10000x96xbf16, #tpu.memory_space<hbm>>) dst(%arg13 : memref<128x96xbf16, #tpu.memory_space<vmem>>)
      %ge3A_79 = arith.constant 3 : i32
      %ge3A_80 = arith.cmpi sge, %add3A_72, %ge3A_79 : i32
      %convert_element_type3A_81 = arith.extui %ge3A_80 : i1 to i32
      %cond3A_82 = arith.constant 0 : i32
      %cond3A_83 = arith.cmpi ne, %convert_element_type3A_81, %cond3A_82 : i32
      scf.if %cond3A_83 {
        %sub3A = arith.constant 3 : i32
        %sub3A_175 = arith.subi %add3A_72, %sub3A : i32
        %dma_wait3A_176 = arith.constant 0 : i32
        %dma_wait3A_177 = tpu.memref_slice %arg10[%sub3A_175, %dma_wait3A_176] : memref<40x128xi32, #tpu.memory_space<vmem>> -> memref<1x128xi32, #tpu.memory_space<vmem>>
        %dma_wait3A_178 = tpu.memref_squeeze %dma_wait3A_177 : memref<1x128xi32, #tpu.memory_space<vmem>> -> memref<128xi32, #tpu.memory_space<vmem>>
        %dma_wait3A_179 = arith.constant 0 : i32
        %dma_wait3A_180 = arith.constant 0 : i32
        %dma_wait3A_181 = tpu.memref_slice %arg8[%dma_wait3A_179, %dma_wait3A_180] : memref<10240x96xbf16, #tpu.memory_space<vmem_shared>> -> memref<10240x96xbf16, #tpu.memory_space<vmem_shared>>
        tpu.wait_indirect_dma semaphore(%arg22 : memref<!tpu.dma_semaphore, #tpu.memory_space<semaphore_mem>>) src(%arg14 : memref<128x96xbf16, #tpu.memory_space<vmem>>) dst(%dma_wait3A_181 : memref<10240x96xbf16, #tpu.memory_space<vmem_shared>>)
      } else {
      }
      %add3A_84 = arith.constant 1 : i32
      %add3A_85 = arith.addi %add3A_72, %add3A_84 : i32
      %lt3A_86 = arith.constant 40 : i32
      %lt3A_87 = arith.cmpi slt, %add3A_85, %lt3A_86 : i32
      %convert_element_type3A_88 = arith.extui %lt3A_87 : i1 to i32
      %cond3A_89 = arith.constant 0 : i32
      %cond3A_90 = arith.cmpi ne, %convert_element_type3A_88, %cond3A_89 : i32
      scf.if %cond3A_90 {
        %add3A_175 = arith.constant 1 : i32
        %add3A_176 = arith.addi %add3A_72, %add3A_175 : i32
        %dma_start3A_177 = arith.constant 0 : i32
        %dma_start3A_178 = tpu.memref_slice %arg9[%add3A_176, %dma_start3A_177] : memref<40x128xi32, #tpu.memory_space<vmem>> -> memref<1x128xi32, #tpu.memory_space<vmem>>
        %dma_start3A_179 = tpu.memref_squeeze %dma_start3A_178 : memref<1x128xi32, #tpu.memory_space<vmem>> -> memref<128xi32, #tpu.memory_space<vmem>>
        %dma_start3A_180 = arith.constant 0 : i32
        %dma_start3A_181 = arith.constant 0 : i32
        %dma_start3A_182 = tpu.memref_slice %arg2[%dma_start3A_180, %dma_start3A_181] : memref<10000x96xbf16, #tpu.memory_space<hbm>> -> memref<10000x96xbf16, #tpu.memory_space<hbm>>
        tpu.enqueue_indirect_dma source(%dma_start3A_182 : memref<10000x96xbf16, #tpu.memory_space<hbm>>) target(%arg14 : memref<128x96xbf16, #tpu.memory_space<vmem>>) offsets(%dma_start3A_179 : memref<128xi32, #tpu.memory_space<vmem>>) semaphore(%arg18 : memref<!tpu.dma_semaphore, #tpu.memory_space<semaphore_mem>>)
      } else {
      }
      %scan3A_91 = arith.constant 0 : i32
      %scan3A_92 = arith.constant 0 : i32
      %scan3A_93 = arith.constant 8 : i32
      %scan3A_94 = arith.addi %scan3A_92, %scan3A_93 : i32
      %scan3A_95 = arith.constant 1 : i32
      %scan3A_96 = scf.for %scan3A_175 = %scan3A_92 to %scan3A_94 step %scan3A_95 iter_args(%scan3A_176 = %scan3A_91) -> (i32)  : i32 {
        %mul3A_177 = arith.constant 16 : i32
        %mul3A_178 = arith.muli %scan3A_175, %mul3A_177 : i32
        %get3A = arith.index_cast %add3A_72 : i32 to index
        %get3A_179 = arith.index_cast %mul3A_178 : i32 to index
        %get3A_180 = tpu.vector_load %arg11[%get3A, %get3A_179] {strides = array<i32>} : memref<40x128xf32, #tpu.memory_space<vmem>>, vector<16xf32>,
        %slice3A = vector.extract_strided_slice %get3A_180 {offsets = [0], sizes = [1], strides = [1]} : vector<16xf32> to vector<1xf32>
        %squeeze3A = vector.extract %slice3A[0] : f32 from vector<1xf32>
        %broadcast_in_dim3A = vector.broadcast %squeeze3A : f32 to vector<16xf32>
        %pack3A = tpu.pack_subelements %broadcast_in_dim3A, %broadcast_in_dim3A {pack_format = #tpu.pack_format<interleaved>, positions = array<i32: 0, 1>} : vector<16xf32>, vector<16xf32> -> vector<32xbf16>
        %mul3A_181 = arith.constant 16 : i32
        %mul3A_182 = arith.muli %scan3A_175, %mul3A_181 : i32
        %add3A_183 = arith.constant 0 : i32
        %add3A_184 = arith.addi %mul3A_182, %add3A_183 : i32
        %get3A_185 = arith.index_cast %add3A_184 : i32 to index
        %get3A_186 = arith.constant 0 : index
        %get3A_187 = tpu.vector_load %arg13[%get3A_185, %get3A_186] {strides = array<i32>} : memref<128x96xbf16, #tpu.memory_space<vmem>>, vector<32xbf16>,
        %mul3A_188 = arith.mulf %get3A_187, %pack3A : vector<32xbf16>
        %swap3A = arith.index_cast %add3A_184 : i32 to index
        %swap3A_189 = arith.constant 0 : index
        %swap3A_190 = tpu.vector_load %arg13[%swap3A, %swap3A_189] {strides = array<i32>} : memref<128x96xbf16, #tpu.memory_space<vmem>>, vector<32xbf16>,
        tpu.vector_store %arg13[%swap3A, %swap3A_189], %mul3A_188 {strides = array<i32>} : memref<128x96xbf16, #tpu.memory_space<vmem>>, vector<32xbf16>,
        %get3A_191 = arith.index_cast %add3A_184 : i32 to index
        %get3A_192 = arith.constant 32 : index
        %get3A_193 = tpu.vector_load %arg13[%get3A_191, %get3A_192] {strides = array<i32>} : memref<128x96xbf16, #tpu.memory_space<vmem>>, vector<32xbf16>,
        %mul3A_194 = arith.mulf %get3A_193, %pack3A : vector<32xbf16>
        %swap3A_195 = arith.index_cast %add3A_184 : i32 to index
        %swap3A_196 = arith.constant 32 : index
        %swap3A_197 = tpu.vector_load %arg13[%swap3A_195, %swap3A_196] {strides = array<i32>} : memref<128x96xbf16, #tpu.memory_space<vmem>>, vector<32xbf16>,
        tpu.vector_store %arg13[%swap3A_195, %swap3A_196], %mul3A_194 {strides = array<i32>} : memref<128x96xbf16, #tpu.memory_space<vmem>>, vector<32xbf16>,
        %get3A_198 = arith.index_cast %add3A_184 : i32 to index
        %get3A_199 = arith.constant 64 : index
        %get3A_200 = tpu.vector_load %arg13[%get3A_198, %get3A_199] {strides = array<i32>} : memref<128x96xbf16, #tpu.memory_space<vmem>>, vector<32xbf16>,
        %mul3A_201 = arith.mulf %get3A_200, %pack3A : vector<32xbf16>
        %swap3A_202 = arith.index_cast %add3A_184 : i32 to index
        %swap3A_203 = arith.constant 64 : index
        %swap3A_204 = tpu.vector_load %arg13[%swap3A_202, %swap3A_203] {strides = array<i32>} : memref<128x96xbf16, #tpu.memory_space<vmem>>, vector<32xbf16>,
        tpu.vector_store %arg13[%swap3A_202, %swap3A_203], %mul3A_201 {strides = array<i32>} : memref<128x96xbf16, #tpu.memory_space<vmem>>, vector<32xbf16>,
        %slice3A_205 = vector.extract_strided_slice %get3A_180 {offsets = [1], sizes = [1], strides = [1]} : vector<16xf32> to vector<1xf32>
        %squeeze3A_206 = vector.extract %slice3A_205[0] : f32 from vector<1xf32>
        %broadcast_in_dim3A_207 = vector.broadcast %squeeze3A_206 : f32 to vector<16xf32>
        %pack3A_208 = tpu.pack_subelements %broadcast_in_dim3A_207, %broadcast_in_dim3A_207 {pack_format = #tpu.pack_format<interleaved>, positions = array<i32: 0, 1>} : vector<16xf32>, vector<16xf32> -> vector<32xbf16>
        %mul3A_209 = arith.constant 16 : i32
        %mul3A_210 = arith.muli %scan3A_175, %mul3A_209 : i32
        %add3A_211 = arith.constant 1 : i32
        %add3A_212 = arith.addi %mul3A_210, %add3A_211 : i32
        %get3A_213 = arith.index_cast %add3A_212 : i32 to index
        %get3A_214 = arith.constant 0 : index
        %get3A_215 = tpu.vector_load %arg13[%get3A_213, %get3A_214] {strides = array<i32>} : memref<128x96xbf16, #tpu.memory_space<vmem>>, vector<32xbf16>,
        %mul3A_216 = arith.mulf %get3A_215, %pack3A_208 : vector<32xbf16>
        %swap3A_217 = arith.index_cast %add3A_212 : i32 to index
        %swap3A_218 = arith.constant 0 : index
        %swap3A_219 = tpu.vector_load %arg13[%swap3A_217, %swap3A_218] {strides = array<i32>} : memref<128x96xbf16, #tpu.memory_space<vmem>>, vector<32xbf16>,
        tpu.vector_store %arg13[%swap3A_217, %swap3A_218], %mul3A_216 {strides = array<i32>} : memref<128x96xbf16, #tpu.memory_space<vmem>>, vector<32xbf16>,
        %get3A_220 = arith.index_cast %add3A_212 : i32 to index
        %get3A_221 = arith.constant 32 : index
        %get3A_222 = tpu.vector_load %arg13[%get3A_220, %get3A_221] {strides = array<i32>} : memref<128x96xbf16, #tpu.memory_space<vmem>>, vector<32xbf16>,
        %mul3A_223 = arith.mulf %get3A_222, %pack3A_208 : vector<32xbf16>
        %swap3A_224 = arith.index_cast %add3A_212 : i32 to index
        %swap3A_225 = arith.constant 32 : index
        %swap3A_226 = tpu.vector_load %arg13[%swap3A_224, %swap3A_225] {strides = array<i32>} : memref<128x96xbf16, #tpu.memory_space<vmem>>, vector<32xbf16>,
        tpu.vector_store %arg13[%swap3A_224, %swap3A_225], %mul3A_223 {strides = array<i32>} : memref<128x96xbf16, #tpu.memory_space<vmem>>, vector<32xbf16>,
        %get3A_227 = arith.index_cast %add3A_212 : i32 to index
        %get3A_228 = arith.constant 64 : index
        %get3A_229 = tpu.vector_load %arg13[%get3A_227, %get3A_228] {strides = array<i32>} : memref<128x96xbf16, #tpu.memory_space<vmem>>, vector<32xbf16>,
        %mul3A_230 = arith.mulf %get3A_229, %pack3A_208 : vector<32xbf16>
        %swap3A_231 = arith.index_cast %add3A_212 : i32 to index
        %swap3A_232 = arith.constant 64 : index
        %swap3A_233 = tpu.vector_load %arg13[%swap3A_231, %swap3A_232] {strides = array<i32>} : memref<128x96xbf16, #tpu.memory_space<vmem>>, vector<32xbf16>,
        tpu.vector_store %arg13[%swap3A_231, %swap3A_232], %mul3A_230 {strides = array<i32>} : memref<128x96xbf16, #tpu.memory_space<vmem>>, vector<32xbf16>,
        %slice3A_234 = vector.extract_strided_slice %get3A_180 {offsets = [2], sizes = [1], strides = [1]} : vector<16xf32> to vector<1xf32>
        %squeeze3A_235 = vector.extract %slice3A_234[0] : f32 from vector<1xf32>
        %broadcast_in_dim3A_236 = vector.broadcast %squeeze3A_235 : f32 to vector<16xf32>
        %pack3A_237 = tpu.pack_subelements %broadcast_in_dim3A_236, %broadcast_in_dim3A_236 {pack_format = #tpu.pack_format<interleaved>, positions = array<i32: 0, 1>} : vector<16xf32>, vector<16xf32> -> vector<32xbf16>
        %mul3A_238 = arith.constant 16 : i32
        %mul3A_239 = arith.muli %scan3A_175, %mul3A_238 : i32
        %add3A_240 = arith.constant 2 : i32
        %add3A_241 = arith.addi %mul3A_239, %add3A_240 : i32
        %get3A_242 = arith.index_cast %add3A_241 : i32 to index
        %get3A_243 = arith.constant 0 : index
        %get3A_244 = tpu.vector_load %arg13[%get3A_242, %get3A_243] {strides = array<i32>} : memref<128x96xbf16, #tpu.memory_space<vmem>>, vector<32xbf16>,
        %mul3A_245 = arith.mulf %get3A_244, %pack3A_237 : vector<32xbf16>
        %swap3A_246 = arith.index_cast %add3A_241 : i32 to index
        %swap3A_247 = arith.constant 0 : index
        %swap3A_248 = tpu.vector_load %arg13[%swap3A_246, %swap3A_247] {strides = array<i32>} : memref<128x96xbf16, #tpu.memory_space<vmem>>, vector<32xbf16>,
        tpu.vector_store %arg13[%swap3A_246, %swap3A_247], %mul3A_245 {strides = array<i32>} : memref<128x96xbf16, #tpu.memory_space<vmem>>, vector<32xbf16>,
        %get3A_249 = arith.index_cast %add3A_241 : i32 to index
        %get3A_250 = arith.constant 32 : index
        %get3A_251 = tpu.vector_load %arg13[%get3A_249, %get3A_250] {strides = array<i32>} : memref<128x96xbf16, #tpu.memory_space<vmem>>, vector<32xbf16>,
        %mul3A_252 = arith.mulf %get3A_251, %pack3A_237 : vector<32xbf16>
        %swap3A_253 = arith.index_cast %add3A_241 : i32 to index
        %swap3A_254 = arith.constant 32 : index
        %swap3A_255 = tpu.vector_load %arg13[%swap3A_253, %swap3A_254] {strides = array<i32>} : memref<128x96xbf16, #tpu.memory_space<vmem>>, vector<32xbf16>,
        tpu.vector_store %arg13[%swap3A_253, %swap3A_254], %mul3A_252 {strides = array<i32>} : memref<128x96xbf16, #tpu.memory_space<vmem>>, vector<32xbf16>,
        %get3A_256 = arith.index_cast %add3A_241 : i32 to index
        %get3A_257 = arith.constant 64 : index
        %get3A_258 = tpu.vector_load %arg13[%get3A_256, %get3A_257] {strides = array<i32>} : memref<128x96xbf16, #tpu.memory_space<vmem>>, vector<32xbf16>,
        %mul3A_259 = arith.mulf %get3A_258, %pack3A_237 : vector<32xbf16>
        %swap3A_260 = arith.index_cast %add3A_241 : i32 to index
        %swap3A_261 = arith.constant 64 : index
        %swap3A_262 = tpu.vector_load %arg13[%swap3A_260, %swap3A_261] {strides = array<i32>} : memref<128x96xbf16, #tpu.memory_space<vmem>>, vector<32xbf16>,
        tpu.vector_store %arg13[%swap3A_260, %swap3A_261], %mul3A_259 {strides = array<i32>} : memref<128x96xbf16, #tpu.memory_space<vmem>>, vector<32xbf16>,
        %slice3A_263 = vector.extract_strided_slice %get3A_180 {offsets = [3], sizes = [1], strides = [1]} : vector<16xf32> to vector<1xf32>
        %squeeze3A_264 = vector.extract %slice3A_263[0] : f32 from vector<1xf32>
        %broadcast_in_dim3A_265 = vector.broadcast %squeeze3A_264 : f32 to vector<16xf32>
        %pack3A_266 = tpu.pack_subelements %broadcast_in_dim3A_265, %broadcast_in_dim3A_265 {pack_format = #tpu.pack_format<interleaved>, positions = array<i32: 0, 1>} : vector<16xf32>, vector<16xf32> -> vector<32xbf16>
        %mul3A_267 = arith.constant 16 : i32
        %mul3A_268 = arith.muli %scan3A_175, %mul3A_267 : i32
        %add3A_269 = arith.constant 3 : i32
        %add3A_270 = arith.addi %mul3A_268, %add3A_269 : i32
        %get3A_271 = arith.index_cast %add3A_270 : i32 to index
        %get3A_272 = arith.constant 0 : index
        %get3A_273 = tpu.vector_load %arg13[%get3A_271, %get3A_272] {strides = array<i32>} : memref<128x96xbf16, #tpu.memory_space<vmem>>, vector<32xbf16>,
        %mul3A_274 = arith.mulf %get3A_273, %pack3A_266 : vector<32xbf16>
        %swap3A_275 = arith.index_cast %add3A_270 : i32 to index
        %swap3A_276 = arith.constant 0 : index
        %swap3A_277 = tpu.vector_load %arg13[%swap3A_275, %swap3A_276] {strides = array<i32>} : memref<128x96xbf16, #tpu.memory_space<vmem>>, vector<32xbf16>,
        tpu.vector_store %arg13[%swap3A_275, %swap3A_276], %mul3A_274 {strides = array<i32>} : memref<128x96xbf16, #tpu.memory_space<vmem>>, vector<32xbf16>,
        %get3A_278 = arith.index_cast %add3A_270 : i32 to index
        %get3A_279 = arith.constant 32 : index
        %get3A_280 = tpu.vector_load %arg13[%get3A_278, %get3A_279] {strides = array<i32>} : memref<128x96xbf16, #tpu.memory_space<vmem>>, vector<32xbf16>,
        %mul3A_281 = arith.mulf %get3A_280, %pack3A_266 : vector<32xbf16>
        %swap3A_282 = arith.index_cast %add3A_270 : i32 to index
        %swap3A_283 = arith.constant 32 : index
        %swap3A_284 = tpu.vector_load %arg13[%swap3A_282, %swap3A_283] {strides = array<i32>} : memref<128x96xbf16, #tpu.memory_space<vmem>>, vector<32xbf16>,
        tpu.vector_store %arg13[%swap3A_282, %swap3A_283], %mul3A_281 {strides = array<i32>} : memref<128x96xbf16, #tpu.memory_space<vmem>>, vector<32xbf16>,
        %get3A_285 = arith.index_cast %add3A_270 : i32 to index
        %get3A_286 = arith.constant 64 : index
        %get3A_287 = tpu.vector_load %arg13[%get3A_285, %get3A_286] {strides = array<i32>} : memref<128x96xbf16, #tpu.memory_space<vmem>>, vector<32xbf16>,
        %mul3A_288 = arith.mulf %get3A_287, %pack3A_266 : vector<32xbf16>
        %swap3A_289 = arith.index_cast %add3A_270 : i32 to index
        %swap3A_290 = arith.constant 64 : index
        %swap3A_291 = tpu.vector_load %arg13[%swap3A_289, %swap3A_290] {strides = array<i32>} : memref<128x96xbf16, #tpu.memory_space<vmem>>, vector<32xbf16>,
        tpu.vector_store %arg13[%swap3A_289, %swap3A_290], %mul3A_288 {strides = array<i32>} : memref<128x96xbf16, #tpu.memory_space<vmem>>, vector<32xbf16>,
        %slice3A_292 = vector.extract_strided_slice %get3A_180 {offsets = [4], sizes = [1], strides = [1]} : vector<16xf32> to vector<1xf32>
        %squeeze3A_293 = vector.extract %slice3A_292[0] : f32 from vector<1xf32>
        %broadcast_in_dim3A_294 = vector.broadcast %squeeze3A_293 : f32 to vector<16xf32>
        %pack3A_295 = tpu.pack_subelements %broadcast_in_dim3A_294, %broadcast_in_dim3A_294 {pack_format = #tpu.pack_format<interleaved>, positions = array<i32: 0, 1>} : vector<16xf32>, vector<16xf32> -> vector<32xbf16>
        %mul3A_296 = arith.constant 16 : i32
        %mul3A_297 = arith.muli %scan3A_175, %mul3A_296 : i32
        %add3A_298 = arith.constant 4 : i32
        %add3A_299 = arith.addi %mul3A_297, %add3A_298 : i32
        %get3A_300 = arith.index_cast %add3A_299 : i32 to index
        %get3A_301 = arith.constant 0 : index
        %get3A_302 = tpu.vector_load %arg13[%get3A_300, %get3A_301] {strides = array<i32>} : memref<128x96xbf16, #tpu.memory_space<vmem>>, vector<32xbf16>,
        %mul3A_303 = arith.mulf %get3A_302, %pack3A_295 : vector<32xbf16>
        %swap3A_304 = arith.index_cast %add3A_299 : i32 to index
        %swap3A_305 = arith.constant 0 : index
        %swap3A_306 = tpu.vector_load %arg13[%swap3A_304, %swap3A_305] {strides = array<i32>} : memref<128x96xbf16, #tpu.memory_space<vmem>>, vector<32xbf16>,
        tpu.vector_store %arg13[%swap3A_304, %swap3A_305], %mul3A_303 {strides = array<i32>} : memref<128x96xbf16, #tpu.memory_space<vmem>>, vector<32xbf16>,
        %get3A_307 = arith.index_cast %add3A_299 : i32 to index
        %get3A_308 = arith.constant 32 : index
        %get3A_309 = tpu.vector_load %arg13[%get3A_307, %get3A_308] {strides = array<i32>} : memref<128x96xbf16, #tpu.memory_space<vmem>>, vector<32xbf16>,
        %mul3A_310 = arith.mulf %get3A_309, %pack3A_295 : vector<32xbf16>
        %swap3A_311 = arith.index_cast %add3A_299 : i32 to index
        %swap3A_312 = arith.constant 32 : index
        %swap3A_313 = tpu.vector_load %arg13[%swap3A_311, %swap3A_312] {strides = array<i32>} : memref<128x96xbf16, #tpu.memory_space<vmem>>, vector<32xbf16>,
        tpu.vector_store %arg13[%swap3A_311, %swap3A_312], %mul3A_310 {strides = array<i32>} : memref<128x96xbf16, #tpu.memory_space<vmem>>, vector<32xbf16>,
        %get3A_314 = arith.index_cast %add3A_299 : i32 to index
        %get3A_315 = arith.constant 64 : index
        %get3A_316 = tpu.vector_load %arg13[%get3A_314, %get3A_315] {strides = array<i32>} : memref<128x96xbf16, #tpu.memory_space<vmem>>, vector<32xbf16>,
        %mul3A_317 = arith.mulf %get3A_316, %pack3A_295 : vector<32xbf16>
        %swap3A_318 = arith.index_cast %add3A_299 : i32 to index
        %swap3A_319 = arith.constant 64 : index
        %swap3A_320 = tpu.vector_load %arg13[%swap3A_318, %swap3A_319] {strides = array<i32>} : memref<128x96xbf16, #tpu.memory_space<vmem>>, vector<32xbf16>,
        tpu.vector_store %arg13[%swap3A_318, %swap3A_319], %mul3A_317 {strides = array<i32>} : memref<128x96xbf16, #tpu.memory_space<vmem>>, vector<32xbf16>,
        %slice3A_321 = vector.extract_strided_slice %get3A_180 {offsets = [5], sizes = [1], strides = [1]} : vector<16xf32> to vector<1xf32>
        %squeeze3A_322 = vector.extract %slice3A_321[0] : f32 from vector<1xf32>
        %broadcast_in_dim3A_323 = vector.broadcast %squeeze3A_322 : f32 to vector<16xf32>
        %pack3A_324 = tpu.pack_subelements %broadcast_in_dim3A_323, %broadcast_in_dim3A_323 {pack_format = #tpu.pack_format<interleaved>, positions = array<i32: 0, 1>} : vector<16xf32>, vector<16xf32> -> vector<32xbf16>
        %mul3A_325 = arith.constant 16 : i32
        %mul3A_326 = arith.muli %scan3A_175, %mul3A_325 : i32
        %add3A_327 = arith.constant 5 : i32
        %add3A_328 = arith.addi %mul3A_326, %add3A_327 : i32
        %get3A_329 = arith.index_cast %add3A_328 : i32 to index
        %get3A_330 = arith.constant 0 : index
        %get3A_331 = tpu.vector_load %arg13[%get3A_329, %get3A_330] {strides = array<i32>} : memref<128x96xbf16, #tpu.memory_space<vmem>>, vector<32xbf16>,
        %mul3A_332 = arith.mulf %get3A_331, %pack3A_324 : vector<32xbf16>
        %swap3A_333 = arith.index_cast %add3A_328 : i32 to index
        %swap3A_334 = arith.constant 0 : index
        %swap3A_335 = tpu.vector_load %arg13[%swap3A_333, %swap3A_334] {strides = array<i32>} : memref<128x96xbf16, #tpu.memory_space<vmem>>, vector<32xbf16>,
        tpu.vector_store %arg13[%swap3A_333, %swap3A_334], %mul3A_332 {strides = array<i32>} : memref<128x96xbf16, #tpu.memory_space<vmem>>, vector<32xbf16>,
        %get3A_336 = arith.index_cast %add3A_328 : i32 to index
        %get3A_337 = arith.constant 32 : index
        %get3A_338 = tpu.vector_load %arg13[%get3A_336, %get3A_337] {strides = array<i32>} : memref<128x96xbf16, #tpu.memory_space<vmem>>, vector<32xbf16>,
        %mul3A_339 = arith.mulf %get3A_338, %pack3A_324 : vector<32xbf16>
        %swap3A_340 = arith.index_cast %add3A_328 : i32 to index
        %swap3A_341 = arith.constant 32 : index
        %swap3A_342 = tpu.vector_load %arg13[%swap3A_340, %swap3A_341] {strides = array<i32>} : memref<128x96xbf16, #tpu.memory_space<vmem>>, vector<32xbf16>,
        tpu.vector_store %arg13[%swap3A_340, %swap3A_341], %mul3A_339 {strides = array<i32>} : memref<128x96xbf16, #tpu.memory_space<vmem>>, vector<32xbf16>,
        %get3A_343 = arith.index_cast %add3A_328 : i32 to index
        %get3A_344 = arith.constant 64 : index
        %get3A_345 = tpu.vector_load %arg13[%get3A_343, %get3A_344] {strides = array<i32>} : memref<128x96xbf16, #tpu.memory_space<vmem>>, vector<32xbf16>,
        %mul3A_346 = arith.mulf %get3A_345, %pack3A_324 : vector<32xbf16>
        %swap3A_347 = arith.index_cast %add3A_328 : i32 to index
        %swap3A_348 = arith.constant 64 : index
        %swap3A_349 = tpu.vector_load %arg13[%swap3A_347, %swap3A_348] {strides = array<i32>} : memref<128x96xbf16, #tpu.memory_space<vmem>>, vector<32xbf16>,
        tpu.vector_store %arg13[%swap3A_347, %swap3A_348], %mul3A_346 {strides = array<i32>} : memref<128x96xbf16, #tpu.memory_space<vmem>>, vector<32xbf16>,
        %slice3A_350 = vector.extract_strided_slice %get3A_180 {offsets = [6], sizes = [1], strides = [1]} : vector<16xf32> to vector<1xf32>
        %squeeze3A_351 = vector.extract %slice3A_350[0] : f32 from vector<1xf32>
        %broadcast_in_dim3A_352 = vector.broadcast %squeeze3A_351 : f32 to vector<16xf32>
        %pack3A_353 = tpu.pack_subelements %broadcast_in_dim3A_352, %broadcast_in_dim3A_352 {pack_format = #tpu.pack_format<interleaved>, positions = array<i32: 0, 1>} : vector<16xf32>, vector<16xf32> -> vector<32xbf16>
        %mul3A_354 = arith.constant 16 : i32
        %mul3A_355 = arith.muli %scan3A_175, %mul3A_354 : i32
        %add3A_356 = arith.constant 6 : i32
        %add3A_357 = arith.addi %mul3A_355, %add3A_356 : i32
        %get3A_358 = arith.index_cast %add3A_357 : i32 to index
        %get3A_359 = arith.constant 0 : index
        %get3A_360 = tpu.vector_load %arg13[%get3A_358, %get3A_359] {strides = array<i32>} : memref<128x96xbf16, #tpu.memory_space<vmem>>, vector<32xbf16>,
        %mul3A_361 = arith.mulf %get3A_360, %pack3A_353 : vector<32xbf16>
        %swap3A_362 = arith.index_cast %add3A_357 : i32 to index
        %swap3A_363 = arith.constant 0 : index
        %swap3A_364 = tpu.vector_load %arg13[%swap3A_362, %swap3A_363] {strides = array<i32>} : memref<128x96xbf16, #tpu.memory_space<vmem>>, vector<32xbf16>,
        tpu.vector_store %arg13[%swap3A_362, %swap3A_363], %mul3A_361 {strides = array<i32>} : memref<128x96xbf16, #tpu.memory_space<vmem>>, vector<32xbf16>,
        %get3A_365 = arith.index_cast %add3A_357 : i32 to index
        %get3A_366 = arith.constant 32 : index
        %get3A_367 = tpu.vector_load %arg13[%get3A_365, %get3A_366] {strides = array<i32>} : memref<128x96xbf16, #tpu.memory_space<vmem>>, vector<32xbf16>,
        %mul3A_368 = arith.mulf %get3A_367, %pack3A_353 : vector<32xbf16>
        %swap3A_369 = arith.index_cast %add3A_357 : i32 to index
        %swap3A_370 = arith.constant 32 : index
        %swap3A_371 = tpu.vector_load %arg13[%swap3A_369, %swap3A_370] {strides = array<i32>} : memref<128x96xbf16, #tpu.memory_space<vmem>>, vector<32xbf16>,
        tpu.vector_store %arg13[%swap3A_369, %swap3A_370], %mul3A_368 {strides = array<i32>} : memref<128x96xbf16, #tpu.memory_space<vmem>>, vector<32xbf16>,
        %get3A_372 = arith.index_cast %add3A_357 : i32 to index
        %get3A_373 = arith.constant 64 : index
        %get3A_374 = tpu.vector_load %arg13[%get3A_372, %get3A_373] {strides = array<i32>} : memref<128x96xbf16, #tpu.memory_space<vmem>>, vector<32xbf16>,
        %mul3A_375 = arith.mulf %get3A_374, %pack3A_353 : vector<32xbf16>
        %swap3A_376 = arith.index_cast %add3A_357 : i32 to index
        %swap3A_377 = arith.constant 64 : index
        %swap3A_378 = tpu.vector_load %arg13[%swap3A_376, %swap3A_377] {strides = array<i32>} : memref<128x96xbf16, #tpu.memory_space<vmem>>, vector<32xbf16>,
        tpu.vector_store %arg13[%swap3A_376, %swap3A_377], %mul3A_375 {strides = array<i32>} : memref<128x96xbf16, #tpu.memory_space<vmem>>, vector<32xbf16>,
        %slice3A_379 = vector.extract_strided_slice %get3A_180 {offsets = [7], sizes = [1], strides = [1]} : vector<16xf32> to vector<1xf32>
        %squeeze3A_380 = vector.extract %slice3A_379[0] : f32 from vector<1xf32>
        %broadcast_in_dim3A_381 = vector.broadcast %squeeze3A_380 : f32 to vector<16xf32>
        %pack3A_382 = tpu.pack_subelements %broadcast_in_dim3A_381, %broadcast_in_dim3A_381 {pack_format = #tpu.pack_format<interleaved>, positions = array<i32: 0, 1>} : vector<16xf32>, vector<16xf32> -> vector<32xbf16>
        %mul3A_383 = arith.constant 16 : i32
        %mul3A_384 = arith.muli %scan3A_175, %mul3A_383 : i32
        %add3A_385 = arith.constant 7 : i32
        %add3A_386 = arith.addi %mul3A_384, %add3A_385 : i32
        %get3A_387 = arith.index_cast %add3A_386 : i32 to index
        %get3A_388 = arith.constant 0 : index
        %get3A_389 = tpu.vector_load %arg13[%get3A_387, %get3A_388] {strides = array<i32>} : memref<128x96xbf16, #tpu.memory_space<vmem>>, vector<32xbf16>,
        %mul3A_390 = arith.mulf %get3A_389, %pack3A_382 : vector<32xbf16>
        %swap3A_391 = arith.index_cast %add3A_386 : i32 to index
        %swap3A_392 = arith.constant 0 : index
        %swap3A_393 = tpu.vector_load %arg13[%swap3A_391, %swap3A_392] {strides = array<i32>} : memref<128x96xbf16, #tpu.memory_space<vmem>>, vector<32xbf16>,
        tpu.vector_store %arg13[%swap3A_391, %swap3A_392], %mul3A_390 {strides = array<i32>} : memref<128x96xbf16, #tpu.memory_space<vmem>>, vector<32xbf16>,
        %get3A_394 = arith.index_cast %add3A_386 : i32 to index
        %get3A_395 = arith.constant 32 : index
        %get3A_396 = tpu.vector_load %arg13[%get3A_394, %get3A_395] {strides = array<i32>} : memref<128x96xbf16, #tpu.memory_space<vmem>>, vector<32xbf16>,
        %mul3A_397 = arith.mulf %get3A_396, %pack3A_382 : vector<32xbf16>
        %swap3A_398 = arith.index_cast %add3A_386 : i32 to index
        %swap3A_399 = arith.constant 32 : index
        %swap3A_400 = tpu.vector_load %arg13[%swap3A_398, %swap3A_399] {strides = array<i32>} : memref<128x96xbf16, #tpu.memory_space<vmem>>, vector<32xbf16>,
        tpu.vector_store %arg13[%swap3A_398, %swap3A_399], %mul3A_397 {strides = array<i32>} : memref<128x96xbf16, #tpu.memory_space<vmem>>, vector<32xbf16>,
        %get3A_401 = arith.index_cast %add3A_386 : i32 to index
        %get3A_402 = arith.constant 64 : index
        %get3A_403 = tpu.vector_load %arg13[%get3A_401, %get3A_402] {strides = array<i32>} : memref<128x96xbf16, #tpu.memory_space<vmem>>, vector<32xbf16>,
        %mul3A_404 = arith.mulf %get3A_403, %pack3A_382 : vector<32xbf16>
        %swap3A_405 = arith.index_cast %add3A_386 : i32 to index
        %swap3A_406 = arith.constant 64 : index
        %swap3A_407 = tpu.vector_load %arg13[%swap3A_405, %swap3A_406] {strides = array<i32>} : memref<128x96xbf16, #tpu.memory_space<vmem>>, vector<32xbf16>,
        tpu.vector_store %arg13[%swap3A_405, %swap3A_406], %mul3A_404 {strides = array<i32>} : memref<128x96xbf16, #tpu.memory_space<vmem>>, vector<32xbf16>,
        %slice3A_408 = vector.extract_strided_slice %get3A_180 {offsets = [8], sizes = [1], strides = [1]} : vector<16xf32> to vector<1xf32>
        %squeeze3A_409 = vector.extract %slice3A_408[0] : f32 from vector<1xf32>
        %broadcast_in_dim3A_410 = vector.broadcast %squeeze3A_409 : f32 to vector<16xf32>
        %pack3A_411 = tpu.pack_subelements %broadcast_in_dim3A_410, %broadcast_in_dim3A_410 {pack_format = #tpu.pack_format<interleaved>, positions = array<i32: 0, 1>} : vector<16xf32>, vector<16xf32> -> vector<32xbf16>
        %mul3A_412 = arith.constant 16 : i32
        %mul3A_413 = arith.muli %scan3A_175, %mul3A_412 : i32
        %add3A_414 = arith.constant 8 : i32
        %add3A_415 = arith.addi %mul3A_413, %add3A_414 : i32
        %get3A_416 = arith.index_cast %add3A_415 : i32 to index
        %get3A_417 = arith.constant 0 : index
        %get3A_418 = tpu.vector_load %arg13[%get3A_416, %get3A_417] {strides = array<i32>} : memref<128x96xbf16, #tpu.memory_space<vmem>>, vector<32xbf16>,
        %mul3A_419 = arith.mulf %get3A_418, %pack3A_411 : vector<32xbf16>
        %swap3A_420 = arith.index_cast %add3A_415 : i32 to index
        %swap3A_421 = arith.constant 0 : index
        %swap3A_422 = tpu.vector_load %arg13[%swap3A_420, %swap3A_421] {strides = array<i32>} : memref<128x96xbf16, #tpu.memory_space<vmem>>, vector<32xbf16>,
        tpu.vector_store %arg13[%swap3A_420, %swap3A_421], %mul3A_419 {strides = array<i32>} : memref<128x96xbf16, #tpu.memory_space<vmem>>, vector<32xbf16>,
        %get3A_423 = arith.index_cast %add3A_415 : i32 to index
        %get3A_424 = arith.constant 32 : index
        %get3A_425 = tpu.vector_load %arg13[%get3A_423, %get3A_424] {strides = array<i32>} : memref<128x96xbf16, #tpu.memory_space<vmem>>, vector<32xbf16>,
        %mul3A_426 = arith.mulf %get3A_425, %pack3A_411 : vector<32xbf16>
        %swap3A_427 = arith.index_cast %add3A_415 : i32 to index
        %swap3A_428 = arith.constant 32 : index
        %swap3A_429 = tpu.vector_load %arg13[%swap3A_427, %swap3A_428] {strides = array<i32>} : memref<128x96xbf16, #tpu.memory_space<vmem>>, vector<32xbf16>,
        tpu.vector_store %arg13[%swap3A_427, %swap3A_428], %mul3A_426 {strides = array<i32>} : memref<128x96xbf16, #tpu.memory_space<vmem>>, vector<32xbf16>,
        %get3A_430 = arith.index_cast %add3A_415 : i32 to index
        %get3A_431 = arith.constant 64 : index
        %get3A_432 = tpu.vector_load %arg13[%get3A_430, %get3A_431] {strides = array<i32>} : memref<128x96xbf16, #tpu.memory_space<vmem>>, vector<32xbf16>,
        %mul3A_433 = arith.mulf %get3A_432, %pack3A_411 : vector<32xbf16>
        %swap3A_434 = arith.index_cast %add3A_415 : i32 to index
        %swap3A_435 = arith.constant 64 : index
        %swap3A_436 = tpu.vector_load %arg13[%swap3A_434, %swap3A_435] {strides = array<i32>} : memref<128x96xbf16, #tpu.memory_space<vmem>>, vector<32xbf16>,
        tpu.vector_store %arg13[%swap3A_434, %swap3A_435], %mul3A_433 {strides = array<i32>} : memref<128x96xbf16, #tpu.memory_space<vmem>>, vector<32xbf16>,
        %slice3A_437 = vector.extract_strided_slice %get3A_180 {offsets = [9], sizes = [1], strides = [1]} : vector<16xf32> to vector<1xf32>
        %squeeze3A_438 = vector.extract %slice3A_437[0] : f32 from vector<1xf32>
        %broadcast_in_dim3A_439 = vector.broadcast %squeeze3A_438 : f32 to vector<16xf32>
        %pack3A_440 = tpu.pack_subelements %broadcast_in_dim3A_439, %broadcast_in_dim3A_439 {pack_format = #tpu.pack_format<interleaved>, positions = array<i32: 0, 1>} : vector<16xf32>, vector<16xf32> -> vector<32xbf16>
        %mul3A_441 = arith.constant 16 : i32
        %mul3A_442 = arith.muli %scan3A_175, %mul3A_441 : i32
        %add3A_443 = arith.constant 9 : i32
        %add3A_444 = arith.addi %mul3A_442, %add3A_443 : i32
        %get3A_445 = arith.index_cast %add3A_444 : i32 to index
        %get3A_446 = arith.constant 0 : index
        %get3A_447 = tpu.vector_load %arg13[%get3A_445, %get3A_446] {strides = array<i32>} : memref<128x96xbf16, #tpu.memory_space<vmem>>, vector<32xbf16>,
        %mul3A_448 = arith.mulf %get3A_447, %pack3A_440 : vector<32xbf16>
        %swap3A_449 = arith.index_cast %add3A_444 : i32 to index
        %swap3A_450 = arith.constant 0 : index
        %swap3A_451 = tpu.vector_load %arg13[%swap3A_449, %swap3A_450] {strides = array<i32>} : memref<128x96xbf16, #tpu.memory_space<vmem>>, vector<32xbf16>,
        tpu.vector_store %arg13[%swap3A_449, %swap3A_450], %mul3A_448 {strides = array<i32>} : memref<128x96xbf16, #tpu.memory_space<vmem>>, vector<32xbf16>,
        %get3A_452 = arith.index_cast %add3A_444 : i32 to index
        %get3A_453 = arith.constant 32 : index
        %get3A_454 = tpu.vector_load %arg13[%get3A_452, %get3A_453] {strides = array<i32>} : memref<128x96xbf16, #tpu.memory_space<vmem>>, vector<32xbf16>,
        %mul3A_455 = arith.mulf %get3A_454, %pack3A_440 : vector<32xbf16>
        %swap3A_456 = arith.index_cast %add3A_444 : i32 to index
        %swap3A_457 = arith.constant 32 : index
        %swap3A_458 = tpu.vector_load %arg13[%swap3A_456, %swap3A_457] {strides = array<i32>} : memref<128x96xbf16, #tpu.memory_space<vmem>>, vector<32xbf16>,
        tpu.vector_store %arg13[%swap3A_456, %swap3A_457], %mul3A_455 {strides = array<i32>} : memref<128x96xbf16, #tpu.memory_space<vmem>>, vector<32xbf16>,
        %get3A_459 = arith.index_cast %add3A_444 : i32 to index
        %get3A_460 = arith.constant 64 : index
        %get3A_461 = tpu.vector_load %arg13[%get3A_459, %get3A_460] {strides = array<i32>} : memref<128x96xbf16, #tpu.memory_space<vmem>>, vector<32xbf16>,
        %mul3A_462 = arith.mulf %get3A_461, %pack3A_440 : vector<32xbf16>
        %swap3A_463 = arith.index_cast %add3A_444 : i32 to index
        %swap3A_464 = arith.constant 64 : index
        %swap3A_465 = tpu.vector_load %arg13[%swap3A_463, %swap3A_464] {strides = array<i32>} : memref<128x96xbf16, #tpu.memory_space<vmem>>, vector<32xbf16>,
        tpu.vector_store %arg13[%swap3A_463, %swap3A_464], %mul3A_462 {strides = array<i32>} : memref<128x96xbf16, #tpu.memory_space<vmem>>, vector<32xbf16>,
        %slice3A_466 = vector.extract_strided_slice %get3A_180 {offsets = [10], sizes = [1], strides = [1]} : vector<16xf32> to vector<1xf32>
        %squeeze3A_467 = vector.extract %slice3A_466[0] : f32 from vector<1xf32>
        %broadcast_in_dim3A_468 = vector.broadcast %squeeze3A_467 : f32 to vector<16xf32>
        %pack3A_469 = tpu.pack_subelements %broadcast_in_dim3A_468, %broadcast_in_dim3A_468 {pack_format = #tpu.pack_format<interleaved>, positions = array<i32: 0, 1>} : vector<16xf32>, vector<16xf32> -> vector<32xbf16>
        %mul3A_470 = arith.constant 16 : i32
        %mul3A_471 = arith.muli %scan3A_175, %mul3A_470 : i32
        %add3A_472 = arith.constant 10 : i32
        %add3A_473 = arith.addi %mul3A_471, %add3A_472 : i32
        %get3A_474 = arith.index_cast %add3A_473 : i32 to index
        %get3A_475 = arith.constant 0 : index
        %get3A_476 = tpu.vector_load %arg13[%get3A_474, %get3A_475] {strides = array<i32>} : memref<128x96xbf16, #tpu.memory_space<vmem>>, vector<32xbf16>,
        %mul3A_477 = arith.mulf %get3A_476, %pack3A_469 : vector<32xbf16>
        %swap3A_478 = arith.index_cast %add3A_473 : i32 to index
        %swap3A_479 = arith.constant 0 : index
        %swap3A_480 = tpu.vector_load %arg13[%swap3A_478, %swap3A_479] {strides = array<i32>} : memref<128x96xbf16, #tpu.memory_space<vmem>>, vector<32xbf16>,
        tpu.vector_store %arg13[%swap3A_478, %swap3A_479], %mul3A_477 {strides = array<i32>} : memref<128x96xbf16, #tpu.memory_space<vmem>>, vector<32xbf16>,
        %get3A_481 = arith.index_cast %add3A_473 : i32 to index
        %get3A_482 = arith.constant 32 : index
        %get3A_483 = tpu.vector_load %arg13[%get3A_481, %get3A_482] {strides = array<i32>} : memref<128x96xbf16, #tpu.memory_space<vmem>>, vector<32xbf16>,
        %mul3A_484 = arith.mulf %get3A_483, %pack3A_469 : vector<32xbf16>
        %swap3A_485 = arith.index_cast %add3A_473 : i32 to index
        %swap3A_486 = arith.constant 32 : index
        %swap3A_487 = tpu.vector_load %arg13[%swap3A_485, %swap3A_486] {strides = array<i32>} : memref<128x96xbf16, #tpu.memory_space<vmem>>, vector<32xbf16>,
        tpu.vector_store %arg13[%swap3A_485, %swap3A_486], %mul3A_484 {strides = array<i32>} : memref<128x96xbf16, #tpu.memory_space<vmem>>, vector<32xbf16>,
        %get3A_488 = arith.index_cast %add3A_473 : i32 to index
        %get3A_489 = arith.constant 64 : index
        %get3A_490 = tpu.vector_load %arg13[%get3A_488, %get3A_489] {strides = array<i32>} : memref<128x96xbf16, #tpu.memory_space<vmem>>, vector<32xbf16>,
        %mul3A_491 = arith.mulf %get3A_490, %pack3A_469 : vector<32xbf16>
        %swap3A_492 = arith.index_cast %add3A_473 : i32 to index
        %swap3A_493 = arith.constant 64 : index
        %swap3A_494 = tpu.vector_load %arg13[%swap3A_492, %swap3A_493] {strides = array<i32>} : memref<128x96xbf16, #tpu.memory_space<vmem>>, vector<32xbf16>,
        tpu.vector_store %arg13[%swap3A_492, %swap3A_493], %mul3A_491 {strides = array<i32>} : memref<128x96xbf16, #tpu.memory_space<vmem>>, vector<32xbf16>,
        %slice3A_495 = vector.extract_strided_slice %get3A_180 {offsets = [11], sizes = [1], strides = [1]} : vector<16xf32> to vector<1xf32>
        %squeeze3A_496 = vector.extract %slice3A_495[0] : f32 from vector<1xf32>
        %broadcast_in_dim3A_497 = vector.broadcast %squeeze3A_496 : f32 to vector<16xf32>
        %pack3A_498 = tpu.pack_subelements %broadcast_in_dim3A_497, %broadcast_in_dim3A_497 {pack_format = #tpu.pack_format<interleaved>, positions = array<i32: 0, 1>} : vector<16xf32>, vector<16xf32> -> vector<32xbf16>
        %mul3A_499 = arith.constant 16 : i32
        %mul3A_500 = arith.muli %scan3A_175, %mul3A_499 : i32
        %add3A_501 = arith.constant 11 : i32
        %add3A_502 = arith.addi %mul3A_500, %add3A_501 : i32
        %get3A_503 = arith.index_cast %add3A_502 : i32 to index
        %get3A_504 = arith.constant 0 : index
        %get3A_505 = tpu.vector_load %arg13[%get3A_503, %get3A_504] {strides = array<i32>} : memref<128x96xbf16, #tpu.memory_space<vmem>>, vector<32xbf16>,
        %mul3A_506 = arith.mulf %get3A_505, %pack3A_498 : vector<32xbf16>
        %swap3A_507 = arith.index_cast %add3A_502 : i32 to index
        %swap3A_508 = arith.constant 0 : index
        %swap3A_509 = tpu.vector_load %arg13[%swap3A_507, %swap3A_508] {strides = array<i32>} : memref<128x96xbf16, #tpu.memory_space<vmem>>, vector<32xbf16>,
        tpu.vector_store %arg13[%swap3A_507, %swap3A_508], %mul3A_506 {strides = array<i32>} : memref<128x96xbf16, #tpu.memory_space<vmem>>, vector<32xbf16>,
        %get3A_510 = arith.index_cast %add3A_502 : i32 to index
        %get3A_511 = arith.constant 32 : index
        %get3A_512 = tpu.vector_load %arg13[%get3A_510, %get3A_511] {strides = array<i32>} : memref<128x96xbf16, #tpu.memory_space<vmem>>, vector<32xbf16>,
        %mul3A_513 = arith.mulf %get3A_512, %pack3A_498 : vector<32xbf16>
        %swap3A_514 = arith.index_cast %add3A_502 : i32 to index
        %swap3A_515 = arith.constant 32 : index
        %swap3A_516 = tpu.vector_load %arg13[%swap3A_514, %swap3A_515] {strides = array<i32>} : memref<128x96xbf16, #tpu.memory_space<vmem>>, vector<32xbf16>,
        tpu.vector_store %arg13[%swap3A_514, %swap3A_515], %mul3A_513 {strides = array<i32>} : memref<128x96xbf16, #tpu.memory_space<vmem>>, vector<32xbf16>,
        %get3A_517 = arith.index_cast %add3A_502 : i32 to index
        %get3A_518 = arith.constant 64 : index
        %get3A_519 = tpu.vector_load %arg13[%get3A_517, %get3A_518] {strides = array<i32>} : memref<128x96xbf16, #tpu.memory_space<vmem>>, vector<32xbf16>,
        %mul3A_520 = arith.mulf %get3A_519, %pack3A_498 : vector<32xbf16>
        %swap3A_521 = arith.index_cast %add3A_502 : i32 to index
        %swap3A_522 = arith.constant 64 : index
        %swap3A_523 = tpu.vector_load %arg13[%swap3A_521, %swap3A_522] {strides = array<i32>} : memref<128x96xbf16, #tpu.memory_space<vmem>>, vector<32xbf16>,
        tpu.vector_store %arg13[%swap3A_521, %swap3A_522], %mul3A_520 {strides = array<i32>} : memref<128x96xbf16, #tpu.memory_space<vmem>>, vector<32xbf16>,
        %slice3A_524 = vector.extract_strided_slice %get3A_180 {offsets = [12], sizes = [1], strides = [1]} : vector<16xf32> to vector<1xf32>
        %squeeze3A_525 = vector.extract %slice3A_524[0] : f32 from vector<1xf32>
        %broadcast_in_dim3A_526 = vector.broadcast %squeeze3A_525 : f32 to vector<16xf32>
        %pack3A_527 = tpu.pack_subelements %broadcast_in_dim3A_526, %broadcast_in_dim3A_526 {pack_format = #tpu.pack_format<interleaved>, positions = array<i32: 0, 1>} : vector<16xf32>, vector<16xf32> -> vector<32xbf16>
        %mul3A_528 = arith.constant 16 : i32
        %mul3A_529 = arith.muli %scan3A_175, %mul3A_528 : i32
        %add3A_530 = arith.constant 12 : i32
        %add3A_531 = arith.addi %mul3A_529, %add3A_530 : i32
        %get3A_532 = arith.index_cast %add3A_531 : i32 to index
        %get3A_533 = arith.constant 0 : index
        %get3A_534 = tpu.vector_load %arg13[%get3A_532, %get3A_533] {strides = array<i32>} : memref<128x96xbf16, #tpu.memory_space<vmem>>, vector<32xbf16>,
        %mul3A_535 = arith.mulf %get3A_534, %pack3A_527 : vector<32xbf16>
        %swap3A_536 = arith.index_cast %add3A_531 : i32 to index
        %swap3A_537 = arith.constant 0 : index
        %swap3A_538 = tpu.vector_load %arg13[%swap3A_536, %swap3A_537] {strides = array<i32>} : memref<128x96xbf16, #tpu.memory_space<vmem>>, vector<32xbf16>,
        tpu.vector_store %arg13[%swap3A_536, %swap3A_537], %mul3A_535 {strides = array<i32>} : memref<128x96xbf16, #tpu.memory_space<vmem>>, vector<32xbf16>,
        %get3A_539 = arith.index_cast %add3A_531 : i32 to index
        %get3A_540 = arith.constant 32 : index
        %get3A_541 = tpu.vector_load %arg13[%get3A_539, %get3A_540] {strides = array<i32>} : memref<128x96xbf16, #tpu.memory_space<vmem>>, vector<32xbf16>,
        %mul3A_542 = arith.mulf %get3A_541, %pack3A_527 : vector<32xbf16>
        %swap3A_543 = arith.index_cast %add3A_531 : i32 to index
        %swap3A_544 = arith.constant 32 : index
        %swap3A_545 = tpu.vector_load %arg13[%swap3A_543, %swap3A_544] {strides = array<i32>} : memref<128x96xbf16, #tpu.memory_space<vmem>>, vector<32xbf16>,
        tpu.vector_store %arg13[%swap3A_543, %swap3A_544], %mul3A_542 {strides = array<i32>} : memref<128x96xbf16, #tpu.memory_space<vmem>>, vector<32xbf16>,
        %get3A_546 = arith.index_cast %add3A_531 : i32 to index
        %get3A_547 = arith.constant 64 : index
        %get3A_548 = tpu.vector_load %arg13[%get3A_546, %get3A_547] {strides = array<i32>} : memref<128x96xbf16, #tpu.memory_space<vmem>>, vector<32xbf16>,
        %mul3A_549 = arith.mulf %get3A_548, %pack3A_527 : vector<32xbf16>
        %swap3A_550 = arith.index_cast %add3A_531 : i32 to index
        %swap3A_551 = arith.constant 64 : index
        %swap3A_552 = tpu.vector_load %arg13[%swap3A_550, %swap3A_551] {strides = array<i32>} : memref<128x96xbf16, #tpu.memory_space<vmem>>, vector<32xbf16>,
        tpu.vector_store %arg13[%swap3A_550, %swap3A_551], %mul3A_549 {strides = array<i32>} : memref<128x96xbf16, #tpu.memory_space<vmem>>, vector<32xbf16>,
        %slice3A_553 = vector.extract_strided_slice %get3A_180 {offsets = [13], sizes = [1], strides = [1]} : vector<16xf32> to vector<1xf32>
        %squeeze3A_554 = vector.extract %slice3A_553[0] : f32 from vector<1xf32>
        %broadcast_in_dim3A_555 = vector.broadcast %squeeze3A_554 : f32 to vector<16xf32>
        %pack3A_556 = tpu.pack_subelements %broadcast_in_dim3A_555, %broadcast_in_dim3A_555 {pack_format = #tpu.pack_format<interleaved>, positions = array<i32: 0, 1>} : vector<16xf32>, vector<16xf32> -> vector<32xbf16>
        %mul3A_557 = arith.constant 16 : i32
        %mul3A_558 = arith.muli %scan3A_175, %mul3A_557 : i32
        %add3A_559 = arith.constant 13 : i32
        %add3A_560 = arith.addi %mul3A_558, %add3A_559 : i32
        %get3A_561 = arith.index_cast %add3A_560 : i32 to index
        %get3A_562 = arith.constant 0 : index
        %get3A_563 = tpu.vector_load %arg13[%get3A_561, %get3A_562] {strides = array<i32>} : memref<128x96xbf16, #tpu.memory_space<vmem>>, vector<32xbf16>,
        %mul3A_564 = arith.mulf %get3A_563, %pack3A_556 : vector<32xbf16>
        %swap3A_565 = arith.index_cast %add3A_560 : i32 to index
        %swap3A_566 = arith.constant 0 : index
        %swap3A_567 = tpu.vector_load %arg13[%swap3A_565, %swap3A_566] {strides = array<i32>} : memref<128x96xbf16, #tpu.memory_space<vmem>>, vector<32xbf16>,
        tpu.vector_store %arg13[%swap3A_565, %swap3A_566], %mul3A_564 {strides = array<i32>} : memref<128x96xbf16, #tpu.memory_space<vmem>>, vector<32xbf16>,
        %get3A_568 = arith.index_cast %add3A_560 : i32 to index
        %get3A_569 = arith.constant 32 : index
        %get3A_570 = tpu.vector_load %arg13[%get3A_568, %get3A_569] {strides = array<i32>} : memref<128x96xbf16, #tpu.memory_space<vmem>>, vector<32xbf16>,
        %mul3A_571 = arith.mulf %get3A_570, %pack3A_556 : vector<32xbf16>
        %swap3A_572 = arith.index_cast %add3A_560 : i32 to index
        %swap3A_573 = arith.constant 32 : index
        %swap3A_574 = tpu.vector_load %arg13[%swap3A_572, %swap3A_573] {strides = array<i32>} : memref<128x96xbf16, #tpu.memory_space<vmem>>, vector<32xbf16>,
        tpu.vector_store %arg13[%swap3A_572, %swap3A_573], %mul3A_571 {strides = array<i32>} : memref<128x96xbf16, #tpu.memory_space<vmem>>, vector<32xbf16>,
        %get3A_575 = arith.index_cast %add3A_560 : i32 to index
        %get3A_576 = arith.constant 64 : index
        %get3A_577 = tpu.vector_load %arg13[%get3A_575, %get3A_576] {strides = array<i32>} : memref<128x96xbf16, #tpu.memory_space<vmem>>, vector<32xbf16>,
        %mul3A_578 = arith.mulf %get3A_577, %pack3A_556 : vector<32xbf16>
        %swap3A_579 = arith.index_cast %add3A_560 : i32 to index
        %swap3A_580 = arith.constant 64 : index
        %swap3A_581 = tpu.vector_load %arg13[%swap3A_579, %swap3A_580] {strides = array<i32>} : memref<128x96xbf16, #tpu.memory_space<vmem>>, vector<32xbf16>,
        tpu.vector_store %arg13[%swap3A_579, %swap3A_580], %mul3A_578 {strides = array<i32>} : memref<128x96xbf16, #tpu.memory_space<vmem>>, vector<32xbf16>,
        %slice3A_582 = vector.extract_strided_slice %get3A_180 {offsets = [14], sizes = [1], strides = [1]} : vector<16xf32> to vector<1xf32>
        %squeeze3A_583 = vector.extract %slice3A_582[0] : f32 from vector<1xf32>
        %broadcast_in_dim3A_584 = vector.broadcast %squeeze3A_583 : f32 to vector<16xf32>
        %pack3A_585 = tpu.pack_subelements %broadcast_in_dim3A_584, %broadcast_in_dim3A_584 {pack_format = #tpu.pack_format<interleaved>, positions = array<i32: 0, 1>} : vector<16xf32>, vector<16xf32> -> vector<32xbf16>
        %mul3A_586 = arith.constant 16 : i32
        %mul3A_587 = arith.muli %scan3A_175, %mul3A_586 : i32
        %add3A_588 = arith.constant 14 : i32
        %add3A_589 = arith.addi %mul3A_587, %add3A_588 : i32
        %get3A_590 = arith.index_cast %add3A_589 : i32 to index
        %get3A_591 = arith.constant 0 : index
        %get3A_592 = tpu.vector_load %arg13[%get3A_590, %get3A_591] {strides = array<i32>} : memref<128x96xbf16, #tpu.memory_space<vmem>>, vector<32xbf16>,
        %mul3A_593 = arith.mulf %get3A_592, %pack3A_585 : vector<32xbf16>
        %swap3A_594 = arith.index_cast %add3A_589 : i32 to index
        %swap3A_595 = arith.constant 0 : index
        %swap3A_596 = tpu.vector_load %arg13[%swap3A_594, %swap3A_595] {strides = array<i32>} : memref<128x96xbf16, #tpu.memory_space<vmem>>, vector<32xbf16>,
        tpu.vector_store %arg13[%swap3A_594, %swap3A_595], %mul3A_593 {strides = array<i32>} : memref<128x96xbf16, #tpu.memory_space<vmem>>, vector<32xbf16>,
        %get3A_597 = arith.index_cast %add3A_589 : i32 to index
        %get3A_598 = arith.constant 32 : index
        %get3A_599 = tpu.vector_load %arg13[%get3A_597, %get3A_598] {strides = array<i32>} : memref<128x96xbf16, #tpu.memory_space<vmem>>, vector<32xbf16>,
        %mul3A_600 = arith.mulf %get3A_599, %pack3A_585 : vector<32xbf16>
        %swap3A_601 = arith.index_cast %add3A_589 : i32 to index
        %swap3A_602 = arith.constant 32 : index
        %swap3A_603 = tpu.vector_load %arg13[%swap3A_601, %swap3A_602] {strides = array<i32>} : memref<128x96xbf16, #tpu.memory_space<vmem>>, vector<32xbf16>,
        tpu.vector_store %arg13[%swap3A_601, %swap3A_602], %mul3A_600 {strides = array<i32>} : memref<128x96xbf16, #tpu.memory_space<vmem>>, vector<32xbf16>,
        %get3A_604 = arith.index_cast %add3A_589 : i32 to index
        %get3A_605 = arith.constant 64 : index
        %get3A_606 = tpu.vector_load %arg13[%get3A_604, %get3A_605] {strides = array<i32>} : memref<128x96xbf16, #tpu.memory_space<vmem>>, vector<32xbf16>,
        %mul3A_607 = arith.mulf %get3A_606, %pack3A_585 : vector<32xbf16>
        %swap3A_608 = arith.index_cast %add3A_589 : i32 to index
        %swap3A_609 = arith.constant 64 : index
        %swap3A_610 = tpu.vector_load %arg13[%swap3A_608, %swap3A_609] {strides = array<i32>} : memref<128x96xbf16, #tpu.memory_space<vmem>>, vector<32xbf16>,
        tpu.vector_store %arg13[%swap3A_608, %swap3A_609], %mul3A_607 {strides = array<i32>} : memref<128x96xbf16, #tpu.memory_space<vmem>>, vector<32xbf16>,
        %slice3A_611 = vector.extract_strided_slice %get3A_180 {offsets = [15], sizes = [1], strides = [1]} : vector<16xf32> to vector<1xf32>
        %squeeze3A_612 = vector.extract %slice3A_611[0] : f32 from vector<1xf32>
        %broadcast_in_dim3A_613 = vector.broadcast %squeeze3A_612 : f32 to vector<16xf32>
        %pack3A_614 = tpu.pack_subelements %broadcast_in_dim3A_613, %broadcast_in_dim3A_613 {pack_format = #tpu.pack_format<interleaved>, positions = array<i32: 0, 1>} : vector<16xf32>, vector<16xf32> -> vector<32xbf16>
        %mul3A_615 = arith.constant 16 : i32
        %mul3A_616 = arith.muli %scan3A_175, %mul3A_615 : i32
        %add3A_617 = arith.constant 15 : i32
        %add3A_618 = arith.addi %mul3A_616, %add3A_617 : i32
        %get3A_619 = arith.index_cast %add3A_618 : i32 to index
        %get3A_620 = arith.constant 0 : index
        %get3A_621 = tpu.vector_load %arg13[%get3A_619, %get3A_620] {strides = array<i32>} : memref<128x96xbf16, #tpu.memory_space<vmem>>, vector<32xbf16>,
        %mul3A_622 = arith.mulf %get3A_621, %pack3A_614 : vector<32xbf16>
        %swap3A_623 = arith.index_cast %add3A_618 : i32 to index
        %swap3A_624 = arith.constant 0 : index
        %swap3A_625 = tpu.vector_load %arg13[%swap3A_623, %swap3A_624] {strides = array<i32>} : memref<128x96xbf16, #tpu.memory_space<vmem>>, vector<32xbf16>,
        tpu.vector_store %arg13[%swap3A_623, %swap3A_624], %mul3A_622 {strides = array<i32>} : memref<128x96xbf16, #tpu.memory_space<vmem>>, vector<32xbf16>,
        %get3A_626 = arith.index_cast %add3A_618 : i32 to index
        %get3A_627 = arith.constant 32 : index
        %get3A_628 = tpu.vector_load %arg13[%get3A_626, %get3A_627] {strides = array<i32>} : memref<128x96xbf16, #tpu.memory_space<vmem>>, vector<32xbf16>,
        %mul3A_629 = arith.mulf %get3A_628, %pack3A_614 : vector<32xbf16>
        %swap3A_630 = arith.index_cast %add3A_618 : i32 to index
        %swap3A_631 = arith.constant 32 : index
        %swap3A_632 = tpu.vector_load %arg13[%swap3A_630, %swap3A_631] {strides = array<i32>} : memref<128x96xbf16, #tpu.memory_space<vmem>>, vector<32xbf16>,
        tpu.vector_store %arg13[%swap3A_630, %swap3A_631], %mul3A_629 {strides = array<i32>} : memref<128x96xbf16, #tpu.memory_space<vmem>>, vector<32xbf16>,
        %get3A_633 = arith.index_cast %add3A_618 : i32 to index
        %get3A_634 = arith.constant 64 : index
        %get3A_635 = tpu.vector_load %arg13[%get3A_633, %get3A_634] {strides = array<i32>} : memref<128x96xbf16, #tpu.memory_space<vmem>>, vector<32xbf16>,
        %mul3A_636 = arith.mulf %get3A_635, %pack3A_614 : vector<32xbf16>
        %swap3A_637 = arith.index_cast %add3A_618 : i32 to index
        %swap3A_638 = arith.constant 64 : index
        %swap3A_639 = tpu.vector_load %arg13[%swap3A_637, %swap3A_638] {strides = array<i32>} : memref<128x96xbf16, #tpu.memory_space<vmem>>, vector<32xbf16>,
        tpu.vector_store %arg13[%swap3A_637, %swap3A_638], %mul3A_636 {strides = array<i32>} : memref<128x96xbf16, #tpu.memory_space<vmem>>, vector<32xbf16>,
        %scan3A_640 = arith.constant 0 : i32
        scf.yield %scan3A_640 : i32
      }
      %scan3A_97 = arith.constant 8 : i32
      %dma_start3A_98 = arith.constant 0 : i32
      %dma_start3A_99 = tpu.memref_slice %arg10[%add3A_72, %dma_start3A_98] : memref<40x128xi32, #tpu.memory_space<vmem>> -> memref<1x128xi32, #tpu.memory_space<vmem>>
      %dma_start3A_100 = tpu.memref_squeeze %dma_start3A_99 : memref<1x128xi32, #tpu.memory_space<vmem>> -> memref<128xi32, #tpu.memory_space<vmem>>
      %dma_start3A_101 = arith.constant 0 : i32
      %dma_start3A_102 = arith.constant 0 : i32
      %dma_start3A_103 = tpu.memref_slice %arg8[%dma_start3A_101, %dma_start3A_102] : memref<10240x96xbf16, #tpu.memory_space<vmem_shared>> -> memref<10240x96xbf16, #tpu.memory_space<vmem_shared>>
      tpu.enqueue_indirect_dma source(%arg13 : memref<128x96xbf16, #tpu.memory_space<vmem>>) target(%dma_start3A_103 : memref<10240x96xbf16, #tpu.memory_space<vmem_shared>>) offsets(%dma_start3A_100 : memref<128xi32, #tpu.memory_space<vmem>>) semaphore(%arg21 : memref<!tpu.dma_semaphore, #tpu.memory_space<semaphore_mem>>) {add = true}
      %mul3A_104 = arith.constant 4 : i32
      %mul3A_105 = arith.muli %mul3A_104, %scan3A_36 : i32
      %add3A_106 = arith.constant 2 : i32
      %add3A_107 = arith.addi %mul3A_105, %add3A_106 : i32
      %dma_wait3A_108 = arith.constant 0 : i32
      %dma_wait3A_109 = tpu.memref_slice %arg9[%add3A_107, %dma_wait3A_108] : memref<40x128xi32, #tpu.memory_space<vmem>> -> memref<1x128xi32, #tpu.memory_space<vmem>>
      %dma_wait3A_110 = tpu.memref_squeeze %dma_wait3A_109 : memref<1x128xi32, #tpu.memory_space<vmem>> -> memref<128xi32, #tpu.memory_space<vmem>>
      %dma_wait3A_111 = arith.constant 0 : i32
      %dma_wait3A_112 = arith.constant 0 : i32
      %dma_wait3A_113 = tpu.memref_slice %arg2[%dma_wait3A_111, %dma_wait3A_112] : memref<10000x96xbf16, #tpu.memory_space<hbm>> -> memref<10000x96xbf16, #tpu.memory_space<hbm>>
      tpu.wait_indirect_dma semaphore(%arg18 : memref<!tpu.dma_semaphore, #tpu.memory_space<semaphore_mem>>) src(%dma_wait3A_113 : memref<10000x96xbf16, #tpu.memory_space<hbm>>) dst(%arg14 : memref<128x96xbf16, #tpu.memory_space<vmem>>)
      %ge3A_114 = arith.constant 3 : i32
      %ge3A_115 = arith.cmpi sge, %add3A_107, %ge3A_114 : i32
      %convert_element_type3A_116 = arith.extui %ge3A_115 : i1 to i32
      %cond3A_117 = arith.constant 0 : i32
      %cond3A_118 = arith.cmpi ne, %convert_element_type3A_116, %cond3A_117 : i32
      scf.if %cond3A_118 {
        %sub3A = arith.constant 3 : i32
        %sub3A_175 = arith.subi %add3A_107, %sub3A : i32
        %dma_wait3A_176 = arith.constant 0 : i32
        %dma_wait3A_177 = tpu.memref_slice %arg10[%sub3A_175, %dma_wait3A_176] : memref<40x128xi32, #tpu.memory_space<vmem>> -> memref<1x128xi32, #tpu.memory_space<vmem>>
        %dma_wait3A_178 = tpu.memref_squeeze %dma_wait3A_177 : memref<1x128xi32, #tpu.memory_space<vmem>> -> memref<128xi32, #tpu.memory_space<vmem>>
        %dma_wait3A_179 = arith.constant 0 : i32
        %dma_wait3A_180 = arith.constant 0 : i32
        %dma_wait3A_181 = tpu.memref_slice %arg8[%dma_wait3A_179, %dma_wait3A_180] : memref<10240x96xbf16, #tpu.memory_space<vmem_shared>> -> memref<10240x96xbf16, #tpu.memory_space<vmem_shared>>
        tpu.wait_indirect_dma semaphore(%arg23 : memref<!tpu.dma_semaphore, #tpu.memory_space<semaphore_mem>>) src(%arg15 : memref<128x96xbf16, #tpu.memory_space<vmem>>) dst(%dma_wait3A_181 : memref<10240x96xbf16, #tpu.memory_space<vmem_shared>>)
      } else {
      }
      %add3A_119 = arith.constant 1 : i32
      %add3A_120 = arith.addi %add3A_107, %add3A_119 : i32
      %lt3A_121 = arith.constant 40 : i32
      %lt3A_122 = arith.cmpi slt, %add3A_120, %lt3A_121 : i32
      %convert_element_type3A_123 = arith.extui %lt3A_122 : i1 to i32
      %cond3A_124 = arith.constant 0 : i32
      %cond3A_125 = arith.cmpi ne, %convert_element_type3A_123, %cond3A_124 : i32
      scf.if %cond3A_125 {
        %add3A_175 = arith.constant 1 : i32
        %add3A_176 = arith.addi %add3A_107, %add3A_175 : i32
        %dma_start3A_177 = arith.constant 0 : i32
        %dma_start3A_178 = tpu.memref_slice %arg9[%add3A_176, %dma_start3A_177] : memref<40x128xi32, #tpu.memory_space<vmem>> -> memref<1x128xi32, #tpu.memory_space<vmem>>
        %dma_start3A_179 = tpu.memref_squeeze %dma_start3A_178 : memref<1x128xi32, #tpu.memory_space<vmem>> -> memref<128xi32, #tpu.memory_space<vmem>>
        %dma_start3A_180 = arith.constant 0 : i32
        %dma_start3A_181 = arith.constant 0 : i32
        %dma_start3A_182 = tpu.memref_slice %arg2[%dma_start3A_180, %dma_start3A_181] : memref<10000x96xbf16, #tpu.memory_space<hbm>> -> memref<10000x96xbf16, #tpu.memory_space<hbm>>
        tpu.enqueue_indirect_dma source(%dma_start3A_182 : memref<10000x96xbf16, #tpu.memory_space<hbm>>) target(%arg15 : memref<128x96xbf16, #tpu.memory_space<vmem>>) offsets(%dma_start3A_179 : memref<128xi32, #tpu.memory_space<vmem>>) semaphore(%arg19 : memref<!tpu.dma_semaphore, #tpu.memory_space<semaphore_mem>>)
      } else {
      }
      %scan3A_126 = arith.constant 0 : i32
      %scan3A_127 = arith.constant 0 : i32
      %scan3A_128 = arith.constant 8 : i32
      %scan3A_129 = arith.addi %scan3A_127, %scan3A_128 : i32
      %scan3A_130 = arith.constant 1 : i32
      %scan3A_131 = scf.for %scan3A_175 = %scan3A_127 to %scan3A_129 step %scan3A_130 iter_args(%scan3A_176 = %scan3A_126) -> (i32)  : i32 {
        %mul3A_177 = arith.constant 16 : i32
        %mul3A_178 = arith.muli %scan3A_175, %mul3A_177 : i32
        %get3A = arith.index_cast %add3A_107 : i32 to index
        %get3A_179 = arith.index_cast %mul3A_178 : i32 to index
        %get3A_180 = tpu.vector_load %arg11[%get3A, %get3A_179] {strides = array<i32>} : memref<40x128xf32, #tpu.memory_space<vmem>>, vector<16xf32>,
        %slice3A = vector.extract_strided_slice %get3A_180 {offsets = [0], sizes = [1], strides = [1]} : vector<16xf32> to vector<1xf32>
        %squeeze3A = vector.extract %slice3A[0] : f32 from vector<1xf32>
        %broadcast_in_dim3A = vector.broadcast %squeeze3A : f32 to vector<16xf32>
        %pack3A = tpu.pack_subelements %broadcast_in_dim3A, %broadcast_in_dim3A {pack_format = #tpu.pack_format<interleaved>, positions = array<i32: 0, 1>} : vector<16xf32>, vector<16xf32> -> vector<32xbf16>
        %mul3A_181 = arith.constant 16 : i32
        %mul3A_182 = arith.muli %scan3A_175, %mul3A_181 : i32
        %add3A_183 = arith.constant 0 : i32
        %add3A_184 = arith.addi %mul3A_182, %add3A_183 : i32
        %get3A_185 = arith.index_cast %add3A_184 : i32 to index
        %get3A_186 = arith.constant 0 : index
        %get3A_187 = tpu.vector_load %arg14[%get3A_185, %get3A_186] {strides = array<i32>} : memref<128x96xbf16, #tpu.memory_space<vmem>>, vector<32xbf16>,
        %mul3A_188 = arith.mulf %get3A_187, %pack3A : vector<32xbf16>
        %swap3A = arith.index_cast %add3A_184 : i32 to index
        %swap3A_189 = arith.constant 0 : index
        %swap3A_190 = tpu.vector_load %arg14[%swap3A, %swap3A_189] {strides = array<i32>} : memref<128x96xbf16, #tpu.memory_space<vmem>>, vector<32xbf16>,
        tpu.vector_store %arg14[%swap3A, %swap3A_189], %mul3A_188 {strides = array<i32>} : memref<128x96xbf16, #tpu.memory_space<vmem>>, vector<32xbf16>,
        %get3A_191 = arith.index_cast %add3A_184 : i32 to index
        %get3A_192 = arith.constant 32 : index
        %get3A_193 = tpu.vector_load %arg14[%get3A_191, %get3A_192] {strides = array<i32>} : memref<128x96xbf16, #tpu.memory_space<vmem>>, vector<32xbf16>,
        %mul3A_194 = arith.mulf %get3A_193, %pack3A : vector<32xbf16>
        %swap3A_195 = arith.index_cast %add3A_184 : i32 to index
        %swap3A_196 = arith.constant 32 : index
        %swap3A_197 = tpu.vector_load %arg14[%swap3A_195, %swap3A_196] {strides = array<i32>} : memref<128x96xbf16, #tpu.memory_space<vmem>>, vector<32xbf16>,
        tpu.vector_store %arg14[%swap3A_195, %swap3A_196], %mul3A_194 {strides = array<i32>} : memref<128x96xbf16, #tpu.memory_space<vmem>>, vector<32xbf16>,
        %get3A_198 = arith.index_cast %add3A_184 : i32 to index
        %get3A_199 = arith.constant 64 : index
        %get3A_200 = tpu.vector_load %arg14[%get3A_198, %get3A_199] {strides = array<i32>} : memref<128x96xbf16, #tpu.memory_space<vmem>>, vector<32xbf16>,
        %mul3A_201 = arith.mulf %get3A_200, %pack3A : vector<32xbf16>
        %swap3A_202 = arith.index_cast %add3A_184 : i32 to index
        %swap3A_203 = arith.constant 64 : index
        %swap3A_204 = tpu.vector_load %arg14[%swap3A_202, %swap3A_203] {strides = array<i32>} : memref<128x96xbf16, #tpu.memory_space<vmem>>, vector<32xbf16>,
        tpu.vector_store %arg14[%swap3A_202, %swap3A_203], %mul3A_201 {strides = array<i32>} : memref<128x96xbf16, #tpu.memory_space<vmem>>, vector<32xbf16>,
        %slice3A_205 = vector.extract_strided_slice %get3A_180 {offsets = [1], sizes = [1], strides = [1]} : vector<16xf32> to vector<1xf32>
        %squeeze3A_206 = vector.extract %slice3A_205[0] : f32 from vector<1xf32>
        %broadcast_in_dim3A_207 = vector.broadcast %squeeze3A_206 : f32 to vector<16xf32>
        %pack3A_208 = tpu.pack_subelements %broadcast_in_dim3A_207, %broadcast_in_dim3A_207 {pack_format = #tpu.pack_format<interleaved>, positions = array<i32: 0, 1>} : vector<16xf32>, vector<16xf32> -> vector<32xbf16>
        %mul3A_209 = arith.constant 16 : i32
        %mul3A_210 = arith.muli %scan3A_175, %mul3A_209 : i32
        %add3A_211 = arith.constant 1 : i32
        %add3A_212 = arith.addi %mul3A_210, %add3A_211 : i32
        %get3A_213 = arith.index_cast %add3A_212 : i32 to index
        %get3A_214 = arith.constant 0 : index
        %get3A_215 = tpu.vector_load %arg14[%get3A_213, %get3A_214] {strides = array<i32>} : memref<128x96xbf16, #tpu.memory_space<vmem>>, vector<32xbf16>,
        %mul3A_216 = arith.mulf %get3A_215, %pack3A_208 : vector<32xbf16>
        %swap3A_217 = arith.index_cast %add3A_212 : i32 to index
        %swap3A_218 = arith.constant 0 : index
        %swap3A_219 = tpu.vector_load %arg14[%swap3A_217, %swap3A_218] {strides = array<i32>} : memref<128x96xbf16, #tpu.memory_space<vmem>>, vector<32xbf16>,
        tpu.vector_store %arg14[%swap3A_217, %swap3A_218], %mul3A_216 {strides = array<i32>} : memref<128x96xbf16, #tpu.memory_space<vmem>>, vector<32xbf16>,
        %get3A_220 = arith.index_cast %add3A_212 : i32 to index
        %get3A_221 = arith.constant 32 : index
        %get3A_222 = tpu.vector_load %arg14[%get3A_220, %get3A_221] {strides = array<i32>} : memref<128x96xbf16, #tpu.memory_space<vmem>>, vector<32xbf16>,
        %mul3A_223 = arith.mulf %get3A_222, %pack3A_208 : vector<32xbf16>
        %swap3A_224 = arith.index_cast %add3A_212 : i32 to index
        %swap3A_225 = arith.constant 32 : index
        %swap3A_226 = tpu.vector_load %arg14[%swap3A_224, %swap3A_225] {strides = array<i32>} : memref<128x96xbf16, #tpu.memory_space<vmem>>, vector<32xbf16>,
        tpu.vector_store %arg14[%swap3A_224, %swap3A_225], %mul3A_223 {strides = array<i32>} : memref<128x96xbf16, #tpu.memory_space<vmem>>, vector<32xbf16>,
        %get3A_227 = arith.index_cast %add3A_212 : i32 to index
        %get3A_228 = arith.constant 64 : index
        %get3A_229 = tpu.vector_load %arg14[%get3A_227, %get3A_228] {strides = array<i32>} : memref<128x96xbf16, #tpu.memory_space<vmem>>, vector<32xbf16>,
        %mul3A_230 = arith.mulf %get3A_229, %pack3A_208 : vector<32xbf16>
        %swap3A_231 = arith.index_cast %add3A_212 : i32 to index
        %swap3A_232 = arith.constant 64 : index
        %swap3A_233 = tpu.vector_load %arg14[%swap3A_231, %swap3A_232] {strides = array<i32>} : memref<128x96xbf16, #tpu.memory_space<vmem>>, vector<32xbf16>,
        tpu.vector_store %arg14[%swap3A_231, %swap3A_232], %mul3A_230 {strides = array<i32>} : memref<128x96xbf16, #tpu.memory_space<vmem>>, vector<32xbf16>,
        %slice3A_234 = vector.extract_strided_slice %get3A_180 {offsets = [2], sizes = [1], strides = [1]} : vector<16xf32> to vector<1xf32>
        %squeeze3A_235 = vector.extract %slice3A_234[0] : f32 from vector<1xf32>
        %broadcast_in_dim3A_236 = vector.broadcast %squeeze3A_235 : f32 to vector<16xf32>
        %pack3A_237 = tpu.pack_subelements %broadcast_in_dim3A_236, %broadcast_in_dim3A_236 {pack_format = #tpu.pack_format<interleaved>, positions = array<i32: 0, 1>} : vector<16xf32>, vector<16xf32> -> vector<32xbf16>
        %mul3A_238 = arith.constant 16 : i32
        %mul3A_239 = arith.muli %scan3A_175, %mul3A_238 : i32
        %add3A_240 = arith.constant 2 : i32
        %add3A_241 = arith.addi %mul3A_239, %add3A_240 : i32
        %get3A_242 = arith.index_cast %add3A_241 : i32 to index
        %get3A_243 = arith.constant 0 : index
        %get3A_244 = tpu.vector_load %arg14[%get3A_242, %get3A_243] {strides = array<i32>} : memref<128x96xbf16, #tpu.memory_space<vmem>>, vector<32xbf16>,
        %mul3A_245 = arith.mulf %get3A_244, %pack3A_237 : vector<32xbf16>
        %swap3A_246 = arith.index_cast %add3A_241 : i32 to index
        %swap3A_247 = arith.constant 0 : index
        %swap3A_248 = tpu.vector_load %arg14[%swap3A_246, %swap3A_247] {strides = array<i32>} : memref<128x96xbf16, #tpu.memory_space<vmem>>, vector<32xbf16>,
        tpu.vector_store %arg14[%swap3A_246, %swap3A_247], %mul3A_245 {strides = array<i32>} : memref<128x96xbf16, #tpu.memory_space<vmem>>, vector<32xbf16>,
        %get3A_249 = arith.index_cast %add3A_241 : i32 to index
        %get3A_250 = arith.constant 32 : index
        %get3A_251 = tpu.vector_load %arg14[%get3A_249, %get3A_250] {strides = array<i32>} : memref<128x96xbf16, #tpu.memory_space<vmem>>, vector<32xbf16>,
        %mul3A_252 = arith.mulf %get3A_251, %pack3A_237 : vector<32xbf16>
        %swap3A_253 = arith.index_cast %add3A_241 : i32 to index
        %swap3A_254 = arith.constant 32 : index
        %swap3A_255 = tpu.vector_load %arg14[%swap3A_253, %swap3A_254] {strides = array<i32>} : memref<128x96xbf16, #tpu.memory_space<vmem>>, vector<32xbf16>,
        tpu.vector_store %arg14[%swap3A_253, %swap3A_254], %mul3A_252 {strides = array<i32>} : memref<128x96xbf16, #tpu.memory_space<vmem>>, vector<32xbf16>,
        %get3A_256 = arith.index_cast %add3A_241 : i32 to index
        %get3A_257 = arith.constant 64 : index
        %get3A_258 = tpu.vector_load %arg14[%get3A_256, %get3A_257] {strides = array<i32>} : memref<128x96xbf16, #tpu.memory_space<vmem>>, vector<32xbf16>,
        %mul3A_259 = arith.mulf %get3A_258, %pack3A_237 : vector<32xbf16>
        %swap3A_260 = arith.index_cast %add3A_241 : i32 to index
        %swap3A_261 = arith.constant 64 : index
        %swap3A_262 = tpu.vector_load %arg14[%swap3A_260, %swap3A_261] {strides = array<i32>} : memref<128x96xbf16, #tpu.memory_space<vmem>>, vector<32xbf16>,
        tpu.vector_store %arg14[%swap3A_260, %swap3A_261], %mul3A_259 {strides = array<i32>} : memref<128x96xbf16, #tpu.memory_space<vmem>>, vector<32xbf16>,
        %slice3A_263 = vector.extract_strided_slice %get3A_180 {offsets = [3], sizes = [1], strides = [1]} : vector<16xf32> to vector<1xf32>
        %squeeze3A_264 = vector.extract %slice3A_263[0] : f32 from vector<1xf32>
        %broadcast_in_dim3A_265 = vector.broadcast %squeeze3A_264 : f32 to vector<16xf32>
        %pack3A_266 = tpu.pack_subelements %broadcast_in_dim3A_265, %broadcast_in_dim3A_265 {pack_format = #tpu.pack_format<interleaved>, positions = array<i32: 0, 1>} : vector<16xf32>, vector<16xf32> -> vector<32xbf16>
        %mul3A_267 = arith.constant 16 : i32
        %mul3A_268 = arith.muli %scan3A_175, %mul3A_267 : i32
        %add3A_269 = arith.constant 3 : i32
        %add3A_270 = arith.addi %mul3A_268, %add3A_269 : i32
        %get3A_271 = arith.index_cast %add3A_270 : i32 to index
        %get3A_272 = arith.constant 0 : index
        %get3A_273 = tpu.vector_load %arg14[%get3A_271, %get3A_272] {strides = array<i32>} : memref<128x96xbf16, #tpu.memory_space<vmem>>, vector<32xbf16>,
        %mul3A_274 = arith.mulf %get3A_273, %pack3A_266 : vector<32xbf16>
        %swap3A_275 = arith.index_cast %add3A_270 : i32 to index
        %swap3A_276 = arith.constant 0 : index
        %swap3A_277 = tpu.vector_load %arg14[%swap3A_275, %swap3A_276] {strides = array<i32>} : memref<128x96xbf16, #tpu.memory_space<vmem>>, vector<32xbf16>,
        tpu.vector_store %arg14[%swap3A_275, %swap3A_276], %mul3A_274 {strides = array<i32>} : memref<128x96xbf16, #tpu.memory_space<vmem>>, vector<32xbf16>,
        %get3A_278 = arith.index_cast %add3A_270 : i32 to index
        %get3A_279 = arith.constant 32 : index
        %get3A_280 = tpu.vector_load %arg14[%get3A_278, %get3A_279] {strides = array<i32>} : memref<128x96xbf16, #tpu.memory_space<vmem>>, vector<32xbf16>,
        %mul3A_281 = arith.mulf %get3A_280, %pack3A_266 : vector<32xbf16>
        %swap3A_282 = arith.index_cast %add3A_270 : i32 to index
        %swap3A_283 = arith.constant 32 : index
        %swap3A_284 = tpu.vector_load %arg14[%swap3A_282, %swap3A_283] {strides = array<i32>} : memref<128x96xbf16, #tpu.memory_space<vmem>>, vector<32xbf16>,
        tpu.vector_store %arg14[%swap3A_282, %swap3A_283], %mul3A_281 {strides = array<i32>} : memref<128x96xbf16, #tpu.memory_space<vmem>>, vector<32xbf16>,
        %get3A_285 = arith.index_cast %add3A_270 : i32 to index
        %get3A_286 = arith.constant 64 : index
        %get3A_287 = tpu.vector_load %arg14[%get3A_285, %get3A_286] {strides = array<i32>} : memref<128x96xbf16, #tpu.memory_space<vmem>>, vector<32xbf16>,
        %mul3A_288 = arith.mulf %get3A_287, %pack3A_266 : vector<32xbf16>
        %swap3A_289 = arith.index_cast %add3A_270 : i32 to index
        %swap3A_290 = arith.constant 64 : index
        %swap3A_291 = tpu.vector_load %arg14[%swap3A_289, %swap3A_290] {strides = array<i32>} : memref<128x96xbf16, #tpu.memory_space<vmem>>, vector<32xbf16>,
        tpu.vector_store %arg14[%swap3A_289, %swap3A_290], %mul3A_288 {strides = array<i32>} : memref<128x96xbf16, #tpu.memory_space<vmem>>, vector<32xbf16>,
        %slice3A_292 = vector.extract_strided_slice %get3A_180 {offsets = [4], sizes = [1], strides = [1]} : vector<16xf32> to vector<1xf32>
        %squeeze3A_293 = vector.extract %slice3A_292[0] : f32 from vector<1xf32>
        %broadcast_in_dim3A_294 = vector.broadcast %squeeze3A_293 : f32 to vector<16xf32>
        %pack3A_295 = tpu.pack_subelements %broadcast_in_dim3A_294, %broadcast_in_dim3A_294 {pack_format = #tpu.pack_format<interleaved>, positions = array<i32: 0, 1>} : vector<16xf32>, vector<16xf32> -> vector<32xbf16>
        %mul3A_296 = arith.constant 16 : i32
        %mul3A_297 = arith.muli %scan3A_175, %mul3A_296 : i32
        %add3A_298 = arith.constant 4 : i32
        %add3A_299 = arith.addi %mul3A_297, %add3A_298 : i32
        %get3A_300 = arith.index_cast %add3A_299 : i32 to index
        %get3A_301 = arith.constant 0 : index
        %get3A_302 = tpu.vector_load %arg14[%get3A_300, %get3A_301] {strides = array<i32>} : memref<128x96xbf16, #tpu.memory_space<vmem>>, vector<32xbf16>,
        %mul3A_303 = arith.mulf %get3A_302, %pack3A_295 : vector<32xbf16>
        %swap3A_304 = arith.index_cast %add3A_299 : i32 to index
        %swap3A_305 = arith.constant 0 : index
        %swap3A_306 = tpu.vector_load %arg14[%swap3A_304, %swap3A_305] {strides = array<i32>} : memref<128x96xbf16, #tpu.memory_space<vmem>>, vector<32xbf16>,
        tpu.vector_store %arg14[%swap3A_304, %swap3A_305], %mul3A_303 {strides = array<i32>} : memref<128x96xbf16, #tpu.memory_space<vmem>>, vector<32xbf16>,
        %get3A_307 = arith.index_cast %add3A_299 : i32 to index
        %get3A_308 = arith.constant 32 : index
        %get3A_309 = tpu.vector_load %arg14[%get3A_307, %get3A_308] {strides = array<i32>} : memref<128x96xbf16, #tpu.memory_space<vmem>>, vector<32xbf16>,
        %mul3A_310 = arith.mulf %get3A_309, %pack3A_295 : vector<32xbf16>
        %swap3A_311 = arith.index_cast %add3A_299 : i32 to index
        %swap3A_312 = arith.constant 32 : index
        %swap3A_313 = tpu.vector_load %arg14[%swap3A_311, %swap3A_312] {strides = array<i32>} : memref<128x96xbf16, #tpu.memory_space<vmem>>, vector<32xbf16>,
        tpu.vector_store %arg14[%swap3A_311, %swap3A_312], %mul3A_310 {strides = array<i32>} : memref<128x96xbf16, #tpu.memory_space<vmem>>, vector<32xbf16>,
        %get3A_314 = arith.index_cast %add3A_299 : i32 to index
        %get3A_315 = arith.constant 64 : index
        %get3A_316 = tpu.vector_load %arg14[%get3A_314, %get3A_315] {strides = array<i32>} : memref<128x96xbf16, #tpu.memory_space<vmem>>, vector<32xbf16>,
        %mul3A_317 = arith.mulf %get3A_316, %pack3A_295 : vector<32xbf16>
        %swap3A_318 = arith.index_cast %add3A_299 : i32 to index
        %swap3A_319 = arith.constant 64 : index
        %swap3A_320 = tpu.vector_load %arg14[%swap3A_318, %swap3A_319] {strides = array<i32>} : memref<128x96xbf16, #tpu.memory_space<vmem>>, vector<32xbf16>,
        tpu.vector_store %arg14[%swap3A_318, %swap3A_319], %mul3A_317 {strides = array<i32>} : memref<128x96xbf16, #tpu.memory_space<vmem>>, vector<32xbf16>,
        %slice3A_321 = vector.extract_strided_slice %get3A_180 {offsets = [5], sizes = [1], strides = [1]} : vector<16xf32> to vector<1xf32>
        %squeeze3A_322 = vector.extract %slice3A_321[0] : f32 from vector<1xf32>
        %broadcast_in_dim3A_323 = vector.broadcast %squeeze3A_322 : f32 to vector<16xf32>
        %pack3A_324 = tpu.pack_subelements %broadcast_in_dim3A_323, %broadcast_in_dim3A_323 {pack_format = #tpu.pack_format<interleaved>, positions = array<i32: 0, 1>} : vector<16xf32>, vector<16xf32> -> vector<32xbf16>
        %mul3A_325 = arith.constant 16 : i32
        %mul3A_326 = arith.muli %scan3A_175, %mul3A_325 : i32
        %add3A_327 = arith.constant 5 : i32
        %add3A_328 = arith.addi %mul3A_326, %add3A_327 : i32
        %get3A_329 = arith.index_cast %add3A_328 : i32 to index
        %get3A_330 = arith.constant 0 : index
        %get3A_331 = tpu.vector_load %arg14[%get3A_329, %get3A_330] {strides = array<i32>} : memref<128x96xbf16, #tpu.memory_space<vmem>>, vector<32xbf16>,
        %mul3A_332 = arith.mulf %get3A_331, %pack3A_324 : vector<32xbf16>
        %swap3A_333 = arith.index_cast %add3A_328 : i32 to index
        %swap3A_334 = arith.constant 0 : index
        %swap3A_335 = tpu.vector_load %arg14[%swap3A_333, %swap3A_334] {strides = array<i32>} : memref<128x96xbf16, #tpu.memory_space<vmem>>, vector<32xbf16>,
        tpu.vector_store %arg14[%swap3A_333, %swap3A_334], %mul3A_332 {strides = array<i32>} : memref<128x96xbf16, #tpu.memory_space<vmem>>, vector<32xbf16>,
        %get3A_336 = arith.index_cast %add3A_328 : i32 to index
        %get3A_337 = arith.constant 32 : index
        %get3A_338 = tpu.vector_load %arg14[%get3A_336, %get3A_337] {strides = array<i32>} : memref<128x96xbf16, #tpu.memory_space<vmem>>, vector<32xbf16>,
        %mul3A_339 = arith.mulf %get3A_338, %pack3A_324 : vector<32xbf16>
        %swap3A_340 = arith.index_cast %add3A_328 : i32 to index
        %swap3A_341 = arith.constant 32 : index
        %swap3A_342 = tpu.vector_load %arg14[%swap3A_340, %swap3A_341] {strides = array<i32>} : memref<128x96xbf16, #tpu.memory_space<vmem>>, vector<32xbf16>,
        tpu.vector_store %arg14[%swap3A_340, %swap3A_341], %mul3A_339 {strides = array<i32>} : memref<128x96xbf16, #tpu.memory_space<vmem>>, vector<32xbf16>,
        %get3A_343 = arith.index_cast %add3A_328 : i32 to index
        %get3A_344 = arith.constant 64 : index
        %get3A_345 = tpu.vector_load %arg14[%get3A_343, %get3A_344] {strides = array<i32>} : memref<128x96xbf16, #tpu.memory_space<vmem>>, vector<32xbf16>,
        %mul3A_346 = arith.mulf %get3A_345, %pack3A_324 : vector<32xbf16>
        %swap3A_347 = arith.index_cast %add3A_328 : i32 to index
        %swap3A_348 = arith.constant 64 : index
        %swap3A_349 = tpu.vector_load %arg14[%swap3A_347, %swap3A_348] {strides = array<i32>} : memref<128x96xbf16, #tpu.memory_space<vmem>>, vector<32xbf16>,
        tpu.vector_store %arg14[%swap3A_347, %swap3A_348], %mul3A_346 {strides = array<i32>} : memref<128x96xbf16, #tpu.memory_space<vmem>>, vector<32xbf16>,
        %slice3A_350 = vector.extract_strided_slice %get3A_180 {offsets = [6], sizes = [1], strides = [1]} : vector<16xf32> to vector<1xf32>
        %squeeze3A_351 = vector.extract %slice3A_350[0] : f32 from vector<1xf32>
        %broadcast_in_dim3A_352 = vector.broadcast %squeeze3A_351 : f32 to vector<16xf32>
        %pack3A_353 = tpu.pack_subelements %broadcast_in_dim3A_352, %broadcast_in_dim3A_352 {pack_format = #tpu.pack_format<interleaved>, positions = array<i32: 0, 1>} : vector<16xf32>, vector<16xf32> -> vector<32xbf16>
        %mul3A_354 = arith.constant 16 : i32
        %mul3A_355 = arith.muli %scan3A_175, %mul3A_354 : i32
        %add3A_356 = arith.constant 6 : i32
        %add3A_357 = arith.addi %mul3A_355, %add3A_356 : i32
        %get3A_358 = arith.index_cast %add3A_357 : i32 to index
        %get3A_359 = arith.constant 0 : index
        %get3A_360 = tpu.vector_load %arg14[%get3A_358, %get3A_359] {strides = array<i32>} : memref<128x96xbf16, #tpu.memory_space<vmem>>, vector<32xbf16>,
        %mul3A_361 = arith.mulf %get3A_360, %pack3A_353 : vector<32xbf16>
        %swap3A_362 = arith.index_cast %add3A_357 : i32 to index
        %swap3A_363 = arith.constant 0 : index
        %swap3A_364 = tpu.vector_load %arg14[%swap3A_362, %swap3A_363] {strides = array<i32>} : memref<128x96xbf16, #tpu.memory_space<vmem>>, vector<32xbf16>,
        tpu.vector_store %arg14[%swap3A_362, %swap3A_363], %mul3A_361 {strides = array<i32>} : memref<128x96xbf16, #tpu.memory_space<vmem>>, vector<32xbf16>,
        %get3A_365 = arith.index_cast %add3A_357 : i32 to index
        %get3A_366 = arith.constant 32 : index
        %get3A_367 = tpu.vector_load %arg14[%get3A_365, %get3A_366] {strides = array<i32>} : memref<128x96xbf16, #tpu.memory_space<vmem>>, vector<32xbf16>,
        %mul3A_368 = arith.mulf %get3A_367, %pack3A_353 : vector<32xbf16>
        %swap3A_369 = arith.index_cast %add3A_357 : i32 to index
        %swap3A_370 = arith.constant 32 : index
        %swap3A_371 = tpu.vector_load %arg14[%swap3A_369, %swap3A_370] {strides = array<i32>} : memref<128x96xbf16, #tpu.memory_space<vmem>>, vector<32xbf16>,
        tpu.vector_store %arg14[%swap3A_369, %swap3A_370], %mul3A_368 {strides = array<i32>} : memref<128x96xbf16, #tpu.memory_space<vmem>>, vector<32xbf16>,
        %get3A_372 = arith.index_cast %add3A_357 : i32 to index
        %get3A_373 = arith.constant 64 : index
        %get3A_374 = tpu.vector_load %arg14[%get3A_372, %get3A_373] {strides = array<i32>} : memref<128x96xbf16, #tpu.memory_space<vmem>>, vector<32xbf16>,
        %mul3A_375 = arith.mulf %get3A_374, %pack3A_353 : vector<32xbf16>
        %swap3A_376 = arith.index_cast %add3A_357 : i32 to index
        %swap3A_377 = arith.constant 64 : index
        %swap3A_378 = tpu.vector_load %arg14[%swap3A_376, %swap3A_377] {strides = array<i32>} : memref<128x96xbf16, #tpu.memory_space<vmem>>, vector<32xbf16>,
        tpu.vector_store %arg14[%swap3A_376, %swap3A_377], %mul3A_375 {strides = array<i32>} : memref<128x96xbf16, #tpu.memory_space<vmem>>, vector<32xbf16>,
        %slice3A_379 = vector.extract_strided_slice %get3A_180 {offsets = [7], sizes = [1], strides = [1]} : vector<16xf32> to vector<1xf32>
        %squeeze3A_380 = vector.extract %slice3A_379[0] : f32 from vector<1xf32>
        %broadcast_in_dim3A_381 = vector.broadcast %squeeze3A_380 : f32 to vector<16xf32>
        %pack3A_382 = tpu.pack_subelements %broadcast_in_dim3A_381, %broadcast_in_dim3A_381 {pack_format = #tpu.pack_format<interleaved>, positions = array<i32: 0, 1>} : vector<16xf32>, vector<16xf32> -> vector<32xbf16>
        %mul3A_383 = arith.constant 16 : i32
        %mul3A_384 = arith.muli %scan3A_175, %mul3A_383 : i32
        %add3A_385 = arith.constant 7 : i32
        %add3A_386 = arith.addi %mul3A_384, %add3A_385 : i32
        %get3A_387 = arith.index_cast %add3A_386 : i32 to index
        %get3A_388 = arith.constant 0 : index
        %get3A_389 = tpu.vector_load %arg14[%get3A_387, %get3A_388] {strides = array<i32>} : memref<128x96xbf16, #tpu.memory_space<vmem>>, vector<32xbf16>,
        %mul3A_390 = arith.mulf %get3A_389, %pack3A_382 : vector<32xbf16>
        %swap3A_391 = arith.index_cast %add3A_386 : i32 to index
        %swap3A_392 = arith.constant 0 : index
        %swap3A_393 = tpu.vector_load %arg14[%swap3A_391, %swap3A_392] {strides = array<i32>} : memref<128x96xbf16, #tpu.memory_space<vmem>>, vector<32xbf16>,
        tpu.vector_store %arg14[%swap3A_391, %swap3A_392], %mul3A_390 {strides = array<i32>} : memref<128x96xbf16, #tpu.memory_space<vmem>>, vector<32xbf16>,
        %get3A_394 = arith.index_cast %add3A_386 : i32 to index
        %get3A_395 = arith.constant 32 : index
        %get3A_396 = tpu.vector_load %arg14[%get3A_394, %get3A_395] {strides = array<i32>} : memref<128x96xbf16, #tpu.memory_space<vmem>>, vector<32xbf16>,
        %mul3A_397 = arith.mulf %get3A_396, %pack3A_382 : vector<32xbf16>
        %swap3A_398 = arith.index_cast %add3A_386 : i32 to index
        %swap3A_399 = arith.constant 32 : index
        %swap3A_400 = tpu.vector_load %arg14[%swap3A_398, %swap3A_399] {strides = array<i32>} : memref<128x96xbf16, #tpu.memory_space<vmem>>, vector<32xbf16>,
        tpu.vector_store %arg14[%swap3A_398, %swap3A_399], %mul3A_397 {strides = array<i32>} : memref<128x96xbf16, #tpu.memory_space<vmem>>, vector<32xbf16>,
        %get3A_401 = arith.index_cast %add3A_386 : i32 to index
        %get3A_402 = arith.constant 64 : index
        %get3A_403 = tpu.vector_load %arg14[%get3A_401, %get3A_402] {strides = array<i32>} : memref<128x96xbf16, #tpu.memory_space<vmem>>, vector<32xbf16>,
        %mul3A_404 = arith.mulf %get3A_403, %pack3A_382 : vector<32xbf16>
        %swap3A_405 = arith.index_cast %add3A_386 : i32 to index
        %swap3A_406 = arith.constant 64 : index
        %swap3A_407 = tpu.vector_load %arg14[%swap3A_405, %swap3A_406] {strides = array<i32>} : memref<128x96xbf16, #tpu.memory_space<vmem>>, vector<32xbf16>,
        tpu.vector_store %arg14[%swap3A_405, %swap3A_406], %mul3A_404 {strides = array<i32>} : memref<128x96xbf16, #tpu.memory_space<vmem>>, vector<32xbf16>,
        %slice3A_408 = vector.extract_strided_slice %get3A_180 {offsets = [8], sizes = [1], strides = [1]} : vector<16xf32> to vector<1xf32>
        %squeeze3A_409 = vector.extract %slice3A_408[0] : f32 from vector<1xf32>
        %broadcast_in_dim3A_410 = vector.broadcast %squeeze3A_409 : f32 to vector<16xf32>
        %pack3A_411 = tpu.pack_subelements %broadcast_in_dim3A_410, %broadcast_in_dim3A_410 {pack_format = #tpu.pack_format<interleaved>, positions = array<i32: 0, 1>} : vector<16xf32>, vector<16xf32> -> vector<32xbf16>
        %mul3A_412 = arith.constant 16 : i32
        %mul3A_413 = arith.muli %scan3A_175, %mul3A_412 : i32
        %add3A_414 = arith.constant 8 : i32
        %add3A_415 = arith.addi %mul3A_413, %add3A_414 : i32
        %get3A_416 = arith.index_cast %add3A_415 : i32 to index
        %get3A_417 = arith.constant 0 : index
        %get3A_418 = tpu.vector_load %arg14[%get3A_416, %get3A_417] {strides = array<i32>} : memref<128x96xbf16, #tpu.memory_space<vmem>>, vector<32xbf16>,
        %mul3A_419 = arith.mulf %get3A_418, %pack3A_411 : vector<32xbf16>
        %swap3A_420 = arith.index_cast %add3A_415 : i32 to index
        %swap3A_421 = arith.constant 0 : index
        %swap3A_422 = tpu.vector_load %arg14[%swap3A_420, %swap3A_421] {strides = array<i32>} : memref<128x96xbf16, #tpu.memory_space<vmem>>, vector<32xbf16>,
        tpu.vector_store %arg14[%swap3A_420, %swap3A_421], %mul3A_419 {strides = array<i32>} : memref<128x96xbf16, #tpu.memory_space<vmem>>, vector<32xbf16>,
        %get3A_423 = arith.index_cast %add3A_415 : i32 to index
        %get3A_424 = arith.constant 32 : index
        %get3A_425 = tpu.vector_load %arg14[%get3A_423, %get3A_424] {strides = array<i32>} : memref<128x96xbf16, #tpu.memory_space<vmem>>, vector<32xbf16>,
        %mul3A_426 = arith.mulf %get3A_425, %pack3A_411 : vector<32xbf16>
        %swap3A_427 = arith.index_cast %add3A_415 : i32 to index
        %swap3A_428 = arith.constant 32 : index
        %swap3A_429 = tpu.vector_load %arg14[%swap3A_427, %swap3A_428] {strides = array<i32>} : memref<128x96xbf16, #tpu.memory_space<vmem>>, vector<32xbf16>,
        tpu.vector_store %arg14[%swap3A_427, %swap3A_428], %mul3A_426 {strides = array<i32>} : memref<128x96xbf16, #tpu.memory_space<vmem>>, vector<32xbf16>,
        %get3A_430 = arith.index_cast %add3A_415 : i32 to index
        %get3A_431 = arith.constant 64 : index
        %get3A_432 = tpu.vector_load %arg14[%get3A_430, %get3A_431] {strides = array<i32>} : memref<128x96xbf16, #tpu.memory_space<vmem>>, vector<32xbf16>,
        %mul3A_433 = arith.mulf %get3A_432, %pack3A_411 : vector<32xbf16>
        %swap3A_434 = arith.index_cast %add3A_415 : i32 to index
        %swap3A_435 = arith.constant 64 : index
        %swap3A_436 = tpu.vector_load %arg14[%swap3A_434, %swap3A_435] {strides = array<i32>} : memref<128x96xbf16, #tpu.memory_space<vmem>>, vector<32xbf16>,
        tpu.vector_store %arg14[%swap3A_434, %swap3A_435], %mul3A_433 {strides = array<i32>} : memref<128x96xbf16, #tpu.memory_space<vmem>>, vector<32xbf16>,
        %slice3A_437 = vector.extract_strided_slice %get3A_180 {offsets = [9], sizes = [1], strides = [1]} : vector<16xf32> to vector<1xf32>
        %squeeze3A_438 = vector.extract %slice3A_437[0] : f32 from vector<1xf32>
        %broadcast_in_dim3A_439 = vector.broadcast %squeeze3A_438 : f32 to vector<16xf32>
        %pack3A_440 = tpu.pack_subelements %broadcast_in_dim3A_439, %broadcast_in_dim3A_439 {pack_format = #tpu.pack_format<interleaved>, positions = array<i32: 0, 1>} : vector<16xf32>, vector<16xf32> -> vector<32xbf16>
        %mul3A_441 = arith.constant 16 : i32
        %mul3A_442 = arith.muli %scan3A_175, %mul3A_441 : i32
        %add3A_443 = arith.constant 9 : i32
        %add3A_444 = arith.addi %mul3A_442, %add3A_443 : i32
        %get3A_445 = arith.index_cast %add3A_444 : i32 to index
        %get3A_446 = arith.constant 0 : index
        %get3A_447 = tpu.vector_load %arg14[%get3A_445, %get3A_446] {strides = array<i32>} : memref<128x96xbf16, #tpu.memory_space<vmem>>, vector<32xbf16>,
        %mul3A_448 = arith.mulf %get3A_447, %pack3A_440 : vector<32xbf16>
        %swap3A_449 = arith.index_cast %add3A_444 : i32 to index
        %swap3A_450 = arith.constant 0 : index
        %swap3A_451 = tpu.vector_load %arg14[%swap3A_449, %swap3A_450] {strides = array<i32>} : memref<128x96xbf16, #tpu.memory_space<vmem>>, vector<32xbf16>,
        tpu.vector_store %arg14[%swap3A_449, %swap3A_450], %mul3A_448 {strides = array<i32>} : memref<128x96xbf16, #tpu.memory_space<vmem>>, vector<32xbf16>,
        %get3A_452 = arith.index_cast %add3A_444 : i32 to index
        %get3A_453 = arith.constant 32 : index
        %get3A_454 = tpu.vector_load %arg14[%get3A_452, %get3A_453] {strides = array<i32>} : memref<128x96xbf16, #tpu.memory_space<vmem>>, vector<32xbf16>,
        %mul3A_455 = arith.mulf %get3A_454, %pack3A_440 : vector<32xbf16>
        %swap3A_456 = arith.index_cast %add3A_444 : i32 to index
        %swap3A_457 = arith.constant 32 : index
        %swap3A_458 = tpu.vector_load %arg14[%swap3A_456, %swap3A_457] {strides = array<i32>} : memref<128x96xbf16, #tpu.memory_space<vmem>>, vector<32xbf16>,
        tpu.vector_store %arg14[%swap3A_456, %swap3A_457], %mul3A_455 {strides = array<i32>} : memref<128x96xbf16, #tpu.memory_space<vmem>>, vector<32xbf16>,
        %get3A_459 = arith.index_cast %add3A_444 : i32 to index
        %get3A_460 = arith.constant 64 : index
        %get3A_461 = tpu.vector_load %arg14[%get3A_459, %get3A_460] {strides = array<i32>} : memref<128x96xbf16, #tpu.memory_space<vmem>>, vector<32xbf16>,
        %mul3A_462 = arith.mulf %get3A_461, %pack3A_440 : vector<32xbf16>
        %swap3A_463 = arith.index_cast %add3A_444 : i32 to index
        %swap3A_464 = arith.constant 64 : index
        %swap3A_465 = tpu.vector_load %arg14[%swap3A_463, %swap3A_464] {strides = array<i32>} : memref<128x96xbf16, #tpu.memory_space<vmem>>, vector<32xbf16>,
        tpu.vector_store %arg14[%swap3A_463, %swap3A_464], %mul3A_462 {strides = array<i32>} : memref<128x96xbf16, #tpu.memory_space<vmem>>, vector<32xbf16>,
        %slice3A_466 = vector.extract_strided_slice %get3A_180 {offsets = [10], sizes = [1], strides = [1]} : vector<16xf32> to vector<1xf32>
        %squeeze3A_467 = vector.extract %slice3A_466[0] : f32 from vector<1xf32>
        %broadcast_in_dim3A_468 = vector.broadcast %squeeze3A_467 : f32 to vector<16xf32>
        %pack3A_469 = tpu.pack_subelements %broadcast_in_dim3A_468, %broadcast_in_dim3A_468 {pack_format = #tpu.pack_format<interleaved>, positions = array<i32: 0, 1>} : vector<16xf32>, vector<16xf32> -> vector<32xbf16>
        %mul3A_470 = arith.constant 16 : i32
        %mul3A_471 = arith.muli %scan3A_175, %mul3A_470 : i32
        %add3A_472 = arith.constant 10 : i32
        %add3A_473 = arith.addi %mul3A_471, %add3A_472 : i32
        %get3A_474 = arith.index_cast %add3A_473 : i32 to index
        %get3A_475 = arith.constant 0 : index
        %get3A_476 = tpu.vector_load %arg14[%get3A_474, %get3A_475] {strides = array<i32>} : memref<128x96xbf16, #tpu.memory_space<vmem>>, vector<32xbf16>,
        %mul3A_477 = arith.mulf %get3A_476, %pack3A_469 : vector<32xbf16>
        %swap3A_478 = arith.index_cast %add3A_473 : i32 to index
        %swap3A_479 = arith.constant 0 : index
        %swap3A_480 = tpu.vector_load %arg14[%swap3A_478, %swap3A_479] {strides = array<i32>} : memref<128x96xbf16, #tpu.memory_space<vmem>>, vector<32xbf16>,
        tpu.vector_store %arg14[%swap3A_478, %swap3A_479], %mul3A_477 {strides = array<i32>} : memref<128x96xbf16, #tpu.memory_space<vmem>>, vector<32xbf16>,
        %get3A_481 = arith.index_cast %add3A_473 : i32 to index
        %get3A_482 = arith.constant 32 : index
        %get3A_483 = tpu.vector_load %arg14[%get3A_481, %get3A_482] {strides = array<i32>} : memref<128x96xbf16, #tpu.memory_space<vmem>>, vector<32xbf16>,
        %mul3A_484 = arith.mulf %get3A_483, %pack3A_469 : vector<32xbf16>
        %swap3A_485 = arith.index_cast %add3A_473 : i32 to index
        %swap3A_486 = arith.constant 32 : index
        %swap3A_487 = tpu.vector_load %arg14[%swap3A_485, %swap3A_486] {strides = array<i32>} : memref<128x96xbf16, #tpu.memory_space<vmem>>, vector<32xbf16>,
        tpu.vector_store %arg14[%swap3A_485, %swap3A_486], %mul3A_484 {strides = array<i32>} : memref<128x96xbf16, #tpu.memory_space<vmem>>, vector<32xbf16>,
        %get3A_488 = arith.index_cast %add3A_473 : i32 to index
        %get3A_489 = arith.constant 64 : index
        %get3A_490 = tpu.vector_load %arg14[%get3A_488, %get3A_489] {strides = array<i32>} : memref<128x96xbf16, #tpu.memory_space<vmem>>, vector<32xbf16>,
        %mul3A_491 = arith.mulf %get3A_490, %pack3A_469 : vector<32xbf16>
        %swap3A_492 = arith.index_cast %add3A_473 : i32 to index
        %swap3A_493 = arith.constant 64 : index
        %swap3A_494 = tpu.vector_load %arg14[%swap3A_492, %swap3A_493] {strides = array<i32>} : memref<128x96xbf16, #tpu.memory_space<vmem>>, vector<32xbf16>,
        tpu.vector_store %arg14[%swap3A_492, %swap3A_493], %mul3A_491 {strides = array<i32>} : memref<128x96xbf16, #tpu.memory_space<vmem>>, vector<32xbf16>,
        %slice3A_495 = vector.extract_strided_slice %get3A_180 {offsets = [11], sizes = [1], strides = [1]} : vector<16xf32> to vector<1xf32>
        %squeeze3A_496 = vector.extract %slice3A_495[0] : f32 from vector<1xf32>
        %broadcast_in_dim3A_497 = vector.broadcast %squeeze3A_496 : f32 to vector<16xf32>
        %pack3A_498 = tpu.pack_subelements %broadcast_in_dim3A_497, %broadcast_in_dim3A_497 {pack_format = #tpu.pack_format<interleaved>, positions = array<i32: 0, 1>} : vector<16xf32>, vector<16xf32> -> vector<32xbf16>
        %mul3A_499 = arith.constant 16 : i32
        %mul3A_500 = arith.muli %scan3A_175, %mul3A_499 : i32
        %add3A_501 = arith.constant 11 : i32
        %add3A_502 = arith.addi %mul3A_500, %add3A_501 : i32
        %get3A_503 = arith.index_cast %add3A_502 : i32 to index
        %get3A_504 = arith.constant 0 : index
        %get3A_505 = tpu.vector_load %arg14[%get3A_503, %get3A_504] {strides = array<i32>} : memref<128x96xbf16, #tpu.memory_space<vmem>>, vector<32xbf16>,
        %mul3A_506 = arith.mulf %get3A_505, %pack3A_498 : vector<32xbf16>
        %swap3A_507 = arith.index_cast %add3A_502 : i32 to index
        %swap3A_508 = arith.constant 0 : index
        %swap3A_509 = tpu.vector_load %arg14[%swap3A_507, %swap3A_508] {strides = array<i32>} : memref<128x96xbf16, #tpu.memory_space<vmem>>, vector<32xbf16>,
        tpu.vector_store %arg14[%swap3A_507, %swap3A_508], %mul3A_506 {strides = array<i32>} : memref<128x96xbf16, #tpu.memory_space<vmem>>, vector<32xbf16>,
        %get3A_510 = arith.index_cast %add3A_502 : i32 to index
        %get3A_511 = arith.constant 32 : index
        %get3A_512 = tpu.vector_load %arg14[%get3A_510, %get3A_511] {strides = array<i32>} : memref<128x96xbf16, #tpu.memory_space<vmem>>, vector<32xbf16>,
        %mul3A_513 = arith.mulf %get3A_512, %pack3A_498 : vector<32xbf16>
        %swap3A_514 = arith.index_cast %add3A_502 : i32 to index
        %swap3A_515 = arith.constant 32 : index
        %swap3A_516 = tpu.vector_load %arg14[%swap3A_514, %swap3A_515] {strides = array<i32>} : memref<128x96xbf16, #tpu.memory_space<vmem>>, vector<32xbf16>,
        tpu.vector_store %arg14[%swap3A_514, %swap3A_515], %mul3A_513 {strides = array<i32>} : memref<128x96xbf16, #tpu.memory_space<vmem>>, vector<32xbf16>,
        %get3A_517 = arith.index_cast %add3A_502 : i32 to index
        %get3A_518 = arith.constant 64 : index
        %get3A_519 = tpu.vector_load %arg14[%get3A_517, %get3A_518] {strides = array<i32>} : memref<128x96xbf16, #tpu.memory_space<vmem>>, vector<32xbf16>,
        %mul3A_520 = arith.mulf %get3A_519, %pack3A_498 : vector<32xbf16>
        %swap3A_521 = arith.index_cast %add3A_502 : i32 to index
        %swap3A_522 = arith.constant 64 : index
        %swap3A_523 = tpu.vector_load %arg14[%swap3A_521, %swap3A_522] {strides = array<i32>} : memref<128x96xbf16, #tpu.memory_space<vmem>>, vector<32xbf16>,
        tpu.vector_store %arg14[%swap3A_521, %swap3A_522], %mul3A_520 {strides = array<i32>} : memref<128x96xbf16, #tpu.memory_space<vmem>>, vector<32xbf16>,
        %slice3A_524 = vector.extract_strided_slice %get3A_180 {offsets = [12], sizes = [1], strides = [1]} : vector<16xf32> to vector<1xf32>
        %squeeze3A_525 = vector.extract %slice3A_524[0] : f32 from vector<1xf32>
        %broadcast_in_dim3A_526 = vector.broadcast %squeeze3A_525 : f32 to vector<16xf32>
        %pack3A_527 = tpu.pack_subelements %broadcast_in_dim3A_526, %broadcast_in_dim3A_526 {pack_format = #tpu.pack_format<interleaved>, positions = array<i32: 0, 1>} : vector<16xf32>, vector<16xf32> -> vector<32xbf16>
        %mul3A_528 = arith.constant 16 : i32
        %mul3A_529 = arith.muli %scan3A_175, %mul3A_528 : i32
        %add3A_530 = arith.constant 12 : i32
        %add3A_531 = arith.addi %mul3A_529, %add3A_530 : i32
        %get3A_532 = arith.index_cast %add3A_531 : i32 to index
        %get3A_533 = arith.constant 0 : index
        %get3A_534 = tpu.vector_load %arg14[%get3A_532, %get3A_533] {strides = array<i32>} : memref<128x96xbf16, #tpu.memory_space<vmem>>, vector<32xbf16>,
        %mul3A_535 = arith.mulf %get3A_534, %pack3A_527 : vector<32xbf16>
        %swap3A_536 = arith.index_cast %add3A_531 : i32 to index
        %swap3A_537 = arith.constant 0 : index
        %swap3A_538 = tpu.vector_load %arg14[%swap3A_536, %swap3A_537] {strides = array<i32>} : memref<128x96xbf16, #tpu.memory_space<vmem>>, vector<32xbf16>,
        tpu.vector_store %arg14[%swap3A_536, %swap3A_537], %mul3A_535 {strides = array<i32>} : memref<128x96xbf16, #tpu.memory_space<vmem>>, vector<32xbf16>,
        %get3A_539 = arith.index_cast %add3A_531 : i32 to index
        %get3A_540 = arith.constant 32 : index
        %get3A_541 = tpu.vector_load %arg14[%get3A_539, %get3A_540] {strides = array<i32>} : memref<128x96xbf16, #tpu.memory_space<vmem>>, vector<32xbf16>,
        %mul3A_542 = arith.mulf %get3A_541, %pack3A_527 : vector<32xbf16>
        %swap3A_543 = arith.index_cast %add3A_531 : i32 to index
        %swap3A_544 = arith.constant 32 : index
        %swap3A_545 = tpu.vector_load %arg14[%swap3A_543, %swap3A_544] {strides = array<i32>} : memref<128x96xbf16, #tpu.memory_space<vmem>>, vector<32xbf16>,
        tpu.vector_store %arg14[%swap3A_543, %swap3A_544], %mul3A_542 {strides = array<i32>} : memref<128x96xbf16, #tpu.memory_space<vmem>>, vector<32xbf16>,
        %get3A_546 = arith.index_cast %add3A_531 : i32 to index
        %get3A_547 = arith.constant 64 : index
        %get3A_548 = tpu.vector_load %arg14[%get3A_546, %get3A_547] {strides = array<i32>} : memref<128x96xbf16, #tpu.memory_space<vmem>>, vector<32xbf16>,
        %mul3A_549 = arith.mulf %get3A_548, %pack3A_527 : vector<32xbf16>
        %swap3A_550 = arith.index_cast %add3A_531 : i32 to index
        %swap3A_551 = arith.constant 64 : index
        %swap3A_552 = tpu.vector_load %arg14[%swap3A_550, %swap3A_551] {strides = array<i32>} : memref<128x96xbf16, #tpu.memory_space<vmem>>, vector<32xbf16>,
        tpu.vector_store %arg14[%swap3A_550, %swap3A_551], %mul3A_549 {strides = array<i32>} : memref<128x96xbf16, #tpu.memory_space<vmem>>, vector<32xbf16>,
        %slice3A_553 = vector.extract_strided_slice %get3A_180 {offsets = [13], sizes = [1], strides = [1]} : vector<16xf32> to vector<1xf32>
        %squeeze3A_554 = vector.extract %slice3A_553[0] : f32 from vector<1xf32>
        %broadcast_in_dim3A_555 = vector.broadcast %squeeze3A_554 : f32 to vector<16xf32>
        %pack3A_556 = tpu.pack_subelements %broadcast_in_dim3A_555, %broadcast_in_dim3A_555 {pack_format = #tpu.pack_format<interleaved>, positions = array<i32: 0, 1>} : vector<16xf32>, vector<16xf32> -> vector<32xbf16>
        %mul3A_557 = arith.constant 16 : i32
        %mul3A_558 = arith.muli %scan3A_175, %mul3A_557 : i32
        %add3A_559 = arith.constant 13 : i32
        %add3A_560 = arith.addi %mul3A_558, %add3A_559 : i32
        %get3A_561 = arith.index_cast %add3A_560 : i32 to index
        %get3A_562 = arith.constant 0 : index
        %get3A_563 = tpu.vector_load %arg14[%get3A_561, %get3A_562] {strides = array<i32>} : memref<128x96xbf16, #tpu.memory_space<vmem>>, vector<32xbf16>,
        %mul3A_564 = arith.mulf %get3A_563, %pack3A_556 : vector<32xbf16>
        %swap3A_565 = arith.index_cast %add3A_560 : i32 to index
        %swap3A_566 = arith.constant 0 : index
        %swap3A_567 = tpu.vector_load %arg14[%swap3A_565, %swap3A_566] {strides = array<i32>} : memref<128x96xbf16, #tpu.memory_space<vmem>>, vector<32xbf16>,
        tpu.vector_store %arg14[%swap3A_565, %swap3A_566], %mul3A_564 {strides = array<i32>} : memref<128x96xbf16, #tpu.memory_space<vmem>>, vector<32xbf16>,
        %get3A_568 = arith.index_cast %add3A_560 : i32 to index
        %get3A_569 = arith.constant 32 : index
        %get3A_570 = tpu.vector_load %arg14[%get3A_568, %get3A_569] {strides = array<i32>} : memref<128x96xbf16, #tpu.memory_space<vmem>>, vector<32xbf16>,
        %mul3A_571 = arith.mulf %get3A_570, %pack3A_556 : vector<32xbf16>
        %swap3A_572 = arith.index_cast %add3A_560 : i32 to index
        %swap3A_573 = arith.constant 32 : index
        %swap3A_574 = tpu.vector_load %arg14[%swap3A_572, %swap3A_573] {strides = array<i32>} : memref<128x96xbf16, #tpu.memory_space<vmem>>, vector<32xbf16>,
        tpu.vector_store %arg14[%swap3A_572, %swap3A_573], %mul3A_571 {strides = array<i32>} : memref<128x96xbf16, #tpu.memory_space<vmem>>, vector<32xbf16>,
        %get3A_575 = arith.index_cast %add3A_560 : i32 to index
        %get3A_576 = arith.constant 64 : index
        %get3A_577 = tpu.vector_load %arg14[%get3A_575, %get3A_576] {strides = array<i32>} : memref<128x96xbf16, #tpu.memory_space<vmem>>, vector<32xbf16>,
        %mul3A_578 = arith.mulf %get3A_577, %pack3A_556 : vector<32xbf16>
        %swap3A_579 = arith.index_cast %add3A_560 : i32 to index
        %swap3A_580 = arith.constant 64 : index
        %swap3A_581 = tpu.vector_load %arg14[%swap3A_579, %swap3A_580] {strides = array<i32>} : memref<128x96xbf16, #tpu.memory_space<vmem>>, vector<32xbf16>,
        tpu.vector_store %arg14[%swap3A_579, %swap3A_580], %mul3A_578 {strides = array<i32>} : memref<128x96xbf16, #tpu.memory_space<vmem>>, vector<32xbf16>,
        %slice3A_582 = vector.extract_strided_slice %get3A_180 {offsets = [14], sizes = [1], strides = [1]} : vector<16xf32> to vector<1xf32>
        %squeeze3A_583 = vector.extract %slice3A_582[0] : f32 from vector<1xf32>
        %broadcast_in_dim3A_584 = vector.broadcast %squeeze3A_583 : f32 to vector<16xf32>
        %pack3A_585 = tpu.pack_subelements %broadcast_in_dim3A_584, %broadcast_in_dim3A_584 {pack_format = #tpu.pack_format<interleaved>, positions = array<i32: 0, 1>} : vector<16xf32>, vector<16xf32> -> vector<32xbf16>
        %mul3A_586 = arith.constant 16 : i32
        %mul3A_587 = arith.muli %scan3A_175, %mul3A_586 : i32
        %add3A_588 = arith.constant 14 : i32
        %add3A_589 = arith.addi %mul3A_587, %add3A_588 : i32
        %get3A_590 = arith.index_cast %add3A_589 : i32 to index
        %get3A_591 = arith.constant 0 : index
        %get3A_592 = tpu.vector_load %arg14[%get3A_590, %get3A_591] {strides = array<i32>} : memref<128x96xbf16, #tpu.memory_space<vmem>>, vector<32xbf16>,
        %mul3A_593 = arith.mulf %get3A_592, %pack3A_585 : vector<32xbf16>
        %swap3A_594 = arith.index_cast %add3A_589 : i32 to index
        %swap3A_595 = arith.constant 0 : index
        %swap3A_596 = tpu.vector_load %arg14[%swap3A_594, %swap3A_595] {strides = array<i32>} : memref<128x96xbf16, #tpu.memory_space<vmem>>, vector<32xbf16>,
        tpu.vector_store %arg14[%swap3A_594, %swap3A_595], %mul3A_593 {strides = array<i32>} : memref<128x96xbf16, #tpu.memory_space<vmem>>, vector<32xbf16>,
        %get3A_597 = arith.index_cast %add3A_589 : i32 to index
        %get3A_598 = arith.constant 32 : index
        %get3A_599 = tpu.vector_load %arg14[%get3A_597, %get3A_598] {strides = array<i32>} : memref<128x96xbf16, #tpu.memory_space<vmem>>, vector<32xbf16>,
        %mul3A_600 = arith.mulf %get3A_599, %pack3A_585 : vector<32xbf16>
        %swap3A_601 = arith.index_cast %add3A_589 : i32 to index
        %swap3A_602 = arith.constant 32 : index
        %swap3A_603 = tpu.vector_load %arg14[%swap3A_601, %swap3A_602] {strides = array<i32>} : memref<128x96xbf16, #tpu.memory_space<vmem>>, vector<32xbf16>,
        tpu.vector_store %arg14[%swap3A_601, %swap3A_602], %mul3A_600 {strides = array<i32>} : memref<128x96xbf16, #tpu.memory_space<vmem>>, vector<32xbf16>,
        %get3A_604 = arith.index_cast %add3A_589 : i32 to index
        %get3A_605 = arith.constant 64 : index
        %get3A_606 = tpu.vector_load %arg14[%get3A_604, %get3A_605] {strides = array<i32>} : memref<128x96xbf16, #tpu.memory_space<vmem>>, vector<32xbf16>,
        %mul3A_607 = arith.mulf %get3A_606, %pack3A_585 : vector<32xbf16>
        %swap3A_608 = arith.index_cast %add3A_589 : i32 to index
        %swap3A_609 = arith.constant 64 : index
        %swap3A_610 = tpu.vector_load %arg14[%swap3A_608, %swap3A_609] {strides = array<i32>} : memref<128x96xbf16, #tpu.memory_space<vmem>>, vector<32xbf16>,
        tpu.vector_store %arg14[%swap3A_608, %swap3A_609], %mul3A_607 {strides = array<i32>} : memref<128x96xbf16, #tpu.memory_space<vmem>>, vector<32xbf16>,
        %slice3A_611 = vector.extract_strided_slice %get3A_180 {offsets = [15], sizes = [1], strides = [1]} : vector<16xf32> to vector<1xf32>
        %squeeze3A_612 = vector.extract %slice3A_611[0] : f32 from vector<1xf32>
        %broadcast_in_dim3A_613 = vector.broadcast %squeeze3A_612 : f32 to vector<16xf32>
        %pack3A_614 = tpu.pack_subelements %broadcast_in_dim3A_613, %broadcast_in_dim3A_613 {pack_format = #tpu.pack_format<interleaved>, positions = array<i32: 0, 1>} : vector<16xf32>, vector<16xf32> -> vector<32xbf16>
        %mul3A_615 = arith.constant 16 : i32
        %mul3A_616 = arith.muli %scan3A_175, %mul3A_615 : i32
        %add3A_617 = arith.constant 15 : i32
        %add3A_618 = arith.addi %mul3A_616, %add3A_617 : i32
        %get3A_619 = arith.index_cast %add3A_618 : i32 to index
        %get3A_620 = arith.constant 0 : index
        %get3A_621 = tpu.vector_load %arg14[%get3A_619, %get3A_620] {strides = array<i32>} : memref<128x96xbf16, #tpu.memory_space<vmem>>, vector<32xbf16>,
        %mul3A_622 = arith.mulf %get3A_621, %pack3A_614 : vector<32xbf16>
        %swap3A_623 = arith.index_cast %add3A_618 : i32 to index
        %swap3A_624 = arith.constant 0 : index
        %swap3A_625 = tpu.vector_load %arg14[%swap3A_623, %swap3A_624] {strides = array<i32>} : memref<128x96xbf16, #tpu.memory_space<vmem>>, vector<32xbf16>,
        tpu.vector_store %arg14[%swap3A_623, %swap3A_624], %mul3A_622 {strides = array<i32>} : memref<128x96xbf16, #tpu.memory_space<vmem>>, vector<32xbf16>,
        %get3A_626 = arith.index_cast %add3A_618 : i32 to index
        %get3A_627 = arith.constant 32 : index
        %get3A_628 = tpu.vector_load %arg14[%get3A_626, %get3A_627] {strides = array<i32>} : memref<128x96xbf16, #tpu.memory_space<vmem>>, vector<32xbf16>,
        %mul3A_629 = arith.mulf %get3A_628, %pack3A_614 : vector<32xbf16>
        %swap3A_630 = arith.index_cast %add3A_618 : i32 to index
        %swap3A_631 = arith.constant 32 : index
        %swap3A_632 = tpu.vector_load %arg14[%swap3A_630, %swap3A_631] {strides = array<i32>} : memref<128x96xbf16, #tpu.memory_space<vmem>>, vector<32xbf16>,
        tpu.vector_store %arg14[%swap3A_630, %swap3A_631], %mul3A_629 {strides = array<i32>} : memref<128x96xbf16, #tpu.memory_space<vmem>>, vector<32xbf16>,
        %get3A_633 = arith.index_cast %add3A_618 : i32 to index
        %get3A_634 = arith.constant 64 : index
        %get3A_635 = tpu.vector_load %arg14[%get3A_633, %get3A_634] {strides = array<i32>} : memref<128x96xbf16, #tpu.memory_space<vmem>>, vector<32xbf16>,
        %mul3A_636 = arith.mulf %get3A_635, %pack3A_614 : vector<32xbf16>
        %swap3A_637 = arith.index_cast %add3A_618 : i32 to index
        %swap3A_638 = arith.constant 64 : index
        %swap3A_639 = tpu.vector_load %arg14[%swap3A_637, %swap3A_638] {strides = array<i32>} : memref<128x96xbf16, #tpu.memory_space<vmem>>, vector<32xbf16>,
        tpu.vector_store %arg14[%swap3A_637, %swap3A_638], %mul3A_636 {strides = array<i32>} : memref<128x96xbf16, #tpu.memory_space<vmem>>, vector<32xbf16>,
        %scan3A_640 = arith.constant 0 : i32
        scf.yield %scan3A_640 : i32
      }
      %scan3A_132 = arith.constant 8 : i32
      %dma_start3A_133 = arith.constant 0 : i32
      %dma_start3A_134 = tpu.memref_slice %arg10[%add3A_107, %dma_start3A_133] : memref<40x128xi32, #tpu.memory_space<vmem>> -> memref<1x128xi32, #tpu.memory_space<vmem>>
      %dma_start3A_135 = tpu.memref_squeeze %dma_start3A_134 : memref<1x128xi32, #tpu.memory_space<vmem>> -> memref<128xi32, #tpu.memory_space<vmem>>
      %dma_start3A_136 = arith.constant 0 : i32
      %dma_start3A_137 = arith.constant 0 : i32
      %dma_start3A_138 = tpu.memref_slice %arg8[%dma_start3A_136, %dma_start3A_137] : memref<10240x96xbf16, #tpu.memory_space<vmem_shared>> -> memref<10240x96xbf16, #tpu.memory_space<vmem_shared>>
      tpu.enqueue_indirect_dma source(%arg14 : memref<128x96xbf16, #tpu.memory_space<vmem>>) target(%dma_start3A_138 : memref<10240x96xbf16, #tpu.memory_space<vmem_shared>>) offsets(%dma_start3A_135 : memref<128xi32, #tpu.memory_space<vmem>>) semaphore(%arg22 : memref<!tpu.dma_semaphore, #tpu.memory_space<semaphore_mem>>) {add = true}
      %mul3A_139 = arith.constant 4 : i32
      %mul3A_140 = arith.muli %mul3A_139, %scan3A_36 : i32
      %add3A_141 = arith.constant 3 : i32
      %add3A_142 = arith.addi %mul3A_140, %add3A_141 : i32
      %dma_wait3A_143 = arith.constant 0 : i32
      %dma_wait3A_144 = tpu.memref_slice %arg9[%add3A_142, %dma_wait3A_143] : memref<40x128xi32, #tpu.memory_space<vmem>> -> memref<1x128xi32, #tpu.memory_space<vmem>>
      %dma_wait3A_145 = tpu.memref_squeeze %dma_wait3A_144 : memref<1x128xi32, #tpu.memory_space<vmem>> -> memref<128xi32, #tpu.memory_space<vmem>>
      %dma_wait3A_146 = arith.constant 0 : i32
      %dma_wait3A_147 = arith.constant 0 : i32
      %dma_wait3A_148 = tpu.memref_slice %arg2[%dma_wait3A_146, %dma_wait3A_147] : memref<10000x96xbf16, #tpu.memory_space<hbm>> -> memref<10000x96xbf16, #tpu.memory_space<hbm>>
      tpu.wait_indirect_dma semaphore(%arg19 : memref<!tpu.dma_semaphore, #tpu.memory_space<semaphore_mem>>) src(%dma_wait3A_148 : memref<10000x96xbf16, #tpu.memory_space<hbm>>) dst(%arg15 : memref<128x96xbf16, #tpu.memory_space<vmem>>)
      %ge3A_149 = arith.constant 3 : i32
      %ge3A_150 = arith.cmpi sge, %add3A_142, %ge3A_149 : i32
      %convert_element_type3A_151 = arith.extui %ge3A_150 : i1 to i32
      %cond3A_152 = arith.constant 0 : i32
      %cond3A_153 = arith.cmpi ne, %convert_element_type3A_151, %cond3A_152 : i32
      scf.if %cond3A_153 {
        %sub3A = arith.constant 3 : i32
        %sub3A_175 = arith.subi %add3A_142, %sub3A : i32
        %dma_wait3A_176 = arith.constant 0 : i32
        %dma_wait3A_177 = tpu.memref_slice %arg10[%sub3A_175, %dma_wait3A_176] : memref<40x128xi32, #tpu.memory_space<vmem>> -> memref<1x128xi32, #tpu.memory_space<vmem>>
        %dma_wait3A_178 = tpu.memref_squeeze %dma_wait3A_177 : memref<1x128xi32, #tpu.memory_space<vmem>> -> memref<128xi32, #tpu.memory_space<vmem>>
        %dma_wait3A_179 = arith.constant 0 : i32
        %dma_wait3A_180 = arith.constant 0 : i32
        %dma_wait3A_181 = tpu.memref_slice %arg8[%dma_wait3A_179, %dma_wait3A_180] : memref<10240x96xbf16, #tpu.memory_space<vmem_shared>> -> memref<10240x96xbf16, #tpu.memory_space<vmem_shared>>
        tpu.wait_indirect_dma semaphore(%arg20 : memref<!tpu.dma_semaphore, #tpu.memory_space<semaphore_mem>>) src(%arg12 : memref<128x96xbf16, #tpu.memory_space<vmem>>) dst(%dma_wait3A_181 : memref<10240x96xbf16, #tpu.memory_space<vmem_shared>>)
      } else {
      }
      %add3A_154 = arith.constant 1 : i32
      %add3A_155 = arith.addi %add3A_142, %add3A_154 : i32
      %lt3A_156 = arith.constant 40 : i32
      %lt3A_157 = arith.cmpi slt, %add3A_155, %lt3A_156 : i32
      %convert_element_type3A_158 = arith.extui %lt3A_157 : i1 to i32
      %cond3A_159 = arith.constant 0 : i32
      %cond3A_160 = arith.cmpi ne, %convert_element_type3A_158, %cond3A_159 : i32
      scf.if %cond3A_160 {
        %add3A_175 = arith.constant 1 : i32
        %add3A_176 = arith.addi %add3A_142, %add3A_175 : i32
        %dma_start3A_177 = arith.constant 0 : i32
        %dma_start3A_178 = tpu.memref_slice %arg9[%add3A_176, %dma_start3A_177] : memref<40x128xi32, #tpu.memory_space<vmem>> -> memref<1x128xi32, #tpu.memory_space<vmem>>
        %dma_start3A_179 = tpu.memref_squeeze %dma_start3A_178 : memref<1x128xi32, #tpu.memory_space<vmem>> -> memref<128xi32, #tpu.memory_space<vmem>>
        %dma_start3A_180 = arith.constant 0 : i32
        %dma_start3A_181 = arith.constant 0 : i32
        %dma_start3A_182 = tpu.memref_slice %arg2[%dma_start3A_180, %dma_start3A_181] : memref<10000x96xbf16, #tpu.memory_space<hbm>> -> memref<10000x96xbf16, #tpu.memory_space<hbm>>
        tpu.enqueue_indirect_dma source(%dma_start3A_182 : memref<10000x96xbf16, #tpu.memory_space<hbm>>) target(%arg12 : memref<128x96xbf16, #tpu.memory_space<vmem>>) offsets(%dma_start3A_179 : memref<128xi32, #tpu.memory_space<vmem>>) semaphore(%arg16 : memref<!tpu.dma_semaphore, #tpu.memory_space<semaphore_mem>>)
      } else {
      }
      %scan3A_161 = arith.constant 0 : i32
      %scan3A_162 = arith.constant 0 : i32
      %scan3A_163 = arith.constant 8 : i32
      %scan3A_164 = arith.addi %scan3A_162, %scan3A_163 : i32
      %scan3A_165 = arith.constant 1 : i32
      %scan3A_166 = scf.for %scan3A_175 = %scan3A_162 to %scan3A_164 step %scan3A_165 iter_args(%scan3A_176 = %scan3A_161) -> (i32)  : i32 {
        %mul3A_177 = arith.constant 16 : i32
        %mul3A_178 = arith.muli %scan3A_175, %mul3A_177 : i32
        %get3A = arith.index_cast %add3A_142 : i32 to index
        %get3A_179 = arith.index_cast %mul3A_178 : i32 to index
        %get3A_180 = tpu.vector_load %arg11[%get3A, %get3A_179] {strides = array<i32>} : memref<40x128xf32, #tpu.memory_space<vmem>>, vector<16xf32>,
        %slice3A = vector.extract_strided_slice %get3A_180 {offsets = [0], sizes = [1], strides = [1]} : vector<16xf32> to vector<1xf32>
        %squeeze3A = vector.extract %slice3A[0] : f32 from vector<1xf32>
        %broadcast_in_dim3A = vector.broadcast %squeeze3A : f32 to vector<16xf32>
        %pack3A = tpu.pack_subelements %broadcast_in_dim3A, %broadcast_in_dim3A {pack_format = #tpu.pack_format<interleaved>, positions = array<i32: 0, 1>} : vector<16xf32>, vector<16xf32> -> vector<32xbf16>
        %mul3A_181 = arith.constant 16 : i32
        %mul3A_182 = arith.muli %scan3A_175, %mul3A_181 : i32
        %add3A_183 = arith.constant 0 : i32
        %add3A_184 = arith.addi %mul3A_182, %add3A_183 : i32
        %get3A_185 = arith.index_cast %add3A_184 : i32 to index
        %get3A_186 = arith.constant 0 : index
        %get3A_187 = tpu.vector_load %arg15[%get3A_185, %get3A_186] {strides = array<i32>} : memref<128x96xbf16, #tpu.memory_space<vmem>>, vector<32xbf16>,
        %mul3A_188 = arith.mulf %get3A_187, %pack3A : vector<32xbf16>
        %swap3A = arith.index_cast %add3A_184 : i32 to index
        %swap3A_189 = arith.constant 0 : index
        %swap3A_190 = tpu.vector_load %arg15[%swap3A, %swap3A_189] {strides = array<i32>} : memref<128x96xbf16, #tpu.memory_space<vmem>>, vector<32xbf16>,
        tpu.vector_store %arg15[%swap3A, %swap3A_189], %mul3A_188 {strides = array<i32>} : memref<128x96xbf16, #tpu.memory_space<vmem>>, vector<32xbf16>,
        %get3A_191 = arith.index_cast %add3A_184 : i32 to index
        %get3A_192 = arith.constant 32 : index
        %get3A_193 = tpu.vector_load %arg15[%get3A_191, %get3A_192] {strides = array<i32>} : memref<128x96xbf16, #tpu.memory_space<vmem>>, vector<32xbf16>,
        %mul3A_194 = arith.mulf %get3A_193, %pack3A : vector<32xbf16>
        %swap3A_195 = arith.index_cast %add3A_184 : i32 to index
        %swap3A_196 = arith.constant 32 : index
        %swap3A_197 = tpu.vector_load %arg15[%swap3A_195, %swap3A_196] {strides = array<i32>} : memref<128x96xbf16, #tpu.memory_space<vmem>>, vector<32xbf16>,
        tpu.vector_store %arg15[%swap3A_195, %swap3A_196], %mul3A_194 {strides = array<i32>} : memref<128x96xbf16, #tpu.memory_space<vmem>>, vector<32xbf16>,
        %get3A_198 = arith.index_cast %add3A_184 : i32 to index
        %get3A_199 = arith.constant 64 : index
        %get3A_200 = tpu.vector_load %arg15[%get3A_198, %get3A_199] {strides = array<i32>} : memref<128x96xbf16, #tpu.memory_space<vmem>>, vector<32xbf16>,
        %mul3A_201 = arith.mulf %get3A_200, %pack3A : vector<32xbf16>
        %swap3A_202 = arith.index_cast %add3A_184 : i32 to index
        %swap3A_203 = arith.constant 64 : index
        %swap3A_204 = tpu.vector_load %arg15[%swap3A_202, %swap3A_203] {strides = array<i32>} : memref<128x96xbf16, #tpu.memory_space<vmem>>, vector<32xbf16>,
        tpu.vector_store %arg15[%swap3A_202, %swap3A_203], %mul3A_201 {strides = array<i32>} : memref<128x96xbf16, #tpu.memory_space<vmem>>, vector<32xbf16>,
        %slice3A_205 = vector.extract_strided_slice %get3A_180 {offsets = [1], sizes = [1], strides = [1]} : vector<16xf32> to vector<1xf32>
        %squeeze3A_206 = vector.extract %slice3A_205[0] : f32 from vector<1xf32>
        %broadcast_in_dim3A_207 = vector.broadcast %squeeze3A_206 : f32 to vector<16xf32>
        %pack3A_208 = tpu.pack_subelements %broadcast_in_dim3A_207, %broadcast_in_dim3A_207 {pack_format = #tpu.pack_format<interleaved>, positions = array<i32: 0, 1>} : vector<16xf32>, vector<16xf32> -> vector<32xbf16>
        %mul3A_209 = arith.constant 16 : i32
        %mul3A_210 = arith.muli %scan3A_175, %mul3A_209 : i32
        %add3A_211 = arith.constant 1 : i32
        %add3A_212 = arith.addi %mul3A_210, %add3A_211 : i32
        %get3A_213 = arith.index_cast %add3A_212 : i32 to index
        %get3A_214 = arith.constant 0 : index
        %get3A_215 = tpu.vector_load %arg15[%get3A_213, %get3A_214] {strides = array<i32>} : memref<128x96xbf16, #tpu.memory_space<vmem>>, vector<32xbf16>,
        %mul3A_216 = arith.mulf %get3A_215, %pack3A_208 : vector<32xbf16>
        %swap3A_217 = arith.index_cast %add3A_212 : i32 to index
        %swap3A_218 = arith.constant 0 : index
        %swap3A_219 = tpu.vector_load %arg15[%swap3A_217, %swap3A_218] {strides = array<i32>} : memref<128x96xbf16, #tpu.memory_space<vmem>>, vector<32xbf16>,
        tpu.vector_store %arg15[%swap3A_217, %swap3A_218], %mul3A_216 {strides = array<i32>} : memref<128x96xbf16, #tpu.memory_space<vmem>>, vector<32xbf16>,
        %get3A_220 = arith.index_cast %add3A_212 : i32 to index
        %get3A_221 = arith.constant 32 : index
        %get3A_222 = tpu.vector_load %arg15[%get3A_220, %get3A_221] {strides = array<i32>} : memref<128x96xbf16, #tpu.memory_space<vmem>>, vector<32xbf16>,
        %mul3A_223 = arith.mulf %get3A_222, %pack3A_208 : vector<32xbf16>
        %swap3A_224 = arith.index_cast %add3A_212 : i32 to index
        %swap3A_225 = arith.constant 32 : index
        %swap3A_226 = tpu.vector_load %arg15[%swap3A_224, %swap3A_225] {strides = array<i32>} : memref<128x96xbf16, #tpu.memory_space<vmem>>, vector<32xbf16>,
        tpu.vector_store %arg15[%swap3A_224, %swap3A_225], %mul3A_223 {strides = array<i32>} : memref<128x96xbf16, #tpu.memory_space<vmem>>, vector<32xbf16>,
        %get3A_227 = arith.index_cast %add3A_212 : i32 to index
        %get3A_228 = arith.constant 64 : index
        %get3A_229 = tpu.vector_load %arg15[%get3A_227, %get3A_228] {strides = array<i32>} : memref<128x96xbf16, #tpu.memory_space<vmem>>, vector<32xbf16>,
        %mul3A_230 = arith.mulf %get3A_229, %pack3A_208 : vector<32xbf16>
        %swap3A_231 = arith.index_cast %add3A_212 : i32 to index
        %swap3A_232 = arith.constant 64 : index
        %swap3A_233 = tpu.vector_load %arg15[%swap3A_231, %swap3A_232] {strides = array<i32>} : memref<128x96xbf16, #tpu.memory_space<vmem>>, vector<32xbf16>,
        tpu.vector_store %arg15[%swap3A_231, %swap3A_232], %mul3A_230 {strides = array<i32>} : memref<128x96xbf16, #tpu.memory_space<vmem>>, vector<32xbf16>,
        %slice3A_234 = vector.extract_strided_slice %get3A_180 {offsets = [2], sizes = [1], strides = [1]} : vector<16xf32> to vector<1xf32>
        %squeeze3A_235 = vector.extract %slice3A_234[0] : f32 from vector<1xf32>
        %broadcast_in_dim3A_236 = vector.broadcast %squeeze3A_235 : f32 to vector<16xf32>
        %pack3A_237 = tpu.pack_subelements %broadcast_in_dim3A_236, %broadcast_in_dim3A_236 {pack_format = #tpu.pack_format<interleaved>, positions = array<i32: 0, 1>} : vector<16xf32>, vector<16xf32> -> vector<32xbf16>
        %mul3A_238 = arith.constant 16 : i32
        %mul3A_239 = arith.muli %scan3A_175, %mul3A_238 : i32
        %add3A_240 = arith.constant 2 : i32
        %add3A_241 = arith.addi %mul3A_239, %add3A_240 : i32
        %get3A_242 = arith.index_cast %add3A_241 : i32 to index
        %get3A_243 = arith.constant 0 : index
        %get3A_244 = tpu.vector_load %arg15[%get3A_242, %get3A_243] {strides = array<i32>} : memref<128x96xbf16, #tpu.memory_space<vmem>>, vector<32xbf16>,
        %mul3A_245 = arith.mulf %get3A_244, %pack3A_237 : vector<32xbf16>
        %swap3A_246 = arith.index_cast %add3A_241 : i32 to index
        %swap3A_247 = arith.constant 0 : index
        %swap3A_248 = tpu.vector_load %arg15[%swap3A_246, %swap3A_247] {strides = array<i32>} : memref<128x96xbf16, #tpu.memory_space<vmem>>, vector<32xbf16>,
        tpu.vector_store %arg15[%swap3A_246, %swap3A_247], %mul3A_245 {strides = array<i32>} : memref<128x96xbf16, #tpu.memory_space<vmem>>, vector<32xbf16>,
        %get3A_249 = arith.index_cast %add3A_241 : i32 to index
        %get3A_250 = arith.constant 32 : index
        %get3A_251 = tpu.vector_load %arg15[%get3A_249, %get3A_250] {strides = array<i32>} : memref<128x96xbf16, #tpu.memory_space<vmem>>, vector<32xbf16>,
        %mul3A_252 = arith.mulf %get3A_251, %pack3A_237 : vector<32xbf16>
        %swap3A_253 = arith.index_cast %add3A_241 : i32 to index
        %swap3A_254 = arith.constant 32 : index
        %swap3A_255 = tpu.vector_load %arg15[%swap3A_253, %swap3A_254] {strides = array<i32>} : memref<128x96xbf16, #tpu.memory_space<vmem>>, vector<32xbf16>,
        tpu.vector_store %arg15[%swap3A_253, %swap3A_254], %mul3A_252 {strides = array<i32>} : memref<128x96xbf16, #tpu.memory_space<vmem>>, vector<32xbf16>,
        %get3A_256 = arith.index_cast %add3A_241 : i32 to index
        %get3A_257 = arith.constant 64 : index
        %get3A_258 = tpu.vector_load %arg15[%get3A_256, %get3A_257] {strides = array<i32>} : memref<128x96xbf16, #tpu.memory_space<vmem>>, vector<32xbf16>,
        %mul3A_259 = arith.mulf %get3A_258, %pack3A_237 : vector<32xbf16>
        %swap3A_260 = arith.index_cast %add3A_241 : i32 to index
        %swap3A_261 = arith.constant 64 : index
        %swap3A_262 = tpu.vector_load %arg15[%swap3A_260, %swap3A_261] {strides = array<i32>} : memref<128x96xbf16, #tpu.memory_space<vmem>>, vector<32xbf16>,
        tpu.vector_store %arg15[%swap3A_260, %swap3A_261], %mul3A_259 {strides = array<i32>} : memref<128x96xbf16, #tpu.memory_space<vmem>>, vector<32xbf16>,
        %slice3A_263 = vector.extract_strided_slice %get3A_180 {offsets = [3], sizes = [1], strides = [1]} : vector<16xf32> to vector<1xf32>
        %squeeze3A_264 = vector.extract %slice3A_263[0] : f32 from vector<1xf32>
        %broadcast_in_dim3A_265 = vector.broadcast %squeeze3A_264 : f32 to vector<16xf32>
        %pack3A_266 = tpu.pack_subelements %broadcast_in_dim3A_265, %broadcast_in_dim3A_265 {pack_format = #tpu.pack_format<interleaved>, positions = array<i32: 0, 1>} : vector<16xf32>, vector<16xf32> -> vector<32xbf16>
        %mul3A_267 = arith.constant 16 : i32
        %mul3A_268 = arith.muli %scan3A_175, %mul3A_267 : i32
        %add3A_269 = arith.constant 3 : i32
        %add3A_270 = arith.addi %mul3A_268, %add3A_269 : i32
        %get3A_271 = arith.index_cast %add3A_270 : i32 to index
        %get3A_272 = arith.constant 0 : index
        %get3A_273 = tpu.vector_load %arg15[%get3A_271, %get3A_272] {strides = array<i32>} : memref<128x96xbf16, #tpu.memory_space<vmem>>, vector<32xbf16>,
        %mul3A_274 = arith.mulf %get3A_273, %pack3A_266 : vector<32xbf16>
        %swap3A_275 = arith.index_cast %add3A_270 : i32 to index
        %swap3A_276 = arith.constant 0 : index
        %swap3A_277 = tpu.vector_load %arg15[%swap3A_275, %swap3A_276] {strides = array<i32>} : memref<128x96xbf16, #tpu.memory_space<vmem>>, vector<32xbf16>,
        tpu.vector_store %arg15[%swap3A_275, %swap3A_276], %mul3A_274 {strides = array<i32>} : memref<128x96xbf16, #tpu.memory_space<vmem>>, vector<32xbf16>,
        %get3A_278 = arith.index_cast %add3A_270 : i32 to index
        %get3A_279 = arith.constant 32 : index
        %get3A_280 = tpu.vector_load %arg15[%get3A_278, %get3A_279] {strides = array<i32>} : memref<128x96xbf16, #tpu.memory_space<vmem>>, vector<32xbf16>,
        %mul3A_281 = arith.mulf %get3A_280, %pack3A_266 : vector<32xbf16>
        %swap3A_282 = arith.index_cast %add3A_270 : i32 to index
        %swap3A_283 = arith.constant 32 : index
        %swap3A_284 = tpu.vector_load %arg15[%swap3A_282, %swap3A_283] {strides = array<i32>} : memref<128x96xbf16, #tpu.memory_space<vmem>>, vector<32xbf16>,
        tpu.vector_store %arg15[%swap3A_282, %swap3A_283], %mul3A_281 {strides = array<i32>} : memref<128x96xbf16, #tpu.memory_space<vmem>>, vector<32xbf16>,
        %get3A_285 = arith.index_cast %add3A_270 : i32 to index
        %get3A_286 = arith.constant 64 : index
        %get3A_287 = tpu.vector_load %arg15[%get3A_285, %get3A_286] {strides = array<i32>} : memref<128x96xbf16, #tpu.memory_space<vmem>>, vector<32xbf16>,
        %mul3A_288 = arith.mulf %get3A_287, %pack3A_266 : vector<32xbf16>
        %swap3A_289 = arith.index_cast %add3A_270 : i32 to index
        %swap3A_290 = arith.constant 64 : index
        %swap3A_291 = tpu.vector_load %arg15[%swap3A_289, %swap3A_290] {strides = array<i32>} : memref<128x96xbf16, #tpu.memory_space<vmem>>, vector<32xbf16>,
        tpu.vector_store %arg15[%swap3A_289, %swap3A_290], %mul3A_288 {strides = array<i32>} : memref<128x96xbf16, #tpu.memory_space<vmem>>, vector<32xbf16>,
        %slice3A_292 = vector.extract_strided_slice %get3A_180 {offsets = [4], sizes = [1], strides = [1]} : vector<16xf32> to vector<1xf32>
        %squeeze3A_293 = vector.extract %slice3A_292[0] : f32 from vector<1xf32>
        %broadcast_in_dim3A_294 = vector.broadcast %squeeze3A_293 : f32 to vector<16xf32>
        %pack3A_295 = tpu.pack_subelements %broadcast_in_dim3A_294, %broadcast_in_dim3A_294 {pack_format = #tpu.pack_format<interleaved>, positions = array<i32: 0, 1>} : vector<16xf32>, vector<16xf32> -> vector<32xbf16>
        %mul3A_296 = arith.constant 16 : i32
        %mul3A_297 = arith.muli %scan3A_175, %mul3A_296 : i32
        %add3A_298 = arith.constant 4 : i32
        %add3A_299 = arith.addi %mul3A_297, %add3A_298 : i32
        %get3A_300 = arith.index_cast %add3A_299 : i32 to index
        %get3A_301 = arith.constant 0 : index
        %get3A_302 = tpu.vector_load %arg15[%get3A_300, %get3A_301] {strides = array<i32>} : memref<128x96xbf16, #tpu.memory_space<vmem>>, vector<32xbf16>,
        %mul3A_303 = arith.mulf %get3A_302, %pack3A_295 : vector<32xbf16>
        %swap3A_304 = arith.index_cast %add3A_299 : i32 to index
        %swap3A_305 = arith.constant 0 : index
        %swap3A_306 = tpu.vector_load %arg15[%swap3A_304, %swap3A_305] {strides = array<i32>} : memref<128x96xbf16, #tpu.memory_space<vmem>>, vector<32xbf16>,
        tpu.vector_store %arg15[%swap3A_304, %swap3A_305], %mul3A_303 {strides = array<i32>} : memref<128x96xbf16, #tpu.memory_space<vmem>>, vector<32xbf16>,
        %get3A_307 = arith.index_cast %add3A_299 : i32 to index
        %get3A_308 = arith.constant 32 : index
        %get3A_309 = tpu.vector_load %arg15[%get3A_307, %get3A_308] {strides = array<i32>} : memref<128x96xbf16, #tpu.memory_space<vmem>>, vector<32xbf16>,
        %mul3A_310 = arith.mulf %get3A_309, %pack3A_295 : vector<32xbf16>
        %swap3A_311 = arith.index_cast %add3A_299 : i32 to index
        %swap3A_312 = arith.constant 32 : index
        %swap3A_313 = tpu.vector_load %arg15[%swap3A_311, %swap3A_312] {strides = array<i32>} : memref<128x96xbf16, #tpu.memory_space<vmem>>, vector<32xbf16>,
        tpu.vector_store %arg15[%swap3A_311, %swap3A_312], %mul3A_310 {strides = array<i32>} : memref<128x96xbf16, #tpu.memory_space<vmem>>, vector<32xbf16>,
        %get3A_314 = arith.index_cast %add3A_299 : i32 to index
        %get3A_315 = arith.constant 64 : index
        %get3A_316 = tpu.vector_load %arg15[%get3A_314, %get3A_315] {strides = array<i32>} : memref<128x96xbf16, #tpu.memory_space<vmem>>, vector<32xbf16>,
        %mul3A_317 = arith.mulf %get3A_316, %pack3A_295 : vector<32xbf16>
        %swap3A_318 = arith.index_cast %add3A_299 : i32 to index
        %swap3A_319 = arith.constant 64 : index
        %swap3A_320 = tpu.vector_load %arg15[%swap3A_318, %swap3A_319] {strides = array<i32>} : memref<128x96xbf16, #tpu.memory_space<vmem>>, vector<32xbf16>,
        tpu.vector_store %arg15[%swap3A_318, %swap3A_319], %mul3A_317 {strides = array<i32>} : memref<128x96xbf16, #tpu.memory_space<vmem>>, vector<32xbf16>,
        %slice3A_321 = vector.extract_strided_slice %get3A_180 {offsets = [5], sizes = [1], strides = [1]} : vector<16xf32> to vector<1xf32>
        %squeeze3A_322 = vector.extract %slice3A_321[0] : f32 from vector<1xf32>
        %broadcast_in_dim3A_323 = vector.broadcast %squeeze3A_322 : f32 to vector<16xf32>
        %pack3A_324 = tpu.pack_subelements %broadcast_in_dim3A_323, %broadcast_in_dim3A_323 {pack_format = #tpu.pack_format<interleaved>, positions = array<i32: 0, 1>} : vector<16xf32>, vector<16xf32> -> vector<32xbf16>
        %mul3A_325 = arith.constant 16 : i32
        %mul3A_326 = arith.muli %scan3A_175, %mul3A_325 : i32
        %add3A_327 = arith.constant 5 : i32
        %add3A_328 = arith.addi %mul3A_326, %add3A_327 : i32
        %get3A_329 = arith.index_cast %add3A_328 : i32 to index
        %get3A_330 = arith.constant 0 : index
        %get3A_331 = tpu.vector_load %arg15[%get3A_329, %get3A_330] {strides = array<i32>} : memref<128x96xbf16, #tpu.memory_space<vmem>>, vector<32xbf16>,
        %mul3A_332 = arith.mulf %get3A_331, %pack3A_324 : vector<32xbf16>
        %swap3A_333 = arith.index_cast %add3A_328 : i32 to index
        %swap3A_334 = arith.constant 0 : index
        %swap3A_335 = tpu.vector_load %arg15[%swap3A_333, %swap3A_334] {strides = array<i32>} : memref<128x96xbf16, #tpu.memory_space<vmem>>, vector<32xbf16>,
        tpu.vector_store %arg15[%swap3A_333, %swap3A_334], %mul3A_332 {strides = array<i32>} : memref<128x96xbf16, #tpu.memory_space<vmem>>, vector<32xbf16>,
        %get3A_336 = arith.index_cast %add3A_328 : i32 to index
        %get3A_337 = arith.constant 32 : index
        %get3A_338 = tpu.vector_load %arg15[%get3A_336, %get3A_337] {strides = array<i32>} : memref<128x96xbf16, #tpu.memory_space<vmem>>, vector<32xbf16>,
        %mul3A_339 = arith.mulf %get3A_338, %pack3A_324 : vector<32xbf16>
        %swap3A_340 = arith.index_cast %add3A_328 : i32 to index
        %swap3A_341 = arith.constant 32 : index
        %swap3A_342 = tpu.vector_load %arg15[%swap3A_340, %swap3A_341] {strides = array<i32>} : memref<128x96xbf16, #tpu.memory_space<vmem>>, vector<32xbf16>,
        tpu.vector_store %arg15[%swap3A_340, %swap3A_341], %mul3A_339 {strides = array<i32>} : memref<128x96xbf16, #tpu.memory_space<vmem>>, vector<32xbf16>,
        %get3A_343 = arith.index_cast %add3A_328 : i32 to index
        %get3A_344 = arith.constant 64 : index
        %get3A_345 = tpu.vector_load %arg15[%get3A_343, %get3A_344] {strides = array<i32>} : memref<128x96xbf16, #tpu.memory_space<vmem>>, vector<32xbf16>,
        %mul3A_346 = arith.mulf %get3A_345, %pack3A_324 : vector<32xbf16>
        %swap3A_347 = arith.index_cast %add3A_328 : i32 to index
        %swap3A_348 = arith.constant 64 : index
        %swap3A_349 = tpu.vector_load %arg15[%swap3A_347, %swap3A_348] {strides = array<i32>} : memref<128x96xbf16, #tpu.memory_space<vmem>>, vector<32xbf16>,
        tpu.vector_store %arg15[%swap3A_347, %swap3A_348], %mul3A_346 {strides = array<i32>} : memref<128x96xbf16, #tpu.memory_space<vmem>>, vector<32xbf16>,
        %slice3A_350 = vector.extract_strided_slice %get3A_180 {offsets = [6], sizes = [1], strides = [1]} : vector<16xf32> to vector<1xf32>
        %squeeze3A_351 = vector.extract %slice3A_350[0] : f32 from vector<1xf32>
        %broadcast_in_dim3A_352 = vector.broadcast %squeeze3A_351 : f32 to vector<16xf32>
        %pack3A_353 = tpu.pack_subelements %broadcast_in_dim3A_352, %broadcast_in_dim3A_352 {pack_format = #tpu.pack_format<interleaved>, positions = array<i32: 0, 1>} : vector<16xf32>, vector<16xf32> -> vector<32xbf16>
        %mul3A_354 = arith.constant 16 : i32
        %mul3A_355 = arith.muli %scan3A_175, %mul3A_354 : i32
        %add3A_356 = arith.constant 6 : i32
        %add3A_357 = arith.addi %mul3A_355, %add3A_356 : i32
        %get3A_358 = arith.index_cast %add3A_357 : i32 to index
        %get3A_359 = arith.constant 0 : index
        %get3A_360 = tpu.vector_load %arg15[%get3A_358, %get3A_359] {strides = array<i32>} : memref<128x96xbf16, #tpu.memory_space<vmem>>, vector<32xbf16>,
        %mul3A_361 = arith.mulf %get3A_360, %pack3A_353 : vector<32xbf16>
        %swap3A_362 = arith.index_cast %add3A_357 : i32 to index
        %swap3A_363 = arith.constant 0 : index
        %swap3A_364 = tpu.vector_load %arg15[%swap3A_362, %swap3A_363] {strides = array<i32>} : memref<128x96xbf16, #tpu.memory_space<vmem>>, vector<32xbf16>,
        tpu.vector_store %arg15[%swap3A_362, %swap3A_363], %mul3A_361 {strides = array<i32>} : memref<128x96xbf16, #tpu.memory_space<vmem>>, vector<32xbf16>,
        %get3A_365 = arith.index_cast %add3A_357 : i32 to index
        %get3A_366 = arith.constant 32 : index
        %get3A_367 = tpu.vector_load %arg15[%get3A_365, %get3A_366] {strides = array<i32>} : memref<128x96xbf16, #tpu.memory_space<vmem>>, vector<32xbf16>,
        %mul3A_368 = arith.mulf %get3A_367, %pack3A_353 : vector<32xbf16>
        %swap3A_369 = arith.index_cast %add3A_357 : i32 to index
        %swap3A_370 = arith.constant 32 : index
        %swap3A_371 = tpu.vector_load %arg15[%swap3A_369, %swap3A_370] {strides = array<i32>} : memref<128x96xbf16, #tpu.memory_space<vmem>>, vector<32xbf16>,
        tpu.vector_store %arg15[%swap3A_369, %swap3A_370], %mul3A_368 {strides = array<i32>} : memref<128x96xbf16, #tpu.memory_space<vmem>>, vector<32xbf16>,
        %get3A_372 = arith.index_cast %add3A_357 : i32 to index
        %get3A_373 = arith.constant 64 : index
        %get3A_374 = tpu.vector_load %arg15[%get3A_372, %get3A_373] {strides = array<i32>} : memref<128x96xbf16, #tpu.memory_space<vmem>>, vector<32xbf16>,
        %mul3A_375 = arith.mulf %get3A_374, %pack3A_353 : vector<32xbf16>
        %swap3A_376 = arith.index_cast %add3A_357 : i32 to index
        %swap3A_377 = arith.constant 64 : index
        %swap3A_378 = tpu.vector_load %arg15[%swap3A_376, %swap3A_377] {strides = array<i32>} : memref<128x96xbf16, #tpu.memory_space<vmem>>, vector<32xbf16>,
        tpu.vector_store %arg15[%swap3A_376, %swap3A_377], %mul3A_375 {strides = array<i32>} : memref<128x96xbf16, #tpu.memory_space<vmem>>, vector<32xbf16>,
        %slice3A_379 = vector.extract_strided_slice %get3A_180 {offsets = [7], sizes = [1], strides = [1]} : vector<16xf32> to vector<1xf32>
        %squeeze3A_380 = vector.extract %slice3A_379[0] : f32 from vector<1xf32>
        %broadcast_in_dim3A_381 = vector.broadcast %squeeze3A_380 : f32 to vector<16xf32>
        %pack3A_382 = tpu.pack_subelements %broadcast_in_dim3A_381, %broadcast_in_dim3A_381 {pack_format = #tpu.pack_format<interleaved>, positions = array<i32: 0, 1>} : vector<16xf32>, vector<16xf32> -> vector<32xbf16>
        %mul3A_383 = arith.constant 16 : i32
        %mul3A_384 = arith.muli %scan3A_175, %mul3A_383 : i32
        %add3A_385 = arith.constant 7 : i32
        %add3A_386 = arith.addi %mul3A_384, %add3A_385 : i32
        %get3A_387 = arith.index_cast %add3A_386 : i32 to index
        %get3A_388 = arith.constant 0 : index
        %get3A_389 = tpu.vector_load %arg15[%get3A_387, %get3A_388] {strides = array<i32>} : memref<128x96xbf16, #tpu.memory_space<vmem>>, vector<32xbf16>,
        %mul3A_390 = arith.mulf %get3A_389, %pack3A_382 : vector<32xbf16>
        %swap3A_391 = arith.index_cast %add3A_386 : i32 to index
        %swap3A_392 = arith.constant 0 : index
        %swap3A_393 = tpu.vector_load %arg15[%swap3A_391, %swap3A_392] {strides = array<i32>} : memref<128x96xbf16, #tpu.memory_space<vmem>>, vector<32xbf16>,
        tpu.vector_store %arg15[%swap3A_391, %swap3A_392], %mul3A_390 {strides = array<i32>} : memref<128x96xbf16, #tpu.memory_space<vmem>>, vector<32xbf16>,
        %get3A_394 = arith.index_cast %add3A_386 : i32 to index
        %get3A_395 = arith.constant 32 : index
        %get3A_396 = tpu.vector_load %arg15[%get3A_394, %get3A_395] {strides = array<i32>} : memref<128x96xbf16, #tpu.memory_space<vmem>>, vector<32xbf16>,
        %mul3A_397 = arith.mulf %get3A_396, %pack3A_382 : vector<32xbf16>
        %swap3A_398 = arith.index_cast %add3A_386 : i32 to index
        %swap3A_399 = arith.constant 32 : index
        %swap3A_400 = tpu.vector_load %arg15[%swap3A_398, %swap3A_399] {strides = array<i32>} : memref<128x96xbf16, #tpu.memory_space<vmem>>, vector<32xbf16>,
        tpu.vector_store %arg15[%swap3A_398, %swap3A_399], %mul3A_397 {strides = array<i32>} : memref<128x96xbf16, #tpu.memory_space<vmem>>, vector<32xbf16>,
        %get3A_401 = arith.index_cast %add3A_386 : i32 to index
        %get3A_402 = arith.constant 64 : index
        %get3A_403 = tpu.vector_load %arg15[%get3A_401, %get3A_402] {strides = array<i32>} : memref<128x96xbf16, #tpu.memory_space<vmem>>, vector<32xbf16>,
        %mul3A_404 = arith.mulf %get3A_403, %pack3A_382 : vector<32xbf16>
        %swap3A_405 = arith.index_cast %add3A_386 : i32 to index
        %swap3A_406 = arith.constant 64 : index
        %swap3A_407 = tpu.vector_load %arg15[%swap3A_405, %swap3A_406] {strides = array<i32>} : memref<128x96xbf16, #tpu.memory_space<vmem>>, vector<32xbf16>,
        tpu.vector_store %arg15[%swap3A_405, %swap3A_406], %mul3A_404 {strides = array<i32>} : memref<128x96xbf16, #tpu.memory_space<vmem>>, vector<32xbf16>,
        %slice3A_408 = vector.extract_strided_slice %get3A_180 {offsets = [8], sizes = [1], strides = [1]} : vector<16xf32> to vector<1xf32>
        %squeeze3A_409 = vector.extract %slice3A_408[0] : f32 from vector<1xf32>
        %broadcast_in_dim3A_410 = vector.broadcast %squeeze3A_409 : f32 to vector<16xf32>
        %pack3A_411 = tpu.pack_subelements %broadcast_in_dim3A_410, %broadcast_in_dim3A_410 {pack_format = #tpu.pack_format<interleaved>, positions = array<i32: 0, 1>} : vector<16xf32>, vector<16xf32> -> vector<32xbf16>
        %mul3A_412 = arith.constant 16 : i32
        %mul3A_413 = arith.muli %scan3A_175, %mul3A_412 : i32
        %add3A_414 = arith.constant 8 : i32
        %add3A_415 = arith.addi %mul3A_413, %add3A_414 : i32
        %get3A_416 = arith.index_cast %add3A_415 : i32 to index
        %get3A_417 = arith.constant 0 : index
        %get3A_418 = tpu.vector_load %arg15[%get3A_416, %get3A_417] {strides = array<i32>} : memref<128x96xbf16, #tpu.memory_space<vmem>>, vector<32xbf16>,
        %mul3A_419 = arith.mulf %get3A_418, %pack3A_411 : vector<32xbf16>
        %swap3A_420 = arith.index_cast %add3A_415 : i32 to index
        %swap3A_421 = arith.constant 0 : index
        %swap3A_422 = tpu.vector_load %arg15[%swap3A_420, %swap3A_421] {strides = array<i32>} : memref<128x96xbf16, #tpu.memory_space<vmem>>, vector<32xbf16>,
        tpu.vector_store %arg15[%swap3A_420, %swap3A_421], %mul3A_419 {strides = array<i32>} : memref<128x96xbf16, #tpu.memory_space<vmem>>, vector<32xbf16>,
        %get3A_423 = arith.index_cast %add3A_415 : i32 to index
        %get3A_424 = arith.constant 32 : index
        %get3A_425 = tpu.vector_load %arg15[%get3A_423, %get3A_424] {strides = array<i32>} : memref<128x96xbf16, #tpu.memory_space<vmem>>, vector<32xbf16>,
        %mul3A_426 = arith.mulf %get3A_425, %pack3A_411 : vector<32xbf16>
        %swap3A_427 = arith.index_cast %add3A_415 : i32 to index
        %swap3A_428 = arith.constant 32 : index
        %swap3A_429 = tpu.vector_load %arg15[%swap3A_427, %swap3A_428] {strides = array<i32>} : memref<128x96xbf16, #tpu.memory_space<vmem>>, vector<32xbf16>,
        tpu.vector_store %arg15[%swap3A_427, %swap3A_428], %mul3A_426 {strides = array<i32>} : memref<128x96xbf16, #tpu.memory_space<vmem>>, vector<32xbf16>,
        %get3A_430 = arith.index_cast %add3A_415 : i32 to index
        %get3A_431 = arith.constant 64 : index
        %get3A_432 = tpu.vector_load %arg15[%get3A_430, %get3A_431] {strides = array<i32>} : memref<128x96xbf16, #tpu.memory_space<vmem>>, vector<32xbf16>,
        %mul3A_433 = arith.mulf %get3A_432, %pack3A_411 : vector<32xbf16>
        %swap3A_434 = arith.index_cast %add3A_415 : i32 to index
        %swap3A_435 = arith.constant 64 : index
        %swap3A_436 = tpu.vector_load %arg15[%swap3A_434, %swap3A_435] {strides = array<i32>} : memref<128x96xbf16, #tpu.memory_space<vmem>>, vector<32xbf16>,
        tpu.vector_store %arg15[%swap3A_434, %swap3A_435], %mul3A_433 {strides = array<i32>} : memref<128x96xbf16, #tpu.memory_space<vmem>>, vector<32xbf16>,
        %slice3A_437 = vector.extract_strided_slice %get3A_180 {offsets = [9], sizes = [1], strides = [1]} : vector<16xf32> to vector<1xf32>
        %squeeze3A_438 = vector.extract %slice3A_437[0] : f32 from vector<1xf32>
        %broadcast_in_dim3A_439 = vector.broadcast %squeeze3A_438 : f32 to vector<16xf32>
        %pack3A_440 = tpu.pack_subelements %broadcast_in_dim3A_439, %broadcast_in_dim3A_439 {pack_format = #tpu.pack_format<interleaved>, positions = array<i32: 0, 1>} : vector<16xf32>, vector<16xf32> -> vector<32xbf16>
        %mul3A_441 = arith.constant 16 : i32
        %mul3A_442 = arith.muli %scan3A_175, %mul3A_441 : i32
        %add3A_443 = arith.constant 9 : i32
        %add3A_444 = arith.addi %mul3A_442, %add3A_443 : i32
        %get3A_445 = arith.index_cast %add3A_444 : i32 to index
        %get3A_446 = arith.constant 0 : index
        %get3A_447 = tpu.vector_load %arg15[%get3A_445, %get3A_446] {strides = array<i32>} : memref<128x96xbf16, #tpu.memory_space<vmem>>, vector<32xbf16>,
        %mul3A_448 = arith.mulf %get3A_447, %pack3A_440 : vector<32xbf16>
        %swap3A_449 = arith.index_cast %add3A_444 : i32 to index
        %swap3A_450 = arith.constant 0 : index
        %swap3A_451 = tpu.vector_load %arg15[%swap3A_449, %swap3A_450] {strides = array<i32>} : memref<128x96xbf16, #tpu.memory_space<vmem>>, vector<32xbf16>,
        tpu.vector_store %arg15[%swap3A_449, %swap3A_450], %mul3A_448 {strides = array<i32>} : memref<128x96xbf16, #tpu.memory_space<vmem>>, vector<32xbf16>,
        %get3A_452 = arith.index_cast %add3A_444 : i32 to index
        %get3A_453 = arith.constant 32 : index
        %get3A_454 = tpu.vector_load %arg15[%get3A_452, %get3A_453] {strides = array<i32>} : memref<128x96xbf16, #tpu.memory_space<vmem>>, vector<32xbf16>,
        %mul3A_455 = arith.mulf %get3A_454, %pack3A_440 : vector<32xbf16>
        %swap3A_456 = arith.index_cast %add3A_444 : i32 to index
        %swap3A_457 = arith.constant 32 : index
        %swap3A_458 = tpu.vector_load %arg15[%swap3A_456, %swap3A_457] {strides = array<i32>} : memref<128x96xbf16, #tpu.memory_space<vmem>>, vector<32xbf16>,
        tpu.vector_store %arg15[%swap3A_456, %swap3A_457], %mul3A_455 {strides = array<i32>} : memref<128x96xbf16, #tpu.memory_space<vmem>>, vector<32xbf16>,
        %get3A_459 = arith.index_cast %add3A_444 : i32 to index
        %get3A_460 = arith.constant 64 : index
        %get3A_461 = tpu.vector_load %arg15[%get3A_459, %get3A_460] {strides = array<i32>} : memref<128x96xbf16, #tpu.memory_space<vmem>>, vector<32xbf16>,
        %mul3A_462 = arith.mulf %get3A_461, %pack3A_440 : vector<32xbf16>
        %swap3A_463 = arith.index_cast %add3A_444 : i32 to index
        %swap3A_464 = arith.constant 64 : index
        %swap3A_465 = tpu.vector_load %arg15[%swap3A_463, %swap3A_464] {strides = array<i32>} : memref<128x96xbf16, #tpu.memory_space<vmem>>, vector<32xbf16>,
        tpu.vector_store %arg15[%swap3A_463, %swap3A_464], %mul3A_462 {strides = array<i32>} : memref<128x96xbf16, #tpu.memory_space<vmem>>, vector<32xbf16>,
        %slice3A_466 = vector.extract_strided_slice %get3A_180 {offsets = [10], sizes = [1], strides = [1]} : vector<16xf32> to vector<1xf32>
        %squeeze3A_467 = vector.extract %slice3A_466[0] : f32 from vector<1xf32>
        %broadcast_in_dim3A_468 = vector.broadcast %squeeze3A_467 : f32 to vector<16xf32>
        %pack3A_469 = tpu.pack_subelements %broadcast_in_dim3A_468, %broadcast_in_dim3A_468 {pack_format = #tpu.pack_format<interleaved>, positions = array<i32: 0, 1>} : vector<16xf32>, vector<16xf32> -> vector<32xbf16>
        %mul3A_470 = arith.constant 16 : i32
        %mul3A_471 = arith.muli %scan3A_175, %mul3A_470 : i32
        %add3A_472 = arith.constant 10 : i32
        %add3A_473 = arith.addi %mul3A_471, %add3A_472 : i32
        %get3A_474 = arith.index_cast %add3A_473 : i32 to index
        %get3A_475 = arith.constant 0 : index
        %get3A_476 = tpu.vector_load %arg15[%get3A_474, %get3A_475] {strides = array<i32>} : memref<128x96xbf16, #tpu.memory_space<vmem>>, vector<32xbf16>,
        %mul3A_477 = arith.mulf %get3A_476, %pack3A_469 : vector<32xbf16>
        %swap3A_478 = arith.index_cast %add3A_473 : i32 to index
        %swap3A_479 = arith.constant 0 : index
        %swap3A_480 = tpu.vector_load %arg15[%swap3A_478, %swap3A_479] {strides = array<i32>} : memref<128x96xbf16, #tpu.memory_space<vmem>>, vector<32xbf16>,
        tpu.vector_store %arg15[%swap3A_478, %swap3A_479], %mul3A_477 {strides = array<i32>} : memref<128x96xbf16, #tpu.memory_space<vmem>>, vector<32xbf16>,
        %get3A_481 = arith.index_cast %add3A_473 : i32 to index
        %get3A_482 = arith.constant 32 : index
        %get3A_483 = tpu.vector_load %arg15[%get3A_481, %get3A_482] {strides = array<i32>} : memref<128x96xbf16, #tpu.memory_space<vmem>>, vector<32xbf16>,
        %mul3A_484 = arith.mulf %get3A_483, %pack3A_469 : vector<32xbf16>
        %swap3A_485 = arith.index_cast %add3A_473 : i32 to index
        %swap3A_486 = arith.constant 32 : index
        %swap3A_487 = tpu.vector_load %arg15[%swap3A_485, %swap3A_486] {strides = array<i32>} : memref<128x96xbf16, #tpu.memory_space<vmem>>, vector<32xbf16>,
        tpu.vector_store %arg15[%swap3A_485, %swap3A_486], %mul3A_484 {strides = array<i32>} : memref<128x96xbf16, #tpu.memory_space<vmem>>, vector<32xbf16>,
        %get3A_488 = arith.index_cast %add3A_473 : i32 to index
        %get3A_489 = arith.constant 64 : index
        %get3A_490 = tpu.vector_load %arg15[%get3A_488, %get3A_489] {strides = array<i32>} : memref<128x96xbf16, #tpu.memory_space<vmem>>, vector<32xbf16>,
        %mul3A_491 = arith.mulf %get3A_490, %pack3A_469 : vector<32xbf16>
        %swap3A_492 = arith.index_cast %add3A_473 : i32 to index
        %swap3A_493 = arith.constant 64 : index
        %swap3A_494 = tpu.vector_load %arg15[%swap3A_492, %swap3A_493] {strides = array<i32>} : memref<128x96xbf16, #tpu.memory_space<vmem>>, vector<32xbf16>,
        tpu.vector_store %arg15[%swap3A_492, %swap3A_493], %mul3A_491 {strides = array<i32>} : memref<128x96xbf16, #tpu.memory_space<vmem>>, vector<32xbf16>,
        %slice3A_495 = vector.extract_strided_slice %get3A_180 {offsets = [11], sizes = [1], strides = [1]} : vector<16xf32> to vector<1xf32>
        %squeeze3A_496 = vector.extract %slice3A_495[0] : f32 from vector<1xf32>
        %broadcast_in_dim3A_497 = vector.broadcast %squeeze3A_496 : f32 to vector<16xf32>
        %pack3A_498 = tpu.pack_subelements %broadcast_in_dim3A_497, %broadcast_in_dim3A_497 {pack_format = #tpu.pack_format<interleaved>, positions = array<i32: 0, 1>} : vector<16xf32>, vector<16xf32> -> vector<32xbf16>
        %mul3A_499 = arith.constant 16 : i32
        %mul3A_500 = arith.muli %scan3A_175, %mul3A_499 : i32
        %add3A_501 = arith.constant 11 : i32
        %add3A_502 = arith.addi %mul3A_500, %add3A_501 : i32
        %get3A_503 = arith.index_cast %add3A_502 : i32 to index
        %get3A_504 = arith.constant 0 : index
        %get3A_505 = tpu.vector_load %arg15[%get3A_503, %get3A_504] {strides = array<i32>} : memref<128x96xbf16, #tpu.memory_space<vmem>>, vector<32xbf16>,
        %mul3A_506 = arith.mulf %get3A_505, %pack3A_498 : vector<32xbf16>
        %swap3A_507 = arith.index_cast %add3A_502 : i32 to index
        %swap3A_508 = arith.constant 0 : index
        %swap3A_509 = tpu.vector_load %arg15[%swap3A_507, %swap3A_508] {strides = array<i32>} : memref<128x96xbf16, #tpu.memory_space<vmem>>, vector<32xbf16>,
        tpu.vector_store %arg15[%swap3A_507, %swap3A_508], %mul3A_506 {strides = array<i32>} : memref<128x96xbf16, #tpu.memory_space<vmem>>, vector<32xbf16>,
        %get3A_510 = arith.index_cast %add3A_502 : i32 to index
        %get3A_511 = arith.constant 32 : index
        %get3A_512 = tpu.vector_load %arg15[%get3A_510, %get3A_511] {strides = array<i32>} : memref<128x96xbf16, #tpu.memory_space<vmem>>, vector<32xbf16>,
        %mul3A_513 = arith.mulf %get3A_512, %pack3A_498 : vector<32xbf16>
        %swap3A_514 = arith.index_cast %add3A_502 : i32 to index
        %swap3A_515 = arith.constant 32 : index
        %swap3A_516 = tpu.vector_load %arg15[%swap3A_514, %swap3A_515] {strides = array<i32>} : memref<128x96xbf16, #tpu.memory_space<vmem>>, vector<32xbf16>,
        tpu.vector_store %arg15[%swap3A_514, %swap3A_515], %mul3A_513 {strides = array<i32>} : memref<128x96xbf16, #tpu.memory_space<vmem>>, vector<32xbf16>,
        %get3A_517 = arith.index_cast %add3A_502 : i32 to index
        %get3A_518 = arith.constant 64 : index
        %get3A_519 = tpu.vector_load %arg15[%get3A_517, %get3A_518] {strides = array<i32>} : memref<128x96xbf16, #tpu.memory_space<vmem>>, vector<32xbf16>,
        %mul3A_520 = arith.mulf %get3A_519, %pack3A_498 : vector<32xbf16>
        %swap3A_521 = arith.index_cast %add3A_502 : i32 to index
        %swap3A_522 = arith.constant 64 : index
        %swap3A_523 = tpu.vector_load %arg15[%swap3A_521, %swap3A_522] {strides = array<i32>} : memref<128x96xbf16, #tpu.memory_space<vmem>>, vector<32xbf16>,
        tpu.vector_store %arg15[%swap3A_521, %swap3A_522], %mul3A_520 {strides = array<i32>} : memref<128x96xbf16, #tpu.memory_space<vmem>>, vector<32xbf16>,
        %slice3A_524 = vector.extract_strided_slice %get3A_180 {offsets = [12], sizes = [1], strides = [1]} : vector<16xf32> to vector<1xf32>
        %squeeze3A_525 = vector.extract %slice3A_524[0] : f32 from vector<1xf32>
        %broadcast_in_dim3A_526 = vector.broadcast %squeeze3A_525 : f32 to vector<16xf32>
        %pack3A_527 = tpu.pack_subelements %broadcast_in_dim3A_526, %broadcast_in_dim3A_526 {pack_format = #tpu.pack_format<interleaved>, positions = array<i32: 0, 1>} : vector<16xf32>, vector<16xf32> -> vector<32xbf16>
        %mul3A_528 = arith.constant 16 : i32
        %mul3A_529 = arith.muli %scan3A_175, %mul3A_528 : i32
        %add3A_530 = arith.constant 12 : i32
        %add3A_531 = arith.addi %mul3A_529, %add3A_530 : i32
        %get3A_532 = arith.index_cast %add3A_531 : i32 to index
        %get3A_533 = arith.constant 0 : index
        %get3A_534 = tpu.vector_load %arg15[%get3A_532, %get3A_533] {strides = array<i32>} : memref<128x96xbf16, #tpu.memory_space<vmem>>, vector<32xbf16>,
        %mul3A_535 = arith.mulf %get3A_534, %pack3A_527 : vector<32xbf16>
        %swap3A_536 = arith.index_cast %add3A_531 : i32 to index
        %swap3A_537 = arith.constant 0 : index
        %swap3A_538 = tpu.vector_load %arg15[%swap3A_536, %swap3A_537] {strides = array<i32>} : memref<128x96xbf16, #tpu.memory_space<vmem>>, vector<32xbf16>,
        tpu.vector_store %arg15[%swap3A_536, %swap3A_537], %mul3A_535 {strides = array<i32>} : memref<128x96xbf16, #tpu.memory_space<vmem>>, vector<32xbf16>,
        %get3A_539 = arith.index_cast %add3A_531 : i32 to index
        %get3A_540 = arith.constant 32 : index
        %get3A_541 = tpu.vector_load %arg15[%get3A_539, %get3A_540] {strides = array<i32>} : memref<128x96xbf16, #tpu.memory_space<vmem>>, vector<32xbf16>,
        %mul3A_542 = arith.mulf %get3A_541, %pack3A_527 : vector<32xbf16>
        %swap3A_543 = arith.index_cast %add3A_531 : i32 to index
        %swap3A_544 = arith.constant 32 : index
        %swap3A_545 = tpu.vector_load %arg15[%swap3A_543, %swap3A_544] {strides = array<i32>} : memref<128x96xbf16, #tpu.memory_space<vmem>>, vector<32xbf16>,
        tpu.vector_store %arg15[%swap3A_543, %swap3A_544], %mul3A_542 {strides = array<i32>} : memref<128x96xbf16, #tpu.memory_space<vmem>>, vector<32xbf16>,
        %get3A_546 = arith.index_cast %add3A_531 : i32 to index
        %get3A_547 = arith.constant 64 : index
        %get3A_548 = tpu.vector_load %arg15[%get3A_546, %get3A_547] {strides = array<i32>} : memref<128x96xbf16, #tpu.memory_space<vmem>>, vector<32xbf16>,
        %mul3A_549 = arith.mulf %get3A_548, %pack3A_527 : vector<32xbf16>
        %swap3A_550 = arith.index_cast %add3A_531 : i32 to index
        %swap3A_551 = arith.constant 64 : index
        %swap3A_552 = tpu.vector_load %arg15[%swap3A_550, %swap3A_551] {strides = array<i32>} : memref<128x96xbf16, #tpu.memory_space<vmem>>, vector<32xbf16>,
        tpu.vector_store %arg15[%swap3A_550, %swap3A_551], %mul3A_549 {strides = array<i32>} : memref<128x96xbf16, #tpu.memory_space<vmem>>, vector<32xbf16>,
        %slice3A_553 = vector.extract_strided_slice %get3A_180 {offsets = [13], sizes = [1], strides = [1]} : vector<16xf32> to vector<1xf32>
        %squeeze3A_554 = vector.extract %slice3A_553[0] : f32 from vector<1xf32>
        %broadcast_in_dim3A_555 = vector.broadcast %squeeze3A_554 : f32 to vector<16xf32>
        %pack3A_556 = tpu.pack_subelements %broadcast_in_dim3A_555, %broadcast_in_dim3A_555 {pack_format = #tpu.pack_format<interleaved>, positions = array<i32: 0, 1>} : vector<16xf32>, vector<16xf32> -> vector<32xbf16>
        %mul3A_557 = arith.constant 16 : i32
        %mul3A_558 = arith.muli %scan3A_175, %mul3A_557 : i32
        %add3A_559 = arith.constant 13 : i32
        %add3A_560 = arith.addi %mul3A_558, %add3A_559 : i32
        %get3A_561 = arith.index_cast %add3A_560 : i32 to index
        %get3A_562 = arith.constant 0 : index
        %get3A_563 = tpu.vector_load %arg15[%get3A_561, %get3A_562] {strides = array<i32>} : memref<128x96xbf16, #tpu.memory_space<vmem>>, vector<32xbf16>,
        %mul3A_564 = arith.mulf %get3A_563, %pack3A_556 : vector<32xbf16>
        %swap3A_565 = arith.index_cast %add3A_560 : i32 to index
        %swap3A_566 = arith.constant 0 : index
        %swap3A_567 = tpu.vector_load %arg15[%swap3A_565, %swap3A_566] {strides = array<i32>} : memref<128x96xbf16, #tpu.memory_space<vmem>>, vector<32xbf16>,
        tpu.vector_store %arg15[%swap3A_565, %swap3A_566], %mul3A_564 {strides = array<i32>} : memref<128x96xbf16, #tpu.memory_space<vmem>>, vector<32xbf16>,
        %get3A_568 = arith.index_cast %add3A_560 : i32 to index
        %get3A_569 = arith.constant 32 : index
        %get3A_570 = tpu.vector_load %arg15[%get3A_568, %get3A_569] {strides = array<i32>} : memref<128x96xbf16, #tpu.memory_space<vmem>>, vector<32xbf16>,
        %mul3A_571 = arith.mulf %get3A_570, %pack3A_556 : vector<32xbf16>
        %swap3A_572 = arith.index_cast %add3A_560 : i32 to index
        %swap3A_573 = arith.constant 32 : index
        %swap3A_574 = tpu.vector_load %arg15[%swap3A_572, %swap3A_573] {strides = array<i32>} : memref<128x96xbf16, #tpu.memory_space<vmem>>, vector<32xbf16>,
        tpu.vector_store %arg15[%swap3A_572, %swap3A_573], %mul3A_571 {strides = array<i32>} : memref<128x96xbf16, #tpu.memory_space<vmem>>, vector<32xbf16>,
        %get3A_575 = arith.index_cast %add3A_560 : i32 to index
        %get3A_576 = arith.constant 64 : index
        %get3A_577 = tpu.vector_load %arg15[%get3A_575, %get3A_576] {strides = array<i32>} : memref<128x96xbf16, #tpu.memory_space<vmem>>, vector<32xbf16>,
        %mul3A_578 = arith.mulf %get3A_577, %pack3A_556 : vector<32xbf16>
        %swap3A_579 = arith.index_cast %add3A_560 : i32 to index
        %swap3A_580 = arith.constant 64 : index
        %swap3A_581 = tpu.vector_load %arg15[%swap3A_579, %swap3A_580] {strides = array<i32>} : memref<128x96xbf16, #tpu.memory_space<vmem>>, vector<32xbf16>,
        tpu.vector_store %arg15[%swap3A_579, %swap3A_580], %mul3A_578 {strides = array<i32>} : memref<128x96xbf16, #tpu.memory_space<vmem>>, vector<32xbf16>,
        %slice3A_582 = vector.extract_strided_slice %get3A_180 {offsets = [14], sizes = [1], strides = [1]} : vector<16xf32> to vector<1xf32>
        %squeeze3A_583 = vector.extract %slice3A_582[0] : f32 from vector<1xf32>
        %broadcast_in_dim3A_584 = vector.broadcast %squeeze3A_583 : f32 to vector<16xf32>
        %pack3A_585 = tpu.pack_subelements %broadcast_in_dim3A_584, %broadcast_in_dim3A_584 {pack_format = #tpu.pack_format<interleaved>, positions = array<i32: 0, 1>} : vector<16xf32>, vector<16xf32> -> vector<32xbf16>
        %mul3A_586 = arith.constant 16 : i32
        %mul3A_587 = arith.muli %scan3A_175, %mul3A_586 : i32
        %add3A_588 = arith.constant 14 : i32
        %add3A_589 = arith.addi %mul3A_587, %add3A_588 : i32
        %get3A_590 = arith.index_cast %add3A_589 : i32 to index
        %get3A_591 = arith.constant 0 : index
        %get3A_592 = tpu.vector_load %arg15[%get3A_590, %get3A_591] {strides = array<i32>} : memref<128x96xbf16, #tpu.memory_space<vmem>>, vector<32xbf16>,
        %mul3A_593 = arith.mulf %get3A_592, %pack3A_585 : vector<32xbf16>
        %swap3A_594 = arith.index_cast %add3A_589 : i32 to index
        %swap3A_595 = arith.constant 0 : index
        %swap3A_596 = tpu.vector_load %arg15[%swap3A_594, %swap3A_595] {strides = array<i32>} : memref<128x96xbf16, #tpu.memory_space<vmem>>, vector<32xbf16>,
        tpu.vector_store %arg15[%swap3A_594, %swap3A_595], %mul3A_593 {strides = array<i32>} : memref<128x96xbf16, #tpu.memory_space<vmem>>, vector<32xbf16>,
        %get3A_597 = arith.index_cast %add3A_589 : i32 to index
        %get3A_598 = arith.constant 32 : index
        %get3A_599 = tpu.vector_load %arg15[%get3A_597, %get3A_598] {strides = array<i32>} : memref<128x96xbf16, #tpu.memory_space<vmem>>, vector<32xbf16>,
        %mul3A_600 = arith.mulf %get3A_599, %pack3A_585 : vector<32xbf16>
        %swap3A_601 = arith.index_cast %add3A_589 : i32 to index
        %swap3A_602 = arith.constant 32 : index
        %swap3A_603 = tpu.vector_load %arg15[%swap3A_601, %swap3A_602] {strides = array<i32>} : memref<128x96xbf16, #tpu.memory_space<vmem>>, vector<32xbf16>,
        tpu.vector_store %arg15[%swap3A_601, %swap3A_602], %mul3A_600 {strides = array<i32>} : memref<128x96xbf16, #tpu.memory_space<vmem>>, vector<32xbf16>,
        %get3A_604 = arith.index_cast %add3A_589 : i32 to index
        %get3A_605 = arith.constant 64 : index
        %get3A_606 = tpu.vector_load %arg15[%get3A_604, %get3A_605] {strides = array<i32>} : memref<128x96xbf16, #tpu.memory_space<vmem>>, vector<32xbf16>,
        %mul3A_607 = arith.mulf %get3A_606, %pack3A_585 : vector<32xbf16>
        %swap3A_608 = arith.index_cast %add3A_589 : i32 to index
        %swap3A_609 = arith.constant 64 : index
        %swap3A_610 = tpu.vector_load %arg15[%swap3A_608, %swap3A_609] {strides = array<i32>} : memref<128x96xbf16, #tpu.memory_space<vmem>>, vector<32xbf16>,
        tpu.vector_store %arg15[%swap3A_608, %swap3A_609], %mul3A_607 {strides = array<i32>} : memref<128x96xbf16, #tpu.memory_space<vmem>>, vector<32xbf16>,
        %slice3A_611 = vector.extract_strided_slice %get3A_180 {offsets = [15], sizes = [1], strides = [1]} : vector<16xf32> to vector<1xf32>
        %squeeze3A_612 = vector.extract %slice3A_611[0] : f32 from vector<1xf32>
        %broadcast_in_dim3A_613 = vector.broadcast %squeeze3A_612 : f32 to vector<16xf32>
        %pack3A_614 = tpu.pack_subelements %broadcast_in_dim3A_613, %broadcast_in_dim3A_613 {pack_format = #tpu.pack_format<interleaved>, positions = array<i32: 0, 1>} : vector<16xf32>, vector<16xf32> -> vector<32xbf16>
        %mul3A_615 = arith.constant 16 : i32
        %mul3A_616 = arith.muli %scan3A_175, %mul3A_615 : i32
        %add3A_617 = arith.constant 15 : i32
        %add3A_618 = arith.addi %mul3A_616, %add3A_617 : i32
        %get3A_619 = arith.index_cast %add3A_618 : i32 to index
        %get3A_620 = arith.constant 0 : index
        %get3A_621 = tpu.vector_load %arg15[%get3A_619, %get3A_620] {strides = array<i32>} : memref<128x96xbf16, #tpu.memory_space<vmem>>, vector<32xbf16>,
        %mul3A_622 = arith.mulf %get3A_621, %pack3A_614 : vector<32xbf16>
        %swap3A_623 = arith.index_cast %add3A_618 : i32 to index
        %swap3A_624 = arith.constant 0 : index
        %swap3A_625 = tpu.vector_load %arg15[%swap3A_623, %swap3A_624] {strides = array<i32>} : memref<128x96xbf16, #tpu.memory_space<vmem>>, vector<32xbf16>,
        tpu.vector_store %arg15[%swap3A_623, %swap3A_624], %mul3A_622 {strides = array<i32>} : memref<128x96xbf16, #tpu.memory_space<vmem>>, vector<32xbf16>,
        %get3A_626 = arith.index_cast %add3A_618 : i32 to index
        %get3A_627 = arith.constant 32 : index
        %get3A_628 = tpu.vector_load %arg15[%get3A_626, %get3A_627] {strides = array<i32>} : memref<128x96xbf16, #tpu.memory_space<vmem>>, vector<32xbf16>,
        %mul3A_629 = arith.mulf %get3A_628, %pack3A_614 : vector<32xbf16>
        %swap3A_630 = arith.index_cast %add3A_618 : i32 to index
        %swap3A_631 = arith.constant 32 : index
        %swap3A_632 = tpu.vector_load %arg15[%swap3A_630, %swap3A_631] {strides = array<i32>} : memref<128x96xbf16, #tpu.memory_space<vmem>>, vector<32xbf16>,
        tpu.vector_store %arg15[%swap3A_630, %swap3A_631], %mul3A_629 {strides = array<i32>} : memref<128x96xbf16, #tpu.memory_space<vmem>>, vector<32xbf16>,
        %get3A_633 = arith.index_cast %add3A_618 : i32 to index
        %get3A_634 = arith.constant 64 : index
        %get3A_635 = tpu.vector_load %arg15[%get3A_633, %get3A_634] {strides = array<i32>} : memref<128x96xbf16, #tpu.memory_space<vmem>>, vector<32xbf16>,
        %mul3A_636 = arith.mulf %get3A_635, %pack3A_614 : vector<32xbf16>
        %swap3A_637 = arith.index_cast %add3A_618 : i32 to index
        %swap3A_638 = arith.constant 64 : index
        %swap3A_639 = tpu.vector_load %arg15[%swap3A_637, %swap3A_638] {strides = array<i32>} : memref<128x96xbf16, #tpu.memory_space<vmem>>, vector<32xbf16>,
        tpu.vector_store %arg15[%swap3A_637, %swap3A_638], %mul3A_636 {strides = array<i32>} : memref<128x96xbf16, #tpu.memory_space<vmem>>, vector<32xbf16>,
        %scan3A_640 = arith.constant 0 : i32
        scf.yield %scan3A_640 : i32
      }
      %scan3A_167 = arith.constant 8 : i32
      %dma_start3A_168 = arith.constant 0 : i32
      %dma_start3A_169 = tpu.memref_slice %arg10[%add3A_142, %dma_start3A_168] : memref<40x128xi32, #tpu.memory_space<vmem>> -> memref<1x128xi32, #tpu.memory_space<vmem>>
      %dma_start3A_170 = tpu.memref_squeeze %dma_start3A_169 : memref<1x128xi32, #tpu.memory_space<vmem>> -> memref<128xi32, #tpu.memory_space<vmem>>
      %dma_start3A_171 = arith.constant 0 : i32
      %dma_start3A_172 = arith.constant 0 : i32
      %dma_start3A_173 = tpu.memref_slice %arg8[%dma_start3A_171, %dma_start3A_172] : memref<10240x96xbf16, #tpu.memory_space<vmem_shared>> -> memref<10240x96xbf16, #tpu.memory_space<vmem_shared>>
      tpu.enqueue_indirect_dma source(%arg15 : memref<128x96xbf16, #tpu.memory_space<vmem>>) target(%dma_start3A_173 : memref<10240x96xbf16, #tpu.memory_space<vmem_shared>>) offsets(%dma_start3A_170 : memref<128xi32, #tpu.memory_space<vmem>>) semaphore(%arg23 : memref<!tpu.dma_semaphore, #tpu.memory_space<semaphore_mem>>) {add = true}
      %scan3A_174 = arith.constant 0 : i32
      scf.yield %scan3A_174 : i32
    }
    %scan3A_14 = arith.constant 10 : i32
    %dma_wait3A = arith.constant 37 : i32
    %dma_wait3A_15 = arith.constant 0 : i32
    %dma_wait3A_16 = tpu.memref_slice %arg10[%dma_wait3A, %dma_wait3A_15] : memref<40x128xi32, #tpu.memory_space<vmem>> -> memref<1x128xi32, #tpu.memory_space<vmem>>
    %dma_wait3A_17 = tpu.memref_squeeze %dma_wait3A_16 : memref<1x128xi32, #tpu.memory_space<vmem>> -> memref<128xi32, #tpu.memory_space<vmem>>
    %dma_wait3A_18 = arith.constant 0 : i32
    %dma_wait3A_19 = arith.constant 0 : i32
    %dma_wait3A_20 = tpu.memref_slice %arg8[%dma_wait3A_18, %dma_wait3A_19] : memref<10240x96xbf16, #tpu.memory_space<vmem_shared>> -> memref<10240x96xbf16, #tpu.memory_space<vmem_shared>>
    tpu.wait_indirect_dma semaphore(%arg21 : memref<!tpu.dma_semaphore, #tpu.memory_space<semaphore_mem>>) src(%arg13 : memref<128x96xbf16, #tpu.memory_space<vmem>>) dst(%dma_wait3A_20 : memref<10240x96xbf16, #tpu.memory_space<vmem_shared>>)
    %dma_wait3A_21 = arith.constant 38 : i32
    %dma_wait3A_22 = arith.constant 0 : i32
    %dma_wait3A_23 = tpu.memref_slice %arg10[%dma_wait3A_21, %dma_wait3A_22] : memref<40x128xi32, #tpu.memory_space<vmem>> -> memref<1x128xi32, #tpu.memory_space<vmem>>
    %dma_wait3A_24 = tpu.memref_squeeze %dma_wait3A_23 : memref<1x128xi32, #tpu.memory_space<vmem>> -> memref<128xi32, #tpu.memory_space<vmem>>
    %dma_wait3A_25 = arith.constant 0 : i32
    %dma_wait3A_26 = arith.constant 0 : i32
    %dma_wait3A_27 = tpu.memref_slice %arg8[%dma_wait3A_25, %dma_wait3A_26] : memref<10240x96xbf16, #tpu.memory_space<vmem_shared>> -> memref<10240x96xbf16, #tpu.memory_space<vmem_shared>>
    tpu.wait_indirect_dma semaphore(%arg22 : memref<!tpu.dma_semaphore, #tpu.memory_space<semaphore_mem>>) src(%arg14 : memref<128x96xbf16, #tpu.memory_space<vmem>>) dst(%dma_wait3A_27 : memref<10240x96xbf16, #tpu.memory_space<vmem_shared>>)
    %dma_wait3A_28 = arith.constant 39 : i32
    %dma_wait3A_29 = arith.constant 0 : i32
    %dma_wait3A_30 = tpu.memref_slice %arg10[%dma_wait3A_28, %dma_wait3A_29] : memref<40x128xi32, #tpu.memory_space<vmem>> -> memref<1x128xi32, #tpu.memory_space<vmem>>
    %dma_wait3A_31 = tpu.memref_squeeze %dma_wait3A_30 : memref<1x128xi32, #tpu.memory_space<vmem>> -> memref<128xi32, #tpu.memory_space<vmem>>
    %dma_wait3A_32 = arith.constant 0 : i32
    %dma_wait3A_33 = arith.constant 0 : i32
    %dma_wait3A_34 = tpu.memref_slice %arg8[%dma_wait3A_32, %dma_wait3A_33] : memref<10240x96xbf16, #tpu.memory_space<vmem_shared>> -> memref<10240x96xbf16, #tpu.memory_space<vmem_shared>>
    tpu.wait_indirect_dma semaphore(%arg23 : memref<!tpu.dma_semaphore, #tpu.memory_space<semaphore_mem>>) src(%arg15 : memref<128x96xbf16, #tpu.memory_space<vmem>>) dst(%dma_wait3A_34 : memref<10240x96xbf16, #tpu.memory_space<vmem_shared>>)
    %barrier3A_35 = arith.constant 0 : index
    tpu.barrier barrier_id(%barrier3A_35)
    "tpu.region"() ({
      %run_scoped3A = tpu.sem_alloc : memref<!tpu.dma_semaphore, #tpu.memory_space<semaphore_mem>>
      %dma_start3A_36 = arith.constant 0 : i32
      %dma_start3A_37 = tpu.memref_slice %arg7[%arg0, %mul3A_2, %dma_start3A_36] : memref<2x10240x96xbf16, #tpu.memory_space<hbm>> -> memref<1x640x96xbf16, #tpu.memory_space<hbm>>
      %dma_start3A_38 = tpu.memref_squeeze %dma_start3A_37 : memref<1x640x96xbf16, #tpu.memory_space<hbm>> -> memref<640x96xbf16, #tpu.memory_space<hbm>>
      %dma_start3A_39 = arith.constant 0 : i32
      %dma_start3A_40 = tpu.memref_slice %arg8[%mul3A_2, %dma_start3A_39] : memref<10240x96xbf16, #tpu.memory_space<vmem_shared>> -> memref<640x96xbf16, #tpu.memory_space<vmem_shared>>
      tpu.enqueue_dma source(%dma_start3A_40 : memref<640x96xbf16, #tpu.memory_space<vmem_shared>>) target(%dma_start3A_38 : memref<640x96xbf16, #tpu.memory_space<hbm>>) target_semaphore(%run_scoped3A : memref<!tpu.dma_semaphore, #tpu.memory_space<semaphore_mem>>)
      %dma_wait3A_41 = arith.constant 0 : i32
      %dma_wait3A_42 = tpu.memref_slice %arg7[%arg0, %mul3A_2, %dma_wait3A_41] : memref<2x10240x96xbf16, #tpu.memory_space<hbm>> -> memref<1x640x96xbf16, #tpu.memory_space<hbm>>
      %dma_wait3A_43 = tpu.memref_squeeze %dma_wait3A_42 : memref<1x640x96xbf16, #tpu.memory_space<hbm>> -> memref<640x96xbf16, #tpu.memory_space<hbm>>
      %dma_wait3A_44 = arith.constant 0 : i32
      %dma_wait3A_45 = tpu.memref_slice %arg8[%mul3A_2, %dma_wait3A_44] : memref<10240x96xbf16, #tpu.memory_space<vmem_shared>> -> memref<640x96xbf16, #tpu.memory_space<vmem_shared>>
      tpu.wait_dma2 semaphore(%run_scoped3A : memref<!tpu.dma_semaphore, #tpu.memory_space<semaphore_mem>>) src(%dma_wait3A_45 : memref<640x96xbf16, #tpu.memory_space<vmem_shared>>) dst(%dma_wait3A_43 : memref<640x96xbf16, #tpu.memory_space<hbm>>)
      tpu.yield
    }) : () -> ()
    return
  }
}

#map = affine_map<(d0, d1) -> (0, 0, 0, 0)>
#map1 = affine_map<(d0, d1) -> (0, 0, 0)>
#map2 = affine_map<(d0, d1) -> (0, 0)>
module attributes {stable_mosaic.version = 14 : i64} {
  func.func @gnn_edge_hist_sc(%arg0: i32, %arg1: i32, %arg2: memref<32x40x128x8xf32, #tpu.memory_space<hbm>>, %arg3: memref<32x40x128xi32, #tpu.memory_space<hbm>>, %arg4: memref<640x8xf32, #tpu.memory_space<hbm>>, %arg5: memref<2x10240x8xf32, #tpu.memory_space<hbm>>, %arg6: memref<10240x8xf32, #tpu.memory_space<vmem_shared>>, %arg7: memref<40x128xi32, #tpu.memory_space<vmem>>, %arg8: memref<128x8xf32, #tpu.memory_space<vmem>>) attributes {dimension_semantics = [#tpu.dimension_semantics<core_parallel>, #tpu.dimension_semantics<subcore_parallel>], iteration_bounds = array<i64: 2, 16>, scalar_prefetch = 0 : i64, scratch_operands = 3 : i64, tpu.core_type = #tpu.core_type<sc_vector_subcore>, window_params = [{transform_indices = #map}, {transform_indices = #map1}, {transform_indices = #map2}, {transform_indices = #map1}]} {
    %mul3A = arith.constant 2 : i32
    %mul3A_0 = arith.muli %arg1, %mul3A : i32
    %add3A = arith.addi %mul3A_0, %arg0 : i32
    %mul3A_1 = arith.constant 640 : i32
    %mul3A_2 = arith.muli %arg1, %mul3A_1 : i32
    "tpu.region"() ({
      %run_scoped3A = tpu.sem_alloc : memref<!tpu.dma_semaphore, #tpu.memory_space<semaphore_mem>>
      %dma_start3A = arith.constant 0 : i32
      %dma_start3A_10 = tpu.memref_slice %arg6[%mul3A_2, %dma_start3A] : memref<10240x8xf32, #tpu.memory_space<vmem_shared>> -> memref<640x8xf32, #tpu.memory_space<vmem_shared>>
      tpu.enqueue_dma source(%arg4 : memref<640x8xf32, #tpu.memory_space<hbm>>) target(%dma_start3A_10 : memref<640x8xf32, #tpu.memory_space<vmem_shared>>) target_semaphore(%run_scoped3A : memref<!tpu.dma_semaphore, #tpu.memory_space<semaphore_mem>>)
      %dma_wait3A = arith.constant 0 : i32
      %dma_wait3A_11 = tpu.memref_slice %arg6[%mul3A_2, %dma_wait3A] : memref<10240x8xf32, #tpu.memory_space<vmem_shared>> -> memref<640x8xf32, #tpu.memory_space<vmem_shared>>
      tpu.wait_dma2 semaphore(%run_scoped3A : memref<!tpu.dma_semaphore, #tpu.memory_space<semaphore_mem>>) src(%arg4 : memref<640x8xf32, #tpu.memory_space<hbm>>) dst(%dma_wait3A_11 : memref<640x8xf32, #tpu.memory_space<vmem_shared>>)
      tpu.yield
    }) : () -> ()
    %barrier3A = arith.constant 0 : index
    tpu.barrier barrier_id(%barrier3A)
    "tpu.region"() ({
      %run_scoped3A = tpu.sem_alloc : memref<!tpu.dma_semaphore, #tpu.memory_space<semaphore_mem>>
      %dma_start3A = arith.constant 0 : i32
      %dma_start3A_10 = arith.constant 0 : i32
      %dma_start3A_11 = tpu.memref_slice %arg3[%add3A, %dma_start3A, %dma_start3A_10] : memref<32x40x128xi32, #tpu.memory_space<hbm>> -> memref<1x40x128xi32, #tpu.memory_space<hbm>>
      %dma_start3A_12 = tpu.memref_squeeze %dma_start3A_11 : memref<1x40x128xi32, #tpu.memory_space<hbm>> -> memref<40x128xi32, #tpu.memory_space<hbm>>
      %dma_start3A_13 = arith.constant 0 : i32
      %dma_start3A_14 = arith.constant 0 : i32
      %dma_start3A_15 = tpu.memref_slice %arg3[%add3A, %dma_start3A_13, %dma_start3A_14] : memref<32x40x128xi32, #tpu.memory_space<hbm>> -> memref<1x40x128xi32, #tpu.memory_space<hbm>>
      %dma_start3A_16 = tpu.memref_squeeze %dma_start3A_15 : memref<1x40x128xi32, #tpu.memory_space<hbm>> -> memref<40x128xi32, #tpu.memory_space<hbm>>
      tpu.enqueue_dma source(%dma_start3A_16 : memref<40x128xi32, #tpu.memory_space<hbm>>) target(%arg7 : memref<40x128xi32, #tpu.memory_space<vmem>>) target_semaphore(%run_scoped3A : memref<!tpu.dma_semaphore, #tpu.memory_space<semaphore_mem>>)
      %dma_wait3A = arith.constant 0 : i32
      %dma_wait3A_17 = arith.constant 0 : i32
      %dma_wait3A_18 = tpu.memref_slice %arg3[%add3A, %dma_wait3A, %dma_wait3A_17] : memref<32x40x128xi32, #tpu.memory_space<hbm>> -> memref<1x40x128xi32, #tpu.memory_space<hbm>>
      %dma_wait3A_19 = tpu.memref_squeeze %dma_wait3A_18 : memref<1x40x128xi32, #tpu.memory_space<hbm>> -> memref<40x128xi32, #tpu.memory_space<hbm>>
      %dma_wait3A_20 = arith.constant 0 : i32
      %dma_wait3A_21 = arith.constant 0 : i32
      %dma_wait3A_22 = tpu.memref_slice %arg3[%add3A, %dma_wait3A_20, %dma_wait3A_21] : memref<32x40x128xi32, #tpu.memory_space<hbm>> -> memref<1x40x128xi32, #tpu.memory_space<hbm>>
      %dma_wait3A_23 = tpu.memref_squeeze %dma_wait3A_22 : memref<1x40x128xi32, #tpu.memory_space<hbm>> -> memref<40x128xi32, #tpu.memory_space<hbm>>
      tpu.wait_dma2 semaphore(%run_scoped3A : memref<!tpu.dma_semaphore, #tpu.memory_space<semaphore_mem>>) src(%dma_wait3A_23 : memref<40x128xi32, #tpu.memory_space<hbm>>) dst(%arg7 : memref<40x128xi32, #tpu.memory_space<vmem>>)
      tpu.yield
    }) : () -> ()
    %scan3A = arith.constant 0 : i32
    %scan3A_3 = arith.constant 0 : i32
    %scan3A_4 = arith.constant 40 : i32
    %scan3A_5 = arith.addi %scan3A_3, %scan3A_4 : i32
    %scan3A_6 = arith.constant 1 : i32
    %scan3A_7 = scf.for %scan3A_10 = %scan3A_3 to %scan3A_5 step %scan3A_6 iter_args(%scan3A_11 = %scan3A) -> (i32)  : i32 {
      "tpu.region"() ({
        %run_scoped3A = tpu.sem_alloc : memref<!tpu.dma_semaphore, #tpu.memory_space<semaphore_mem>>
        %dma_start3A = arith.constant 0 : i32
        %dma_start3A_13 = arith.constant 0 : i32
        %dma_start3A_14 = tpu.memref_slice %arg2[%add3A, %scan3A_10, %dma_start3A, %dma_start3A_13] : memref<32x40x128x8xf32, #tpu.memory_space<hbm>> -> memref<1x1x128x8xf32, #tpu.memory_space<hbm>>
        %dma_start3A_15 = tpu.memref_squeeze %dma_start3A_14 : memref<1x1x128x8xf32, #tpu.memory_space<hbm>> -> memref<128x8xf32, #tpu.memory_space<hbm>>
        %dma_start3A_16 = arith.constant 0 : i32
        %dma_start3A_17 = arith.constant 0 : i32
        %dma_start3A_18 = tpu.memref_slice %arg2[%add3A, %scan3A_10, %dma_start3A_16, %dma_start3A_17] : memref<32x40x128x8xf32, #tpu.memory_space<hbm>> -> memref<1x1x128x8xf32, #tpu.memory_space<hbm>>
        %dma_start3A_19 = tpu.memref_squeeze %dma_start3A_18 : memref<1x1x128x8xf32, #tpu.memory_space<hbm>> -> memref<128x8xf32, #tpu.memory_space<hbm>>
        tpu.enqueue_dma source(%dma_start3A_19 : memref<128x8xf32, #tpu.memory_space<hbm>>) target(%arg8 : memref<128x8xf32, #tpu.memory_space<vmem>>) target_semaphore(%run_scoped3A : memref<!tpu.dma_semaphore, #tpu.memory_space<semaphore_mem>>)
        %dma_wait3A = arith.constant 0 : i32
        %dma_wait3A_20 = arith.constant 0 : i32
        %dma_wait3A_21 = tpu.memref_slice %arg2[%add3A, %scan3A_10, %dma_wait3A, %dma_wait3A_20] : memref<32x40x128x8xf32, #tpu.memory_space<hbm>> -> memref<1x1x128x8xf32, #tpu.memory_space<hbm>>
        %dma_wait3A_22 = tpu.memref_squeeze %dma_wait3A_21 : memref<1x1x128x8xf32, #tpu.memory_space<hbm>> -> memref<128x8xf32, #tpu.memory_space<hbm>>
        %dma_wait3A_23 = arith.constant 0 : i32
        %dma_wait3A_24 = arith.constant 0 : i32
        %dma_wait3A_25 = tpu.memref_slice %arg2[%add3A, %scan3A_10, %dma_wait3A_23, %dma_wait3A_24] : memref<32x40x128x8xf32, #tpu.memory_space<hbm>> -> memref<1x1x128x8xf32, #tpu.memory_space<hbm>>
        %dma_wait3A_26 = tpu.memref_squeeze %dma_wait3A_25 : memref<1x1x128x8xf32, #tpu.memory_space<hbm>> -> memref<128x8xf32, #tpu.memory_space<hbm>>
        tpu.wait_dma2 semaphore(%run_scoped3A : memref<!tpu.dma_semaphore, #tpu.memory_space<semaphore_mem>>) src(%dma_wait3A_26 : memref<128x8xf32, #tpu.memory_space<hbm>>) dst(%arg8 : memref<128x8xf32, #tpu.memory_space<vmem>>)
        tpu.yield
      }) : () -> ()
      "tpu.region"() ({
        %run_scoped3A = tpu.sem_alloc : memref<!tpu.dma_semaphore, #tpu.memory_space<semaphore_mem>>
        %dma_start3A = arith.constant 0 : i32
        %dma_start3A_13 = tpu.memref_slice %arg7[%scan3A_10, %dma_start3A] : memref<40x128xi32, #tpu.memory_space<vmem>> -> memref<1x128xi32, #tpu.memory_space<vmem>>
        %dma_start3A_14 = tpu.memref_squeeze %dma_start3A_13 : memref<1x128xi32, #tpu.memory_space<vmem>> -> memref<128xi32, #tpu.memory_space<vmem>>
        %dma_start3A_15 = arith.constant 0 : i32
        %dma_start3A_16 = arith.constant 0 : i32
        %dma_start3A_17 = tpu.memref_slice %arg6[%dma_start3A_15, %dma_start3A_16] : memref<10240x8xf32, #tpu.memory_space<vmem_shared>> -> memref<10240x8xf32, #tpu.memory_space<vmem_shared>>
        tpu.enqueue_indirect_dma source(%arg8 : memref<128x8xf32, #tpu.memory_space<vmem>>) target(%dma_start3A_17 : memref<10240x8xf32, #tpu.memory_space<vmem_shared>>) offsets(%dma_start3A_14 : memref<128xi32, #tpu.memory_space<vmem>>) semaphore(%run_scoped3A : memref<!tpu.dma_semaphore, #tpu.memory_space<semaphore_mem>>) {add = true}
        %dma_wait3A = arith.constant 0 : i32
        %dma_wait3A_18 = tpu.memref_slice %arg7[%scan3A_10, %dma_wait3A] : memref<40x128xi32, #tpu.memory_space<vmem>> -> memref<1x128xi32, #tpu.memory_space<vmem>>
        %dma_wait3A_19 = tpu.memref_squeeze %dma_wait3A_18 : memref<1x128xi32, #tpu.memory_space<vmem>> -> memref<128xi32, #tpu.memory_space<vmem>>
        %dma_wait3A_20 = arith.constant 0 : i32
        %dma_wait3A_21 = arith.constant 0 : i32
        %dma_wait3A_22 = tpu.memref_slice %arg6[%dma_wait3A_20, %dma_wait3A_21] : memref<10240x8xf32, #tpu.memory_space<vmem_shared>> -> memref<10240x8xf32, #tpu.memory_space<vmem_shared>>
        tpu.wait_indirect_dma semaphore(%run_scoped3A : memref<!tpu.dma_semaphore, #tpu.memory_space<semaphore_mem>>) src(%arg8 : memref<128x8xf32, #tpu.memory_space<vmem>>) dst(%dma_wait3A_22 : memref<10240x8xf32, #tpu.memory_space<vmem_shared>>)
        tpu.yield
      }) : () -> ()
      %scan3A_12 = arith.constant 0 : i32
      scf.yield %scan3A_12 : i32
    }
    %scan3A_8 = arith.constant 40 : i32
    %barrier3A_9 = arith.constant 0 : index
    tpu.barrier barrier_id(%barrier3A_9)
    "tpu.region"() ({
      %run_scoped3A = tpu.sem_alloc : memref<!tpu.dma_semaphore, #tpu.memory_space<semaphore_mem>>
      %dma_start3A = arith.constant 0 : i32
      %dma_start3A_10 = tpu.memref_slice %arg5[%arg0, %mul3A_2, %dma_start3A] : memref<2x10240x8xf32, #tpu.memory_space<hbm>> -> memref<1x640x8xf32, #tpu.memory_space<hbm>>
      %dma_start3A_11 = tpu.memref_squeeze %dma_start3A_10 : memref<1x640x8xf32, #tpu.memory_space<hbm>> -> memref<640x8xf32, #tpu.memory_space<hbm>>
      %dma_start3A_12 = arith.constant 0 : i32
      %dma_start3A_13 = tpu.memref_slice %arg6[%mul3A_2, %dma_start3A_12] : memref<10240x8xf32, #tpu.memory_space<vmem_shared>> -> memref<640x8xf32, #tpu.memory_space<vmem_shared>>
      tpu.enqueue_dma source(%dma_start3A_13 : memref<640x8xf32, #tpu.memory_space<vmem_shared>>) target(%dma_start3A_11 : memref<640x8xf32, #tpu.memory_space<hbm>>) target_semaphore(%run_scoped3A : memref<!tpu.dma_semaphore, #tpu.memory_space<semaphore_mem>>)
      %dma_wait3A = arith.constant 0 : i32
      %dma_wait3A_14 = tpu.memref_slice %arg5[%arg0, %mul3A_2, %dma_wait3A] : memref<2x10240x8xf32, #tpu.memory_space<hbm>> -> memref<1x640x8xf32, #tpu.memory_space<hbm>>
      %dma_wait3A_15 = tpu.memref_squeeze %dma_wait3A_14 : memref<1x640x8xf32, #tpu.memory_space<hbm>> -> memref<640x8xf32, #tpu.memory_space<hbm>>
      %dma_wait3A_16 = arith.constant 0 : i32
      %dma_wait3A_17 = tpu.memref_slice %arg6[%mul3A_2, %dma_wait3A_16] : memref<10240x8xf32, #tpu.memory_space<vmem_shared>> -> memref<640x8xf32, #tpu.memory_space<vmem_shared>>
      tpu.wait_dma2 semaphore(%run_scoped3A : memref<!tpu.dma_semaphore, #tpu.memory_space<semaphore_mem>>) src(%dma_wait3A_17 : memref<640x8xf32, #tpu.memory_space<vmem_shared>>) dst(%dma_wait3A_15 : memref<640x8xf32, #tpu.memory_space<hbm>>)
      tpu.yield
    }) : () -> ()
    return
  }
}

module attributes {stable_mosaic.version = 14 : i64} {
  func.func @_proj_body(%arg0: i32, %arg1: memref<1000x192xf32, #tpu.memory_space<vmem>>, %arg2: memref<192x96xf32, #tpu.memory_space<vmem>>, %arg3: memref<1000x96xf32, #tpu.memory_space<vmem>>, %arg4: memref<1000x96xbf16, #tpu.memory_space<vmem>>) attributes {dimension_semantics = [#tpu.dimension_semantics<arbitrary>], iteration_bounds = array<i64: 10>, scalar_prefetch = 0 : i64, scratch_operands = 0 : i64, tpu.core_type = #tpu.core_type<tc>, window_params = [{transform_indices = @transform_0, window_bounds = array<i64: 1000, 192>}, {pipeline_mode = #tpu.pipeline_mode<synchronous>, transform_indices = @transform_1, window_bounds = array<i64: 192, 96>}, {transform_indices = @transform_2, window_bounds = array<i64: 1000, 96>}, {transform_indices = @transform_3, window_bounds = array<i64: 1000, 96>}]} {
    %get3A = arith.constant 0 : index
    %get3A_0 = arith.constant 0 : index
    %get3A_1 = vector.load %arg1[%get3A, %get3A_0] : memref<1000x192xf32, #tpu.memory_space<vmem>>, vector<1000x192xf32>
    %get3A_2 = arith.constant 0 : index
    %get3A_3 = arith.constant 0 : index
    %get3A_4 = vector.load %arg2[%get3A_2, %get3A_3] : memref<192x96xf32, #tpu.memory_space<vmem>>, vector<192x96xf32>
    %dot_general3A = arith.constant dense<0.000000e+00> : vector<1000x96xf32>
    %dot_general3A_5 = tpu.matmul %get3A_1, %get3A_4, %dot_general3A {dimension_numbers = #tpu.dot_dimension_numbers<[1], [0], [0], [1], [0, 0, 1, 1], [], []>, transpose_lhs_hint = false} : vector<1000x192xf32>, vector<192x96xf32>, vector<1000x96xf32> -> vector<1000x96xf32>
    %swap3A = arith.constant 0 : index
    %swap3A_6 = arith.constant 0 : index
    %swap3A_7 = vector.load %arg3[%swap3A, %swap3A_6] : memref<1000x96xf32, #tpu.memory_space<vmem>>, vector<1000x96xf32>
    tpu.vector_store %arg3[%swap3A, %swap3A_6], %dot_general3A_5 {strides = array<i32>} : memref<1000x96xf32, #tpu.memory_space<vmem>>, vector<1000x96xf32>,
    %convert_element_type3A = arith.truncf %dot_general3A_5 : vector<1000x96xf32> to vector<1000x96xbf16>
    %swap3A_8 = arith.constant 0 : index
    %swap3A_9 = arith.constant 0 : index
    %swap3A_10 = vector.load %arg4[%swap3A_8, %swap3A_9] : memref<1000x96xbf16, #tpu.memory_space<vmem>>, vector<1000x96xbf16>
    tpu.vector_store %arg4[%swap3A_8, %swap3A_9], %convert_element_type3A {strides = array<i32>} : memref<1000x96xbf16, #tpu.memory_space<vmem>>, vector<1000x96xbf16>,
    return
  }
  func.func @transform_0(%arg0: i32) -> (i32, i32) {
    %c0_i32 = arith.constant 0 : i32
    %c0_i32_0 = arith.constant 0 : i32
    return %arg0, %c0_i32 : i32, i32
  }
  func.func @transform_1(%arg0: i32) -> (i32, i32) {
    %c0_i32 = arith.constant 0 : i32
    %c0_i32_0 = arith.constant 0 : i32
    %c0_i32_1 = arith.constant 0 : i32
    return %c0_i32, %c0_i32_0 : i32, i32
  }
  func.func @transform_2(%arg0: i32) -> (i32, i32) {
    %c0_i32 = arith.constant 0 : i32
    %c0_i32_0 = arith.constant 0 : i32
    return %arg0, %c0_i32 : i32, i32
  }
  func.func @transform_3(%arg0: i32) -> (i32, i32) {
    %c0_i32 = arith.constant 0 : i32
    %c0_i32_0 = arith.constant 0 : i32
    return %arg0, %c0_i32 : i32, i32
  }
}

module attributes {stable_mosaic.version = 14 : i64} {
  func.func @_dense_body(%arg0: i32, %arg1: i32, %arg2: memref<1000x96xf32, #tpu.memory_space<vmem>>, %arg3: memref<2x1000x96xbf16, #tpu.memory_space<vmem>>, %arg4: memref<2x1000x8xf32, #tpu.memory_space<vmem>>, %arg5: memref<1x96xf32, #tpu.memory_space<vmem>>, %arg6: memref<1x96xf32, #tpu.memory_space<vmem>>, %arg7: memref<1x50xf32, #tpu.memory_space<vmem>>, %arg8: memref<1x50xf32, #tpu.memory_space<vmem>>, %arg9: memref<50x2xf32, #tpu.memory_space<vmem>>, %arg10: memref<1x2xf32, #tpu.memory_space<vmem>>, %arg11: memref<1000x16xf32, #tpu.memory_space<vmem>>, %arg12: memref<1000x2xf32, #tpu.memory_space<vmem>>, %arg13: memref<10000x16xf32, #tpu.memory_space<vmem>>, %arg14: memref<10000x50xf32, #tpu.memory_space<vmem>>, %arg15: memref<10x2x50xf32, #tpu.memory_space<vmem>>) attributes {dimension_semantics = [#tpu.dimension_semantics<arbitrary>, #tpu.dimension_semantics<arbitrary>], iteration_bounds = array<i64: 2, 10>, scalar_prefetch = 0 : i64, scratch_operands = 3 : i64, tpu.core_type = #tpu.core_type<tc>, window_params = [{transform_indices = @transform_0, window_bounds = array<i64: 1000, 96>}, {transform_indices = @transform_1, window_bounds = array<i64: 2, 1000, 96>}, {transform_indices = @transform_2, window_bounds = array<i64: 2, 1000, 8>}, {pipeline_mode = #tpu.pipeline_mode<synchronous>, transform_indices = @transform_3, window_bounds = array<i64: 1, 96>}, {pipeline_mode = #tpu.pipeline_mode<synchronous>, transform_indices = @transform_4, window_bounds = array<i64: 1, 96>}, {pipeline_mode = #tpu.pipeline_mode<synchronous>, transform_indices = @transform_5, window_bounds = array<i64: 1, 50>}, {pipeline_mode = #tpu.pipeline_mode<synchronous>, transform_indices = @transform_6, window_bounds = array<i64: 1, 50>}, {pipeline_mode = #tpu.pipeline_mode<synchronous>, transform_indices = @transform_7, window_bounds = array<i64: 50, 2>}, {pipeline_mode = #tpu.pipeline_mode<synchronous>, transform_indices = @transform_8, window_bounds = array<i64: 1, 2>}, {transform_indices = @transform_9, window_bounds = array<i64: 1000, 16>}, {transform_indices = @transform_10, window_bounds = array<i64: 1000, 2>}]} {
    %eq3A = arith.constant 0 : i32
    %eq3A_0 = arith.cmpi eq, %arg0, %eq3A : i32
    %convert_element_type3A = arith.extui %eq3A_0 : i1 to i32
    %cond3A = arith.constant 0 : i32
    %cond3A_1 = arith.cmpi ne, %convert_element_type3A, %cond3A : i32
    scf.if %cond3A_1 {
      %get3A = arith.constant 0 : index
      %get3A_7 = arith.constant 0 : index
      %get3A_8 = arith.constant 0 : index
      %get3A_9 = vector.load %arg3[%get3A, %get3A_7, %get3A_8] : memref<2x1000x96xbf16, #tpu.memory_space<vmem>>, vector<1x1000x96xbf16>
      %get3A_10 = vector.shape_cast %get3A_9 : vector<1x1000x96xbf16> to vector<1000x96xbf16>
      %convert_element_type3A_11 = arith.extf %get3A_10 : vector<1000x96xbf16> to vector<1000x96xf32>
      %get3A_12 = arith.constant 1 : index
      %get3A_13 = arith.constant 0 : index
      %get3A_14 = arith.constant 0 : index
      %get3A_15 = vector.load %arg3[%get3A_12, %get3A_13, %get3A_14] : memref<2x1000x96xbf16, #tpu.memory_space<vmem>>, vector<1x1000x96xbf16>
      %get3A_16 = vector.shape_cast %get3A_15 : vector<1x1000x96xbf16> to vector<1000x96xbf16>
      %convert_element_type3A_17 = arith.extf %get3A_16 : vector<1000x96xbf16> to vector<1000x96xf32>
      %add3A = arith.addf %convert_element_type3A_11, %convert_element_type3A_17 : vector<1000x96xf32>
      %get3A_18 = arith.constant 0 : index
      %get3A_19 = arith.constant 0 : index
      %get3A_20 = arith.constant 0 : index
      %get3A_21 = vector.load %arg4[%get3A_18, %get3A_19, %get3A_20] : memref<2x1000x8xf32, #tpu.memory_space<vmem>>, vector<1x1000x8xf32>
      %get3A_22 = vector.shape_cast %get3A_21 : vector<1x1000x8xf32> to vector<1000x8xf32>
      %get3A_23 = arith.constant 1 : index
      %get3A_24 = arith.constant 0 : index
      %get3A_25 = arith.constant 0 : index
      %get3A_26 = vector.load %arg4[%get3A_23, %get3A_24, %get3A_25] : memref<2x1000x8xf32, #tpu.memory_space<vmem>>, vector<1x1000x8xf32>
      %get3A_27 = vector.shape_cast %get3A_26 : vector<1x1000x8xf32> to vector<1000x8xf32>
      %add3A_28 = arith.addf %get3A_22, %get3A_27 : vector<1000x8xf32>
      %slice3A = vector.extract_strided_slice %add3A_28 {offsets = [0, 0], sizes = [1000, 1], strides = [1, 1]} : vector<1000x8xf32> to vector<1000x1xf32>
      %slice3A_29 = vector.extract_strided_slice %add3A_28 {offsets = [0, 1], sizes = [1000, 1], strides = [1, 1]} : vector<1000x8xf32> to vector<1000x1xf32>
      %add3A_30 = arith.constant 1.000000e+00 : f32
      %add3A_31 = vector.broadcast %add3A_30 : f32 to vector<1000x1xf32>
      %add3A_32 = arith.addf %slice3A, %add3A_31 : vector<1000x1xf32>
      %div3A = arith.constant 1.000000e+00 : f32
      %div3A_33 = vector.broadcast %div3A : f32 to vector<1000x1xf32>
      %div3A_34 = arith.divf %div3A_33, %add3A_32 : vector<1000x1xf32>
      %add3A_35 = arith.constant 1.000000e+00 : f32
      %add3A_36 = vector.broadcast %add3A_35 : f32 to vector<1000x1xf32>
      %add3A_37 = arith.addf %add3A_36, %slice3A_29 : vector<1000x1xf32>
      %mul3A = arith.mulf %add3A_37, %div3A_34 : vector<1000x1xf32>
      %get3A_38 = arith.constant 0 : index
      %get3A_39 = arith.constant 0 : index
      %get3A_40 = vector.load %arg2[%get3A_38, %get3A_39] : memref<1000x96xf32, #tpu.memory_space<vmem>>, vector<1000x96xf32>
      %add3A_41 = arith.addf %get3A_40, %add3A : vector<1000x96xf32>
      %mul3A_42 = vector.broadcast %div3A_34 : vector<1000x1xf32> to vector<1000x96xf32>
      %mul3A_43 = arith.mulf %add3A_41, %mul3A_42 : vector<1000x96xf32>
      %get3A_44 = arith.constant 0 : index
      %get3A_45 = arith.constant 0 : index
      %get3A_46 = vector.load %arg5[%get3A_44, %get3A_45] : memref<1x96xf32, #tpu.memory_space<vmem>>, vector<1x96xf32>
      %mul3A_47 = vector.broadcast %mul3A : vector<1000x1xf32> to vector<1000x96xf32>
      %mul3A_48 = vector.broadcast %get3A_46 : vector<1x96xf32> to vector<1000x96xf32>
      %mul3A_49 = arith.mulf %mul3A_47, %mul3A_48 : vector<1000x96xf32>
      %add3A_50 = arith.addf %mul3A_43, %mul3A_49 : vector<1000x96xf32>
      %get3A_51 = arith.constant 0 : index
      %get3A_52 = arith.constant 0 : index
      %get3A_53 = vector.load %arg6[%get3A_51, %get3A_52] : memref<1x96xf32, #tpu.memory_space<vmem>>, vector<1x96xf32>
      %add3A_54 = vector.broadcast %get3A_53 : vector<1x96xf32> to vector<1000x96xf32>
      %add3A_55 = arith.addf %add3A_50, %add3A_54 : vector<1000x96xf32>
      %slice3A_56 = vector.extract_strided_slice %add3A_55 {offsets = [0, 0], sizes = [1000, 16], strides = [1, 1]} : vector<1000x96xf32> to vector<1000x16xf32>
      %swap3A = arith.constant 0 : index
      %swap3A_57 = arith.constant 0 : index
      %swap3A_58 = vector.load %arg11[%swap3A, %swap3A_57] : memref<1000x16xf32, #tpu.memory_space<vmem>>, vector<1000x16xf32>
      tpu.vector_store %arg11[%swap3A, %swap3A_57], %slice3A_56 {strides = array<i32>} : memref<1000x16xf32, #tpu.memory_space<vmem>>, vector<1000x16xf32>,
      %mul3A_59 = arith.constant 1000 : i32
      %mul3A_60 = arith.muli %arg1, %mul3A_59 : i32
      %swap3A_61 = arith.index_cast %mul3A_60 : i32 to index
      %swap3A_62 = arith.constant 0 : index
      %swap3A_63 = vector.load %arg13[%swap3A_61, %swap3A_62] : memref<10000x16xf32, #tpu.memory_space<vmem>>, vector<1000x16xf32>
      tpu.vector_store %arg13[%swap3A_61, %swap3A_62], %slice3A_56 {strides = array<i32>} : memref<10000x16xf32, #tpu.memory_space<vmem>>, vector<1000x16xf32>,
      %slice3A_64 = vector.extract_strided_slice %add3A_55 {offsets = [0, 16], sizes = [1000, 50], strides = [1, 1]} : vector<1000x96xf32> to vector<1000x50xf32>
      %mul3A_65 = arith.constant 1000 : i32
      %mul3A_66 = arith.muli %arg1, %mul3A_65 : i32
      %swap3A_67 = arith.index_cast %mul3A_66 : i32 to index
      %swap3A_68 = arith.constant 0 : index
      %swap3A_69 = vector.load %arg14[%swap3A_67, %swap3A_68] : memref<10000x50xf32, #tpu.memory_space<vmem>>, vector<1000x50xf32>
      tpu.vector_store %arg14[%swap3A_67, %swap3A_68], %slice3A_64 {strides = array<i32>} : memref<10000x50xf32, #tpu.memory_space<vmem>>, vector<1000x50xf32>,
      %reduce_sum3A = arith.constant dense<0.000000e+00> : vector<50xf32>
      %reduce_sum3A_70 = vector.multi_reduction <add>, %slice3A_64, %reduce_sum3A [0] : vector<1000x50xf32> to vector<50xf32>
      %swap3A_71 = arith.index_cast %arg1 : i32 to index
      %swap3A_72 = arith.constant 0 : index
      %swap3A_73 = arith.constant 0 : index
      %swap3A_74 = vector.load %arg15[%swap3A_71, %swap3A_72, %swap3A_73] : memref<10x2x50xf32, #tpu.memory_space<vmem>>, vector<1x1x50xf32>
      %swap3A_75 = vector.shape_cast %swap3A_74 : vector<1x1x50xf32> to vector<50xf32>
      %swap3A_76 = vector.shape_cast %reduce_sum3A_70 : vector<50xf32> to vector<1x1x50xf32>
      tpu.vector_store %arg15[%swap3A_71, %swap3A_72, %swap3A_73], %swap3A_76 {strides = array<i32>} : memref<10x2x50xf32, #tpu.memory_space<vmem>>, vector<1x1x50xf32>,
      %mul3A_77 = arith.mulf %slice3A_64, %slice3A_64 : vector<1000x50xf32>
      %reduce_sum3A_78 = arith.constant dense<0.000000e+00> : vector<50xf32>
      %reduce_sum3A_79 = vector.multi_reduction <add>, %mul3A_77, %reduce_sum3A_78 [0] : vector<1000x50xf32> to vector<50xf32>
      %swap3A_80 = arith.index_cast %arg1 : i32 to index
      %swap3A_81 = arith.constant 1 : index
      %swap3A_82 = arith.constant 0 : index
      %swap3A_83 = vector.load %arg15[%swap3A_80, %swap3A_81, %swap3A_82] : memref<10x2x50xf32, #tpu.memory_space<vmem>>, vector<1x1x50xf32>
      %swap3A_84 = vector.shape_cast %swap3A_83 : vector<1x1x50xf32> to vector<50xf32>
      %swap3A_85 = vector.shape_cast %reduce_sum3A_79 : vector<50xf32> to vector<1x1x50xf32>
      tpu.vector_store %arg15[%swap3A_80, %swap3A_81, %swap3A_82], %swap3A_85 {strides = array<i32>} : memref<10x2x50xf32, #tpu.memory_space<vmem>>, vector<1x1x50xf32>,
      %broadcast_in_dim3A = arith.constant 0.000000e+00 : f32
      %broadcast_in_dim3A_86 = vector.broadcast %broadcast_in_dim3A : f32 to vector<1000x2xf32>
      %swap3A_87 = arith.constant 0 : index
      %swap3A_88 = arith.constant 0 : index
      %swap3A_89 = vector.load %arg12[%swap3A_87, %swap3A_88] : memref<1000x2xf32, #tpu.memory_space<vmem>>, vector<1000x2xf32>
      tpu.vector_store %arg12[%swap3A_87, %swap3A_88], %broadcast_in_dim3A_86 {strides = array<i32>} : memref<1000x2xf32, #tpu.memory_space<vmem>>, vector<1000x2xf32>,
    } else {
    }
    %eq3A_2 = arith.constant 1 : i32
    %eq3A_3 = arith.cmpi eq, %arg0, %eq3A_2 : i32
    %convert_element_type3A_4 = arith.extui %eq3A_3 : i1 to i32
    %cond3A_5 = arith.constant 0 : i32
    %cond3A_6 = arith.cmpi ne, %convert_element_type3A_4, %cond3A_5 : i32
    scf.if %cond3A_6 {
      %mul3A = arith.constant 1000 : i32
      %mul3A_7 = arith.muli %arg1, %mul3A : i32
      %get3A = arith.index_cast %mul3A_7 : i32 to index
      %get3A_8 = arith.constant 0 : index
      %get3A_9 = vector.load %arg13[%get3A, %get3A_8] : memref<10000x16xf32, #tpu.memory_space<vmem>>, vector<1000x16xf32>
      %swap3A = arith.constant 0 : index
      %swap3A_10 = arith.constant 0 : index
      %swap3A_11 = vector.load %arg11[%swap3A, %swap3A_10] : memref<1000x16xf32, #tpu.memory_space<vmem>>, vector<1000x16xf32>
      tpu.vector_store %arg11[%swap3A, %swap3A_10], %get3A_9 {strides = array<i32>} : memref<1000x16xf32, #tpu.memory_space<vmem>>, vector<1000x16xf32>,
      %get3A_12 = arith.constant 0 : index
      %get3A_13 = arith.constant 0 : index
      %get3A_14 = arith.constant 0 : index
      %get3A_15 = vector.load %arg15[%get3A_12, %get3A_13, %get3A_14] : memref<10x2x50xf32, #tpu.memory_space<vmem>>, vector<10x1x50xf32>
      %get3A_16 = vector.shape_cast %get3A_15 : vector<10x1x50xf32> to vector<10x50xf32>
      %reduce_sum3A = arith.constant dense<0.000000e+00> : vector<50xf32>
      %reduce_sum3A_17 = vector.multi_reduction <add>, %get3A_16, %reduce_sum3A [0] : vector<10x50xf32> to vector<50xf32>
      %broadcast_in_dim3A = vector.shape_cast %reduce_sum3A_17 : vector<50xf32> to vector<1x50xf32>
      %div3A = arith.constant 1.000000e+04 : f32
      %div3A_18 = vector.broadcast %div3A : f32 to vector<1x50xf32>
      %div3A_19 = arith.divf %broadcast_in_dim3A, %div3A_18 : vector<1x50xf32>
      %get3A_20 = arith.constant 0 : index
      %get3A_21 = arith.constant 1 : index
      %get3A_22 = arith.constant 0 : index
      %get3A_23 = vector.load %arg15[%get3A_20, %get3A_21, %get3A_22] : memref<10x2x50xf32, #tpu.memory_space<vmem>>, vector<10x1x50xf32>
      %get3A_24 = vector.shape_cast %get3A_23 : vector<10x1x50xf32> to vector<10x50xf32>
      %reduce_sum3A_25 = arith.constant dense<0.000000e+00> : vector<50xf32>
      %reduce_sum3A_26 = vector.multi_reduction <add>, %get3A_24, %reduce_sum3A_25 [0] : vector<10x50xf32> to vector<50xf32>
      %broadcast_in_dim3A_27 = vector.shape_cast %reduce_sum3A_26 : vector<50xf32> to vector<1x50xf32>
      %div3A_28 = arith.constant 1.000000e+04 : f32
      %div3A_29 = vector.broadcast %div3A_28 : f32 to vector<1x50xf32>
      %div3A_30 = arith.divf %broadcast_in_dim3A_27, %div3A_29 : vector<1x50xf32>
      %mul3A_31 = arith.mulf %div3A_19, %div3A_19 : vector<1x50xf32>
      %sub3A = arith.subf %div3A_30, %mul3A_31 : vector<1x50xf32>
      %get3A_32 = arith.constant 0 : index
      %get3A_33 = arith.constant 0 : index
      %get3A_34 = vector.load %arg7[%get3A_32, %get3A_33] : memref<1x50xf32, #tpu.memory_space<vmem>>, vector<1x50xf32>
      %add3A = arith.constant 9.99999974E-6 : f32
      %add3A_35 = vector.broadcast %add3A : f32 to vector<1x50xf32>
      %add3A_36 = arith.addf %sub3A, %add3A_35 : vector<1x50xf32>
      %rsqrt3A = math.rsqrt %add3A_36 : vector<1x50xf32>
      %mul3A_37 = arith.mulf %get3A_34, %rsqrt3A : vector<1x50xf32>
      %mul3A_38 = arith.constant 1000 : i32
      %mul3A_39 = arith.muli %arg1, %mul3A_38 : i32
      %get3A_40 = arith.index_cast %mul3A_39 : i32 to index
      %get3A_41 = arith.constant 0 : index
      %get3A_42 = vector.load %arg14[%get3A_40, %get3A_41] : memref<10000x50xf32, #tpu.memory_space<vmem>>, vector<1000x50xf32>
      %sub3A_43 = vector.broadcast %div3A_19 : vector<1x50xf32> to vector<1000x50xf32>
      %sub3A_44 = arith.subf %get3A_42, %sub3A_43 : vector<1000x50xf32>
      %mul3A_45 = vector.broadcast %mul3A_37 : vector<1x50xf32> to vector<1000x50xf32>
      %mul3A_46 = arith.mulf %sub3A_44, %mul3A_45 : vector<1000x50xf32>
      %get3A_47 = arith.constant 0 : index
      %get3A_48 = arith.constant 0 : index
      %get3A_49 = vector.load %arg8[%get3A_47, %get3A_48] : memref<1x50xf32, #tpu.memory_space<vmem>>, vector<1x50xf32>
      %add3A_50 = vector.broadcast %get3A_49 : vector<1x50xf32> to vector<1000x50xf32>
      %add3A_51 = arith.addf %mul3A_46, %add3A_50 : vector<1000x50xf32>
      %max3A = arith.constant 0.000000e+00 : f32
      %max3A_52 = vector.broadcast %max3A : f32 to vector<1000x50xf32>
      %max3A_53 = arith.maximumf %add3A_51, %max3A_52 : vector<1000x50xf32>
      %get3A_54 = arith.constant 0 : index
      %get3A_55 = arith.constant 0 : index
      %get3A_56 = vector.load %arg9[%get3A_54, %get3A_55] : memref<50x2xf32, #tpu.memory_space<vmem>>, vector<50x2xf32>
      %dot_general3A = arith.constant dense<0.000000e+00> : vector<1000x2xf32>
      %dot_general3A_57 = tpu.matmul %max3A_53, %get3A_56, %dot_general3A {dimension_numbers = #tpu.dot_dimension_numbers<[1], [0], [0], [1], [0, 0, 1, 1], [], []>, transpose_lhs_hint = false} : vector<1000x50xf32>, vector<50x2xf32>, vector<1000x2xf32> -> vector<1000x2xf32>
      %get3A_58 = arith.constant 0 : index
      %get3A_59 = arith.constant 0 : index
      %get3A_60 = vector.load %arg10[%get3A_58, %get3A_59] : memref<1x2xf32, #tpu.memory_space<vmem>>, vector<1x2xf32>
      %add3A_61 = vector.broadcast %get3A_60 : vector<1x2xf32> to vector<1000x2xf32>
      %add3A_62 = arith.addf %dot_general3A_57, %add3A_61 : vector<1000x2xf32>
      %swap3A_63 = arith.constant 0 : index
      %swap3A_64 = arith.constant 0 : index
      %swap3A_65 = vector.load %arg12[%swap3A_63, %swap3A_64] : memref<1000x2xf32, #tpu.memory_space<vmem>>, vector<1000x2xf32>
      tpu.vector_store %arg12[%swap3A_63, %swap3A_64], %add3A_62 {strides = array<i32>} : memref<1000x2xf32, #tpu.memory_space<vmem>>, vector<1000x2xf32>,
    } else {
    }
    return
  }
  func.func @transform_0(%arg0: i32, %arg1: i32) -> (i32, i32) {
    %c0_i32 = arith.constant 0 : i32
    %c0_i32_0 = arith.constant 0 : i32
    return %arg1, %c0_i32 : i32, i32
  }
  func.func @transform_1(%arg0: i32, %arg1: i32) -> (i32, i32, i32) {
    %c0_i32 = arith.constant 0 : i32
    %c0_i32_0 = arith.constant 0 : i32
    %c0_i32_1 = arith.constant 0 : i32
    return %c0_i32, %arg1, %c0_i32_0 : i32, i32, i32
  }
  func.func @transform_2(%arg0: i32, %arg1: i32) -> (i32, i32, i32) {
    %c0_i32 = arith.constant 0 : i32
    %c0_i32_0 = arith.constant 0 : i32
    %c0_i32_1 = arith.constant 0 : i32
    return %c0_i32, %arg1, %c0_i32_0 : i32, i32, i32
  }
  func.func @transform_3(%arg0: i32, %arg1: i32) -> (i32, i32) {
    %c0_i32 = arith.constant 0 : i32
    %c0_i32_0 = arith.constant 0 : i32
    %c0_i32_1 = arith.constant 0 : i32
    return %c0_i32, %c0_i32_0 : i32, i32
  }
  func.func @transform_4(%arg0: i32, %arg1: i32) -> (i32, i32) {
    %c0_i32 = arith.constant 0 : i32
    %c0_i32_0 = arith.constant 0 : i32
    %c0_i32_1 = arith.constant 0 : i32
    return %c0_i32, %c0_i32_0 : i32, i32
  }
  func.func @transform_5(%arg0: i32, %arg1: i32) -> (i32, i32) {
    %c0_i32 = arith.constant 0 : i32
    %c0_i32_0 = arith.constant 0 : i32
    %c0_i32_1 = arith.constant 0 : i32
    return %c0_i32, %c0_i32_0 : i32, i32
  }
  func.func @transform_6(%arg0: i32, %arg1: i32) -> (i32, i32) {
    %c0_i32 = arith.constant 0 : i32
    %c0_i32_0 = arith.constant 0 : i32
    %c0_i32_1 = arith.constant 0 : i32
    return %c0_i32, %c0_i32_0 : i32, i32
  }
  func.func @transform_7(%arg0: i32, %arg1: i32) -> (i32, i32) {
    %c0_i32 = arith.constant 0 : i32
    %c0_i32_0 = arith.constant 0 : i32
    %c0_i32_1 = arith.constant 0 : i32
    return %c0_i32, %c0_i32_0 : i32, i32
  }
  func.func @transform_8(%arg0: i32, %arg1: i32) -> (i32, i32) {
    %c0_i32 = arith.constant 0 : i32
    %c0_i32_0 = arith.constant 0 : i32
    %c0_i32_1 = arith.constant 0 : i32
    return %c0_i32, %c0_i32_0 : i32, i32
  }
  func.func @transform_9(%arg0: i32, %arg1: i32) -> (i32, i32) {
    %c0_i32 = arith.constant 0 : i32
    %c0_i32_0 = arith.constant 0 : i32
    return %arg1, %c0_i32 : i32, i32
  }
  func.func @transform_10(%arg0: i32, %arg1: i32) -> (i32, i32) {
    %c0_i32 = arith.constant 0 : i32
    %c0_i32_0 = arith.constant 0 : i32
    return %arg1, %c0_i32 : i32, i32
  }
}

</mosaic_0001>

<sc_bundles>
// kernel: gnn_edge_feat_sc.3.cloned.1.call-start
scs
__scs_entry_jumppad:
0x0: {  	(pc) =	sbr.rel $0x88, $3  }
0x1: {  	(tag) =	ssettag $0x0;
	lr =	simm.s32 $0x1  }
0x2: {  	[smem:$0x3F8B] =	sst lr;
	_ =	strace $0xD0000000  }
0x3: {  	_ = 	snop  }
0x4: {  	_ = 	snop  }
0x5: {  	_ = 	snop  }
0x6: {  	_ = 	snop  }
0x7: {  	_ = 	snop  }
__scs_overlays_trampoline_lowered:
0x8: {  	[smem:$0x3F9A] =	sst s0  }
0x9: {  	[smem:$0x3F9B] =	sst s1  }
0xa: {  	[smem:$0x3F9C] =	sst s2  }
0xb: {  	[smem:$0x3F9D] =	sst s3  }
0xc: {  	[smem:$0x3F9E] =	sst s4  }
0xd: {  	[smem:$0x3F9F] =	sst s5  }
0xe: {  	[smem:$0x3FA0] =	sst s6  }
0xf: {  	[smem:$0x3FA1] =	sst s7  }
0x10: {  	[smem:$0x3FA2] =	sst s8  }
0x11: {  	[smem:$0x3FA3] =	sst s9;
	s0 =	simm.s32 @!p0 $0x0  }
0x12: {  	s1 =	sld [smem:$0x3F89];
	s0 =	simm.s32 @p0 $0x1  }
0x13: {  	[smem:$0x3FA4] =	sst s0;
	s0 =	simm.s32 @!p1 $0x0  }
0x14: {  	s2 =	sld [smem:$0x3F88];
	s0 =	simm.s32 @p1 $0x1  }
0x15: {  	[smem:$0x3FA5] =	sst s0;
	s0 =	simm.s32 @!p2 $0x0  }
0x16: {  	s3 =	sld [smem:$0x3FDB];
	s0 =	simm.s32 @p2 $0x1  }
0x17: {  	s4 =	simm.s32 $0x1BF5;
	[smem:$0x3FA7] =	sst s0  }
0x18: {  	s0 =	sld [smem:$0x3F8A];
	_ =	swait.ge [sflag:s4], $0x0  }
0x19: {  	s7 =	sld [smem:$0x3F8B]  }
0x1a: {  	s8 =	sadd.s32 $0xFFFFE003, lr  }
0x1b: {  	s9 =	sadd.s32 $0xFFFFFEF7, lr;
	s5 =	simm.s32 $0xFFFFFFFF;
	p2 =	slt.u32 s8, $0xFFFFF086  }
0x1c: {  	p1 =	slt.u32 s9, $0xF7A;
	s5 =	simm.s32 @!p2 $0x0  }
0x1d: {  	s5 =	simm.s32 @p1 $0x1;
	p0 =	seq.s32 s7, s2  }
0x1e: {  	s7 =	smul.u32 @!p0 $0xF7A, s2;
	p2 =	seq.s32 @!p0 s5, $0x0  }
0x1f: {  	s9 =	smul.u32 $0xF7A, s1;
	s8 =	simm.s32 @!p0 $0x1BF5;
	p2 =	por !p2, p0  }
0x20: {  	[sflag:s8] =	ssyncset.s32 @!p0 $0xFFFFF086;
	s6 =	sadd.s32 @!p0 s3, s7;
	s7 =	simm.s32 @!p0 $0x108  }
0x21: {  	s3 =	sadd.s32 s3, s9;
	s6 =	sadd.s32 @!p0 $0x88, s6;
	s7 =	simm.s32 @p2 $0x1082  }
0x22: {  	[simem:s7], [sflag:s8] =	dma.local @!p0 [hbm:s6], $0xF7A  }
0x23: {  	s9 =	sor.u32 $0xD0000000, s2;
	s6 =	simm.s32 $0x108;
	_ =	swait.ge @!p0 [sflag:s8], $0x0  }
0x24: {  	s3 =	sadd.s32 $0x88, s3;
	s6 =	simm.s32 @!p1 $0x1082;
	[sflag:s4] =	ssyncset.s32 $0xFFFFF086  }
0x25: {  	[simem:s6], [sflag:s4] =	dma.local [hbm:s3], $0xF7A  }
0x26: {  	[smem:$0x3F8B] =	sst s1;
	(tag) =	ssettag s2;
	_ =	strace s9  }
0x27: {  	s1 =	sld [smem:$0x3F9B]  }
0x28: {  	s2 =	sld [smem:$0x3F9C]  }
0x29: {  	s4 =	sld [smem:$0x3F9E]  }
0x2a: {  	p0 =	seq.s32 s5, $0x0;
	s5 =	sld [smem:$0x3F9F]  }
0x2b: {  	s6 =	sld [smem:$0x3FA0]  }
0x2c: {  	s7 =	sld [smem:$0x3FA1]  }
0x2d: {  	s3 =	simm.s32 $0x108;
	s8 =	sld [smem:$0x3FA2]  }
0x2e: {  	s3 =	simm.s32 @!p0 $0x1082;
	s9 =	sld [smem:$0x3FA3]  }
0x2f: {  	lr =	sadd.s32 s0, s3;
	s0 =	sld [smem:$0x3F9A]  }
0x30: {  	s3 =	sld [smem:$0x3F9D]  }
0x31: {  	[smem:$0x3FA6] =	sst s10  }
0x32: {  	s10 =	sld [smem:$0x3FA4];
	_ =	sdelay $0x3  }
0x33: {  	p0 =	seq.s32 s10, $0x1;
	s10 =	sld [smem:$0x3FA6];
	_ =	sdelay $0x3  }
0x34: {  	[smem:$0x3FA6] =	sst s10  }
0x35: {  	s10 =	sld [smem:$0x3FA5];
	_ =	sdelay $0x3  }
0x36: {  	p1 =	seq.s32 s10, $0x1;
	s10 =	sld [smem:$0x3FA6];
	_ =	sdelay $0x3  }
0x37: {  	[smem:$0x3FA6] =	sst s10  }
0x38: {  	s10 =	sld [smem:$0x3FA7]  }
0x39: {  	_ = 	snop;
	(pc) =	sbr.ind lr, $3  }
0x3a: {  	_ = 	snop  }
0x3b: {  	_ = 	snop  }
0x3c: {  	p2 =	seq.s32 s10, $0x1;
	s10 =	sld [smem:$0x3FA6]  }
0x3d: {  	_ =	shalt  }
0x3e: {  	_ =	shalt  }
0x3f: {  	_ =	shalt  }
0x40: {  	_ =	shalt  }
0x41: {  	_ =	shalt  }
0x42: {  	_ =	shalt  }
0x43: {  	_ =	shalt  }
0x44: {  	_ =	shalt  }
0x45: {  	_ =	shalt  }
0x46: {  	_ =	shalt  }
0x47: {  	_ =	shalt  }
0x48: {  	_ =	shalt  }
0x49: {  	_ =	shalt  }
0x4a: {  	_ =	shalt  }
0x4b: {  	_ =	shalt  }
0x4c: {  	_ =	shalt  }
0x4d: {  	_ =	shalt  }
0x4e: {  	_ =	shalt  }
0x4f: {  	_ =	shalt  }
0x50: {  	_ =	shalt  }
0x51: {  	_ =	shalt  }
0x52: {  	_ =	shalt  }
0x53: {  	_ =	shalt  }
0x54: {  	_ =	shalt  }
0x55: {  	_ =	shalt  }
0x56: {  	_ =	shalt  }
0x57: {  	_ =	shalt  }
0x58: {  	_ =	shalt  }
0x59: {  	_ =	shalt  }
0x5a: {  	_ =	shalt  }
0x5b: {  	_ =	shalt  }
0x5c: {  	_ =	shalt  }
0x5d: {  	_ =	shalt  }
0x5e: {  	_ =	shalt  }
0x5f: {  	_ =	shalt  }
0x60: {  	_ =	shalt  }
0x61: {  	_ =	shalt  }
0x62: {  	_ =	shalt  }
0x63: {  	_ =	shalt  }
0x64: {  	_ =	shalt  }
0x65: {  	_ =	shalt  }
0x66: {  	_ =	shalt  }
0x67: {  	_ =	shalt  }
0x68: {  	_ =	shalt  }
0x69: {  	_ =	shalt  }
0x6a: {  	_ =	shalt  }
0x6b: {  	_ =	shalt  }
0x6c: {  	_ =	shalt  }
0x6d: {  	_ =	shalt  }
0x6e: {  	_ =	shalt  }
0x6f: {  	_ =	shalt  }
0x70: {  	_ =	shalt  }
0x71: {  	_ =	shalt  }
0x72: {  	_ =	shalt  }
0x73: {  	_ =	shalt  }
0x74: {  	_ =	shalt  }
0x75: {  	_ =	shalt  }
0x76: {  	_ =	shalt  }
0x77: {  	_ =	shalt  }
0x78: {  	_ =	shalt  }
0x79: {  	_ =	shalt  }
0x7a: {  	_ =	shalt  }
0x7b: {  	_ =	shalt  }
0x7c: {  	_ =	shalt  }
0x7d: {  	_ =	shalt  }
0x7e: {  	_ =	shalt  }
0x7f: {  	_ =	shalt  }
0x80: {  	_ =	shalt  }
0x81: {  	_ =	shalt  }
0x82: {  	_ =	shalt  }
0x83: {  	_ =	shalt  }
0x84: {  	_ =	shalt  }
0x85: {  	_ =	shalt  }
0x86: {  	_ =	shalt  }
0x87: {  	_ =	shalt  }
.Lfunc_end0:
.L_simem_size_0:
called_computation_lowered:
.L_overlay_start_0:
0x88: {  	s2 =	sld [smem:$0x3FD9]  }
0x89: {  	s3 =	sld [smem:$0x3FFE];
	_ =	sdelay $0x1  }
0x8a: {  	s1 =	srdreg.scid  }
0x8b: {  	s0 =	sand.u32 $0x1, s1  }
0x8c: {  	s14 =	sshll.u32 s0, $0xA;
	s2 =	sadd.s32 s3, s2  }
0x8d: {  	s2 =	sadd.s32 s2, s14  }
0x8e: {  	[smem:$0x3FB2] =	sst s2  }
0x8f: {  	_ = 	snop  }
0x90: {  	s2 =	sld [smem:$0x3FD0];
	_ =	sdelay $0x2  }
0x91: {  	s15 =	simm.s32 $0xB;
	s4 =	simm.s32 $0x10  }
0x92: {  	[smem:s4], [sflag:s15] =	dma.local [hbm:s2], $0x1  }
0x93: {  	_ =	swait.eq [sflag:s15], $0x1  }
0x94: {  	[sflag:s15] =	ssyncset.done $0x0  }
0x95: {  	[sflag:s15] =	ssyncadd.s32 $0xFFFFFFFF  }
0x96: {  	s16 =	sld [smem:$0x10];
	(tm) =	ssettm $0x1  }
0x97: {  	s17 =	sld [smem:$0x3FFB];
	_ =	sdelay $0x3  }
0x98: {  	_ =	strace s17  }
0x99: {  	s3 =	sld [smem:$0x3FFC];
	_ =	sdelay $0x3  }
0x9a: {  	_ =	strace s3  }
0x9b: {  	s3 =	sld [smem:$0x3FFD];
	_ =	sdelay $0x3  }
0x9c: {  	_ =	strace s3  }
0x9d: {  	_ =	strace $0x8FFFFFFF  }
0x9e: {  	s18 =	sld [smem:$0x3FDB];
	_ =	sdelay $0x1  }
0x9f: {  	s19 =	simm.s32 $_scs_section_size  }
0xa0: {  	s5 =	simm.s32 $_size__tile_overlayer_lowered;
	s6 =	simm.s32 $_tile_overlayer_lowered  }
0xa1: {  	s22 =	simm.s32 $0x1BFF;
	s21 =	sshll.u32 s6, $0x1;
	s3 =	sadd.s32 s19, s18  }
0xa2: {  	s7 =	simm.s32 $0x0;
	s20 =	sshll.u32 s5, $0x1;
	s5 =	sadd.s32 s21, s3  }
0xa3: {  	[timem:s7], [sflag:s22] =	dma.local [hbm:s5], s20  }
0xa4: {  	_ =	swait.ge [sflag:s22], s20  }
0xa5: {  	s4 =	ssub.s32 $0x0, s20;
	[sflag:s22] =	ssyncset.done $0x0  }
0xa6: {  	[sflag:s22] =	ssyncadd.s32 s4;
	_ =	sdelay $0x1  }
0xa7: {  	s23 =	simm.s32 $0x1B8B  }
0xa8: {  	_ =	swait.ge [sflag:s23], $0x1  }
0xa9: {  	[sflag:s23] =	ssyncset.done $0x0  }
0xaa: {  	s25 =	simm.s32 $0x1B8E;
	s24 =	sld [smem:$0x3FFE];
	[sflag:s23] =	ssyncadd.s32 $0xFFFFFFFF  }
0xab: {  	s26 =	simm.s32 $execute0_lowered;
	[smem:$0x3FD2] =	sst s25  }
0xac: {  	s5 =	sshll.u32 s26, $0x1;
	_ =	strace $0x80000046;
	[dreg:$0x1] =	wrdreg $0xFFFFFFFF  }
0xad: {  	s28 =	simm.s32 $_size_execute0_lowered;
	s3 =	sadd.s32 s3, s5;
	[dreg:$0x0] =	wrdreg $0x0  }
0xae: {  	s5 =	sshll.u32 s28, $0x1;
	[dreg:$0x2] =	wrdreg s3  }
0xaf: {  	[dreg:$0x3] =	wrdreg s5  }
0xb0: {  	[dreg:$0x4] =	wrdreg $0xC0  }
0xb1: {  	_ =	task [dreg:s7], $0x5FFFF  }
0xb2: {  	[dreg:$0x1] =	wrdreg $0xFFFFFFFF  }
0xb3: {  	[dreg:$0x0] =	wrdreg $0x60  }
0xb4: {  	[dreg:$0x2] =	wrdreg s24  }
0xb5: {  	[dreg:$0x3] =	wrdreg s16  }
0xb6: {  	[dreg:$0x4] =	wrdreg $0x0  }
0xb7: {  	[dreg:$0x5] =	wrdreg $0x9  }
0xb8: {  	_ =	task.clear_ibuf [dreg:s7], $0x6FFFF;
	_ =	strace $0x90000046  }
0xb9: {  	s29 =	simm.s32 $0x9;
	_ =	strace $0x80000048  }
0xba: {  	_ =	swait.ge [sflag:s29], $0x1  }
0xbb: {  	[sflag:s29] =	ssyncadd.s32 $0xFFFFFFFF  }
0xbc: {  	_ =	strace $0x90000048  }
0xbd: {  	_ =	sfence  }
0xbe: {  	s30 =	sld [smem:$0x0];
	_ =	sdelay $0x2  }
0xbf: {  	s31 =	sshll.u32 s1, $0xD;
	s1 =	sshrl.u32 s1, $0x2  }
0xc0: {  	s3 =	sand.u32 $0x4000, s31;
	s1 =	sadd.s32 s1, s30  }
0xc1: {  	s0 =	sor.u32 s3, s0;
	s1 =	sshll.u32 s1, $0x11  }
0xc2: {  	s0 =	sor.u32 s1, s0  }
0xc3: {  	s0 =	sadd.s32 $0x8F2B, s0  }
0xc4: {  	[sflag:s0] =	ssyncadd.remote.s32 $0x1  }
0xc5: {  	_ =	sfence.sel $0xFFFF  }
0xc6: {  	[dreg:$0x0] =	wrdreg $0xFFFFFFFF;
	(pc) =	sbr.abs _section_cstart, $3  }
0xc7: {  	[dreg:$0x1] =	wrdreg $0xFFFFFFFF  }
0xc8: {  	_ =	task.clear_ibuf [dreg:s7], $0x2FFFF;
	_ =	strace $0x9FFFFFFF  }
0xc9: {  	(tm) =	ssettm $0x7FFFFFFF  }
tec
execute0_lowered:
.L_overlay_start_1:
0x0: {  	(tag) =	ssettag $0x1  }
0x1: {  	s0 =	rddreg [dreg:$0x0]  }
0x2: {  	s3 =	rddreg [dreg:$0x2];
	s1 =	srdreg.scid  }
0x3: {  	s9 =	stileid.u32;
	s4 =	simm.s32 $0x0;
	s12 =	simm.s32 $0x9  }
0x4: {  	s16 =	simm.s32 $0x80;
	s17 =	simm.s32 $0xB400;
	s18 =	simm.s32 $0x1  }
0x5: {  	s19 =	simm.s32 $0xCC00;
	s20 =	simm.s32 $0x2;
	s21 =	simm.s32 $0xE400  }
0x6: {  	s22 =	simm.s32 $0x3;
	s28 =	simm.s32 $0x7;
	s29 =	simm.s32 $0x8  }
0x7: {  	s30 =	simm.s32 $0x0;
	s1 =	sand.u32 $0x1, s1;
	s2 =	smul.u32 $0xF000, s9  }
0x8: {  	[smem:$0x7FF] =	sst s4;
	s5 =	sshll.u32 s9, $0x1;
	s31 =	sshll.u32 s9, $0x6  }
0x9: {  	s6 =	smul.u32 $0xF0000, s1;
	_ =	strace $0x80000047;
	s5 =	sor.u32 s1, s5  }
0xa: {  	s1 =	ssub.s32 $0x2, s1;
	s14 =	sor.u32 $0x1C09, s31;
	s7 =	smul.u32 $0x280, s5  }
0xb: {  	s5 =	sadd.s32 $0x2C00, s0;
	s8 =	sshrl.u32 s1, $0x1;
	s6 =	sadd.s32 s2, s6  }
0xc: {  	s1 =	ssub.s32 s1, s8;
	s2 =	sshrl.u32 s2, $0x1;
	s6 =	sshrl.u32 s6, $0x4  }
0xd: {  	s7 =	sadd.s32 s7, s0;
	s2 =	sadd.s32 s2, s3;
	s26 =	smax.u32 s1, $0x1  }
0xe: {  	s0 =	sadd.s32 s6, s0;
	s23 =	sadd.s32 $0x11800, s7;
	[dreg:$0x8] =	wrdreg s26  }
0xf: {  	s24 =	sadd.s32 $0x16800, s7;
	s25 =	sadd.s32 $0x1B800, s7;
	[dreg:$0x4] =	wrdreg s23  }
0x10: {  	s15 =	sshrl.u32 s2, $0x3;
	s26 =	simm.s32 $0x6;
	[dreg:$0x5] =	wrdreg s24  }
0x11: {  	[dreg:$0x6] =	wrdreg s25;
	s0 =	sadd.s32 $0x20800, s0;
	s23 =	simm.s32 $0xFC00  }
0x12: {  	s24 =	simm.s32 $0x4;
	s25 =	simm.s32 $0x5;
	[dreg:$0x7] =	wrdreg s0  }
.LBB2_1:
0x13: {  	s0 =	rddreg [dreg:$0x4];
	s1 =	simm.s32 $0x7800  }
0x14: {  	[tilespmem:s1], [sflag:$0x9] =	stream.linear.gather [hbm4b:s0+s4], $0x1400, $0x38;
	[tilespmem:$0x11400] =	vst v63  }
0x15: {  	_ =	swait.ge [sflag:s12], $0x1400  }
0x16: {  	[sflag:s12] =	ssyncset.done $0x0  }
0x17: {  	s2 =	simm.s32 $0x8C00;
	s10 =	rddreg [dreg:$0x5];
	[sflag:s12] =	ssyncadd.s32 $0xFFFFEC00  }
0x18: {  	[tilespmem:s2], [sflag:$0x9] =	stream.linear.gather [hbm4b:s10+s4], $0x1400, $0x38;
	[tilespmem:$0x11400] =	vst v63  }
0x19: {  	_ =	swait.ge [sflag:s12], $0x1400  }
0x1a: {  	[sflag:s12] =	ssyncset.done $0x0  }
0x1b: {  	s31 =	simm.s32 $0xA000;
	s11 =	rddreg [dreg:$0x6];
	[sflag:s12] =	ssyncadd.s32 $0xFFFFEC00  }
0x1c: {  	[tilespmem:s31], [sflag:$0x9] =	stream.linear.gather [hbm4b:s11+s4], $0x1400, $0x38;
	[tilespmem:$0x11400] =	vst v63  }
0x1d: {  	_ =	swait.ge [sflag:s12], $0x1400  }
0x1e: {  	[sflag:s12] =	ssyncset.done $0x0  }
0x1f: {  	[sflag:s12] =	ssyncadd.s32 $0xFFFFEC00  }
0x20: {  	s13 =	rddreg [dreg:$0x1]  }
0x21: {  	[spmem:s15], [sflag:s14] =	dma.local [hbm:s13], $0xF00  }
0x22: {  	_ =	swait.ge [sflag:s12], $0xF00  }
0x23: {  	[sflag:s12] =	ssyncset.done $0x0  }
0x24: {  	[sflag:s12] =	ssyncadd.s32 $0xFFFFF100  }
0x25: {  	s0 =	simm.s32 $0xA080;
	[bflag:$0x0] =	sbarrier.arrive $0xFFFF  }
0x26: {  	[tilespmem:s17], [sflag:$0x1] =	stream.indirect.gather [hbm4b:s5+s16], $0x30, s1, s16, $0xb8;
	[tilespmem:$0x11400] =	vst v63  }
0x27: {  	s2 =	simm.s32 $0xA180;
	s13 =	simm.s32 $0x0;
	s1 =	simm.s32 $0xA100  }
.LBB2_2:
0x28: {  	_ =	swait.ge [sflag:s18], $0x1800  }
0x29: {  	p0 =	seq.s32 s13, $0x0;
	[sflag:s18] =	ssyncset.done $0x0  }
0x2a: {  	s11 =	sshll.u32 s13, $0xB;
	s7 =	simm.s32 @!p0 $0x6;
	[sflag:s18] =	ssyncadd.s32 $0xFFFFE800  }
0x2b: {  	v0 =	vmov s31;
	s6 =	sor.u32 $0x200, s11;
	_ =	swait.ge @!p0 [sflag:s7], $0x1800  }
0x2c: {  	s8 =	simm.s32 $0xB580;
	s6 =	sshrl.u32 s6, $0x2;
	[sflag:s7] =	ssyncset.done @!p0 $0x0  }
0x2d: {  	s10 =	sadd.s32 $0x7800, s6;
	[sflag:s7] =	ssyncadd.s32 @!p0 $0xFFFFE800;
	s7 =	simm.s32 $0x0  }
0x2e: {  	[tilespmem:s19], [sflag:$0x2] =	stream.indirect.gather [hbm4b:s5+s16], $0x30, s10, s16, $0xb8;
	[tilespmem:$0x11400] =	vst v63  }
.LBB2_3:
0x2f: {  	s9 =	sshra.s32 s7, $0x2  }
0x30: {  	v1 =	vld.idx.msk [tilespmem:v0+s9+$0x0 ss:$0x1], $0xffff;
	_ =	sdelay $0x2  }
0x31: {  	v2 =	vld [tilespmem:s8+$0xFFFFFE80];
	_ =	sdelay $0x1  }
0x32: {  	v3 =	vbroadcast v1, $0x0;
	_ =	sdelay $0x1  }
0x33: {  	v3 =	vpack.i.f32.bf16 v3, v3  }
0x34: {  	v2 =	vmul.bf16 v2, v3;
	_ =	sdelay $0x1  }
0x35: {  	[tilespmem:s8+$0xFFFFFE80] =	vst v2;
	v2 =	vld [tilespmem:s8+$0xFFFFFE90];
	_ =	sdelay $0x4  }
0x36: {  	v2 =	vmul.bf16 v2, v3;
	_ =	sdelay $0x1  }
0x37: {  	[tilespmem:s8+$0xFFFFFE90] =	vst v2;
	v2 =	vld [tilespmem:s8+$0xFFFFFEA0];
	_ =	sdelay $0x4  }
0x38: {  	v2 =	vmul.bf16 v2, v3;
	_ =	sdelay $0x1  }
0x39: {  	[tilespmem:s8+$0xFFFFFEA0] =	vst v2;
	v2 =	vld [tilespmem:s8+$0xFFFFFEB0];
	_ =	sdelay $0x1  }
0x3a: {  	v3 =	vbroadcast v1, $0x1;
	_ =	sdelay $0x1  }
0x3b: {  	v3 =	vpack.i.f32.bf16 v3, v3  }
0x3c: {  	v2 =	vmul.bf16 v2, v3;
	_ =	sdelay $0x1  }
0x3d: {  	[tilespmem:s8+$0xFFFFFEB0] =	vst v2;
	v2 =	vld [tilespmem:s8+$0xFFFFFEC0];
	_ =	sdelay $0x4  }
0x3e: {  	v2 =	vmul.bf16 v2, v3;
	_ =	sdelay $0x1  }
0x3f: {  	[tilespmem:s8+$0xFFFFFEC0] =	vst v2;
	v2 =	vld [tilespmem:s8+$0xFFFFFED0];
	_ =	sdelay $0x4  }
0x40: {  	v2 =	vmul.bf16 v2, v3;
	_ =	sdelay $0x1  }
0x41: {  	[tilespmem:s8+$0xFFFFFED0] =	vst v2;
	v2 =	vld [tilespmem:s8+$0xFFFFFEE0];
	_ =	sdelay $0x1  }
0x42: {  	v3 =	vbroadcast v1, $0x2;
	_ =	sdelay $0x1  }
0x43: {  	v3 =	vpack.i.f32.bf16 v3, v3  }
0x44: {  	v2 =	vmul.bf16 v2, v3;
	_ =	sdelay $0x1  }
0x45: {  	[tilespmem:s8+$0xFFFFFEE0] =	vst v2;
	v2 =	vld [tilespmem:s8+$0xFFFFFEF0];
	_ =	sdelay $0x4  }
0x46: {  	v2 =	vmul.bf16 v2, v3;
	_ =	sdelay $0x1  }
0x47: {  	[tilespmem:s8+$0xFFFFFEF0] =	vst v2;
	v2 =	vld [tilespmem:s8+$0xFFFFFF00];
	_ =	sdelay $0x4  }
0x48: {  	v2 =	vmul.bf16 v2, v3;
	_ =	sdelay $0x1  }
0x49: {  	[tilespmem:s8+$0xFFFFFF00] =	vst v2;
	v2 =	vld [tilespmem:s8+$0xFFFFFF10];
	_ =	sdelay $0x1  }
0x4a: {  	v3 =	vbroadcast v1, $0x3;
	_ =	sdelay $0x1  }
0x4b: {  	v3 =	vpack.i.f32.bf16 v3, v3  }
0x4c: {  	v2 =	vmul.bf16 v2, v3;
	_ =	sdelay $0x1  }
0x4d: {  	[tilespmem:s8+$0xFFFFFF10] =	vst v2;
	v2 =	vld [tilespmem:s8+$0xFFFFFF20];
	_ =	sdelay $0x4  }
0x4e: {  	v2 =	vmul.bf16 v2, v3;
	_ =	sdelay $0x1  }
0x4f: {  	[tilespmem:s8+$0xFFFFFF20] =	vst v2;
	v2 =	vld [tilespmem:s8+$0xFFFFFF30];
	_ =	sdelay $0x4  }
0x50: {  	v2 =	vmul.bf16 v2, v3;
	_ =	sdelay $0x1  }
0x51: {  	[tilespmem:s8+$0xFFFFFF30] =	vst v2;
	v2 =	vld [tilespmem:s8+$0xFFFFFF40];
	_ =	sdelay $0x1  }
0x52: {  	v3 =	vbroadcast v1, $0x4;
	_ =	sdelay $0x1  }
0x53: {  	v3 =	vpack.i.f32.bf16 v3, v3  }
0x54: {  	v2 =	vmul.bf16 v2, v3;
	_ =	sdelay $0x1  }
0x55: {  	[tilespmem:s8+$0xFFFFFF40] =	vst v2;
	v2 =	vld [tilespmem:s8+$0xFFFFFF50];
	_ =	sdelay $0x4  }
0x56: {  	v2 =	vmul.bf16 v2, v3;
	_ =	sdelay $0x1  }
0x57: {  	[tilespmem:s8+$0xFFFFFF50] =	vst v2;
	v2 =	vld [tilespmem:s8+$0xFFFFFF60];
	_ =	sdelay $0x4  }
0x58: {  	v2 =	vmul.bf16 v2, v3;
	_ =	sdelay $0x1  }
0x59: {  	[tilespmem:s8+$0xFFFFFF60] =	vst v2;
	v2 =	vld [tilespmem:s8+$0xFFFFFF70];
	_ =	sdelay $0x1  }
0x5a: {  	v3 =	vbroadcast v1, $0x5;
	_ =	sdelay $0x1  }
0x5b: {  	v3 =	vpack.i.f32.bf16 v3, v3  }
0x5c: {  	v2 =	vmul.bf16 v2, v3;
	_ =	sdelay $0x1  }
0x5d: {  	[tilespmem:s8+$0xFFFFFF70] =	vst v2;
	v2 =	vld [tilespmem:s8+$0xFFFFFF80];
	_ =	sdelay $0x4  }
0x5e: {  	v2 =	vmul.bf16 v2, v3;
	_ =	sdelay $0x1  }
0x5f: {  	[tilespmem:s8+$0xFFFFFF80] =	vst v2;
	v2 =	vld [tilespmem:s8+$0xFFFFFF90];
	_ =	sdelay $0x4  }
0x60: {  	v2 =	vmul.bf16 v2, v3;
	_ =	sdelay $0x1  }
0x61: {  	[tilespmem:s8+$0xFFFFFF90] =	vst v2;
	v2 =	vld [tilespmem:s8+$0xFFFFFFA0];
	_ =	sdelay $0x1  }
0x62: {  	v3 =	vbroadcast v1, $0x6;
	_ =	sdelay $0x1  }
0x63: {  	v3 =	vpack.i.f32.bf16 v3, v3  }
0x64: {  	v2 =	vmul.bf16 v2, v3;
	_ =	sdelay $0x1  }
0x65: {  	[tilespmem:s8+$0xFFFFFFA0] =	vst v2;
	v2 =	vld [tilespmem:s8+$0xFFFFFFB0];
	_ =	sdelay $0x4  }
0x66: {  	v2 =	vmul.bf16 v2, v3;
	_ =	sdelay $0x1  }
0x67: {  	[tilespmem:s8+$0xFFFFFFB0] =	vst v2;
	v2 =	vld [tilespmem:s8+$0xFFFFFFC0];
	_ =	sdelay $0x4  }
0x68: {  	v2 =	vmul.bf16 v2, v3;
	_ =	sdelay $0x1  }
0x69: {  	[tilespmem:s8+$0xFFFFFFC0] =	vst v2;
	v2 =	vld [tilespmem:s8+$0xFFFFFFD0];
	_ =	sdelay $0x1  }
0x6a: {  	v3 =	vbroadcast v1, $0x7;
	_ =	sdelay $0x1  }
0x6b: {  	v3 =	vpack.i.f32.bf16 v3, v3  }
0x6c: {  	v2 =	vmul.bf16 v2, v3;
	_ =	sdelay $0x1  }
0x6d: {  	[tilespmem:s8+$0xFFFFFFD0] =	vst v2;
	v2 =	vld [tilespmem:s8+$0xFFFFFFE0];
	_ =	sdelay $0x4  }
0x6e: {  	v2 =	vmul.bf16 v2, v3;
	_ =	sdelay $0x1  }
0x6f: {  	[tilespmem:s8+$0xFFFFFFE0] =	vst v2;
	v2 =	vld [tilespmem:s8+$0xFFFFFFF0];
	_ =	sdelay $0x4  }
0x70: {  	v2 =	vmul.bf16 v2, v3;
	_ =	sdelay $0x1  }
0x71: {  	[tilespmem:s8+$0xFFFFFFF0] =	vst v2;
	v2 =	vld [tilespmem:s8+$0x0];
	_ =	sdelay $0x1  }
0x72: {  	v3 =	vbroadcast v1, $0x8;
	_ =	sdelay $0x1  }
0x73: {  	v3 =	vpack.i.f32.bf16 v3, v3  }
0x74: {  	v2 =	vmul.bf16 v2, v3;
	_ =	sdelay $0x1  }
0x75: {  	[tilespmem:s8+$0x0] =	vst v2;
	v2 =	vld [tilespmem:s8+$0x10];
	_ =	sdelay $0x4  }
0x76: {  	v2 =	vmul.bf16 v2, v3;
	_ =	sdelay $0x1  }
0x77: {  	[tilespmem:s8+$0x10] =	vst v2;
	v2 =	vld [tilespmem:s8+$0x20];
	_ =	sdelay $0x4  }
0x78: {  	v2 =	vmul.bf16 v2, v3;
	_ =	sdelay $0x1  }
0x79: {  	[tilespmem:s8+$0x20] =	vst v2;
	v2 =	vld [tilespmem:s8+$0x30];
	_ =	sdelay $0x1  }
0x7a: {  	v3 =	vbroadcast v1, $0x9;
	_ =	sdelay $0x1  }
0x7b: {  	v3 =	vpack.i.f32.bf16 v3, v3  }
0x7c: {  	v2 =	vmul.bf16 v2, v3;
	_ =	sdelay $0x1  }
0x7d: {  	[tilespmem:s8+$0x30] =	vst v2;
	v2 =	vld [tilespmem:s8+$0x40];
	_ =	sdelay $0x4  }
0x7e: {  	v2 =	vmul.bf16 v2, v3;
	_ =	sdelay $0x1  }
0x7f: {  	[tilespmem:s8+$0x40] =	vst v2;
	v2 =	vld [tilespmem:s8+$0x50];
	_ =	sdelay $0x4  }
0x80: {  	v2 =	vmul.bf16 v2, v3;
	_ =	sdelay $0x1  }
0x81: {  	[tilespmem:s8+$0x50] =	vst v2;
	v2 =	vld [tilespmem:s8+$0x60];
	_ =	sdelay $0x1  }
0x82: {  	v3 =	vbroadcast v1, $0xA;
	_ =	sdelay $0x1  }
0x83: {  	v3 =	vpack.i.f32.bf16 v3, v3  }
0x84: {  	v2 =	vmul.bf16 v2, v3;
	_ =	sdelay $0x1  }
0x85: {  	[tilespmem:s8+$0x60] =	vst v2;
	v2 =	vld [tilespmem:s8+$0x70];
	_ =	sdelay $0x4  }
0x86: {  	v2 =	vmul.bf16 v2, v3;
	_ =	sdelay $0x1  }
0x87: {  	[tilespmem:s8+$0x70] =	vst v2;
	v2 =	vld [tilespmem:s8+$0x80];
	_ =	sdelay $0x4  }
0x88: {  	v2 =	vmul.bf16 v2, v3;
	_ =	sdelay $0x1  }
0x89: {  	[tilespmem:s8+$0x80] =	vst v2;
	v2 =	vld [tilespmem:s8+$0x90];
	_ =	sdelay $0x1  }
0x8a: {  	v3 =	vbroadcast v1, $0xB;
	_ =	sdelay $0x1  }
0x8b: {  	v3 =	vpack.i.f32.bf16 v3, v3  }
0x8c: {  	v2 =	vmul.bf16 v2, v3;
	_ =	sdelay $0x1  }
0x8d: {  	[tilespmem:s8+$0x90] =	vst v2;
	v2 =	vld [tilespmem:s8+$0xA0];
	_ =	sdelay $0x4  }
0x8e: {  	v2 =	vmul.bf16 v2, v3;
	_ =	sdelay $0x1  }
0x8f: {  	[tilespmem:s8+$0xA0] =	vst v2;
	v2 =	vld [tilespmem:s8+$0xB0];
	_ =	sdelay $0x4  }
0x90: {  	v2 =	vmul.bf16 v2, v3;
	_ =	sdelay $0x1  }
0x91: {  	[tilespmem:s8+$0xB0] =	vst v2;
	v2 =	vld [tilespmem:s8+$0xC0];
	_ =	sdelay $0x1  }
0x92: {  	v3 =	vbroadcast v1, $0xC;
	_ =	sdelay $0x1  }
0x93: {  	v3 =	vpack.i.f32.bf16 v3, v3  }
0x94: {  	v2 =	vmul.bf16 v2, v3;
	_ =	sdelay $0x1  }
0x95: {  	[tilespmem:s8+$0xC0] =	vst v2;
	v2 =	vld [tilespmem:s8+$0xD0];
	_ =	sdelay $0x4  }
0x96: {  	v2 =	vmul.bf16 v2, v3;
	_ =	sdelay $0x1  }
0x97: {  	[tilespmem:s8+$0xD0] =	vst v2;
	v2 =	vld [tilespmem:s8+$0xE0];
	_ =	sdelay $0x4  }
0x98: {  	v2 =	vmul.bf16 v2, v3;
	_ =	sdelay $0x1  }
0x99: {  	[tilespmem:s8+$0xE0] =	vst v2;
	v2 =	vld [tilespmem:s8+$0xF0];
	_ =	sdelay $0x1  }
0x9a: {  	v3 =	vbroadcast v1, $0xD;
	_ =	sdelay $0x1  }
0x9b: {  	v3 =	vpack.i.f32.bf16 v3, v3  }
0x9c: {  	v2 =	vmul.bf16 v2, v3;
	_ =	sdelay $0x1  }
0x9d: {  	[tilespmem:s8+$0xF0] =	vst v2;
	v2 =	vld [tilespmem:s8+$0x100];
	_ =	sdelay $0x4  }
0x9e: {  	v2 =	vmul.bf16 v2, v3;
	_ =	sdelay $0x1  }
0x9f: {  	[tilespmem:s8+$0x100] =	vst v2;
	v2 =	vld [tilespmem:s8+$0x110];
	_ =	sdelay $0x4  }
0xa0: {  	v2 =	vmul.bf16 v2, v3;
	_ =	sdelay $0x1  }
0xa1: {  	[tilespmem:s8+$0x110] =	vst v2;
	v2 =	vld [tilespmem:s8+$0x120];
	_ =	sdelay $0x1  }
0xa2: {  	v3 =	vbroadcast v1, $0xE;
	_ =	sdelay $0x1  }
0xa3: {  	v3 =	vpack.i.f32.bf16 v3, v3  }
0xa4: {  	v2 =	vmul.bf16 v2, v3;
	_ =	sdelay $0x1  }
0xa5: {  	[tilespmem:s8+$0x120] =	vst v2;
	v2 =	vld [tilespmem:s8+$0x130];
	_ =	sdelay $0x4  }
0xa6: {  	v2 =	vmul.bf16 v2, v3;
	_ =	sdelay $0x1  }
0xa7: {  	[tilespmem:s8+$0x130] =	vst v2;
	v2 =	vld [tilespmem:s8+$0x140];
	_ =	sdelay $0x4  }
0xa8: {  	v2 =	vmul.bf16 v2, v3;
	_ =	sdelay $0x1  }
0xa9: {  	[tilespmem:s8+$0x140] =	vst v2;
	v2 =	vld [tilespmem:s8+$0x150];
	_ =	sdelay $0x1  }
0xaa: {  	v1 =	vbroadcast v1, $0xF;
	_ =	sdelay $0x1  }
0xab: {  	v1 =	vpack.i.f32.bf16 v1, v1  }
0xac: {  	v2 =	vmul.bf16 v2, v1;
	_ =	sdelay $0x1  }
0xad: {  	[tilespmem:s8+$0x150] =	vst v2;
	v2 =	vld [tilespmem:s8+$0x160];
	_ =	sdelay $0x4  }
0xae: {  	v2 =	vmul.bf16 v2, v1;
	_ =	sdelay $0x1  }
0xaf: {  	[tilespmem:s8+$0x160] =	vst v2;
	v2 =	vld [tilespmem:s8+$0x170];
	_ =	sdelay $0x1  }
0xb0: {  	p1 =	sne.s32 s7, $0x1C0  }
.Ltmp0:
0xb1: {  	_ = 	snop;
	(pc) =	sbr.rel @p1 .LBB2_3-.Ltmp0, $3  }
0xb2: {  	_ = 	snop  }
0xb3: {  	v1 =	vmul.bf16 v2, v1;
	_ =	sdelay $0x1  }
0xb4: {  	s7 =	sadd.s32 $0x40, s7;
	[tilespmem:s8+$0x170] =	vst v1;
	s8 =	sadd.s32 $0x300, s8  }
0xb5: {  	s7 =	sshrl.u32 s11, $0x2  }
0xb6: {  	s7 =	sadd.s32 $0x8C00, s7  }
0xb7: {  	[spmem:s3] =	stream.indirect.scatter.add.bf16 [tilespmem:s17], [sflag:$0x5], $0x30, s7, s16, $0xb8;
	[tilespmem:$0x11400] =	vst v63  }
0xb8: {  	_ =	swait.ge [sflag:s20], $0x1800  }
0xb9: {  	[sflag:s20] =	ssyncset.done $0x0  }
0xba: {  	s8 =	simm.s32 @!p0 $0x7;
	[sflag:s20] =	ssyncadd.s32 $0xFFFFE800  }
0xbb: {  	s9 =	sor.u32 $0x400, s11;
	v0 =	vmov s0;
	_ =	swait.ge @!p0 [sflag:s8], $0x1800  }
0xbc: {  	s7 =	sshrl.u32 s9, $0x2;
	s9 =	simm.s32 $0xCD80;
	[sflag:s8] =	ssyncset.done @!p0 $0x0  }
0xbd: {  	s10 =	sadd.s32 $0x7800, s7;
	[sflag:s8] =	ssyncadd.s32 @!p0 $0xFFFFE800;
	s8 =	simm.s32 $0x0  }
0xbe: {  	[tilespmem:s21], [sflag:$0x3] =	stream.indirect.gather [hbm4b:s5+s16], $0x30, s10, s16, $0xb8;
	[tilespmem:$0x11400] =	vst v63  }
.LBB2_5:
0xbf: {  	s10 =	sshra.s32 s8, $0x2  }
0xc0: {  	v1 =	vld.idx.msk [tilespmem:v0+s10+$0x0 ss:$0x1], $0xffff;
	_ =	sdelay $0x2  }
0xc1: {  	v2 =	vld [tilespmem:s9+$0xFFFFFE80];
	_ =	sdelay $0x1  }
0xc2: {  	v3 =	vbroadcast v1, $0x0;
	_ =	sdelay $0x1  }
0xc3: {  	v3 =	vpack.i.f32.bf16 v3, v3  }
0xc4: {  	v2 =	vmul.bf16 v2, v3;
	_ =	sdelay $0x1  }
0xc5: {  	[tilespmem:s9+$0xFFFFFE80] =	vst v2;
	v2 =	vld [tilespmem:s9+$0xFFFFFE90];
	_ =	sdelay $0x4  }
0xc6: {  	v2 =	vmul.bf16 v2, v3;
	_ =	sdelay $0x1  }
0xc7: {  	[tilespmem:s9+$0xFFFFFE90] =	vst v2;
	v2 =	vld [tilespmem:s9+$0xFFFFFEA0];
	_ =	sdelay $0x4  }
0xc8: {  	v2 =	vmul.bf16 v2, v3;
	_ =	sdelay $0x1  }
0xc9: {  	[tilespmem:s9+$0xFFFFFEA0] =	vst v2;
	v2 =	vld [tilespmem:s9+$0xFFFFFEB0];
	_ =	sdelay $0x1  }
0xca: {  	v3 =	vbroadcast v1, $0x1;
	_ =	sdelay $0x1  }
0xcb: {  	v3 =	vpack.i.f32.bf16 v3, v3  }
0xcc: {  	v2 =	vmul.bf16 v2, v3;
	_ =	sdelay $0x1  }
0xcd: {  	[tilespmem:s9+$0xFFFFFEB0] =	vst v2;
	v2 =	vld [tilespmem:s9+$0xFFFFFEC0];
	_ =	sdelay $0x4  }
0xce: {  	v2 =	vmul.bf16 v2, v3;
	_ =	sdelay $0x1  }
0xcf: {  	[tilespmem:s9+$0xFFFFFEC0] =	vst v2;
	v2 =	vld [tilespmem:s9+$0xFFFFFED0];
	_ =	sdelay $0x4  }
0xd0: {  	v2 =	vmul.bf16 v2, v3;
	_ =	sdelay $0x1  }
0xd1: {  	[tilespmem:s9+$0xFFFFFED0] =	vst v2;
	v2 =	vld [tilespmem:s9+$0xFFFFFEE0];
	_ =	sdelay $0x1  }
0xd2: {  	v3 =	vbroadcast v1, $0x2;
	_ =	sdelay $0x1  }
0xd3: {  	v3 =	vpack.i.f32.bf16 v3, v3  }
0xd4: {  	v2 =	vmul.bf16 v2, v3;
	_ =	sdelay $0x1  }
0xd5: {  	[tilespmem:s9+$0xFFFFFEE0] =	vst v2;
	v2 =	vld [tilespmem:s9+$0xFFFFFEF0];
	_ =	sdelay $0x4  }
0xd6: {  	v2 =	vmul.bf16 v2, v3;
	_ =	sdelay $0x1  }
0xd7: {  	[tilespmem:s9+$0xFFFFFEF0] =	vst v2;
	v2 =	vld [tilespmem:s9+$0xFFFFFF00];
	_ =	sdelay $0x4  }
0xd8: {  	v2 =	vmul.bf16 v2, v3;
	_ =	sdelay $0x1  }
0xd9: {  	[tilespmem:s9+$0xFFFFFF00] =	vst v2;
	v2 =	vld [tilespmem:s9+$0xFFFFFF10];
	_ =	sdelay $0x1  }
0xda: {  	v3 =	vbroadcast v1, $0x3;
	_ =	sdelay $0x1  }
0xdb: {  	v3 =	vpack.i.f32.bf16 v3, v3  }
0xdc: {  	v2 =	vmul.bf16 v2, v3;
	_ =	sdelay $0x1  }
0xdd: {  	[tilespmem:s9+$0xFFFFFF10] =	vst v2;
	v2 =	vld [tilespmem:s9+$0xFFFFFF20];
	_ =	sdelay $0x4  }
0xde: {  	v2 =	vmul.bf16 v2, v3;
	_ =	sdelay $0x1  }
0xdf: {  	[tilespmem:s9+$0xFFFFFF20] =	vst v2;
	v2 =	vld [tilespmem:s9+$0xFFFFFF30];
	_ =	sdelay $0x4  }
0xe0: {  	v2 =	vmul.bf16 v2, v3;
	_ =	sdelay $0x1  }
0xe1: {  	[tilespmem:s9+$0xFFFFFF30] =	vst v2;
	v2 =	vld [tilespmem:s9+$0xFFFFFF40];
	_ =	sdelay $0x1  }
0xe2: {  	v3 =	vbroadcast v1, $0x4;
	_ =	sdelay $0x1  }
0xe3: {  	v3 =	vpack.i.f32.bf16 v3, v3  }
0xe4: {  	v2 =	vmul.bf16 v2, v3;
	_ =	sdelay $0x1  }
0xe5: {  	[tilespmem:s9+$0xFFFFFF40] =	vst v2;
	v2 =	vld [tilespmem:s9+$0xFFFFFF50];
	_ =	sdelay $0x4  }
0xe6: {  	v2 =	vmul.bf16 v2, v3;
	_ =	sdelay $0x1  }
0xe7: {  	[tilespmem:s9+$0xFFFFFF50] =	vst v2;
	v2 =	vld [tilespmem:s9+$0xFFFFFF60];
	_ =	sdelay $0x4  }
0xe8: {  	v2 =	vmul.bf16 v2, v3;
	_ =	sdelay $0x1  }
0xe9: {  	[tilespmem:s9+$0xFFFFFF60] =	vst v2;
	v2 =	vld [tilespmem:s9+$0xFFFFFF70];
	_ =	sdelay $0x1  }
0xea: {  	v3 =	vbroadcast v1, $0x5;
	_ =	sdelay $0x1  }
0xeb: {  	v3 =	vpack.i.f32.bf16 v3, v3  }
0xec: {  	v2 =	vmul.bf16 v2, v3;
	_ =	sdelay $0x1  }
0xed: {  	[tilespmem:s9+$0xFFFFFF70] =	vst v2;
	v2 =	vld [tilespmem:s9+$0xFFFFFF80];
	_ =	sdelay $0x4  }
0xee: {  	v2 =	vmul.bf16 v2, v3;
	_ =	sdelay $0x1  }
0xef: {  	[tilespmem:s9+$0xFFFFFF80] =	vst v2;
	v2 =	vld [tilespmem:s9+$0xFFFFFF90];
	_ =	sdelay $0x4  }
0xf0: {  	v2 =	vmul.bf16 v2, v3;
	_ =	sdelay $0x1  }
0xf1: {  	[tilespmem:s9+$0xFFFFFF90] =	vst v2;
	v2 =	vld [tilespmem:s9+$0xFFFFFFA0];
	_ =	sdelay $0x1  }
0xf2: {  	v3 =	vbroadcast v1, $0x6;
	_ =	sdelay $0x1  }
0xf3: {  	v3 =	vpack.i.f32.bf16 v3, v3  }
0xf4: {  	v2 =	vmul.bf16 v2, v3;
	_ =	sdelay $0x1  }
0xf5: {  	[tilespmem:s9+$0xFFFFFFA0] =	vst v2;
	v2 =	vld [tilespmem:s9+$0xFFFFFFB0];
	_ =	sdelay $0x4  }
0xf6: {  	v2 =	vmul.bf16 v2, v3;
	_ =	sdelay $0x1  }
0xf7: {  	[tilespmem:s9+$0xFFFFFFB0] =	vst v2;
	v2 =	vld [tilespmem:s9+$0xFFFFFFC0];
	_ =	sdelay $0x4  }
0xf8: {  	v2 =	vmul.bf16 v2, v3;
	_ =	sdelay $0x1  }
0xf9: {  	[tilespmem:s9+$0xFFFFFFC0] =	vst v2;
	v2 =	vld [tilespmem:s9+$0xFFFFFFD0];
	_ =	sdelay $0x1  }
0xfa: {  	v3 =	vbroadcast v1, $0x7;
	_ =	sdelay $0x1  }
0xfb: {  	v3 =	vpack.i.f32.bf16 v3, v3  }
0xfc: {  	v2 =	vmul.bf16 v2, v3;
	_ =	sdelay $0x1  }
0xfd: {  	[tilespmem:s9+$0xFFFFFFD0] =	vst v2;
	v2 =	vld [tilespmem:s9+$0xFFFFFFE0];
	_ =	sdelay $0x4  }
0xfe: {  	v2 =	vmul.bf16 v2, v3;
	_ =	sdelay $0x1  }
0xff: {  	[tilespmem:s9+$0xFFFFFFE0] =	vst v2;
	v2 =	vld [tilespmem:s9+$0xFFFFFFF0];
	_ =	sdelay $0x4  }
0x100: {  	v2 =	vmul.bf16 v2, v3;
	_ =	sdelay $0x1  }
0x101: {  	[tilespmem:s9+$0xFFFFFFF0] =	vst v2;
	v2 =	vld [tilespmem:s9+$0x0];
	_ =	sdelay $0x1  }
0x102: {  	v3 =	vbroadcast v1, $0x8;
	_ =	sdelay $0x1  }
0x103: {  	v3 =	vpack.i.f32.bf16 v3, v3  }
0x104: {  	v2 =	vmul.bf16 v2, v3;
	_ =	sdelay $0x1  }
0x105: {  	[tilespmem:s9+$0x0] =	vst v2;
	v2 =	vld [tilespmem:s9+$0x10];
	_ =	sdelay $0x4  }
0x106: {  	v2 =	vmul.bf16 v2, v3;
	_ =	sdelay $0x1  }
0x107: {  	[tilespmem:s9+$0x10] =	vst v2;
	v2 =	vld [tilespmem:s9+$0x20];
	_ =	sdelay $0x4  }
0x108: {  	v2 =	vmul.bf16 v2, v3;
	_ =	sdelay $0x1  }
0x109: {  	[tilespmem:s9+$0x20] =	vst v2;
	v2 =	vld [tilespmem:s9+$0x30];
	_ =	sdelay $0x1  }
0x10a: {  	v3 =	vbroadcast v1, $0x9;
	_ =	sdelay $0x1  }
0x10b: {  	v3 =	vpack.i.f32.bf16 v3, v3  }
0x10c: {  	v2 =	vmul.bf16 v2, v3;
	_ =	sdelay $0x1  }
0x10d: {  	[tilespmem:s9+$0x30] =	vst v2;
	v2 =	vld [tilespmem:s9+$0x40];
	_ =	sdelay $0x4  }
0x10e: {  	v2 =	vmul.bf16 v2, v3;
	_ =	sdelay $0x1  }
0x10f: {  	[tilespmem:s9+$0x40] =	vst v2;
	v2 =	vld [tilespmem:s9+$0x50];
	_ =	sdelay $0x4  }
0x110: {  	v2 =	vmul.bf16 v2, v3;
	_ =	sdelay $0x1  }
0x111: {  	[tilespmem:s9+$0x50] =	vst v2;
	v2 =	vld [tilespmem:s9+$0x60];
	_ =	sdelay $0x1  }
0x112: {  	v3 =	vbroadcast v1, $0xA;
	_ =	sdelay $0x1  }
0x113: {  	v3 =	vpack.i.f32.bf16 v3, v3  }
0x114: {  	v2 =	vmul.bf16 v2, v3;
	_ =	sdelay $0x1  }
0x115: {  	[tilespmem:s9+$0x60] =	vst v2;
	v2 =	vld [tilespmem:s9+$0x70];
	_ =	sdelay $0x4  }
0x116: {  	v2 =	vmul.bf16 v2, v3;
	_ =	sdelay $0x1  }
0x117: {  	[tilespmem:s9+$0x70] =	vst v2;
	v2 =	vld [tilespmem:s9+$0x80];
	_ =	sdelay $0x4  }
0x118: {  	v2 =	vmul.bf16 v2, v3;
	_ =	sdelay $0x1  }
0x119: {  	[tilespmem:s9+$0x80] =	vst v2;
	v2 =	vld [tilespmem:s9+$0x90];
	_ =	sdelay $0x1  }
0x11a: {  	v3 =	vbroadcast v1, $0xB;
	_ =	sdelay $0x1  }
0x11b: {  	v3 =	vpack.i.f32.bf16 v3, v3  }
0x11c: {  	v2 =	vmul.bf16 v2, v3;
	_ =	sdelay $0x1  }
0x11d: {  	[tilespmem:s9+$0x90] =	vst v2;
	v2 =	vld [tilespmem:s9+$0xA0];
	_ =	sdelay $0x4  }
0x11e: {  	v2 =	vmul.bf16 v2, v3;
	_ =	sdelay $0x1  }
0x11f: {  	[tilespmem:s9+$0xA0] =	vst v2;
	v2 =	vld [tilespmem:s9+$0xB0];
	_ =	sdelay $0x4  }
0x120: {  	v2 =	vmul.bf16 v2, v3;
	_ =	sdelay $0x1  }
0x121: {  	[tilespmem:s9+$0xB0] =	vst v2;
	v2 =	vld [tilespmem:s9+$0xC0];
	_ =	sdelay $0x1  }
0x122: {  	v3 =	vbroadcast v1, $0xC;
	_ =	sdelay $0x1  }
0x123: {  	v3 =	vpack.i.f32.bf16 v3, v3  }
0x124: {  	v2 =	vmul.bf16 v2, v3;
	_ =	sdelay $0x1  }
0x125: {  	[tilespmem:s9+$0xC0] =	vst v2;
	v2 =	vld [tilespmem:s9+$0xD0];
	_ =	sdelay $0x4  }
0x126: {  	v2 =	vmul.bf16 v2, v3;
	_ =	sdelay $0x1  }
0x127: {  	[tilespmem:s9+$0xD0] =	vst v2;
	v2 =	vld [tilespmem:s9+$0xE0];
	_ =	sdelay $0x4  }
0x128: {  	v2 =	vmul.bf16 v2, v3;
	_ =	sdelay $0x1  }
0x129: {  	[tilespmem:s9+$0xE0] =	vst v2;
	v2 =	vld [tilespmem:s9+$0xF0];
	_ =	sdelay $0x1  }
0x12a: {  	v3 =	vbroadcast v1, $0xD;
	_ =	sdelay $0x1  }
0x12b: {  	v3 =	vpack.i.f32.bf16 v3, v3  }
0x12c: {  	v2 =	vmul.bf16 v2, v3;
	_ =	sdelay $0x1  }
0x12d: {  	[tilespmem:s9+$0xF0] =	vst v2;
	v2 =	vld [tilespmem:s9+$0x100];
	_ =	sdelay $0x4  }
0x12e: {  	v2 =	vmul.bf16 v2, v3;
	_ =	sdelay $0x1  }
0x12f: {  	[tilespmem:s9+$0x100] =	vst v2;
	v2 =	vld [tilespmem:s9+$0x110];
	_ =	sdelay $0x4  }
0x130: {  	v2 =	vmul.bf16 v2, v3;
	_ =	sdelay $0x1  }
0x131: {  	[tilespmem:s9+$0x110] =	vst v2;
	v2 =	vld [tilespmem:s9+$0x120];
	_ =	sdelay $0x1  }
0x132: {  	v3 =	vbroadcast v1, $0xE;
	_ =	sdelay $0x1  }
0x133: {  	v3 =	vpack.i.f32.bf16 v3, v3  }
0x134: {  	v2 =	vmul.bf16 v2, v3;
	_ =	sdelay $0x1  }
0x135: {  	[tilespmem:s9+$0x120] =	vst v2;
	v2 =	vld [tilespmem:s9+$0x130];
	_ =	sdelay $0x4  }
0x136: {  	v2 =	vmul.bf16 v2, v3;
	_ =	sdelay $0x1  }
0x137: {  	[tilespmem:s9+$0x130] =	vst v2;
	v2 =	vld [tilespmem:s9+$0x140];
	_ =	sdelay $0x4  }
0x138: {  	v2 =	vmul.bf16 v2, v3;
	_ =	sdelay $0x1  }
0x139: {  	[tilespmem:s9+$0x140] =	vst v2;
	v2 =	vld [tilespmem:s9+$0x150];
	_ =	sdelay $0x1  }
0x13a: {  	v1 =	vbroadcast v1, $0xF;
	_ =	sdelay $0x1  }
0x13b: {  	v1 =	vpack.i.f32.bf16 v1, v1  }
0x13c: {  	v2 =	vmul.bf16 v2, v1;
	_ =	sdelay $0x1  }
0x13d: {  	[tilespmem:s9+$0x150] =	vst v2;
	v2 =	vld [tilespmem:s9+$0x160];
	_ =	sdelay $0x4  }
0x13e: {  	v2 =	vmul.bf16 v2, v1;
	_ =	sdelay $0x1  }
0x13f: {  	[tilespmem:s9+$0x160] =	vst v2;
	v2 =	vld [tilespmem:s9+$0x170];
	_ =	sdelay $0x1  }
0x140: {  	p1 =	sne.s32 s8, $0x1C0  }
.Ltmp1:
0x141: {  	_ = 	snop;
	(pc) =	sbr.rel @p1 .LBB2_5-.Ltmp1, $3  }
0x142: {  	_ = 	snop  }
0x143: {  	v1 =	vmul.bf16 v2, v1;
	_ =	sdelay $0x1  }
0x144: {  	s8 =	sadd.s32 $0x40, s8;
	[tilespmem:s9+$0x170] =	vst v1;
	s9 =	sadd.s32 $0x300, s9  }
0x145: {  	s6 =	sadd.s32 $0x8C00, s6  }
0x146: {  	[spmem:s3] =	stream.indirect.scatter.add.bf16 [tilespmem:s19], [sflag:$0x6], $0x30, s6, s16, $0xb8;
	[tilespmem:$0x11400] =	vst v63  }
0x147: {  	_ =	swait.ge [sflag:s22], $0x1800  }
0x148: {  	[sflag:s22] =	ssyncset.done $0x0  }
0x149: {  	s8 =	simm.s32 @!p0 $0x8;
	[sflag:s22] =	ssyncadd.s32 $0xFFFFE800  }
0x14a: {  	s9 =	sor.u32 $0x600, s11;
	v0 =	vmov s1;
	_ =	swait.ge @!p0 [sflag:s8], $0x1800  }
0x14b: {  	s6 =	sshrl.u32 s9, $0x2;
	s9 =	simm.s32 $0xE580;
	[sflag:s8] =	ssyncset.done @!p0 $0x0  }
0x14c: {  	s10 =	sadd.s32 $0x7800, s6;
	[sflag:s8] =	ssyncadd.s32 @!p0 $0xFFFFE800;
	s8 =	simm.s32 $0x0  }
0x14d: {  	[tilespmem:s23], [sflag:$0x4] =	stream.indirect.gather [hbm4b:s5+s16], $0x30, s10, s16, $0xb8;
	[tilespmem:$0x11400] =	vst v63  }
.LBB2_7:
0x14e: {  	s10 =	sshra.s32 s8, $0x2  }
0x14f: {  	v1 =	vld.idx.msk [tilespmem:v0+s10+$0x0 ss:$0x1], $0xffff;
	_ =	sdelay $0x2  }
0x150: {  	v2 =	vld [tilespmem:s9+$0xFFFFFE80];
	_ =	sdelay $0x1  }
0x151: {  	v3 =	vbroadcast v1, $0x0;
	_ =	sdelay $0x1  }
0x152: {  	v3 =	vpack.i.f32.bf16 v3, v3  }
0x153: {  	v2 =	vmul.bf16 v2, v3;
	_ =	sdelay $0x1  }
0x154: {  	[tilespmem:s9+$0xFFFFFE80] =	vst v2;
	v2 =	vld [tilespmem:s9+$0xFFFFFE90];
	_ =	sdelay $0x4  }
0x155: {  	v2 =	vmul.bf16 v2, v3;
	_ =	sdelay $0x1  }
0x156: {  	[tilespmem:s9+$0xFFFFFE90] =	vst v2;
	v2 =	vld [tilespmem:s9+$0xFFFFFEA0];
	_ =	sdelay $0x4  }
0x157: {  	v2 =	vmul.bf16 v2, v3;
	_ =	sdelay $0x1  }
0x158: {  	[tilespmem:s9+$0xFFFFFEA0] =	vst v2;
	v2 =	vld [tilespmem:s9+$0xFFFFFEB0];
	_ =	sdelay $0x1  }
0x159: {  	v3 =	vbroadcast v1, $0x1;
	_ =	sdelay $0x1  }
0x15a: {  	v3 =	vpack.i.f32.bf16 v3, v3  }
0x15b: {  	v2 =	vmul.bf16 v2, v3;
	_ =	sdelay $0x1  }
0x15c: {  	[tilespmem:s9+$0xFFFFFEB0] =	vst v2;
	v2 =	vld [tilespmem:s9+$0xFFFFFEC0];
	_ =	sdelay $0x4  }
0x15d: {  	v2 =	vmul.bf16 v2, v3;
	_ =	sdelay $0x1  }
0x15e: {  	[tilespmem:s9+$0xFFFFFEC0] =	vst v2;
	v2 =	vld [tilespmem:s9+$0xFFFFFED0];
	_ =	sdelay $0x4  }
0x15f: {  	v2 =	vmul.bf16 v2, v3;
	_ =	sdelay $0x1  }
0x160: {  	[tilespmem:s9+$0xFFFFFED0] =	vst v2;
	v2 =	vld [tilespmem:s9+$0xFFFFFEE0];
	_ =	sdelay $0x1  }
0x161: {  	v3 =	vbroadcast v1, $0x2;
	_ =	sdelay $0x1  }
0x162: {  	v3 =	vpack.i.f32.bf16 v3, v3  }
0x163: {  	v2 =	vmul.bf16 v2, v3;
	_ =	sdelay $0x1  }
0x164: {  	[tilespmem:s9+$0xFFFFFEE0] =	vst v2;
	v2 =	vld [tilespmem:s9+$0xFFFFFEF0];
	_ =	sdelay $0x4  }
0x165: {  	v2 =	vmul.bf16 v2, v3;
	_ =	sdelay $0x1  }
0x166: {  	[tilespmem:s9+$0xFFFFFEF0] =	vst v2;
	v2 =	vld [tilespmem:s9+$0xFFFFFF00];
	_ =	sdelay $0x4  }
0x167: {  	v2 =	vmul.bf16 v2, v3;
	_ =	sdelay $0x1  }
0x168: {  	[tilespmem:s9+$0xFFFFFF00] =	vst v2;
	v2 =	vld [tilespmem:s9+$0xFFFFFF10];
	_ =	sdelay $0x1  }
0x169: {  	v3 =	vbroadcast v1, $0x3;
	_ =	sdelay $0x1  }
0x16a: {  	v3 =	vpack.i.f32.bf16 v3, v3  }
0x16b: {  	v2 =	vmul.bf16 v2, v3;
	_ =	sdelay $0x1  }
0x16c: {  	[tilespmem:s9+$0xFFFFFF10] =	vst v2;
	v2 =	vld [tilespmem:s9+$0xFFFFFF20];
	_ =	sdelay $0x4  }
0x16d: {  	v2 =	vmul.bf16 v2, v3;
	_ =	sdelay $0x1  }
0x16e: {  	[tilespmem:s9+$0xFFFFFF20] =	vst v2;
	v2 =	vld [tilespmem:s9+$0xFFFFFF30];
	_ =	sdelay $0x4  }
0x16f: {  	v2 =	vmul.bf16 v2, v3;
	_ =	sdelay $0x1  }
0x170: {  	[tilespmem:s9+$0xFFFFFF30] =	vst v2;
	v2 =	vld [tilespmem:s9+$0xFFFFFF40];
	_ =	sdelay $0x1  }
0x171: {  	v3 =	vbroadcast v1, $0x4;
	_ =	sdelay $0x1  }
0x172: {  	v3 =	vpack.i.f32.bf16 v3, v3  }
0x173: {  	v2 =	vmul.bf16 v2, v3;
	_ =	sdelay $0x1  }
0x174: {  	[tilespmem:s9+$0xFFFFFF40] =	vst v2;
	v2 =	vld [tilespmem:s9+$0xFFFFFF50];
	_ =	sdelay $0x4  }
0x175: {  	v2 =	vmul.bf16 v2, v3;
	_ =	sdelay $0x1  }
0x176: {  	[tilespmem:s9+$0xFFFFFF50] =	vst v2;
	v2 =	vld [tilespmem:s9+$0xFFFFFF60];
	_ =	sdelay $0x4  }
0x177: {  	v2 =	vmul.bf16 v2, v3;
	_ =	sdelay $0x1  }
0x178: {  	[tilespmem:s9+$0xFFFFFF60] =	vst v2;
	v2 =	vld [tilespmem:s9+$0xFFFFFF70];
	_ =	sdelay $0x1  }
0x179: {  	v3 =	vbroadcast v1, $0x5;
	_ =	sdelay $0x1  }
0x17a: {  	v3 =	vpack.i.f32.bf16 v3, v3  }
0x17b: {  	v2 =	vmul.bf16 v2, v3;
	_ =	sdelay $0x1  }
0x17c: {  	[tilespmem:s9+$0xFFFFFF70] =	vst v2;
	v2 =	vld [tilespmem:s9+$0xFFFFFF80];
	_ =	sdelay $0x4  }
0x17d: {  	v2 =	vmul.bf16 v2, v3;
	_ =	sdelay $0x1  }
0x17e: {  	[tilespmem:s9+$0xFFFFFF80] =	vst v2;
	v2 =	vld [tilespmem:s9+$0xFFFFFF90];
	_ =	sdelay $0x4  }
0x17f: {  	v2 =	vmul.bf16 v2, v3;
	_ =	sdelay $0x1  }
0x180: {  	[tilespmem:s9+$0xFFFFFF90] =	vst v2;
	v2 =	vld [tilespmem:s9+$0xFFFFFFA0];
	_ =	sdelay $0x1  }
0x181: {  	v3 =	vbroadcast v1, $0x6;
	_ =	sdelay $0x1  }
0x182: {  	v3 =	vpack.i.f32.bf16 v3, v3  }
0x183: {  	v2 =	vmul.bf16 v2, v3;
	_ =	sdelay $0x1  }
0x184: {  	[tilespmem:s9+$0xFFFFFFA0] =	vst v2;
	v2 =	vld [tilespmem:s9+$0xFFFFFFB0];
	_ =	sdelay $0x4  }
0x185: {  	v2 =	vmul.bf16 v2, v3;
	_ =	sdelay $0x1  }
0x186: {  	[tilespmem:s9+$0xFFFFFFB0] =	vst v2;
	v2 =	vld [tilespmem:s9+$0xFFFFFFC0];
	_ =	sdelay $0x4  }
0x187: {  	v2 =	vmul.bf16 v2, v3;
	_ =	sdelay $0x1  }
0x188: {  	[tilespmem:s9+$0xFFFFFFC0] =	vst v2;
	v2 =	vld [tilespmem:s9+$0xFFFFFFD0];
	_ =	sdelay $0x1  }
0x189: {  	v3 =	vbroadcast v1, $0x7;
	_ =	sdelay $0x1  }
0x18a: {  	v3 =	vpack.i.f32.bf16 v3, v3  }
0x18b: {  	v2 =	vmul.bf16 v2, v3;
	_ =	sdelay $0x1  }
0x18c: {  	[tilespmem:s9+$0xFFFFFFD0] =	vst v2;
	v2 =	vld [tilespmem:s9+$0xFFFFFFE0];
	_ =	sdelay $0x4  }
0x18d: {  	v2 =	vmul.bf16 v2, v3;
	_ =	sdelay $0x1  }
0x18e: {  	[tilespmem:s9+$0xFFFFFFE0] =	vst v2;
	v2 =	vld [tilespmem:s9+$0xFFFFFFF0];
	_ =	sdelay $0x4  }
0x18f: {  	v2 =	vmul.bf16 v2, v3;
	_ =	sdelay $0x1  }
0x190: {  	[tilespmem:s9+$0xFFFFFFF0] =	vst v2;
	v2 =	vld [tilespmem:s9+$0x0];
	_ =	sdelay $0x1  }
0x191: {  	v3 =	vbroadcast v1, $0x8;
	_ =	sdelay $0x1  }
0x192: {  	v3 =	vpack.i.f32.bf16 v3, v3  }
0x193: {  	v2 =	vmul.bf16 v2, v3;
	_ =	sdelay $0x1  }
0x194: {  	[tilespmem:s9+$0x0] =	vst v2;
	v2 =	vld [tilespmem:s9+$0x10];
	_ =	sdelay $0x4  }
0x195: {  	v2 =	vmul.bf16 v2, v3;
	_ =	sdelay $0x1  }
0x196: {  	[tilespmem:s9+$0x10] =	vst v2;
	v2 =	vld [tilespmem:s9+$0x20];
	_ =	sdelay $0x4  }
0x197: {  	v2 =	vmul.bf16 v2, v3;
	_ =	sdelay $0x1  }
0x198: {  	[tilespmem:s9+$0x20] =	vst v2;
	v2 =	vld [tilespmem:s9+$0x30];
	_ =	sdelay $0x1  }
0x199: {  	v3 =	vbroadcast v1, $0x9;
	_ =	sdelay $0x1  }
0x19a: {  	v3 =	vpack.i.f32.bf16 v3, v3  }
0x19b: {  	v2 =	vmul.bf16 v2, v3;
	_ =	sdelay $0x1  }
0x19c: {  	[tilespmem:s9+$0x30] =	vst v2;
	v2 =	vld [tilespmem:s9+$0x40];
	_ =	sdelay $0x4  }
0x19d: {  	v2 =	vmul.bf16 v2, v3;
	_ =	sdelay $0x1  }
0x19e: {  	[tilespmem:s9+$0x40] =	vst v2;
	v2 =	vld [tilespmem:s9+$0x50];
	_ =	sdelay $0x4  }
0x19f: {  	v2 =	vmul.bf16 v2, v3;
	_ =	sdelay $0x1  }
0x1a0: {  	[tilespmem:s9+$0x50] =	vst v2;
	v2 =	vld [tilespmem:s9+$0x60];
	_ =	sdelay $0x1  }
0x1a1: {  	v3 =	vbroadcast v1, $0xA;
	_ =	sdelay $0x1  }
0x1a2: {  	v3 =	vpack.i.f32.bf16 v3, v3  }
0x1a3: {  	v2 =	vmul.bf16 v2, v3;
	_ =	sdelay $0x1  }
0x1a4: {  	[tilespmem:s9+$0x60] =	vst v2;
	v2 =	vld [tilespmem:s9+$0x70];
	_ =	sdelay $0x4  }
0x1a5: {  	v2 =	vmul.bf16 v2, v3;
	_ =	sdelay $0x1  }
0x1a6: {  	[tilespmem:s9+$0x70] =	vst v2;
	v2 =	vld [tilespmem:s9+$0x80];
	_ =	sdelay $0x4  }
0x1a7: {  	v2 =	vmul.bf16 v2, v3;
	_ =	sdelay $0x1  }
0x1a8: {  	[tilespmem:s9+$0x80] =	vst v2;
	v2 =	vld [tilespmem:s9+$0x90];
	_ =	sdelay $0x1  }
0x1a9: {  	v3 =	vbroadcast v1, $0xB;
	_ =	sdelay $0x1  }
0x1aa: {  	v3 =	vpack.i.f32.bf16 v3, v3  }
0x1ab: {  	v2 =	vmul.bf16 v2, v3;
	_ =	sdelay $0x1  }
0x1ac: {  	[tilespmem:s9+$0x90] =	vst v2;
	v2 =	vld [tilespmem:s9+$0xA0];
	_ =	sdelay $0x4  }
0x1ad: {  	v2 =	vmul.bf16 v2, v3;
	_ =	sdelay $0x1  }
0x1ae: {  	[tilespmem:s9+$0xA0] =	vst v2;
	v2 =	vld [tilespmem:s9+$0xB0];
	_ =	sdelay $0x4  }
0x1af: {  	v2 =	vmul.bf16 v2, v3;
	_ =	sdelay $0x1  }
0x1b0: {  	[tilespmem:s9+$0xB0] =	vst v2;
	v2 =	vld [tilespmem:s9+$0xC0];
	_ =	sdelay $0x1  }
0x1b1: {  	v3 =	vbroadcast v1, $0xC;
	_ =	sdelay $0x1  }
0x1b2: {  	v3 =	vpack.i.f32.bf16 v3, v3  }
0x1b3: {  	v2 =	vmul.bf16 v2, v3;
	_ =	sdelay $0x1  }
0x1b4: {  	[tilespmem:s9+$0xC0] =	vst v2;
	v2 =	vld [tilespmem:s9+$0xD0];
	_ =	sdelay $0x4  }
0x1b5: {  	v2 =	vmul.bf16 v2, v3;
	_ =	sdelay $0x1  }
0x1b6: {  	[tilespmem:s9+$0xD0] =	vst v2;
	v2 =	vld [tilespmem:s9+$0xE0];
	_ =	sdelay $0x4  }
0x1b7: {  	v2 =	vmul.bf16 v2, v3;
	_ =	sdelay $0x1  }
0x1b8: {  	[tilespmem:s9+$0xE0] =	vst v2;
	v2 =	vld [tilespmem:s9+$0xF0];
	_ =	sdelay $0x1  }
0x1b9: {  	v3 =	vbroadcast v1, $0xD;
	_ =	sdelay $0x1  }
0x1ba: {  	v3 =	vpack.i.f32.bf16 v3, v3  }
0x1bb: {  	v2 =	vmul.bf16 v2, v3;
	_ =	sdelay $0x1  }
0x1bc: {  	[tilespmem:s9+$0xF0] =	vst v2;
	v2 =	vld [tilespmem:s9+$0x100];
	_ =	sdelay $0x4  }
0x1bd: {  	v2 =	vmul.bf16 v2, v3;
	_ =	sdelay $0x1  }
0x1be: {  	[tilespmem:s9+$0x100] =	vst v2;
	v2 =	vld [tilespmem:s9+$0x110];
	_ =	sdelay $0x4  }
0x1bf: {  	v2 =	vmul.bf16 v2, v3;
	_ =	sdelay $0x1  }
0x1c0: {  	[tilespmem:s9+$0x110] =	vst v2;
	v2 =	vld [tilespmem:s9+$0x120];
	_ =	sdelay $0x1  }
0x1c1: {  	v3 =	vbroadcast v1, $0xE;
	_ =	sdelay $0x1  }
0x1c2: {  	v3 =	vpack.i.f32.bf16 v3, v3  }
0x1c3: {  	v2 =	vmul.bf16 v2, v3;
	_ =	sdelay $0x1  }
0x1c4: {  	[tilespmem:s9+$0x120] =	vst v2;
	v2 =	vld [tilespmem:s9+$0x130];
	_ =	sdelay $0x4  }
0x1c5: {  	v2 =	vmul.bf16 v2, v3;
	_ =	sdelay $0x1  }
0x1c6: {  	[tilespmem:s9+$0x130] =	vst v2;
	v2 =	vld [tilespmem:s9+$0x140];
	_ =	sdelay $0x4  }
0x1c7: {  	v2 =	vmul.bf16 v2, v3;
	_ =	sdelay $0x1  }
0x1c8: {  	[tilespmem:s9+$0x140] =	vst v2;
	v2 =	vld [tilespmem:s9+$0x150];
	_ =	sdelay $0x1  }
0x1c9: {  	v1 =	vbroadcast v1, $0xF;
	_ =	sdelay $0x1  }
0x1ca: {  	v1 =	vpack.i.f32.bf16 v1, v1  }
0x1cb: {  	v2 =	vmul.bf16 v2, v1;
	_ =	sdelay $0x1  }
0x1cc: {  	[tilespmem:s9+$0x150] =	vst v2;
	v2 =	vld [tilespmem:s9+$0x160];
	_ =	sdelay $0x4  }
0x1cd: {  	v2 =	vmul.bf16 v2, v1;
	_ =	sdelay $0x1  }
0x1ce: {  	[tilespmem:s9+$0x160] =	vst v2;
	v2 =	vld [tilespmem:s9+$0x170];
	_ =	sdelay $0x1  }
0x1cf: {  	p0 =	sne.s32 s8, $0x1C0  }
.Ltmp2:
0x1d0: {  	_ = 	snop;
	(pc) =	sbr.rel @p0 .LBB2_7-.Ltmp2, $3  }
0x1d1: {  	_ = 	snop  }
0x1d2: {  	v1 =	vmul.bf16 v2, v1;
	_ =	sdelay $0x1  }
0x1d3: {  	s8 =	sadd.s32 $0x40, s8;
	[tilespmem:s9+$0x170] =	vst v1;
	s9 =	sadd.s32 $0x300, s9  }
0x1d4: {  	s7 =	sadd.s32 $0x8C00, s7  }
0x1d5: {  	[spmem:s3] =	stream.indirect.scatter.add.bf16 [tilespmem:s21], [sflag:$0x7], $0x30, s7, s16, $0xb8;
	[tilespmem:$0x11400] =	vst v63  }
0x1d6: {  	_ =	swait.ge [sflag:s24], $0x1800  }
0x1d7: {  	[sflag:s24] =	ssyncset.done $0x0  }
0x1d8: {  	[sflag:s24] =	ssyncadd.s32 $0xFFFFE800  }
0x1d9: {  	p0 =	seq.s32 s13, $0x9;
	_ =	swait.ge [sflag:s25], $0x1800  }
0x1da: {  	v0 =	vmov s2;
	s7 =	sshrl.u32 @!p0 s11, $0x2;
	s8 =	simm.s32 @!p0 $0x80;
	[sflag:s25] =	ssyncset.done $0x0  }
0x1db: {  	s9 =	simm.s32 @!p0 $0xB400;
	s7 =	sadd.s32 @!p0 $0x7A00, s7;
	[sflag:s25] =	ssyncadd.s32 $0xFFFFE800  }
0x1dc: {  	[tilespmem:s9], [sflag:$0x1] =	stream.indirect.gather @!p0 [hbm4b:s5+s8], $0x30, s7, s8, $0xb8;
	[tilespmem:$0x11400] =	vst v63  }
0x1dd: {  	s7 =	simm.s32 $0x0;
	s8 =	simm.s32 $0xFD80  }
.LBB2_9:
0x1de: {  	s9 =	sshra.s32 s7, $0x2  }
0x1df: {  	v1 =	vld.idx.msk [tilespmem:v0+s9+$0x0 ss:$0x1], $0xffff;
	_ =	sdelay $0x2  }
0x1e0: {  	v2 =	vld [tilespmem:s8+$0xFFFFFE80];
	_ =	sdelay $0x1  }
0x1e1: {  	v3 =	vbroadcast v1, $0x0;
	_ =	sdelay $0x1  }
0x1e2: {  	v3 =	vpack.i.f32.bf16 v3, v3  }
0x1e3: {  	v2 =	vmul.bf16 v2, v3;
	_ =	sdelay $0x1  }
0x1e4: {  	[tilespmem:s8+$0xFFFFFE80] =	vst v2;
	v2 =	vld [tilespmem:s8+$0xFFFFFE90];
	_ =	sdelay $0x4  }
0x1e5: {  	v2 =	vmul.bf16 v2, v3;
	_ =	sdelay $0x1  }
0x1e6: {  	[tilespmem:s8+$0xFFFFFE90] =	vst v2;
	v2 =	vld [tilespmem:s8+$0xFFFFFEA0];
	_ =	sdelay $0x4  }
0x1e7: {  	v2 =	vmul.bf16 v2, v3;
	_ =	sdelay $0x1  }
0x1e8: {  	[tilespmem:s8+$0xFFFFFEA0] =	vst v2;
	v2 =	vld [tilespmem:s8+$0xFFFFFEB0];
	_ =	sdelay $0x1  }
0x1e9: {  	v3 =	vbroadcast v1, $0x1;
	_ =	sdelay $0x1  }
0x1ea: {  	v3 =	vpack.i.f32.bf16 v3, v3  }
0x1eb: {  	v2 =	vmul.bf16 v2, v3;
	_ =	sdelay $0x1  }
0x1ec: {  	[tilespmem:s8+$0xFFFFFEB0] =	vst v2;
	v2 =	vld [tilespmem:s8+$0xFFFFFEC0];
	_ =	sdelay $0x4  }
0x1ed: {  	v2 =	vmul.bf16 v2, v3;
	_ =	sdelay $0x1  }
0x1ee: {  	[tilespmem:s8+$0xFFFFFEC0] =	vst v2;
	v2 =	vld [tilespmem:s8+$0xFFFFFED0];
	_ =	sdelay $0x4  }
0x1ef: {  	v2 =	vmul.bf16 v2, v3;
	_ =	sdelay $0x1  }
0x1f0: {  	[tilespmem:s8+$0xFFFFFED0] =	vst v2;
	v2 =	vld [tilespmem:s8+$0xFFFFFEE0];
	_ =	sdelay $0x1  }
0x1f1: {  	v3 =	vbroadcast v1, $0x2;
	_ =	sdelay $0x1  }
0x1f2: {  	v3 =	vpack.i.f32.bf16 v3, v3  }
0x1f3: {  	v2 =	vmul.bf16 v2, v3;
	_ =	sdelay $0x1  }
0x1f4: {  	[tilespmem:s8+$0xFFFFFEE0] =	vst v2;
	v2 =	vld [tilespmem:s8+$0xFFFFFEF0];
	_ =	sdelay $0x4  }
0x1f5: {  	v2 =	vmul.bf16 v2, v3;
	_ =	sdelay $0x1  }
0x1f6: {  	[tilespmem:s8+$0xFFFFFEF0] =	vst v2;
	v2 =	vld [tilespmem:s8+$0xFFFFFF00];
	_ =	sdelay $0x4  }
0x1f7: {  	v2 =	vmul.bf16 v2, v3;
	_ =	sdelay $0x1  }
0x1f8: {  	[tilespmem:s8+$0xFFFFFF00] =	vst v2;
	v2 =	vld [tilespmem:s8+$0xFFFFFF10];
	_ =	sdelay $0x1  }
0x1f9: {  	v3 =	vbroadcast v1, $0x3;
	_ =	sdelay $0x1  }
0x1fa: {  	v3 =	vpack.i.f32.bf16 v3, v3  }
0x1fb: {  	v2 =	vmul.bf16 v2, v3;
	_ =	sdelay $0x1  }
0x1fc: {  	[tilespmem:s8+$0xFFFFFF10] =	vst v2;
	v2 =	vld [tilespmem:s8+$0xFFFFFF20];
	_ =	sdelay $0x4  }
0x1fd: {  	v2 =	vmul.bf16 v2, v3;
	_ =	sdelay $0x1  }
0x1fe: {  	[tilespmem:s8+$0xFFFFFF20] =	vst v2;
	v2 =	vld [tilespmem:s8+$0xFFFFFF30];
	_ =	sdelay $0x4  }
0x1ff: {  	v2 =	vmul.bf16 v2, v3;
	_ =	sdelay $0x1  }
0x200: {  	[tilespmem:s8+$0xFFFFFF30] =	vst v2;
	v2 =	vld [tilespmem:s8+$0xFFFFFF40];
	_ =	sdelay $0x1  }
0x201: {  	v3 =	vbroadcast v1, $0x4;
	_ =	sdelay $0x1  }
0x202: {  	v3 =	vpack.i.f32.bf16 v3, v3  }
0x203: {  	v2 =	vmul.bf16 v2, v3;
	_ =	sdelay $0x1  }
0x204: {  	[tilespmem:s8+$0xFFFFFF40] =	vst v2;
	v2 =	vld [tilespmem:s8+$0xFFFFFF50];
	_ =	sdelay $0x4  }
0x205: {  	v2 =	vmul.bf16 v2, v3;
	_ =	sdelay $0x1  }
0x206: {  	[tilespmem:s8+$0xFFFFFF50] =	vst v2;
	v2 =	vld [tilespmem:s8+$0xFFFFFF60];
	_ =	sdelay $0x4  }
0x207: {  	v2 =	vmul.bf16 v2, v3;
	_ =	sdelay $0x1  }
0x208: {  	[tilespmem:s8+$0xFFFFFF60] =	vst v2;
	v2 =	vld [tilespmem:s8+$0xFFFFFF70];
	_ =	sdelay $0x1  }
0x209: {  	v3 =	vbroadcast v1, $0x5;
	_ =	sdelay $0x1  }
0x20a: {  	v3 =	vpack.i.f32.bf16 v3, v3  }
0x20b: {  	v2 =	vmul.bf16 v2, v3;
	_ =	sdelay $0x1  }
0x20c: {  	[tilespmem:s8+$0xFFFFFF70] =	vst v2;
	v2 =	vld [tilespmem:s8+$0xFFFFFF80];
	_ =	sdelay $0x4  }
0x20d: {  	v2 =	vmul.bf16 v2, v3;
	_ =	sdelay $0x1  }
0x20e: {  	[tilespmem:s8+$0xFFFFFF80] =	vst v2;
	v2 =	vld [tilespmem:s8+$0xFFFFFF90];
	_ =	sdelay $0x4  }
0x20f: {  	v2 =	vmul.bf16 v2, v3;
	_ =	sdelay $0x1  }
0x210: {  	[tilespmem:s8+$0xFFFFFF90] =	vst v2;
	v2 =	vld [tilespmem:s8+$0xFFFFFFA0];
	_ =	sdelay $0x1  }
0x211: {  	v3 =	vbroadcast v1, $0x6;
	_ =	sdelay $0x1  }
0x212: {  	v3 =	vpack.i.f32.bf16 v3, v3  }
0x213: {  	v2 =	vmul.bf16 v2, v3;
	_ =	sdelay $0x1  }
0x214: {  	[tilespmem:s8+$0xFFFFFFA0] =	vst v2;
	v2 =	vld [tilespmem:s8+$0xFFFFFFB0];
	_ =	sdelay $0x4  }
0x215: {  	v2 =	vmul.bf16 v2, v3;
	_ =	sdelay $0x1  }
0x216: {  	[tilespmem:s8+$0xFFFFFFB0] =	vst v2;
	v2 =	vld [tilespmem:s8+$0xFFFFFFC0];
	_ =	sdelay $0x4  }
0x217: {  	v2 =	vmul.bf16 v2, v3;
	_ =	sdelay $0x1  }
0x218: {  	[tilespmem:s8+$0xFFFFFFC0] =	vst v2;
	v2 =	vld [tilespmem:s8+$0xFFFFFFD0];
	_ =	sdelay $0x1  }
0x219: {  	v3 =	vbroadcast v1, $0x7;
	_ =	sdelay $0x1  }
0x21a: {  	v3 =	vpack.i.f32.bf16 v3, v3  }
0x21b: {  	v2 =	vmul.bf16 v2, v3;
	_ =	sdelay $0x1  }
0x21c: {  	[tilespmem:s8+$0xFFFFFFD0] =	vst v2;
	v2 =	vld [tilespmem:s8+$0xFFFFFFE0];
	_ =	sdelay $0x4  }
0x21d: {  	v2 =	vmul.bf16 v2, v3;
	_ =	sdelay $0x1  }
0x21e: {  	[tilespmem:s8+$0xFFFFFFE0] =	vst v2;
	v2 =	vld [tilespmem:s8+$0xFFFFFFF0];
	_ =	sdelay $0x4  }
0x21f: {  	v2 =	vmul.bf16 v2, v3;
	_ =	sdelay $0x1  }
0x220: {  	[tilespmem:s8+$0xFFFFFFF0] =	vst v2;
	v2 =	vld [tilespmem:s8+$0x0];
	_ =	sdelay $0x1  }
0x221: {  	v3 =	vbroadcast v1, $0x8;
	_ =	sdelay $0x1  }
0x222: {  	v3 =	vpack.i.f32.bf16 v3, v3  }
0x223: {  	v2 =	vmul.bf16 v2, v3;
	_ =	sdelay $0x1  }
0x224: {  	[tilespmem:s8+$0x0] =	vst v2;
	v2 =	vld [tilespmem:s8+$0x10];
	_ =	sdelay $0x4  }
0x225: {  	v2 =	vmul.bf16 v2, v3;
	_ =	sdelay $0x1  }
0x226: {  	[tilespmem:s8+$0x10] =	vst v2;
	v2 =	vld [tilespmem:s8+$0x20];
	_ =	sdelay $0x4  }
0x227: {  	v2 =	vmul.bf16 v2, v3;
	_ =	sdelay $0x1  }
0x228: {  	[tilespmem:s8+$0x20] =	vst v2;
	v2 =	vld [tilespmem:s8+$0x30];
	_ =	sdelay $0x1  }
0x229: {  	v3 =	vbroadcast v1, $0x9;
	_ =	sdelay $0x1  }
0x22a: {  	v3 =	vpack.i.f32.bf16 v3, v3  }
0x22b: {  	v2 =	vmul.bf16 v2, v3;
	_ =	sdelay $0x1  }
0x22c: {  	[tilespmem:s8+$0x30] =	vst v2;
	v2 =	vld [tilespmem:s8+$0x40];
	_ =	sdelay $0x4  }
0x22d: {  	v2 =	vmul.bf16 v2, v3;
	_ =	sdelay $0x1  }
0x22e: {  	[tilespmem:s8+$0x40] =	vst v2;
	v2 =	vld [tilespmem:s8+$0x50];
	_ =	sdelay $0x4  }
0x22f: {  	v2 =	vmul.bf16 v2, v3;
	_ =	sdelay $0x1  }
0x230: {  	[tilespmem:s8+$0x50] =	vst v2;
	v2 =	vld [tilespmem:s8+$0x60];
	_ =	sdelay $0x1  }
0x231: {  	v3 =	vbroadcast v1, $0xA;
	_ =	sdelay $0x1  }
0x232: {  	v3 =	vpack.i.f32.bf16 v3, v3  }
0x233: {  	v2 =	vmul.bf16 v2, v3;
	_ =	sdelay $0x1  }
0x234: {  	[tilespmem:s8+$0x60] =	vst v2;
	v2 =	vld [tilespmem:s8+$0x70];
	_ =	sdelay $0x4  }
0x235: {  	v2 =	vmul.bf16 v2, v3;
	_ =	sdelay $0x1  }
0x236: {  	[tilespmem:s8+$0x70] =	vst v2;
	v2 =	vld [tilespmem:s8+$0x80];
	_ =	sdelay $0x4  }
0x237: {  	v2 =	vmul.bf16 v2, v3;
	_ =	sdelay $0x1  }
0x238: {  	[tilespmem:s8+$0x80] =	vst v2;
	v2 =	vld [tilespmem:s8+$0x90];
	_ =	sdelay $0x1  }
0x239: {  	v3 =	vbroadcast v1, $0xB;
	_ =	sdelay $0x1  }
0x23a: {  	v3 =	vpack.i.f32.bf16 v3, v3  }
0x23b: {  	v2 =	vmul.bf16 v2, v3;
	_ =	sdelay $0x1  }
0x23c: {  	[tilespmem:s8+$0x90] =	vst v2;
	v2 =	vld [tilespmem:s8+$0xA0];
	_ =	sdelay $0x4  }
0x23d: {  	v2 =	vmul.bf16 v2, v3;
	_ =	sdelay $0x1  }
0x23e: {  	[tilespmem:s8+$0xA0] =	vst v2;
	v2 =	vld [tilespmem:s8+$0xB0];
	_ =	sdelay $0x4  }
0x23f: {  	v2 =	vmul.bf16 v2, v3;
	_ =	sdelay $0x1  }
0x240: {  	[tilespmem:s8+$0xB0] =	vst v2;
	v2 =	vld [tilespmem:s8+$0xC0];
	_ =	sdelay $0x1  }
0x241: {  	v3 =	vbroadcast v1, $0xC;
	_ =	sdelay $0x1  }
0x242: {  	v3 =	vpack.i.f32.bf16 v3, v3  }
0x243: {  	v2 =	vmul.bf16 v2, v3;
	_ =	sdelay $0x1  }
0x244: {  	[tilespmem:s8+$0xC0] =	vst v2;
	v2 =	vld [tilespmem:s8+$0xD0];
	_ =	sdelay $0x4  }
0x245: {  	v2 =	vmul.bf16 v2, v3;
	_ =	sdelay $0x1  }
0x246: {  	[tilespmem:s8+$0xD0] =	vst v2;
	v2 =	vld [tilespmem:s8+$0xE0];
	_ =	sdelay $0x4  }
0x247: {  	v2 =	vmul.bf16 v2, v3;
	_ =	sdelay $0x1  }
0x248: {  	[tilespmem:s8+$0xE0] =	vst v2;
	v2 =	vld [tilespmem:s8+$0xF0];
	_ =	sdelay $0x1  }
0x249: {  	v3 =	vbroadcast v1, $0xD;
	_ =	sdelay $0x1  }
0x24a: {  	v3 =	vpack.i.f32.bf16 v3, v3  }
0x24b: {  	v2 =	vmul.bf16 v2, v3;
	_ =	sdelay $0x1  }
0x24c: {  	[tilespmem:s8+$0xF0] =	vst v2;
	v2 =	vld [tilespmem:s8+$0x100];
	_ =	sdelay $0x4  }
0x24d: {  	v2 =	vmul.bf16 v2, v3;
	_ =	sdelay $0x1  }
0x24e: {  	[tilespmem:s8+$0x100] =	vst v2;
	v2 =	vld [tilespmem:s8+$0x110];
	_ =	sdelay $0x4  }
0x24f: {  	v2 =	vmul.bf16 v2, v3;
	_ =	sdelay $0x1  }
0x250: {  	[tilespmem:s8+$0x110] =	vst v2;
	v2 =	vld [tilespmem:s8+$0x120];
	_ =	sdelay $0x1  }
0x251: {  	v3 =	vbroadcast v1, $0xE;
	_ =	sdelay $0x1  }
0x252: {  	v3 =	vpack.i.f32.bf16 v3, v3  }
0x253: {  	v2 =	vmul.bf16 v2, v3;
	_ =	sdelay $0x1  }
0x254: {  	[tilespmem:s8+$0x120] =	vst v2;
	v2 =	vld [tilespmem:s8+$0x130];
	_ =	sdelay $0x4  }
0x255: {  	v2 =	vmul.bf16 v2, v3;
	_ =	sdelay $0x1  }
0x256: {  	[tilespmem:s8+$0x130] =	vst v2;
	v2 =	vld [tilespmem:s8+$0x140];
	_ =	sdelay $0x4  }
0x257: {  	v2 =	vmul.bf16 v2, v3;
	_ =	sdelay $0x1  }
0x258: {  	[tilespmem:s8+$0x140] =	vst v2;
	v2 =	vld [tilespmem:s8+$0x150];
	_ =	sdelay $0x1  }
0x259: {  	v1 =	vbroadcast v1, $0xF;
	_ =	sdelay $0x1  }
0x25a: {  	v1 =	vpack.i.f32.bf16 v1, v1  }
0x25b: {  	v2 =	vmul.bf16 v2, v1;
	_ =	sdelay $0x1  }
0x25c: {  	[tilespmem:s8+$0x150] =	vst v2;
	v2 =	vld [tilespmem:s8+$0x160];
	_ =	sdelay $0x4  }
0x25d: {  	v2 =	vmul.bf16 v2, v1;
	_ =	sdelay $0x1  }
0x25e: {  	[tilespmem:s8+$0x160] =	vst v2;
	v2 =	vld [tilespmem:s8+$0x170];
	_ =	sdelay $0x1  }
0x25f: {  	p0 =	sne.s32 s7, $0x1C0  }
.Ltmp3:
0x260: {  	_ = 	snop;
	(pc) =	sbr.rel @p0 .LBB2_9-.Ltmp3, $3  }
0x261: {  	_ = 	snop  }
0x262: {  	v1 =	vmul.bf16 v2, v1;
	_ =	sdelay $0x1  }
0x263: {  	s7 =	sadd.s32 $0x40, s7;
	[tilespmem:s8+$0x170] =	vst v1;
	s8 =	sadd.s32 $0x300, s8  }
0x264: {  	s13 =	sadd.s32 $0x1, s13  }
0x265: {  	p0 =	sne.s32 s13, $0xA  }
.Ltmp4:
0x266: {  	_ = 	snop;
	(pc) =	sbr.rel @p0 .LBB2_2-.Ltmp4, $4  }
0x267: {  	_ = 	snop  }
0x268: {  	s6 =	sadd.s32 $0x8C00, s6;
	s31 =	sadd.s32 $0x200, s31  }
0x269: {  	s0 =	sadd.s32 $0x200, s0;
	s1 =	sadd.s32 $0x200, s1;
	s2 =	sadd.s32 $0x200, s2  }
0x26a: {  	[spmem:s3] =	stream.indirect.scatter.add.bf16 [tilespmem:s23], [sflag:$0x8], $0x30, s6, s16, $0xb8;
	[tilespmem:$0x11400] =	vst v63  }
0x26b: {  	_ =	swait.ge [sflag:s26], $0x1800  }
0x26c: {  	[sflag:s26] =	ssyncset.done $0x0  }
0x26d: {  	[sflag:s26] =	ssyncadd.s32 $0xFFFFE800  }
0x26e: {  	_ =	swait.ge [sflag:s28], $0x1800  }
0x26f: {  	[sflag:s28] =	ssyncset.done $0x0  }
0x270: {  	[sflag:s28] =	ssyncadd.s32 $0xFFFFE800  }
0x271: {  	_ =	swait.ge [sflag:s29], $0x1800  }
0x272: {  	[sflag:s29] =	ssyncset.done $0x0  }
0x273: {  	[sflag:s29] =	ssyncadd.s32 $0xFFFFE800  }
0x274: {  	[bflag:$0x0] =	sbarrier.arrive $0xFFFF  }
0x275: {  	s0 =	rddreg [dreg:$0x7]  }
0x276: {  	[hbm:s0], [sflag:s14] =	dma.local [spmem:s15], $0xF00  }
0x277: {  	_ =	swait.ge [sflag:s12], $0xF00  }
0x278: {  	s30 =	sadd.s32 $0x1, s30;
	s31 =	rddreg [dreg:$0x8]  }
0x279: {  	p0 =	sne.s32 s30, s31  }
.Ltmp5:
0x27a: {  	_ = 	snop;
	(pc) =	sbr.rel @p0 .LBB2_1-.Ltmp5, $3  }
0x27b: {  	_ =	sdelay $0x1  }
0x27c: {  	[sflag:s12] =	ssyncset.done $0x0  }
0x27d: {  	[sflag:s12] =	ssyncadd.s32 $0xFFFFF100  }
0x27e: {  	_ =	sfence.sel $0x180000  }
0x27f: {  	[bflag:$0x0] =	sbarrier.arrive $0xFFFF  }
0x280: {  	_ =	strace $0x90000047  }
0x281: {  	s0 =	stileid.u32;
	[bflag:$0x2] =	sbarrier.arrive $0xFFFF  }
0x282: {  	p0 =	sne.s32 s0, $0x0;
	s0 =	rddreg [dreg:$0x3]  }
0x283: {  	s0 =	sadd.s32 @!p0 $0x100000, s0  }
0x284: {  	[sflag:s0] =	ssyncadd.tile.s32 @!p0 $0x1;
	_ =	shalt  }
.Lfunc_end2:
_tile_overlayer_lowered:
.L_overlay_start_2:
0x285: {  	(tag) =	ssettag $0x2  }
0x286: {  	s0 =	rddreg [dreg:$0x0];
	s2 =	stileid.u32  }
0x287: {  	s1 =	rddreg [dreg:$0x1];
	p0 =	sne.s32 s2, $0x0  }
0x288: {  	s3 =	rddreg [dreg:$0x2];
	[bflag:$0x3] =	sbarrier.arrive $0xFFFF;
	s2 =	simm.s32 @!p0 $0x1C09  }
0x289: {  	[timem:s3], [sflag:s2] =	dma.local @!p0 [hbm:s0], s1  }
0x28a: {  	s0 =	simm.s32 @!p0 $0x9  }
0x28b: {  	_ =	swait.ge @!p0 [sflag:s0], s1  }
0x28c: {  	s1 =	ssub.s32 @!p0 $0x0, s1;
	[sflag:s0] =	ssyncset.done @!p0 $0x0  }
0x28d: {  	[sflag:s0] =	ssyncadd.s32 @!p0 s1  }
0x28e: {  	[bflag:$0x3] =	sbarrier.arrive $0xFFFF  }
0x28f: {  	_ =	shalt  }

// kernel: gnn_edge_hist_sc.3.cloned.1.call-start
scs
__scs_entry_jumppad:
0x0: {  	(pc) =	sbr.rel $0x88, $3  }
0x1: {  	(tag) =	ssettag $0x0;
	lr =	simm.s32 $0x1  }
0x2: {  	[smem:$0x3F8B] =	sst lr;
	_ =	strace $0xD0000000  }
0x3: {  	_ = 	snop  }
0x4: {  	_ = 	snop  }
0x5: {  	_ = 	snop  }
0x6: {  	_ = 	snop  }
0x7: {  	_ = 	snop  }
__scs_overlays_trampoline_lowered:
0x8: {  	[smem:$0x3F9A] =	sst s0  }
0x9: {  	[smem:$0x3F9B] =	sst s1  }
0xa: {  	[smem:$0x3F9C] =	sst s2  }
0xb: {  	[smem:$0x3F9D] =	sst s3  }
0xc: {  	[smem:$0x3F9E] =	sst s4  }
0xd: {  	[smem:$0x3F9F] =	sst s5  }
0xe: {  	[smem:$0x3FA0] =	sst s6  }
0xf: {  	[smem:$0x3FA1] =	sst s7  }
0x10: {  	[smem:$0x3FA2] =	sst s8  }
0x11: {  	[smem:$0x3FA3] =	sst s9;
	s0 =	simm.s32 @!p0 $0x0  }
0x12: {  	s1 =	sld [smem:$0x3F89];
	s0 =	simm.s32 @p0 $0x1  }
0x13: {  	[smem:$0x3FA4] =	sst s0;
	s0 =	simm.s32 @!p1 $0x0  }
0x14: {  	s2 =	sld [smem:$0x3F88];
	s0 =	simm.s32 @p1 $0x1  }
0x15: {  	[smem:$0x3FA5] =	sst s0;
	s0 =	simm.s32 @!p2 $0x0  }
0x16: {  	s3 =	sld [smem:$0x3FDB];
	s0 =	simm.s32 @p2 $0x1  }
0x17: {  	s4 =	simm.s32 $0x1BF5;
	[smem:$0x3FA7] =	sst s0  }
0x18: {  	s0 =	sld [smem:$0x3F8A];
	_ =	swait.ge [sflag:s4], $0x0  }
0x19: {  	s7 =	sld [smem:$0x3F8B]  }
0x1a: {  	s8 =	sadd.s32 $0xFFFFE003, lr  }
0x1b: {  	s9 =	sadd.s32 $0xFFFFFEF7, lr;
	s5 =	simm.s32 $0xFFFFFFFF;
	p2 =	slt.u32 s8, $0xFFFFF086  }
0x1c: {  	p1 =	slt.u32 s9, $0xF7A;
	s5 =	simm.s32 @!p2 $0x0  }
0x1d: {  	s5 =	simm.s32 @p1 $0x1;
	p0 =	seq.s32 s7, s2  }
0x1e: {  	s7 =	smul.u32 @!p0 $0xF7A, s2;
	p2 =	seq.s32 @!p0 s5, $0x0  }
0x1f: {  	s9 =	smul.u32 $0xF7A, s1;
	s8 =	simm.s32 @!p0 $0x1BF5;
	p2 =	por !p2, p0  }
0x20: {  	[sflag:s8] =	ssyncset.s32 @!p0 $0xFFFFF086;
	s6 =	sadd.s32 @!p0 s3, s7;
	s7 =	simm.s32 @!p0 $0x108  }
0x21: {  	s3 =	sadd.s32 s3, s9;
	s6 =	sadd.s32 @!p0 $0x88, s6;
	s7 =	simm.s32 @p2 $0x1082  }
0x22: {  	[simem:s7], [sflag:s8] =	dma.local @!p0 [hbm:s6], $0xF7A  }
0x23: {  	s9 =	sor.u32 $0xD0000000, s2;
	s6 =	simm.s32 $0x108;
	_ =	swait.ge @!p0 [sflag:s8], $0x0  }
0x24: {  	s3 =	sadd.s32 $0x88, s3;
	s6 =	simm.s32 @!p1 $0x1082;
	[sflag:s4] =	ssyncset.s32 $0xFFFFF086  }
0x25: {  	[simem:s6], [sflag:s4] =	dma.local [hbm:s3], $0xF7A  }
0x26: {  	[smem:$0x3F8B] =	sst s1;
	(tag) =	ssettag s2;
	_ =	strace s9  }
0x27: {  	s1 =	sld [smem:$0x3F9B]  }
0x28: {  	s2 =	sld [smem:$0x3F9C]  }
0x29: {  	s4 =	sld [smem:$0x3F9E]  }
0x2a: {  	p0 =	seq.s32 s5, $0x0;
	s5 =	sld [smem:$0x3F9F]  }
0x2b: {  	s6 =	sld [smem:$0x3FA0]  }
0x2c: {  	s7 =	sld [smem:$0x3FA1]  }
0x2d: {  	s3 =	simm.s32 $0x108;
	s8 =	sld [smem:$0x3FA2]  }
0x2e: {  	s3 =	simm.s32 @!p0 $0x1082;
	s9 =	sld [smem:$0x3FA3]  }
0x2f: {  	lr =	sadd.s32 s0, s3;
	s0 =	sld [smem:$0x3F9A]  }
0x30: {  	s3 =	sld [smem:$0x3F9D]  }
0x31: {  	[smem:$0x3FA6] =	sst s10  }
0x32: {  	s10 =	sld [smem:$0x3FA4];
	_ =	sdelay $0x3  }
0x33: {  	p0 =	seq.s32 s10, $0x1;
	s10 =	sld [smem:$0x3FA6];
	_ =	sdelay $0x3  }
0x34: {  	[smem:$0x3FA6] =	sst s10  }
0x35: {  	s10 =	sld [smem:$0x3FA5];
	_ =	sdelay $0x3  }
0x36: {  	p1 =	seq.s32 s10, $0x1;
	s10 =	sld [smem:$0x3FA6];
	_ =	sdelay $0x3  }
0x37: {  	[smem:$0x3FA6] =	sst s10  }
0x38: {  	s10 =	sld [smem:$0x3FA7]  }
0x39: {  	_ = 	snop;
	(pc) =	sbr.ind lr, $3  }
0x3a: {  	_ = 	snop  }
0x3b: {  	_ = 	snop  }
0x3c: {  	p2 =	seq.s32 s10, $0x1;
	s10 =	sld [smem:$0x3FA6]  }
0x3d: {  	_ =	shalt  }
0x3e: {  	_ =	shalt  }
0x3f: {  	_ =	shalt  }
0x40: {  	_ =	shalt  }
0x41: {  	_ =	shalt  }
0x42: {  	_ =	shalt  }
0x43: {  	_ =	shalt  }
0x44: {  	_ =	shalt  }
0x45: {  	_ =	shalt  }
0x46: {  	_ =	shalt  }
0x47: {  	_ =	shalt  }
0x48: {  	_ =	shalt  }
0x49: {  	_ =	shalt  }
0x4a: {  	_ =	shalt  }
0x4b: {  	_ =	shalt  }
0x4c: {  	_ =	shalt  }
0x4d: {  	_ =	shalt  }
0x4e: {  	_ =	shalt  }
0x4f: {  	_ =	shalt  }
0x50: {  	_ =	shalt  }
0x51: {  	_ =	shalt  }
0x52: {  	_ =	shalt  }
0x53: {  	_ =	shalt  }
0x54: {  	_ =	shalt  }
0x55: {  	_ =	shalt  }
0x56: {  	_ =	shalt  }
0x57: {  	_ =	shalt  }
0x58: {  	_ =	shalt  }
0x59: {  	_ =	shalt  }
0x5a: {  	_ =	shalt  }
0x5b: {  	_ =	shalt  }
0x5c: {  	_ =	shalt  }
0x5d: {  	_ =	shalt  }
0x5e: {  	_ =	shalt  }
0x5f: {  	_ =	shalt  }
0x60: {  	_ =	shalt  }
0x61: {  	_ =	shalt  }
0x62: {  	_ =	shalt  }
0x63: {  	_ =	shalt  }
0x64: {  	_ =	shalt  }
0x65: {  	_ =	shalt  }
0x66: {  	_ =	shalt  }
0x67: {  	_ =	shalt  }
0x68: {  	_ =	shalt  }
0x69: {  	_ =	shalt  }
0x6a: {  	_ =	shalt  }
0x6b: {  	_ =	shalt  }
0x6c: {  	_ =	shalt  }
0x6d: {  	_ =	shalt  }
0x6e: {  	_ =	shalt  }
0x6f: {  	_ =	shalt  }
0x70: {  	_ =	shalt  }
0x71: {  	_ =	shalt  }
0x72: {  	_ =	shalt  }
0x73: {  	_ =	shalt  }
0x74: {  	_ =	shalt  }
0x75: {  	_ =	shalt  }
0x76: {  	_ =	shalt  }
0x77: {  	_ =	shalt  }
0x78: {  	_ =	shalt  }
0x79: {  	_ =	shalt  }
0x7a: {  	_ =	shalt  }
0x7b: {  	_ =	shalt  }
0x7c: {  	_ =	shalt  }
0x7d: {  	_ =	shalt  }
0x7e: {  	_ =	shalt  }
0x7f: {  	_ =	shalt  }
0x80: {  	_ =	shalt  }
0x81: {  	_ =	shalt  }
0x82: {  	_ =	shalt  }
0x83: {  	_ =	shalt  }
0x84: {  	_ =	shalt  }
0x85: {  	_ =	shalt  }
0x86: {  	_ =	shalt  }
0x87: {  	_ =	shalt  }
.Lfunc_end0:
.L_simem_size_0:
called_computation.1_lowered:
.L_overlay_start_0:
0x88: {  	s2 =	sld [smem:$0x3FD9]  }
0x89: {  	s3 =	sld [smem:$0x3FFE];
	_ =	sdelay $0x1  }
0x8a: {  	s1 =	srdreg.scid  }
0x8b: {  	s0 =	sand.u32 $0x1, s1  }
0x8c: {  	s15 =	sshll.u32 s0, $0xA;
	s2 =	sadd.s32 s3, s2  }
0x8d: {  	s2 =	sadd.s32 s2, s15  }
0x8e: {  	[smem:$0x3FB2] =	sst s2  }
0x8f: {  	_ = 	snop  }
0x90: {  	s2 =	sld [smem:$0x3FD0];
	_ =	sdelay $0x2  }
0x91: {  	s16 =	simm.s32 $0xB;
	s4 =	simm.s32 $0x10  }
0x92: {  	[smem:s4], [sflag:s16] =	dma.local [hbm:s2], $0x1  }
0x93: {  	_ =	swait.eq [sflag:s16], $0x1  }
0x94: {  	[sflag:s16] =	ssyncset.done $0x0  }
0x95: {  	[sflag:s16] =	ssyncadd.s32 $0xFFFFFFFF  }
0x96: {  	s17 =	sld [smem:$0x11];
	(tm) =	ssettm $0x1  }
0x97: {  	s18 =	sld [smem:$0x3FFB];
	_ =	sdelay $0x3  }
0x98: {  	_ =	strace s18  }
0x99: {  	s2 =	sld [smem:$0x3FFC];
	_ =	sdelay $0x3  }
0x9a: {  	_ =	strace s2  }
0x9b: {  	s2 =	sld [smem:$0x3FFD];
	_ =	sdelay $0x3  }
0x9c: {  	_ =	strace s2  }
0x9d: {  	_ =	strace $0x8FFFFFFF  }
0x9e: {  	s19 =	sld [smem:$0x3FDB];
	_ =	sdelay $0x1  }
0x9f: {  	s20 =	simm.s32 $_scs_section_size  }
0xa0: {  	s5 =	simm.s32 $_size__tile_overlayer_lowered;
	s6 =	simm.s32 $_tile_overlayer_lowered  }
0xa1: {  	s7 =	simm.s32 $0x1BFF;
	s21 =	sshll.u32 s6, $0x1;
	s4 =	sadd.s32 s20, s19  }
0xa2: {  	s22 =	simm.s32 $0x0;
	s5 =	sshll.u32 s5, $0x1;
	s6 =	sadd.s32 s21, s4  }
0xa3: {  	[timem:s22], [sflag:s7] =	dma.local [hbm:s6], s5  }
0xa4: {  	_ =	swait.ge [sflag:s7], s5  }
0xa5: {  	s5 =	ssub.s32 $0x0, s5;
	[sflag:s7] =	ssyncset.done $0x0  }
0xa6: {  	[sflag:s7] =	ssyncadd.s32 s5;
	_ =	sdelay $0x1  }
0xa7: {  	s23 =	simm.s32 $0x1B8B  }
0xa8: {  	_ =	swait.ge [sflag:s23], $0x1  }
0xa9: {  	[sflag:s23] =	ssyncset.done $0x0  }
0xaa: {  	[sflag:s23] =	ssyncadd.s32 $0xFFFFFFFF  }
0xab: {  	s5 =	sld [smem:$0x0]  }
0xac: {  	s6 =	sand.u32 $0xFFFFFFFE, s1  }
0xad: {  	p0 =	sne.s32 s1, s6  }
0xae: {  	s6 =	sshll.u32 @p0 s6, $0xE  }
0xaf: {  	s6 =	sadd.s32 @p0 $0x11B8D, s6;
	s7 =	sshll.u32 @p0 s5, $0x11  }
0xb0: {  	s6 =	sor.u32 @p0 s7, s6  }
0xb1: {  	[sflag:s6] =	ssyncadd.remote.s32 @p0 $0x1;
	_ =	sdelay $0x1  }
0xb2: {  	s6 =	simm.s32 @p0 $0x1B8D  }
0xb3: {  	_ =	swait.eq @p0 [sflag:s6], $0x1  }
0xb4: {  	[sflag:s6] =	ssyncadd.s32 @p0 $0xFFFFFFFF  }
0xb5: {  	s7 =	sshll.u32 @!p0 s1, $0xE  }
0xb6: {  	s7 =	sor.u32 @!p0 $0x4000, s7;
	s6 =	simm.s32 @!p0 $0x1B8D  }
0xb7: {  	s5 =	sshll.u32 @!p0 s5, $0x11;
	s7 =	sadd.s32 @!p0 $0x11B8D, s7;
	_ =	swait.eq @!p0 [sflag:s6], $0x1  }
0xb8: {  	s5 =	sor.u32 @!p0 s5, s7;
	[sflag:s6] =	ssyncadd.s32 @!p0 $0xFFFFFFFF  }
0xb9: {  	s25 =	simm.s32 $0x1B8E;
	s24 =	sld [smem:$0x3FFE];
	[sflag:s5] =	ssyncadd.remote.s32 @!p0 $0x1  }
0xba: {  	s26 =	simm.s32 $execute0_lowered;
	[smem:$0x3FD2] =	sst s25  }
0xbb: {  	s6 =	sshll.u32 s26, $0x1;
	_ =	strace $0x80000049;
	[dreg:$0x1] =	wrdreg $0xFFFFFFFF  }
0xbc: {  	s28 =	simm.s32 $_size_execute0_lowered;
	s4 =	sadd.s32 s4, s6;
	[dreg:$0x0] =	wrdreg $0x0  }
0xbd: {  	s6 =	sshll.u32 s28, $0x1;
	[dreg:$0x2] =	wrdreg s4  }
0xbe: {  	[dreg:$0x3] =	wrdreg s6  }
0xbf: {  	[dreg:$0x4] =	wrdreg $0xC0  }
0xc0: {  	_ =	task [dreg:s22], $0x5FFFF  }
0xc1: {  	[dreg:$0x1] =	wrdreg $0xFFFFFFFF  }
0xc2: {  	[dreg:$0x0] =	wrdreg $0x60  }
0xc3: {  	[dreg:$0x2] =	wrdreg s24  }
0xc4: {  	[dreg:$0x3] =	wrdreg s17  }
0xc5: {  	[dreg:$0x4] =	wrdreg $0x0  }
0xc6: {  	[dreg:$0x5] =	wrdreg $0xA  }
0xc7: {  	_ =	task.clear_ibuf [dreg:s22], $0x6FFFF;
	_ =	strace $0x90000049  }
0xc8: {  	s29 =	simm.s32 $0xA;
	_ =	strace $0x8000004B  }
0xc9: {  	_ =	swait.ge [sflag:s29], $0x1  }
0xca: {  	[sflag:s29] =	ssyncadd.s32 $0xFFFFFFFF  }
0xcb: {  	_ =	strace $0x9000004B  }
0xcc: {  	_ =	sfence  }
0xcd: {  	s30 =	sld [smem:$0x0];
	_ =	sdelay $0x2  }
0xce: {  	s31 =	sshll.u32 s1, $0xD;
	s1 =	sshrl.u32 s1, $0x2  }
0xcf: {  	s4 =	sand.u32 $0x4000, s31;
	s1 =	sadd.s32 s1, s30  }
0xd0: {  	s0 =	sor.u32 s4, s0;
	s1 =	sshll.u32 s1, $0x11  }
0xd1: {  	s0 =	sor.u32 s1, s0  }
0xd2: {  	s0 =	sadd.s32 $0x8F2B, s0  }
0xd3: {  	[sflag:s0] =	ssyncadd.remote.s32 $0x1  }
0xd4: {  	_ =	sfence.sel $0xFFFF  }
0xd5: {  	[dreg:$0x0] =	wrdreg $0xFFFFFFFF;
	(pc) =	sbr.abs _section_cstart, $3  }
0xd6: {  	[dreg:$0x1] =	wrdreg $0xFFFFFFFF  }
0xd7: {  	_ =	task.clear_ibuf [dreg:s22], $0x2FFFF;
	_ =	strace $0x9FFFFFFF  }
0xd8: {  	(tm) =	ssettm $0x7FFFFFFF  }
0xd9: {  	_ =	shalt  }
tec
execute0_lowered:
.L_overlay_start_1:
0x0: {  	(tag) =	ssettag $0x1  }
0x1: {  	s5 =	rddreg [dreg:$0x0]  }
0x2: {  	s2 =	rddreg [dreg:$0x1];
	s1 =	srdreg.scid  }
0x3: {  	s0 =	stileid.u32;
	s3 =	rddreg [dreg:$0x2];
	s4 =	simm.s32 $0x0  }
0x4: {  	s13 =	simm.s32 $0x80;
	s14 =	simm.s32 $0x0;
	s7 =	smul.u32 $0x14000, s0  }
0x5: {  	s6 =	sand.u32 $0x1, s1;
	s1 =	rddreg [dreg:$0x3];
	s10 =	smul.u32 $0x1400, s0  }
0x6: {  	s9 =	sshll.u32 s0, $0x1;
	[smem:$0x7FF] =	sst s4;
	s8 =	smul.u32 $0xA000, s6  }
0x7: {  	s26 =	sor.u32 s6, s9;
	s28 =	smul.u32 $0x14000, s6;
	s6 =	ssub.s32 $0x2, s6  }
0x8: {  	s31 =	sshll.u32 s0, $0x6;
	_ =	strace $0x8000004A;
	s30 =	sshrl.u32 s6, $0x1  }
0x9: {  	s7 =	sadd.s32 s8, s7;
	s8 =	smul.u32 $0x280, s26;
	s29 =	sadd.s32 s10, s28  }
0xa: {  	s12 =	ssub.s32 s6, s30;
	s10 =	sadd.s32 s10, s3;
	s7 =	sshrl.u32 s7, $0x3  }
0xb: {  	s10 =	sshrl.u32 s10, $0x3;
	s11 =	sadd.s32 s7, s5;
	s7 =	sshrl.u32 s29, $0x3  }
0xc: {  	s8 =	sadd.s32 s8, s5;
	s7 =	sadd.s32 s7, s5;
	s5 =	sor.u32 $0x1C01, s31  }
0xd: {  	s6 =	sadd.s32 $0x16800, s8;
	s8 =	smax.u32 s12, $0x1;
	s9 =	sadd.s32 $0x3E800, s11  }
0xe: {  	s11 =	simm.s32 $0x1;
	s12 =	simm.s32 $0x2800;
	s7 =	sadd.s32 $0x66800, s7  }
.LBB2_1:
0xf: {  	[spmem:s10], [sflag:s5] =	dma.local [hbm:s2], $0x280  }
0x10: {  	_ =	swait.ge [sflag:s11], $0x280  }
0x11: {  	[sflag:s11] =	ssyncset.done $0x0  }
0x12: {  	[sflag:s11] =	ssyncadd.s32 $0xFFFFFD80  }
0x13: {  	s15 =	simm.s32 $0x1400;
	[bflag:$0x0] =	sbarrier.arrive $0xFFFF  }
0x14: {  	[tilespmem:s15], [sflag:$0x1] =	stream.linear.gather [hbm4b:s6+s4], $0x1400, $0x38;
	[tilespmem:$0x2C00] =	vst v63  }
0x15: {  	_ =	swait.ge [sflag:s11], $0x1400  }
0x16: {  	[sflag:s11] =	ssyncset.done $0x0  }
0x17: {  	s16 =	sadd.s32 $0x0, s9;
	[sflag:s11] =	ssyncadd.s32 $0xFFFFEC00  }
0x18: {  	[tilespmem:s12], [sflag:$0x1] =	stream.linear.gather [hbm4b:s16+s4], $0x400, $0x38;
	[tilespmem:$0x2C00] =	vst v63  }
0x19: {  	_ =	swait.ge [sflag:s11], $0x400  }
0x1a: {  	[sflag:s11] =	ssyncset.done $0x0  }
0x1b: {  	[sflag:s11] =	ssyncadd.s32 $0xFFFFFC00  }
0x1c: {  	[spmem:s3] =	stream.indirect.scatter.add.f32 [tilespmem:s12], [sflag:$0x1], $0x8, s15, s13, $0xb8;
	[tilespmem:$0x2C00] =	vst v63  }
0x1d: {  	s17 =	simm.s32 $0x100;
	_ =	swait.ge [sflag:s11], $0x400  }
0x1e: {  	s16 =	simm.s32 $0x80;
	s15 =	simm.s32 $0x1480;
	[sflag:s11] =	ssyncset.done $0x0  }
.LBB2_2:
0x1f: {  	s18 =	sadd.s32 s16, s9  }
0x20: {  	[sflag:s11] =	ssyncadd.s32 $0xFFFFFC00;
	s16 =	smov.u32 s17;
	s19 =	sadd.s32 $0x80, s17  }
0x21: {  	[tilespmem:s12], [sflag:$0x1] =	stream.linear.gather [hbm4b:s18+s4], $0x400, $0x38;
	[tilespmem:$0x2C00] =	vst v63  }
0x22: {  	p0 =	sne.s32 s17, $0x1380;
	_ =	swait.ge [sflag:s11], $0x400  }
.Ltmp0:
0x23: {  	[sflag:s11] =	ssyncset.done $0x0;
	(pc) =	sbr.rel @p0 .LBB2_2-.Ltmp0, $4  }
0x24: {  	[sflag:s11] =	ssyncadd.s32 $0xFFFFFC00  }
0x25: {  	[spmem:s3] =	stream.indirect.scatter.add.f32 [tilespmem:s12], [sflag:$0x1], $0x8, s15, s13, $0xb8;
	[tilespmem:$0x2C00] =	vst v63  }
0x26: {  	_ =	swait.ge [sflag:s11], $0x400  }
0x27: {  	s17 =	smov.u32 s19;
	s15 =	sadd.s32 $0x80, s15;
	[sflag:s11] =	ssyncset.done $0x0  }
0x28: {  	s16 =	sadd.s32 s16, s9;
	[sflag:s11] =	ssyncadd.s32 $0xFFFFFC00  }
0x29: {  	[tilespmem:s12], [sflag:$0x1] =	stream.linear.gather [hbm4b:s16+s4], $0x400, $0x38;
	[tilespmem:$0x2C00] =	vst v63  }
0x2a: {  	_ =	swait.ge [sflag:s11], $0x400  }
0x2b: {  	[sflag:s11] =	ssyncset.done $0x0  }
0x2c: {  	[sflag:s11] =	ssyncadd.s32 $0xFFFFFC00  }
0x2d: {  	[spmem:s3] =	stream.indirect.scatter.add.f32 [tilespmem:s12], [sflag:$0x1], $0x8, s15, s13, $0xb8;
	[tilespmem:$0x2C00] =	vst v63  }
0x2e: {  	_ =	swait.ge [sflag:s11], $0x400  }
0x2f: {  	s14 =	sadd.s32 $0x1, s14;
	[sflag:s11] =	ssyncset.done $0x0  }
0x30: {  	p0 =	sne.s32 s14, s8;
	[sflag:s11] =	ssyncadd.s32 $0xFFFFFC00  }
.Ltmp1:
0x31: {  	[bflag:$0x0] =	sbarrier.arrive $0xFFFF;
	(pc) =	sbr.rel @p0 .LBB2_1-.Ltmp1, $4  }
0x32: {  	[hbm:s7], [sflag:s5] =	dma.local [spmem:s10], $0x280  }
0x33: {  	_ =	swait.ge [sflag:s11], $0x280  }
0x34: {  	[sflag:s11] =	ssyncset.done $0x0  }
0x35: {  	[sflag:s11] =	ssyncadd.s32 $0xFFFFFD80  }
0x36: {  	_ =	sfence.sel $0x180000  }
0x37: {  	[bflag:$0x0] =	sbarrier.arrive $0xFFFF  }
0x38: {  	p0 =	sne.s32 s0, $0x0;
	_ =	strace $0x9000004A  }
0x39: {  	s0 =	sadd.s32 @!p0 $0x100000, s1;
	[bflag:$0x2] =	sbarrier.arrive $0xFFFF  }
0x3a: {  	[sflag:s0] =	ssyncadd.tile.s32 @!p0 $0x1;
	_ =	shalt  }
.Lfunc_end2:
_tile_overlayer_lowered:
.L_overlay_start_2:
0x3b: {  	(tag) =	ssettag $0x2  }
0x3c: {  	s0 =	rddreg [dreg:$0x0];
	s2 =	stileid.u32  }
0x3d: {  	s1 =	rddreg [dreg:$0x1];
	p0 =	sne.s32 s2, $0x0  }
0x3e: {  	s3 =	rddreg [dreg:$0x2];
	[bflag:$0x3] =	sbarrier.arrive $0xFFFF;
	s2 =	simm.s32 @!p0 $0x1C01  }
0x3f: {  	[timem:s3], [sflag:s2] =	dma.local @!p0 [hbm:s0], s1  }
0x40: {  	s0 =	simm.s32 @!p0 $0x1  }
0x41: {  	_ =	swait.ge @!p0 [sflag:s0], s1  }
0x42: {  	s1 =	ssub.s32 @!p0 $0x0, s1;
	[sflag:s0] =	ssyncset.done @!p0 $0x0  }
0x43: {  	[sflag:s0] =	ssyncadd.s32 @!p0 s1  }
0x44: {  	[bflag:$0x3] =	sbarrier.arrive $0xFFFF  }
0x45: {  	_ =	shalt  }

</sc_bundles>
